<compile_context>
chip_gen: v7x
topology: tpu7x:2x2x1
jax: 0.10.2.dev20260603
libtpu: 0.0.44.dev20260713+nightly
codegen_flags: <defaults>
</compile_context>

<pallas_src>
import functools

import jax
import jax.numpy as jnp
from jax import lax
from jax.experimental import pallas as pl
from jax.experimental.pallas import tpu as pltpu
from jax.experimental.pallas import tpu_sc as plsc

E = 1000000
D = 32
BROWS = 16384
S = 50
NC, NS = 2, 16
NW = NC * NS
BW = BROWS // NW
BWP = BW + 1
UNROLL = 8

_mesh = plsc.VectorSubcoreMesh(core_axis_name="c", subcore_axis_name="s")

CB = 512
E_MAIN = (E // 128) * 128
NCH = E_MAIN // CB
K_MAX = (NCH + NW - 1) // NW
CBP = CB + 1


@functools.partial(
    pl.kernel,
    mesh=_mesh,
    out_type=jax.ShapeDtypeStruct((E * D,), jnp.float32),
    scratch_types=[
        pltpu.VMEM((D, CB), jnp.float32),
        pltpu.VMEM((D, CB), jnp.float32),
        pltpu.VMEM((CB * D,), jnp.float32),
        pltpu.VMEM((CB * D,), jnp.float32),
        pltpu.VMEM(((E - E_MAIN) * D,), jnp.float32),
        pltpu.SemaphoreType.DMA,
        pltpu.SemaphoreType.DMA,
        pltpu.SemaphoreType.DMA,
        pltpu.SemaphoreType.DMA,
    ],
    compiler_params=pltpu.CompilerParams(
        use_tc_tiling_on_sc=True, needs_layout_passes=False),
)
def _detile_kernel(tableT_hbm, tail_hbm, out_hbm,
                   bufT0, bufT1, rowb0, rowb1, tailb, sr0, sr1, sw0, sw1):
    wid = lax.axis_index("s") * NC + lax.axis_index("c")
    bufT = (bufT0, bufT1)
    rowb = (rowb0, rowb1)
    sr = (sr0, sr1)
    sw = (sw0, sw1)

    iota16 = lax.iota(jnp.int32, 16)
    d_diag = [(iota16 + s) % D for s in range(D)]
    st_diag = [iota16 * D + ((iota16 + s) % D) for s in range(D)]

    @pl.when(wid == NW - 1)
    def _():
        pltpu.sync_copy(tail_hbm, tailb)
        pltpu.sync_copy(tailb, out_hbm.at[pl.ds(E_MAIN * D, (E - E_MAIN) * D)])

    def _read(k, b):
        c0 = (wid + k * NW) * CB
        pltpu.async_copy(tableT_hbm.at[:, pl.ds(c0, CB)], bufT[b], sr[b])

    def _read_wait(b):
        pltpu.make_async_copy(tableT_hbm.at[:, pl.ds(0, CB)],
                              bufT[b], sr[b]).wait()

    def _write(k, b):
        c0 = (wid + k * NW) * CB
        pltpu.async_copy(rowb[b], out_hbm.at[pl.ds(c0 * D, CB * D)], sw[b])

    def _write_wait(b):
        pltpu.make_async_copy(rowb[b], out_hbm.at[pl.ds(0, CB * D)],
                              sw[b]).wait()

    @pl.when(wid + 0 * NW < NCH)
    def _():
        _read(0, 0)

    @pl.when(wid + 1 * NW < NCH)
    def _():
        _read(1, 1)

    def body(i, _):
        for b in range(2):
            k = 2 * i + b
            c = wid + k * NW

            @pl.when(c < NCH)
            def _():
                _read_wait(b)

                @pl.when(k >= 2)
                def _():
                    _write_wait(b)

                @plsc.parallel_loop(0, CB // 16, 1, unroll=2)
                def _(g):
                    r_vec = iota16 + g * 16
                    base = g * (16 * D)
                    for s in range(D):
                        v = plsc.load_gather(bufT[b], [d_diag[s], r_vec])
                        plsc.store_scatter(rowb[b], [st_diag[s] + base], v)

                _write(k, b)

                @pl.when(wid + (k + 2) * NW < NCH)
                def _():
                    _read(k + 2, b)
        return 0

    lax.fori_loop(0, (K_MAX + 1) // 2, body, 0)

    for b in range(2):
        @pl.when(wid + b * NW < NCH)
        def _():
            _write_wait(b)


@functools.partial(
    pl.kernel,
    mesh=_mesh,
    out_type=jax.ShapeDtypeStruct((S, D, BROWS), jnp.float32),
    scratch_types=[
        pltpu.VMEM((S, BW), jnp.int32),
        pltpu.VMEM((BW, D), jnp.float32),
        pltpu.VMEM((BW, D), jnp.float32),
        pltpu.VMEM((D, BWP), jnp.float32),
        pltpu.VMEM((D, BWP), jnp.float32),
        pltpu.SemaphoreType.DMA,
        pltpu.SemaphoreType.DMA,
        pltpu.SemaphoreType.DMA,
        pltpu.SemaphoreType.DMA,
    ],
    compiler_params=pltpu.CompilerParams(
        use_tc_tiling_on_sc=False, needs_layout_passes=False),
)
def _gather_kernel(actionT_hbm, table_hbm, outT_hbm,
                   idx_v, rows0, rows1, rT0, rT1, sg0, sg1, sw0, sw1):
    wid = lax.axis_index("s") * NC + lax.axis_index("c")
    b0 = wid * BW
    rows = (rows0, rows1)
    rT = (rT0, rT1)
    sg = (sg0, sg1)
    sw = (sw0, sw1)

    iota16 = lax.iota(jnp.int32, 16)
    d_lo = iota16
    d_hi = iota16 + 16

    pltpu.sync_copy(actionT_hbm.at[:, pl.ds(b0, BW)], idx_v)

    pltpu.async_copy(table_hbm.at[idx_v.at[0]], rows0, sg0)
    pltpu.async_copy(table_hbm.at[idx_v.at[1]], rows1, sg1)

    def s_body(s2, _):
        for b in range(2):
            s = s2 * 2 + b
            pltpu.make_async_copy(
                table_hbm.at[idx_v.at[s]], rows[b], sg[b]).wait()
            @pl.when(s2 >= 1)
            def _():
                pltpu.make_async_copy(
                    rT[b].at[:, pl.ds(0, BW)],
                    outT_hbm.at[s, :, pl.ds(b0, BW)], sw[b]).wait()

            @plsc.parallel_loop(0, BW, 1, unroll=UNROLL)
            def _(r):
                r_vec = jnp.full((16,), 0, jnp.int32) + r
                lo = rows[b][r, pl.ds(0, 16)]
                hi = rows[b][r, pl.ds(16, 16)]
                plsc.store_scatter(rT[b], [d_lo, r_vec], lo)
                plsc.store_scatter(rT[b], [d_hi, r_vec], hi)

            pltpu.async_copy(
                rT[b].at[:, pl.ds(0, BW)],
                outT_hbm.at[s, :, pl.ds(b0, BW)], sw[b])

            @pl.when(s + 2 < S)
            def _():
                pltpu.async_copy(
                    table_hbm.at[idx_v.at[s + 2]], rows[b], sg[b])
        return 0

    lax.fori_loop(0, S // 2, s_body, 0)

    pltpu.make_async_copy(
        rT0.at[:, pl.ds(0, BW)],
        outT_hbm.at[S - 2, :, pl.ds(b0, BW)], sw0).wait()
    pltpu.make_async_copy(
        rT1.at[:, pl.ds(0, BW)],
        outT_hbm.at[S - 1, :, pl.ds(b0, BW)], sw1).wait()


def kernel(action, emb_table):
    actionT = action.T
    tableT = emb_table.T
    tail = emb_table[E_MAIN:, :].reshape(-1)
    table_lin = _detile_kernel(tableT, tail)
    outT = _gather_kernel(actionT, table_lin.reshape(E, D))
    return outT.transpose(2, 0, 1)

# --- scband reference (transcript-rebuilt; emitter-appended) ---
"""Pipeline reference for scband-embedding-model-72971494359311 (READ-ONLY COPY).

The authoritative reference and input builder live on the scoring server;
editing this copy changes nothing except your own understanding.
"""

import jax, jax.numpy as jnp
import numpy as np

NUM_EMBEDDINGS = 1000000
EMBEDDING_DIM = 32

def setup_inputs(seed: int = 0) -> dict:
    key = jax.random.key(seed)
    k1, k2 = jax.random.split(key)
    action = jax.random.randint(k1, (16384, 50), 0, NUM_EMBEDDINGS, dtype=jnp.int64 if jax.config.jax_enable_x64 else jnp.int32)
    emb_table = jax.random.normal(k2, (NUM_EMBEDDINGS, EMBEDDING_DIM), dtype=jnp.float32)
    return {"action": action, "emb_table": emb_table}

def reference(action, emb_table):
    # nn.Embedding forward: row gather from the embedding table
    emb_action = jnp.take(emb_table, action, axis=0)
    return emb_action

if __name__ == "__main__":
    import jax
    _d = setup_inputs()
    print(jax.jit(kernel)(*tuple(_d.values())))

</pallas_src>

<mosaic_0001>
#map = affine_map<(d0, d1) -> (0, 0)>
#map1 = affine_map<(d0, d1) -> (0)>
module attributes {stable_mosaic.version = 14 : i64} {
  func.func @_detile_kernel(%arg0: i32, %arg1: i32, %arg2: memref<32x1000000xf32, #tpu.memory_space<hbm>>, %arg3: memref<2048xf32, #tpu.memory_space<hbm>>, %arg4: memref<32000000xf32, #tpu.memory_space<hbm>>, %arg5: memref<32x512xf32, #tpu.memory_space<vmem>>, %arg6: memref<32x512xf32, #tpu.memory_space<vmem>>, %arg7: memref<16384xf32, #tpu.memory_space<vmem>>, %arg8: memref<16384xf32, #tpu.memory_space<vmem>>, %arg9: memref<2048xf32, #tpu.memory_space<vmem>>, %arg10: memref<!tpu.dma_semaphore, #tpu.memory_space<semaphore_mem>>, %arg11: memref<!tpu.dma_semaphore, #tpu.memory_space<semaphore_mem>>, %arg12: memref<!tpu.dma_semaphore, #tpu.memory_space<semaphore_mem>>, %arg13: memref<!tpu.dma_semaphore, #tpu.memory_space<semaphore_mem>>) attributes {dimension_semantics = [#tpu.dimension_semantics<core_parallel>, #tpu.dimension_semantics<subcore_parallel>], iteration_bounds = array<i64: 2, 16>, scalar_prefetch = 0 : i64, scratch_operands = 9 : i64, tpu.core_type = #tpu.core_type<sc_vector_subcore>, window_params = [{transform_indices = #map}, {transform_indices = #map1}, {transform_indices = #map1}]} {
    %mul3A = arith.constant 2 : i32
    %mul3A_0 = arith.muli %arg1, %mul3A : i32
    %add3A = arith.addi %mul3A_0, %arg0 : i32
    %iota3A = tpu.iota {dimensions = array<i32: 0>} : vector<16xi32>
    %add3A_1 = arith.constant 0 : i32
    %add3A_2 = vector.broadcast %add3A_1 : i32 to vector<16xi32>
    %add3A_3 = arith.addi %iota3A, %add3A_2 : vector<16xi32>
    %jit3A = arith.constant 32 : i32
    %eq3A = arith.constant 0 : i32
    %eq3A_4 = arith.cmpi eq, %jit3A, %eq3A : i32
    %jit3A_5 = arith.constant 1 : i32
    %select_n3A = arith.select %eq3A_4, %jit3A_5, %jit3A : i32
    %rem3A = vector.broadcast %select_n3A : i32 to vector<16xi32>
    %rem3A_6 = arith.remsi %add3A_3, %rem3A : vector<16xi32>
    %ne3A = arith.constant 0 : i32
    %ne3A_7 = vector.broadcast %ne3A : i32 to vector<16xi32>
    %ne3A_8 = arith.cmpi ne, %rem3A_6, %ne3A_7 : vector<16xi32>
    %lt3A = arith.constant 0 : i32
    %lt3A_9 = vector.broadcast %lt3A : i32 to vector<16xi32>
    %lt3A_10 = arith.cmpi slt, %rem3A_6, %lt3A_9 : vector<16xi32>
    %lt3A_11 = arith.constant 0 : i32
    %lt3A_12 = arith.cmpi slt, %select_n3A, %lt3A_11 : i32
    %ne3A_13 = vector.broadcast %lt3A_12 : i1 to vector<16xi1>
    %ne3A_14 = vector.broadcast %ne3A_13 : vector<16xi1> to vector<16xi1>
    %ne3A_15 = arith.xori %lt3A_10, %ne3A_14 : vector<16xi1>
    %and3A = arith.andi %ne3A_15, %ne3A_8 : vector<16xi1>
    %add3A_16 = vector.broadcast %select_n3A : i32 to vector<16xi32>
    %add3A_17 = arith.addi %rem3A_6, %add3A_16 : vector<16xi32>
    %select_n3A_18 = arith.select %and3A, %add3A_17, %rem3A_6 : vector<16xi1>, vector<16xi32>
    %add3A_19 = arith.constant 1 : i32
    %add3A_20 = vector.broadcast %add3A_19 : i32 to vector<16xi32>
    %add3A_21 = arith.addi %iota3A, %add3A_20 : vector<16xi32>
    %jit3A_22 = arith.constant 32 : i32
    %eq3A_23 = arith.constant 0 : i32
    %eq3A_24 = arith.cmpi eq, %jit3A_22, %eq3A_23 : i32
    %jit3A_25 = arith.constant 1 : i32
    %select_n3A_26 = arith.select %eq3A_24, %jit3A_25, %jit3A_22 : i32
    %rem3A_27 = vector.broadcast %select_n3A_26 : i32 to vector<16xi32>
    %rem3A_28 = arith.remsi %add3A_21, %rem3A_27 : vector<16xi32>
    %ne3A_29 = arith.constant 0 : i32
    %ne3A_30 = vector.broadcast %ne3A_29 : i32 to vector<16xi32>
    %ne3A_31 = arith.cmpi ne, %rem3A_28, %ne3A_30 : vector<16xi32>
    %lt3A_32 = arith.constant 0 : i32
    %lt3A_33 = vector.broadcast %lt3A_32 : i32 to vector<16xi32>
    %lt3A_34 = arith.cmpi slt, %rem3A_28, %lt3A_33 : vector<16xi32>
    %lt3A_35 = arith.constant 0 : i32
    %lt3A_36 = arith.cmpi slt, %select_n3A_26, %lt3A_35 : i32
    %ne3A_37 = vector.broadcast %lt3A_36 : i1 to vector<16xi1>
    %ne3A_38 = vector.broadcast %ne3A_37 : vector<16xi1> to vector<16xi1>
    %ne3A_39 = arith.xori %lt3A_34, %ne3A_38 : vector<16xi1>
    %and3A_40 = arith.andi %ne3A_39, %ne3A_31 : vector<16xi1>
    %add3A_41 = vector.broadcast %select_n3A_26 : i32 to vector<16xi32>
    %add3A_42 = arith.addi %rem3A_28, %add3A_41 : vector<16xi32>
    %select_n3A_43 = arith.select %and3A_40, %add3A_42, %rem3A_28 : vector<16xi1>, vector<16xi32>
    %add3A_44 = arith.constant 2 : i32
    %add3A_45 = vector.broadcast %add3A_44 : i32 to vector<16xi32>
    %add3A_46 = arith.addi %iota3A, %add3A_45 : vector<16xi32>
    %jit3A_47 = arith.constant 32 : i32
    %eq3A_48 = arith.constant 0 : i32
    %eq3A_49 = arith.cmpi eq, %jit3A_47, %eq3A_48 : i32
    %jit3A_50 = arith.constant 1 : i32
    %select_n3A_51 = arith.select %eq3A_49, %jit3A_50, %jit3A_47 : i32
    %rem3A_52 = vector.broadcast %select_n3A_51 : i32 to vector<16xi32>
    %rem3A_53 = arith.remsi %add3A_46, %rem3A_52 : vector<16xi32>
    %ne3A_54 = arith.constant 0 : i32
    %ne3A_55 = vector.broadcast %ne3A_54 : i32 to vector<16xi32>
    %ne3A_56 = arith.cmpi ne, %rem3A_53, %ne3A_55 : vector<16xi32>
    %lt3A_57 = arith.constant 0 : i32
    %lt3A_58 = vector.broadcast %lt3A_57 : i32 to vector<16xi32>
    %lt3A_59 = arith.cmpi slt, %rem3A_53, %lt3A_58 : vector<16xi32>
    %lt3A_60 = arith.constant 0 : i32
    %lt3A_61 = arith.cmpi slt, %select_n3A_51, %lt3A_60 : i32
    %ne3A_62 = vector.broadcast %lt3A_61 : i1 to vector<16xi1>
    %ne3A_63 = vector.broadcast %ne3A_62 : vector<16xi1> to vector<16xi1>
    %ne3A_64 = arith.xori %lt3A_59, %ne3A_63 : vector<16xi1>
    %and3A_65 = arith.andi %ne3A_64, %ne3A_56 : vector<16xi1>
    %add3A_66 = vector.broadcast %select_n3A_51 : i32 to vector<16xi32>
    %add3A_67 = arith.addi %rem3A_53, %add3A_66 : vector<16xi32>
    %select_n3A_68 = arith.select %and3A_65, %add3A_67, %rem3A_53 : vector<16xi1>, vector<16xi32>
    %add3A_69 = arith.constant 3 : i32
    %add3A_70 = vector.broadcast %add3A_69 : i32 to vector<16xi32>
    %add3A_71 = arith.addi %iota3A, %add3A_70 : vector<16xi32>
    %jit3A_72 = arith.constant 32 : i32
    %eq3A_73 = arith.constant 0 : i32
    %eq3A_74 = arith.cmpi eq, %jit3A_72, %eq3A_73 : i32
    %jit3A_75 = arith.constant 1 : i32
    %select_n3A_76 = arith.select %eq3A_74, %jit3A_75, %jit3A_72 : i32
    %rem3A_77 = vector.broadcast %select_n3A_76 : i32 to vector<16xi32>
    %rem3A_78 = arith.remsi %add3A_71, %rem3A_77 : vector<16xi32>
    %ne3A_79 = arith.constant 0 : i32
    %ne3A_80 = vector.broadcast %ne3A_79 : i32 to vector<16xi32>
    %ne3A_81 = arith.cmpi ne, %rem3A_78, %ne3A_80 : vector<16xi32>
    %lt3A_82 = arith.constant 0 : i32
    %lt3A_83 = vector.broadcast %lt3A_82 : i32 to vector<16xi32>
    %lt3A_84 = arith.cmpi slt, %rem3A_78, %lt3A_83 : vector<16xi32>
    %lt3A_85 = arith.constant 0 : i32
    %lt3A_86 = arith.cmpi slt, %select_n3A_76, %lt3A_85 : i32
    %ne3A_87 = vector.broadcast %lt3A_86 : i1 to vector<16xi1>
    %ne3A_88 = vector.broadcast %ne3A_87 : vector<16xi1> to vector<16xi1>
    %ne3A_89 = arith.xori %lt3A_84, %ne3A_88 : vector<16xi1>
    %and3A_90 = arith.andi %ne3A_89, %ne3A_81 : vector<16xi1>
    %add3A_91 = vector.broadcast %select_n3A_76 : i32 to vector<16xi32>
    %add3A_92 = arith.addi %rem3A_78, %add3A_91 : vector<16xi32>
    %select_n3A_93 = arith.select %and3A_90, %add3A_92, %rem3A_78 : vector<16xi1>, vector<16xi32>
    %add3A_94 = arith.constant 4 : i32
    %add3A_95 = vector.broadcast %add3A_94 : i32 to vector<16xi32>
    %add3A_96 = arith.addi %iota3A, %add3A_95 : vector<16xi32>
    %jit3A_97 = arith.constant 32 : i32
    %eq3A_98 = arith.constant 0 : i32
    %eq3A_99 = arith.cmpi eq, %jit3A_97, %eq3A_98 : i32
    %jit3A_100 = arith.constant 1 : i32
    %select_n3A_101 = arith.select %eq3A_99, %jit3A_100, %jit3A_97 : i32
    %rem3A_102 = vector.broadcast %select_n3A_101 : i32 to vector<16xi32>
    %rem3A_103 = arith.remsi %add3A_96, %rem3A_102 : vector<16xi32>
    %ne3A_104 = arith.constant 0 : i32
    %ne3A_105 = vector.broadcast %ne3A_104 : i32 to vector<16xi32>
    %ne3A_106 = arith.cmpi ne, %rem3A_103, %ne3A_105 : vector<16xi32>
    %lt3A_107 = arith.constant 0 : i32
    %lt3A_108 = vector.broadcast %lt3A_107 : i32 to vector<16xi32>
    %lt3A_109 = arith.cmpi slt, %rem3A_103, %lt3A_108 : vector<16xi32>
    %lt3A_110 = arith.constant 0 : i32
    %lt3A_111 = arith.cmpi slt, %select_n3A_101, %lt3A_110 : i32
    %ne3A_112 = vector.broadcast %lt3A_111 : i1 to vector<16xi1>
    %ne3A_113 = vector.broadcast %ne3A_112 : vector<16xi1> to vector<16xi1>
    %ne3A_114 = arith.xori %lt3A_109, %ne3A_113 : vector<16xi1>
    %and3A_115 = arith.andi %ne3A_114, %ne3A_106 : vector<16xi1>
    %add3A_116 = vector.broadcast %select_n3A_101 : i32 to vector<16xi32>
    %add3A_117 = arith.addi %rem3A_103, %add3A_116 : vector<16xi32>
    %select_n3A_118 = arith.select %and3A_115, %add3A_117, %rem3A_103 : vector<16xi1>, vector<16xi32>
    %add3A_119 = arith.constant 5 : i32
    %add3A_120 = vector.broadcast %add3A_119 : i32 to vector<16xi32>
    %add3A_121 = arith.addi %iota3A, %add3A_120 : vector<16xi32>
    %jit3A_122 = arith.constant 32 : i32
    %eq3A_123 = arith.constant 0 : i32
    %eq3A_124 = arith.cmpi eq, %jit3A_122, %eq3A_123 : i32
    %jit3A_125 = arith.constant 1 : i32
    %select_n3A_126 = arith.select %eq3A_124, %jit3A_125, %jit3A_122 : i32
    %rem3A_127 = vector.broadcast %select_n3A_126 : i32 to vector<16xi32>
    %rem3A_128 = arith.remsi %add3A_121, %rem3A_127 : vector<16xi32>
    %ne3A_129 = arith.constant 0 : i32
    %ne3A_130 = vector.broadcast %ne3A_129 : i32 to vector<16xi32>
    %ne3A_131 = arith.cmpi ne, %rem3A_128, %ne3A_130 : vector<16xi32>
    %lt3A_132 = arith.constant 0 : i32
    %lt3A_133 = vector.broadcast %lt3A_132 : i32 to vector<16xi32>
    %lt3A_134 = arith.cmpi slt, %rem3A_128, %lt3A_133 : vector<16xi32>
    %lt3A_135 = arith.constant 0 : i32
    %lt3A_136 = arith.cmpi slt, %select_n3A_126, %lt3A_135 : i32
    %ne3A_137 = vector.broadcast %lt3A_136 : i1 to vector<16xi1>
    %ne3A_138 = vector.broadcast %ne3A_137 : vector<16xi1> to vector<16xi1>
    %ne3A_139 = arith.xori %lt3A_134, %ne3A_138 : vector<16xi1>
    %and3A_140 = arith.andi %ne3A_139, %ne3A_131 : vector<16xi1>
    %add3A_141 = vector.broadcast %select_n3A_126 : i32 to vector<16xi32>
    %add3A_142 = arith.addi %rem3A_128, %add3A_141 : vector<16xi32>
    %select_n3A_143 = arith.select %and3A_140, %add3A_142, %rem3A_128 : vector<16xi1>, vector<16xi32>
    %add3A_144 = arith.constant 6 : i32
    %add3A_145 = vector.broadcast %add3A_144 : i32 to vector<16xi32>
    %add3A_146 = arith.addi %iota3A, %add3A_145 : vector<16xi32>
    %jit3A_147 = arith.constant 32 : i32
    %eq3A_148 = arith.constant 0 : i32
    %eq3A_149 = arith.cmpi eq, %jit3A_147, %eq3A_148 : i32
    %jit3A_150 = arith.constant 1 : i32
    %select_n3A_151 = arith.select %eq3A_149, %jit3A_150, %jit3A_147 : i32
    %rem3A_152 = vector.broadcast %select_n3A_151 : i32 to vector<16xi32>
    %rem3A_153 = arith.remsi %add3A_146, %rem3A_152 : vector<16xi32>
    %ne3A_154 = arith.constant 0 : i32
    %ne3A_155 = vector.broadcast %ne3A_154 : i32 to vector<16xi32>
    %ne3A_156 = arith.cmpi ne, %rem3A_153, %ne3A_155 : vector<16xi32>
    %lt3A_157 = arith.constant 0 : i32
    %lt3A_158 = vector.broadcast %lt3A_157 : i32 to vector<16xi32>
    %lt3A_159 = arith.cmpi slt, %rem3A_153, %lt3A_158 : vector<16xi32>
    %lt3A_160 = arith.constant 0 : i32
    %lt3A_161 = arith.cmpi slt, %select_n3A_151, %lt3A_160 : i32
    %ne3A_162 = vector.broadcast %lt3A_161 : i1 to vector<16xi1>
    %ne3A_163 = vector.broadcast %ne3A_162 : vector<16xi1> to vector<16xi1>
    %ne3A_164 = arith.xori %lt3A_159, %ne3A_163 : vector<16xi1>
    %and3A_165 = arith.andi %ne3A_164, %ne3A_156 : vector<16xi1>
    %add3A_166 = vector.broadcast %select_n3A_151 : i32 to vector<16xi32>
    %add3A_167 = arith.addi %rem3A_153, %add3A_166 : vector<16xi32>
    %select_n3A_168 = arith.select %and3A_165, %add3A_167, %rem3A_153 : vector<16xi1>, vector<16xi32>
    %add3A_169 = arith.constant 7 : i32
    %add3A_170 = vector.broadcast %add3A_169 : i32 to vector<16xi32>
    %add3A_171 = arith.addi %iota3A, %add3A_170 : vector<16xi32>
    %jit3A_172 = arith.constant 32 : i32
    %eq3A_173 = arith.constant 0 : i32
    %eq3A_174 = arith.cmpi eq, %jit3A_172, %eq3A_173 : i32
    %jit3A_175 = arith.constant 1 : i32
    %select_n3A_176 = arith.select %eq3A_174, %jit3A_175, %jit3A_172 : i32
    %rem3A_177 = vector.broadcast %select_n3A_176 : i32 to vector<16xi32>
    %rem3A_178 = arith.remsi %add3A_171, %rem3A_177 : vector<16xi32>
    %ne3A_179 = arith.constant 0 : i32
    %ne3A_180 = vector.broadcast %ne3A_179 : i32 to vector<16xi32>
    %ne3A_181 = arith.cmpi ne, %rem3A_178, %ne3A_180 : vector<16xi32>
    %lt3A_182 = arith.constant 0 : i32
    %lt3A_183 = vector.broadcast %lt3A_182 : i32 to vector<16xi32>
    %lt3A_184 = arith.cmpi slt, %rem3A_178, %lt3A_183 : vector<16xi32>
    %lt3A_185 = arith.constant 0 : i32
    %lt3A_186 = arith.cmpi slt, %select_n3A_176, %lt3A_185 : i32
    %ne3A_187 = vector.broadcast %lt3A_186 : i1 to vector<16xi1>
    %ne3A_188 = vector.broadcast %ne3A_187 : vector<16xi1> to vector<16xi1>
    %ne3A_189 = arith.xori %lt3A_184, %ne3A_188 : vector<16xi1>
    %and3A_190 = arith.andi %ne3A_189, %ne3A_181 : vector<16xi1>
    %add3A_191 = vector.broadcast %select_n3A_176 : i32 to vector<16xi32>
    %add3A_192 = arith.addi %rem3A_178, %add3A_191 : vector<16xi32>
    %select_n3A_193 = arith.select %and3A_190, %add3A_192, %rem3A_178 : vector<16xi1>, vector<16xi32>
    %add3A_194 = arith.constant 8 : i32
    %add3A_195 = vector.broadcast %add3A_194 : i32 to vector<16xi32>
    %add3A_196 = arith.addi %iota3A, %add3A_195 : vector<16xi32>
    %jit3A_197 = arith.constant 32 : i32
    %eq3A_198 = arith.constant 0 : i32
    %eq3A_199 = arith.cmpi eq, %jit3A_197, %eq3A_198 : i32
    %jit3A_200 = arith.constant 1 : i32
    %select_n3A_201 = arith.select %eq3A_199, %jit3A_200, %jit3A_197 : i32
    %rem3A_202 = vector.broadcast %select_n3A_201 : i32 to vector<16xi32>
    %rem3A_203 = arith.remsi %add3A_196, %rem3A_202 : vector<16xi32>
    %ne3A_204 = arith.constant 0 : i32
    %ne3A_205 = vector.broadcast %ne3A_204 : i32 to vector<16xi32>
    %ne3A_206 = arith.cmpi ne, %rem3A_203, %ne3A_205 : vector<16xi32>
    %lt3A_207 = arith.constant 0 : i32
    %lt3A_208 = vector.broadcast %lt3A_207 : i32 to vector<16xi32>
    %lt3A_209 = arith.cmpi slt, %rem3A_203, %lt3A_208 : vector<16xi32>
    %lt3A_210 = arith.constant 0 : i32
    %lt3A_211 = arith.cmpi slt, %select_n3A_201, %lt3A_210 : i32
    %ne3A_212 = vector.broadcast %lt3A_211 : i1 to vector<16xi1>
    %ne3A_213 = vector.broadcast %ne3A_212 : vector<16xi1> to vector<16xi1>
    %ne3A_214 = arith.xori %lt3A_209, %ne3A_213 : vector<16xi1>
    %and3A_215 = arith.andi %ne3A_214, %ne3A_206 : vector<16xi1>
    %add3A_216 = vector.broadcast %select_n3A_201 : i32 to vector<16xi32>
    %add3A_217 = arith.addi %rem3A_203, %add3A_216 : vector<16xi32>
    %select_n3A_218 = arith.select %and3A_215, %add3A_217, %rem3A_203 : vector<16xi1>, vector<16xi32>
    %add3A_219 = arith.constant 9 : i32
    %add3A_220 = vector.broadcast %add3A_219 : i32 to vector<16xi32>
    %add3A_221 = arith.addi %iota3A, %add3A_220 : vector<16xi32>
    %jit3A_222 = arith.constant 32 : i32
    %eq3A_223 = arith.constant 0 : i32
    %eq3A_224 = arith.cmpi eq, %jit3A_222, %eq3A_223 : i32
    %jit3A_225 = arith.constant 1 : i32
    %select_n3A_226 = arith.select %eq3A_224, %jit3A_225, %jit3A_222 : i32
    %rem3A_227 = vector.broadcast %select_n3A_226 : i32 to vector<16xi32>
    %rem3A_228 = arith.remsi %add3A_221, %rem3A_227 : vector<16xi32>
    %ne3A_229 = arith.constant 0 : i32
    %ne3A_230 = vector.broadcast %ne3A_229 : i32 to vector<16xi32>
    %ne3A_231 = arith.cmpi ne, %rem3A_228, %ne3A_230 : vector<16xi32>
    %lt3A_232 = arith.constant 0 : i32
    %lt3A_233 = vector.broadcast %lt3A_232 : i32 to vector<16xi32>
    %lt3A_234 = arith.cmpi slt, %rem3A_228, %lt3A_233 : vector<16xi32>
    %lt3A_235 = arith.constant 0 : i32
    %lt3A_236 = arith.cmpi slt, %select_n3A_226, %lt3A_235 : i32
    %ne3A_237 = vector.broadcast %lt3A_236 : i1 to vector<16xi1>
    %ne3A_238 = vector.broadcast %ne3A_237 : vector<16xi1> to vector<16xi1>
    %ne3A_239 = arith.xori %lt3A_234, %ne3A_238 : vector<16xi1>
    %and3A_240 = arith.andi %ne3A_239, %ne3A_231 : vector<16xi1>
    %add3A_241 = vector.broadcast %select_n3A_226 : i32 to vector<16xi32>
    %add3A_242 = arith.addi %rem3A_228, %add3A_241 : vector<16xi32>
    %select_n3A_243 = arith.select %and3A_240, %add3A_242, %rem3A_228 : vector<16xi1>, vector<16xi32>
    %add3A_244 = arith.constant 10 : i32
    %add3A_245 = vector.broadcast %add3A_244 : i32 to vector<16xi32>
    %add3A_246 = arith.addi %iota3A, %add3A_245 : vector<16xi32>
    %jit3A_247 = arith.constant 32 : i32
    %eq3A_248 = arith.constant 0 : i32
    %eq3A_249 = arith.cmpi eq, %jit3A_247, %eq3A_248 : i32
    %jit3A_250 = arith.constant 1 : i32
    %select_n3A_251 = arith.select %eq3A_249, %jit3A_250, %jit3A_247 : i32
    %rem3A_252 = vector.broadcast %select_n3A_251 : i32 to vector<16xi32>
    %rem3A_253 = arith.remsi %add3A_246, %rem3A_252 : vector<16xi32>
    %ne3A_254 = arith.constant 0 : i32
    %ne3A_255 = vector.broadcast %ne3A_254 : i32 to vector<16xi32>
    %ne3A_256 = arith.cmpi ne, %rem3A_253, %ne3A_255 : vector<16xi32>
    %lt3A_257 = arith.constant 0 : i32
    %lt3A_258 = vector.broadcast %lt3A_257 : i32 to vector<16xi32>
    %lt3A_259 = arith.cmpi slt, %rem3A_253, %lt3A_258 : vector<16xi32>
    %lt3A_260 = arith.constant 0 : i32
    %lt3A_261 = arith.cmpi slt, %select_n3A_251, %lt3A_260 : i32
    %ne3A_262 = vector.broadcast %lt3A_261 : i1 to vector<16xi1>
    %ne3A_263 = vector.broadcast %ne3A_262 : vector<16xi1> to vector<16xi1>
    %ne3A_264 = arith.xori %lt3A_259, %ne3A_263 : vector<16xi1>
    %and3A_265 = arith.andi %ne3A_264, %ne3A_256 : vector<16xi1>
    %add3A_266 = vector.broadcast %select_n3A_251 : i32 to vector<16xi32>
    %add3A_267 = arith.addi %rem3A_253, %add3A_266 : vector<16xi32>
    %select_n3A_268 = arith.select %and3A_265, %add3A_267, %rem3A_253 : vector<16xi1>, vector<16xi32>
    %add3A_269 = arith.constant 11 : i32
    %add3A_270 = vector.broadcast %add3A_269 : i32 to vector<16xi32>
    %add3A_271 = arith.addi %iota3A, %add3A_270 : vector<16xi32>
    %jit3A_272 = arith.constant 32 : i32
    %eq3A_273 = arith.constant 0 : i32
    %eq3A_274 = arith.cmpi eq, %jit3A_272, %eq3A_273 : i32
    %jit3A_275 = arith.constant 1 : i32
    %select_n3A_276 = arith.select %eq3A_274, %jit3A_275, %jit3A_272 : i32
    %rem3A_277 = vector.broadcast %select_n3A_276 : i32 to vector<16xi32>
    %rem3A_278 = arith.remsi %add3A_271, %rem3A_277 : vector<16xi32>
    %ne3A_279 = arith.constant 0 : i32
    %ne3A_280 = vector.broadcast %ne3A_279 : i32 to vector<16xi32>
    %ne3A_281 = arith.cmpi ne, %rem3A_278, %ne3A_280 : vector<16xi32>
    %lt3A_282 = arith.constant 0 : i32
    %lt3A_283 = vector.broadcast %lt3A_282 : i32 to vector<16xi32>
    %lt3A_284 = arith.cmpi slt, %rem3A_278, %lt3A_283 : vector<16xi32>
    %lt3A_285 = arith.constant 0 : i32
    %lt3A_286 = arith.cmpi slt, %select_n3A_276, %lt3A_285 : i32
    %ne3A_287 = vector.broadcast %lt3A_286 : i1 to vector<16xi1>
    %ne3A_288 = vector.broadcast %ne3A_287 : vector<16xi1> to vector<16xi1>
    %ne3A_289 = arith.xori %lt3A_284, %ne3A_288 : vector<16xi1>
    %and3A_290 = arith.andi %ne3A_289, %ne3A_281 : vector<16xi1>
    %add3A_291 = vector.broadcast %select_n3A_276 : i32 to vector<16xi32>
    %add3A_292 = arith.addi %rem3A_278, %add3A_291 : vector<16xi32>
    %select_n3A_293 = arith.select %and3A_290, %add3A_292, %rem3A_278 : vector<16xi1>, vector<16xi32>
    %add3A_294 = arith.constant 12 : i32
    %add3A_295 = vector.broadcast %add3A_294 : i32 to vector<16xi32>
    %add3A_296 = arith.addi %iota3A, %add3A_295 : vector<16xi32>
    %jit3A_297 = arith.constant 32 : i32
    %eq3A_298 = arith.constant 0 : i32
    %eq3A_299 = arith.cmpi eq, %jit3A_297, %eq3A_298 : i32
    %jit3A_300 = arith.constant 1 : i32
    %select_n3A_301 = arith.select %eq3A_299, %jit3A_300, %jit3A_297 : i32
    %rem3A_302 = vector.broadcast %select_n3A_301 : i32 to vector<16xi32>
    %rem3A_303 = arith.remsi %add3A_296, %rem3A_302 : vector<16xi32>
    %ne3A_304 = arith.constant 0 : i32
    %ne3A_305 = vector.broadcast %ne3A_304 : i32 to vector<16xi32>
    %ne3A_306 = arith.cmpi ne, %rem3A_303, %ne3A_305 : vector<16xi32>
    %lt3A_307 = arith.constant 0 : i32
    %lt3A_308 = vector.broadcast %lt3A_307 : i32 to vector<16xi32>
    %lt3A_309 = arith.cmpi slt, %rem3A_303, %lt3A_308 : vector<16xi32>
    %lt3A_310 = arith.constant 0 : i32
    %lt3A_311 = arith.cmpi slt, %select_n3A_301, %lt3A_310 : i32
    %ne3A_312 = vector.broadcast %lt3A_311 : i1 to vector<16xi1>
    %ne3A_313 = vector.broadcast %ne3A_312 : vector<16xi1> to vector<16xi1>
    %ne3A_314 = arith.xori %lt3A_309, %ne3A_313 : vector<16xi1>
    %and3A_315 = arith.andi %ne3A_314, %ne3A_306 : vector<16xi1>
    %add3A_316 = vector.broadcast %select_n3A_301 : i32 to vector<16xi32>
    %add3A_317 = arith.addi %rem3A_303, %add3A_316 : vector<16xi32>
    %select_n3A_318 = arith.select %and3A_315, %add3A_317, %rem3A_303 : vector<16xi1>, vector<16xi32>
    %add3A_319 = arith.constant 13 : i32
    %add3A_320 = vector.broadcast %add3A_319 : i32 to vector<16xi32>
    %add3A_321 = arith.addi %iota3A, %add3A_320 : vector<16xi32>
    %jit3A_322 = arith.constant 32 : i32
    %eq3A_323 = arith.constant 0 : i32
    %eq3A_324 = arith.cmpi eq, %jit3A_322, %eq3A_323 : i32
    %jit3A_325 = arith.constant 1 : i32
    %select_n3A_326 = arith.select %eq3A_324, %jit3A_325, %jit3A_322 : i32
    %rem3A_327 = vector.broadcast %select_n3A_326 : i32 to vector<16xi32>
    %rem3A_328 = arith.remsi %add3A_321, %rem3A_327 : vector<16xi32>
    %ne3A_329 = arith.constant 0 : i32
    %ne3A_330 = vector.broadcast %ne3A_329 : i32 to vector<16xi32>
    %ne3A_331 = arith.cmpi ne, %rem3A_328, %ne3A_330 : vector<16xi32>
    %lt3A_332 = arith.constant 0 : i32
    %lt3A_333 = vector.broadcast %lt3A_332 : i32 to vector<16xi32>
    %lt3A_334 = arith.cmpi slt, %rem3A_328, %lt3A_333 : vector<16xi32>
    %lt3A_335 = arith.constant 0 : i32
    %lt3A_336 = arith.cmpi slt, %select_n3A_326, %lt3A_335 : i32
    %ne3A_337 = vector.broadcast %lt3A_336 : i1 to vector<16xi1>
    %ne3A_338 = vector.broadcast %ne3A_337 : vector<16xi1> to vector<16xi1>
    %ne3A_339 = arith.xori %lt3A_334, %ne3A_338 : vector<16xi1>
    %and3A_340 = arith.andi %ne3A_339, %ne3A_331 : vector<16xi1>
    %add3A_341 = vector.broadcast %select_n3A_326 : i32 to vector<16xi32>
    %add3A_342 = arith.addi %rem3A_328, %add3A_341 : vector<16xi32>
    %select_n3A_343 = arith.select %and3A_340, %add3A_342, %rem3A_328 : vector<16xi1>, vector<16xi32>
    %add3A_344 = arith.constant 14 : i32
    %add3A_345 = vector.broadcast %add3A_344 : i32 to vector<16xi32>
    %add3A_346 = arith.addi %iota3A, %add3A_345 : vector<16xi32>
    %jit3A_347 = arith.constant 32 : i32
    %eq3A_348 = arith.constant 0 : i32
    %eq3A_349 = arith.cmpi eq, %jit3A_347, %eq3A_348 : i32
    %jit3A_350 = arith.constant 1 : i32
    %select_n3A_351 = arith.select %eq3A_349, %jit3A_350, %jit3A_347 : i32
    %rem3A_352 = vector.broadcast %select_n3A_351 : i32 to vector<16xi32>
    %rem3A_353 = arith.remsi %add3A_346, %rem3A_352 : vector<16xi32>
    %ne3A_354 = arith.constant 0 : i32
    %ne3A_355 = vector.broadcast %ne3A_354 : i32 to vector<16xi32>
    %ne3A_356 = arith.cmpi ne, %rem3A_353, %ne3A_355 : vector<16xi32>
    %lt3A_357 = arith.constant 0 : i32
    %lt3A_358 = vector.broadcast %lt3A_357 : i32 to vector<16xi32>
    %lt3A_359 = arith.cmpi slt, %rem3A_353, %lt3A_358 : vector<16xi32>
    %lt3A_360 = arith.constant 0 : i32
    %lt3A_361 = arith.cmpi slt, %select_n3A_351, %lt3A_360 : i32
    %ne3A_362 = vector.broadcast %lt3A_361 : i1 to vector<16xi1>
    %ne3A_363 = vector.broadcast %ne3A_362 : vector<16xi1> to vector<16xi1>
    %ne3A_364 = arith.xori %lt3A_359, %ne3A_363 : vector<16xi1>
    %and3A_365 = arith.andi %ne3A_364, %ne3A_356 : vector<16xi1>
    %add3A_366 = vector.broadcast %select_n3A_351 : i32 to vector<16xi32>
    %add3A_367 = arith.addi %rem3A_353, %add3A_366 : vector<16xi32>
    %select_n3A_368 = arith.select %and3A_365, %add3A_367, %rem3A_353 : vector<16xi1>, vector<16xi32>
    %add3A_369 = arith.constant 15 : i32
    %add3A_370 = vector.broadcast %add3A_369 : i32 to vector<16xi32>
    %add3A_371 = arith.addi %iota3A, %add3A_370 : vector<16xi32>
    %jit3A_372 = arith.constant 32 : i32
    %eq3A_373 = arith.constant 0 : i32
    %eq3A_374 = arith.cmpi eq, %jit3A_372, %eq3A_373 : i32
    %jit3A_375 = arith.constant 1 : i32
    %select_n3A_376 = arith.select %eq3A_374, %jit3A_375, %jit3A_372 : i32
    %rem3A_377 = vector.broadcast %select_n3A_376 : i32 to vector<16xi32>
    %rem3A_378 = arith.remsi %add3A_371, %rem3A_377 : vector<16xi32>
    %ne3A_379 = arith.constant 0 : i32
    %ne3A_380 = vector.broadcast %ne3A_379 : i32 to vector<16xi32>
    %ne3A_381 = arith.cmpi ne, %rem3A_378, %ne3A_380 : vector<16xi32>
    %lt3A_382 = arith.constant 0 : i32
    %lt3A_383 = vector.broadcast %lt3A_382 : i32 to vector<16xi32>
    %lt3A_384 = arith.cmpi slt, %rem3A_378, %lt3A_383 : vector<16xi32>
    %lt3A_385 = arith.constant 0 : i32
    %lt3A_386 = arith.cmpi slt, %select_n3A_376, %lt3A_385 : i32
    %ne3A_387 = vector.broadcast %lt3A_386 : i1 to vector<16xi1>
    %ne3A_388 = vector.broadcast %ne3A_387 : vector<16xi1> to vector<16xi1>
    %ne3A_389 = arith.xori %lt3A_384, %ne3A_388 : vector<16xi1>
    %and3A_390 = arith.andi %ne3A_389, %ne3A_381 : vector<16xi1>
    %add3A_391 = vector.broadcast %select_n3A_376 : i32 to vector<16xi32>
    %add3A_392 = arith.addi %rem3A_378, %add3A_391 : vector<16xi32>
    %select_n3A_393 = arith.select %and3A_390, %add3A_392, %rem3A_378 : vector<16xi1>, vector<16xi32>
    %add3A_394 = arith.constant 16 : i32
    %add3A_395 = vector.broadcast %add3A_394 : i32 to vector<16xi32>
    %add3A_396 = arith.addi %iota3A, %add3A_395 : vector<16xi32>
    %jit3A_397 = arith.constant 32 : i32
    %eq3A_398 = arith.constant 0 : i32
    %eq3A_399 = arith.cmpi eq, %jit3A_397, %eq3A_398 : i32
    %jit3A_400 = arith.constant 1 : i32
    %select_n3A_401 = arith.select %eq3A_399, %jit3A_400, %jit3A_397 : i32
    %rem3A_402 = vector.broadcast %select_n3A_401 : i32 to vector<16xi32>
    %rem3A_403 = arith.remsi %add3A_396, %rem3A_402 : vector<16xi32>
    %ne3A_404 = arith.constant 0 : i32
    %ne3A_405 = vector.broadcast %ne3A_404 : i32 to vector<16xi32>
    %ne3A_406 = arith.cmpi ne, %rem3A_403, %ne3A_405 : vector<16xi32>
    %lt3A_407 = arith.constant 0 : i32
    %lt3A_408 = vector.broadcast %lt3A_407 : i32 to vector<16xi32>
    %lt3A_409 = arith.cmpi slt, %rem3A_403, %lt3A_408 : vector<16xi32>
    %lt3A_410 = arith.constant 0 : i32
    %lt3A_411 = arith.cmpi slt, %select_n3A_401, %lt3A_410 : i32
    %ne3A_412 = vector.broadcast %lt3A_411 : i1 to vector<16xi1>
    %ne3A_413 = vector.broadcast %ne3A_412 : vector<16xi1> to vector<16xi1>
    %ne3A_414 = arith.xori %lt3A_409, %ne3A_413 : vector<16xi1>
    %and3A_415 = arith.andi %ne3A_414, %ne3A_406 : vector<16xi1>
    %add3A_416 = vector.broadcast %select_n3A_401 : i32 to vector<16xi32>
    %add3A_417 = arith.addi %rem3A_403, %add3A_416 : vector<16xi32>
    %select_n3A_418 = arith.select %and3A_415, %add3A_417, %rem3A_403 : vector<16xi1>, vector<16xi32>
    %add3A_419 = arith.constant 17 : i32
    %add3A_420 = vector.broadcast %add3A_419 : i32 to vector<16xi32>
    %add3A_421 = arith.addi %iota3A, %add3A_420 : vector<16xi32>
    %jit3A_422 = arith.constant 32 : i32
    %eq3A_423 = arith.constant 0 : i32
    %eq3A_424 = arith.cmpi eq, %jit3A_422, %eq3A_423 : i32
    %jit3A_425 = arith.constant 1 : i32
    %select_n3A_426 = arith.select %eq3A_424, %jit3A_425, %jit3A_422 : i32
    %rem3A_427 = vector.broadcast %select_n3A_426 : i32 to vector<16xi32>
    %rem3A_428 = arith.remsi %add3A_421, %rem3A_427 : vector<16xi32>
    %ne3A_429 = arith.constant 0 : i32
    %ne3A_430 = vector.broadcast %ne3A_429 : i32 to vector<16xi32>
    %ne3A_431 = arith.cmpi ne, %rem3A_428, %ne3A_430 : vector<16xi32>
    %lt3A_432 = arith.constant 0 : i32
    %lt3A_433 = vector.broadcast %lt3A_432 : i32 to vector<16xi32>
    %lt3A_434 = arith.cmpi slt, %rem3A_428, %lt3A_433 : vector<16xi32>
    %lt3A_435 = arith.constant 0 : i32
    %lt3A_436 = arith.cmpi slt, %select_n3A_426, %lt3A_435 : i32
    %ne3A_437 = vector.broadcast %lt3A_436 : i1 to vector<16xi1>
    %ne3A_438 = vector.broadcast %ne3A_437 : vector<16xi1> to vector<16xi1>
    %ne3A_439 = arith.xori %lt3A_434, %ne3A_438 : vector<16xi1>
    %and3A_440 = arith.andi %ne3A_439, %ne3A_431 : vector<16xi1>
    %add3A_441 = vector.broadcast %select_n3A_426 : i32 to vector<16xi32>
    %add3A_442 = arith.addi %rem3A_428, %add3A_441 : vector<16xi32>
    %select_n3A_443 = arith.select %and3A_440, %add3A_442, %rem3A_428 : vector<16xi1>, vector<16xi32>
    %add3A_444 = arith.constant 18 : i32
    %add3A_445 = vector.broadcast %add3A_444 : i32 to vector<16xi32>
    %add3A_446 = arith.addi %iota3A, %add3A_445 : vector<16xi32>
    %jit3A_447 = arith.constant 32 : i32
    %eq3A_448 = arith.constant 0 : i32
    %eq3A_449 = arith.cmpi eq, %jit3A_447, %eq3A_448 : i32
    %jit3A_450 = arith.constant 1 : i32
    %select_n3A_451 = arith.select %eq3A_449, %jit3A_450, %jit3A_447 : i32
    %rem3A_452 = vector.broadcast %select_n3A_451 : i32 to vector<16xi32>
    %rem3A_453 = arith.remsi %add3A_446, %rem3A_452 : vector<16xi32>
    %ne3A_454 = arith.constant 0 : i32
    %ne3A_455 = vector.broadcast %ne3A_454 : i32 to vector<16xi32>
    %ne3A_456 = arith.cmpi ne, %rem3A_453, %ne3A_455 : vector<16xi32>
    %lt3A_457 = arith.constant 0 : i32
    %lt3A_458 = vector.broadcast %lt3A_457 : i32 to vector<16xi32>
    %lt3A_459 = arith.cmpi slt, %rem3A_453, %lt3A_458 : vector<16xi32>
    %lt3A_460 = arith.constant 0 : i32
    %lt3A_461 = arith.cmpi slt, %select_n3A_451, %lt3A_460 : i32
    %ne3A_462 = vector.broadcast %lt3A_461 : i1 to vector<16xi1>
    %ne3A_463 = vector.broadcast %ne3A_462 : vector<16xi1> to vector<16xi1>
    %ne3A_464 = arith.xori %lt3A_459, %ne3A_463 : vector<16xi1>
    %and3A_465 = arith.andi %ne3A_464, %ne3A_456 : vector<16xi1>
    %add3A_466 = vector.broadcast %select_n3A_451 : i32 to vector<16xi32>
    %add3A_467 = arith.addi %rem3A_453, %add3A_466 : vector<16xi32>
    %select_n3A_468 = arith.select %and3A_465, %add3A_467, %rem3A_453 : vector<16xi1>, vector<16xi32>
    %add3A_469 = arith.constant 19 : i32
    %add3A_470 = vector.broadcast %add3A_469 : i32 to vector<16xi32>
    %add3A_471 = arith.addi %iota3A, %add3A_470 : vector<16xi32>
    %jit3A_472 = arith.constant 32 : i32
    %eq3A_473 = arith.constant 0 : i32
    %eq3A_474 = arith.cmpi eq, %jit3A_472, %eq3A_473 : i32
    %jit3A_475 = arith.constant 1 : i32
    %select_n3A_476 = arith.select %eq3A_474, %jit3A_475, %jit3A_472 : i32
    %rem3A_477 = vector.broadcast %select_n3A_476 : i32 to vector<16xi32>
    %rem3A_478 = arith.remsi %add3A_471, %rem3A_477 : vector<16xi32>
    %ne3A_479 = arith.constant 0 : i32
    %ne3A_480 = vector.broadcast %ne3A_479 : i32 to vector<16xi32>
    %ne3A_481 = arith.cmpi ne, %rem3A_478, %ne3A_480 : vector<16xi32>
    %lt3A_482 = arith.constant 0 : i32
    %lt3A_483 = vector.broadcast %lt3A_482 : i32 to vector<16xi32>
    %lt3A_484 = arith.cmpi slt, %rem3A_478, %lt3A_483 : vector<16xi32>
    %lt3A_485 = arith.constant 0 : i32
    %lt3A_486 = arith.cmpi slt, %select_n3A_476, %lt3A_485 : i32
    %ne3A_487 = vector.broadcast %lt3A_486 : i1 to vector<16xi1>
    %ne3A_488 = vector.broadcast %ne3A_487 : vector<16xi1> to vector<16xi1>
    %ne3A_489 = arith.xori %lt3A_484, %ne3A_488 : vector<16xi1>
    %and3A_490 = arith.andi %ne3A_489, %ne3A_481 : vector<16xi1>
    %add3A_491 = vector.broadcast %select_n3A_476 : i32 to vector<16xi32>
    %add3A_492 = arith.addi %rem3A_478, %add3A_491 : vector<16xi32>
    %select_n3A_493 = arith.select %and3A_490, %add3A_492, %rem3A_478 : vector<16xi1>, vector<16xi32>
    %add3A_494 = arith.constant 20 : i32
    %add3A_495 = vector.broadcast %add3A_494 : i32 to vector<16xi32>
    %add3A_496 = arith.addi %iota3A, %add3A_495 : vector<16xi32>
    %jit3A_497 = arith.constant 32 : i32
    %eq3A_498 = arith.constant 0 : i32
    %eq3A_499 = arith.cmpi eq, %jit3A_497, %eq3A_498 : i32
    %jit3A_500 = arith.constant 1 : i32
    %select_n3A_501 = arith.select %eq3A_499, %jit3A_500, %jit3A_497 : i32
    %rem3A_502 = vector.broadcast %select_n3A_501 : i32 to vector<16xi32>
    %rem3A_503 = arith.remsi %add3A_496, %rem3A_502 : vector<16xi32>
    %ne3A_504 = arith.constant 0 : i32
    %ne3A_505 = vector.broadcast %ne3A_504 : i32 to vector<16xi32>
    %ne3A_506 = arith.cmpi ne, %rem3A_503, %ne3A_505 : vector<16xi32>
    %lt3A_507 = arith.constant 0 : i32
    %lt3A_508 = vector.broadcast %lt3A_507 : i32 to vector<16xi32>
    %lt3A_509 = arith.cmpi slt, %rem3A_503, %lt3A_508 : vector<16xi32>
    %lt3A_510 = arith.constant 0 : i32
    %lt3A_511 = arith.cmpi slt, %select_n3A_501, %lt3A_510 : i32
    %ne3A_512 = vector.broadcast %lt3A_511 : i1 to vector<16xi1>
    %ne3A_513 = vector.broadcast %ne3A_512 : vector<16xi1> to vector<16xi1>
    %ne3A_514 = arith.xori %lt3A_509, %ne3A_513 : vector<16xi1>
    %and3A_515 = arith.andi %ne3A_514, %ne3A_506 : vector<16xi1>
    %add3A_516 = vector.broadcast %select_n3A_501 : i32 to vector<16xi32>
    %add3A_517 = arith.addi %rem3A_503, %add3A_516 : vector<16xi32>
    %select_n3A_518 = arith.select %and3A_515, %add3A_517, %rem3A_503 : vector<16xi1>, vector<16xi32>
    %add3A_519 = arith.constant 21 : i32
    %add3A_520 = vector.broadcast %add3A_519 : i32 to vector<16xi32>
    %add3A_521 = arith.addi %iota3A, %add3A_520 : vector<16xi32>
    %jit3A_522 = arith.constant 32 : i32
    %eq3A_523 = arith.constant 0 : i32
    %eq3A_524 = arith.cmpi eq, %jit3A_522, %eq3A_523 : i32
    %jit3A_525 = arith.constant 1 : i32
    %select_n3A_526 = arith.select %eq3A_524, %jit3A_525, %jit3A_522 : i32
    %rem3A_527 = vector.broadcast %select_n3A_526 : i32 to vector<16xi32>
    %rem3A_528 = arith.remsi %add3A_521, %rem3A_527 : vector<16xi32>
    %ne3A_529 = arith.constant 0 : i32
    %ne3A_530 = vector.broadcast %ne3A_529 : i32 to vector<16xi32>
    %ne3A_531 = arith.cmpi ne, %rem3A_528, %ne3A_530 : vector<16xi32>
    %lt3A_532 = arith.constant 0 : i32
    %lt3A_533 = vector.broadcast %lt3A_532 : i32 to vector<16xi32>
    %lt3A_534 = arith.cmpi slt, %rem3A_528, %lt3A_533 : vector<16xi32>
    %lt3A_535 = arith.constant 0 : i32
    %lt3A_536 = arith.cmpi slt, %select_n3A_526, %lt3A_535 : i32
    %ne3A_537 = vector.broadcast %lt3A_536 : i1 to vector<16xi1>
    %ne3A_538 = vector.broadcast %ne3A_537 : vector<16xi1> to vector<16xi1>
    %ne3A_539 = arith.xori %lt3A_534, %ne3A_538 : vector<16xi1>
    %and3A_540 = arith.andi %ne3A_539, %ne3A_531 : vector<16xi1>
    %add3A_541 = vector.broadcast %select_n3A_526 : i32 to vector<16xi32>
    %add3A_542 = arith.addi %rem3A_528, %add3A_541 : vector<16xi32>
    %select_n3A_543 = arith.select %and3A_540, %add3A_542, %rem3A_528 : vector<16xi1>, vector<16xi32>
    %add3A_544 = arith.constant 22 : i32
    %add3A_545 = vector.broadcast %add3A_544 : i32 to vector<16xi32>
    %add3A_546 = arith.addi %iota3A, %add3A_545 : vector<16xi32>
    %jit3A_547 = arith.constant 32 : i32
    %eq3A_548 = arith.constant 0 : i32
    %eq3A_549 = arith.cmpi eq, %jit3A_547, %eq3A_548 : i32
    %jit3A_550 = arith.constant 1 : i32
    %select_n3A_551 = arith.select %eq3A_549, %jit3A_550, %jit3A_547 : i32
    %rem3A_552 = vector.broadcast %select_n3A_551 : i32 to vector<16xi32>
    %rem3A_553 = arith.remsi %add3A_546, %rem3A_552 : vector<16xi32>
    %ne3A_554 = arith.constant 0 : i32
    %ne3A_555 = vector.broadcast %ne3A_554 : i32 to vector<16xi32>
    %ne3A_556 = arith.cmpi ne, %rem3A_553, %ne3A_555 : vector<16xi32>
    %lt3A_557 = arith.constant 0 : i32
    %lt3A_558 = vector.broadcast %lt3A_557 : i32 to vector<16xi32>
    %lt3A_559 = arith.cmpi slt, %rem3A_553, %lt3A_558 : vector<16xi32>
    %lt3A_560 = arith.constant 0 : i32
    %lt3A_561 = arith.cmpi slt, %select_n3A_551, %lt3A_560 : i32
    %ne3A_562 = vector.broadcast %lt3A_561 : i1 to vector<16xi1>
    %ne3A_563 = vector.broadcast %ne3A_562 : vector<16xi1> to vector<16xi1>
    %ne3A_564 = arith.xori %lt3A_559, %ne3A_563 : vector<16xi1>
    %and3A_565 = arith.andi %ne3A_564, %ne3A_556 : vector<16xi1>
    %add3A_566 = vector.broadcast %select_n3A_551 : i32 to vector<16xi32>
    %add3A_567 = arith.addi %rem3A_553, %add3A_566 : vector<16xi32>
    %select_n3A_568 = arith.select %and3A_565, %add3A_567, %rem3A_553 : vector<16xi1>, vector<16xi32>
    %add3A_569 = arith.constant 23 : i32
    %add3A_570 = vector.broadcast %add3A_569 : i32 to vector<16xi32>
    %add3A_571 = arith.addi %iota3A, %add3A_570 : vector<16xi32>
    %jit3A_572 = arith.constant 32 : i32
    %eq3A_573 = arith.constant 0 : i32
    %eq3A_574 = arith.cmpi eq, %jit3A_572, %eq3A_573 : i32
    %jit3A_575 = arith.constant 1 : i32
    %select_n3A_576 = arith.select %eq3A_574, %jit3A_575, %jit3A_572 : i32
    %rem3A_577 = vector.broadcast %select_n3A_576 : i32 to vector<16xi32>
    %rem3A_578 = arith.remsi %add3A_571, %rem3A_577 : vector<16xi32>
    %ne3A_579 = arith.constant 0 : i32
    %ne3A_580 = vector.broadcast %ne3A_579 : i32 to vector<16xi32>
    %ne3A_581 = arith.cmpi ne, %rem3A_578, %ne3A_580 : vector<16xi32>
    %lt3A_582 = arith.constant 0 : i32
    %lt3A_583 = vector.broadcast %lt3A_582 : i32 to vector<16xi32>
    %lt3A_584 = arith.cmpi slt, %rem3A_578, %lt3A_583 : vector<16xi32>
    %lt3A_585 = arith.constant 0 : i32
    %lt3A_586 = arith.cmpi slt, %select_n3A_576, %lt3A_585 : i32
    %ne3A_587 = vector.broadcast %lt3A_586 : i1 to vector<16xi1>
    %ne3A_588 = vector.broadcast %ne3A_587 : vector<16xi1> to vector<16xi1>
    %ne3A_589 = arith.xori %lt3A_584, %ne3A_588 : vector<16xi1>
    %and3A_590 = arith.andi %ne3A_589, %ne3A_581 : vector<16xi1>
    %add3A_591 = vector.broadcast %select_n3A_576 : i32 to vector<16xi32>
    %add3A_592 = arith.addi %rem3A_578, %add3A_591 : vector<16xi32>
    %select_n3A_593 = arith.select %and3A_590, %add3A_592, %rem3A_578 : vector<16xi1>, vector<16xi32>
    %add3A_594 = arith.constant 24 : i32
    %add3A_595 = vector.broadcast %add3A_594 : i32 to vector<16xi32>
    %add3A_596 = arith.addi %iota3A, %add3A_595 : vector<16xi32>
    %jit3A_597 = arith.constant 32 : i32
    %eq3A_598 = arith.constant 0 : i32
    %eq3A_599 = arith.cmpi eq, %jit3A_597, %eq3A_598 : i32
    %jit3A_600 = arith.constant 1 : i32
    %select_n3A_601 = arith.select %eq3A_599, %jit3A_600, %jit3A_597 : i32
    %rem3A_602 = vector.broadcast %select_n3A_601 : i32 to vector<16xi32>
    %rem3A_603 = arith.remsi %add3A_596, %rem3A_602 : vector<16xi32>
    %ne3A_604 = arith.constant 0 : i32
    %ne3A_605 = vector.broadcast %ne3A_604 : i32 to vector<16xi32>
    %ne3A_606 = arith.cmpi ne, %rem3A_603, %ne3A_605 : vector<16xi32>
    %lt3A_607 = arith.constant 0 : i32
    %lt3A_608 = vector.broadcast %lt3A_607 : i32 to vector<16xi32>
    %lt3A_609 = arith.cmpi slt, %rem3A_603, %lt3A_608 : vector<16xi32>
    %lt3A_610 = arith.constant 0 : i32
    %lt3A_611 = arith.cmpi slt, %select_n3A_601, %lt3A_610 : i32
    %ne3A_612 = vector.broadcast %lt3A_611 : i1 to vector<16xi1>
    %ne3A_613 = vector.broadcast %ne3A_612 : vector<16xi1> to vector<16xi1>
    %ne3A_614 = arith.xori %lt3A_609, %ne3A_613 : vector<16xi1>
    %and3A_615 = arith.andi %ne3A_614, %ne3A_606 : vector<16xi1>
    %add3A_616 = vector.broadcast %select_n3A_601 : i32 to vector<16xi32>
    %add3A_617 = arith.addi %rem3A_603, %add3A_616 : vector<16xi32>
    %select_n3A_618 = arith.select %and3A_615, %add3A_617, %rem3A_603 : vector<16xi1>, vector<16xi32>
    %add3A_619 = arith.constant 25 : i32
    %add3A_620 = vector.broadcast %add3A_619 : i32 to vector<16xi32>
    %add3A_621 = arith.addi %iota3A, %add3A_620 : vector<16xi32>
    %jit3A_622 = arith.constant 32 : i32
    %eq3A_623 = arith.constant 0 : i32
    %eq3A_624 = arith.cmpi eq, %jit3A_622, %eq3A_623 : i32
    %jit3A_625 = arith.constant 1 : i32
    %select_n3A_626 = arith.select %eq3A_624, %jit3A_625, %jit3A_622 : i32
    %rem3A_627 = vector.broadcast %select_n3A_626 : i32 to vector<16xi32>
    %rem3A_628 = arith.remsi %add3A_621, %rem3A_627 : vector<16xi32>
    %ne3A_629 = arith.constant 0 : i32
    %ne3A_630 = vector.broadcast %ne3A_629 : i32 to vector<16xi32>
    %ne3A_631 = arith.cmpi ne, %rem3A_628, %ne3A_630 : vector<16xi32>
    %lt3A_632 = arith.constant 0 : i32
    %lt3A_633 = vector.broadcast %lt3A_632 : i32 to vector<16xi32>
    %lt3A_634 = arith.cmpi slt, %rem3A_628, %lt3A_633 : vector<16xi32>
    %lt3A_635 = arith.constant 0 : i32
    %lt3A_636 = arith.cmpi slt, %select_n3A_626, %lt3A_635 : i32
    %ne3A_637 = vector.broadcast %lt3A_636 : i1 to vector<16xi1>
    %ne3A_638 = vector.broadcast %ne3A_637 : vector<16xi1> to vector<16xi1>
    %ne3A_639 = arith.xori %lt3A_634, %ne3A_638 : vector<16xi1>
    %and3A_640 = arith.andi %ne3A_639, %ne3A_631 : vector<16xi1>
    %add3A_641 = vector.broadcast %select_n3A_626 : i32 to vector<16xi32>
    %add3A_642 = arith.addi %rem3A_628, %add3A_641 : vector<16xi32>
    %select_n3A_643 = arith.select %and3A_640, %add3A_642, %rem3A_628 : vector<16xi1>, vector<16xi32>
    %add3A_644 = arith.constant 26 : i32
    %add3A_645 = vector.broadcast %add3A_644 : i32 to vector<16xi32>
    %add3A_646 = arith.addi %iota3A, %add3A_645 : vector<16xi32>
    %jit3A_647 = arith.constant 32 : i32
    %eq3A_648 = arith.constant 0 : i32
    %eq3A_649 = arith.cmpi eq, %jit3A_647, %eq3A_648 : i32
    %jit3A_650 = arith.constant 1 : i32
    %select_n3A_651 = arith.select %eq3A_649, %jit3A_650, %jit3A_647 : i32
    %rem3A_652 = vector.broadcast %select_n3A_651 : i32 to vector<16xi32>
    %rem3A_653 = arith.remsi %add3A_646, %rem3A_652 : vector<16xi32>
    %ne3A_654 = arith.constant 0 : i32
    %ne3A_655 = vector.broadcast %ne3A_654 : i32 to vector<16xi32>
    %ne3A_656 = arith.cmpi ne, %rem3A_653, %ne3A_655 : vector<16xi32>
    %lt3A_657 = arith.constant 0 : i32
    %lt3A_658 = vector.broadcast %lt3A_657 : i32 to vector<16xi32>
    %lt3A_659 = arith.cmpi slt, %rem3A_653, %lt3A_658 : vector<16xi32>
    %lt3A_660 = arith.constant 0 : i32
    %lt3A_661 = arith.cmpi slt, %select_n3A_651, %lt3A_660 : i32
    %ne3A_662 = vector.broadcast %lt3A_661 : i1 to vector<16xi1>
    %ne3A_663 = vector.broadcast %ne3A_662 : vector<16xi1> to vector<16xi1>
    %ne3A_664 = arith.xori %lt3A_659, %ne3A_663 : vector<16xi1>
    %and3A_665 = arith.andi %ne3A_664, %ne3A_656 : vector<16xi1>
    %add3A_666 = vector.broadcast %select_n3A_651 : i32 to vector<16xi32>
    %add3A_667 = arith.addi %rem3A_653, %add3A_666 : vector<16xi32>
    %select_n3A_668 = arith.select %and3A_665, %add3A_667, %rem3A_653 : vector<16xi1>, vector<16xi32>
    %add3A_669 = arith.constant 27 : i32
    %add3A_670 = vector.broadcast %add3A_669 : i32 to vector<16xi32>
    %add3A_671 = arith.addi %iota3A, %add3A_670 : vector<16xi32>
    %jit3A_672 = arith.constant 32 : i32
    %eq3A_673 = arith.constant 0 : i32
    %eq3A_674 = arith.cmpi eq, %jit3A_672, %eq3A_673 : i32
    %jit3A_675 = arith.constant 1 : i32
    %select_n3A_676 = arith.select %eq3A_674, %jit3A_675, %jit3A_672 : i32
    %rem3A_677 = vector.broadcast %select_n3A_676 : i32 to vector<16xi32>
    %rem3A_678 = arith.remsi %add3A_671, %rem3A_677 : vector<16xi32>
    %ne3A_679 = arith.constant 0 : i32
    %ne3A_680 = vector.broadcast %ne3A_679 : i32 to vector<16xi32>
    %ne3A_681 = arith.cmpi ne, %rem3A_678, %ne3A_680 : vector<16xi32>
    %lt3A_682 = arith.constant 0 : i32
    %lt3A_683 = vector.broadcast %lt3A_682 : i32 to vector<16xi32>
    %lt3A_684 = arith.cmpi slt, %rem3A_678, %lt3A_683 : vector<16xi32>
    %lt3A_685 = arith.constant 0 : i32
    %lt3A_686 = arith.cmpi slt, %select_n3A_676, %lt3A_685 : i32
    %ne3A_687 = vector.broadcast %lt3A_686 : i1 to vector<16xi1>
    %ne3A_688 = vector.broadcast %ne3A_687 : vector<16xi1> to vector<16xi1>
    %ne3A_689 = arith.xori %lt3A_684, %ne3A_688 : vector<16xi1>
    %and3A_690 = arith.andi %ne3A_689, %ne3A_681 : vector<16xi1>
    %add3A_691 = vector.broadcast %select_n3A_676 : i32 to vector<16xi32>
    %add3A_692 = arith.addi %rem3A_678, %add3A_691 : vector<16xi32>
    %select_n3A_693 = arith.select %and3A_690, %add3A_692, %rem3A_678 : vector<16xi1>, vector<16xi32>
    %add3A_694 = arith.constant 28 : i32
    %add3A_695 = vector.broadcast %add3A_694 : i32 to vector<16xi32>
    %add3A_696 = arith.addi %iota3A, %add3A_695 : vector<16xi32>
    %jit3A_697 = arith.constant 32 : i32
    %eq3A_698 = arith.constant 0 : i32
    %eq3A_699 = arith.cmpi eq, %jit3A_697, %eq3A_698 : i32
    %jit3A_700 = arith.constant 1 : i32
    %select_n3A_701 = arith.select %eq3A_699, %jit3A_700, %jit3A_697 : i32
    %rem3A_702 = vector.broadcast %select_n3A_701 : i32 to vector<16xi32>
    %rem3A_703 = arith.remsi %add3A_696, %rem3A_702 : vector<16xi32>
    %ne3A_704 = arith.constant 0 : i32
    %ne3A_705 = vector.broadcast %ne3A_704 : i32 to vector<16xi32>
    %ne3A_706 = arith.cmpi ne, %rem3A_703, %ne3A_705 : vector<16xi32>
    %lt3A_707 = arith.constant 0 : i32
    %lt3A_708 = vector.broadcast %lt3A_707 : i32 to vector<16xi32>
    %lt3A_709 = arith.cmpi slt, %rem3A_703, %lt3A_708 : vector<16xi32>
    %lt3A_710 = arith.constant 0 : i32
    %lt3A_711 = arith.cmpi slt, %select_n3A_701, %lt3A_710 : i32
    %ne3A_712 = vector.broadcast %lt3A_711 : i1 to vector<16xi1>
    %ne3A_713 = vector.broadcast %ne3A_712 : vector<16xi1> to vector<16xi1>
    %ne3A_714 = arith.xori %lt3A_709, %ne3A_713 : vector<16xi1>
    %and3A_715 = arith.andi %ne3A_714, %ne3A_706 : vector<16xi1>
    %add3A_716 = vector.broadcast %select_n3A_701 : i32 to vector<16xi32>
    %add3A_717 = arith.addi %rem3A_703, %add3A_716 : vector<16xi32>
    %select_n3A_718 = arith.select %and3A_715, %add3A_717, %rem3A_703 : vector<16xi1>, vector<16xi32>
    %add3A_719 = arith.constant 29 : i32
    %add3A_720 = vector.broadcast %add3A_719 : i32 to vector<16xi32>
    %add3A_721 = arith.addi %iota3A, %add3A_720 : vector<16xi32>
    %jit3A_722 = arith.constant 32 : i32
    %eq3A_723 = arith.constant 0 : i32
    %eq3A_724 = arith.cmpi eq, %jit3A_722, %eq3A_723 : i32
    %jit3A_725 = arith.constant 1 : i32
    %select_n3A_726 = arith.select %eq3A_724, %jit3A_725, %jit3A_722 : i32
    %rem3A_727 = vector.broadcast %select_n3A_726 : i32 to vector<16xi32>
    %rem3A_728 = arith.remsi %add3A_721, %rem3A_727 : vector<16xi32>
    %ne3A_729 = arith.constant 0 : i32
    %ne3A_730 = vector.broadcast %ne3A_729 : i32 to vector<16xi32>
    %ne3A_731 = arith.cmpi ne, %rem3A_728, %ne3A_730 : vector<16xi32>
    %lt3A_732 = arith.constant 0 : i32
    %lt3A_733 = vector.broadcast %lt3A_732 : i32 to vector<16xi32>
    %lt3A_734 = arith.cmpi slt, %rem3A_728, %lt3A_733 : vector<16xi32>
    %lt3A_735 = arith.constant 0 : i32
    %lt3A_736 = arith.cmpi slt, %select_n3A_726, %lt3A_735 : i32
    %ne3A_737 = vector.broadcast %lt3A_736 : i1 to vector<16xi1>
    %ne3A_738 = vector.broadcast %ne3A_737 : vector<16xi1> to vector<16xi1>
    %ne3A_739 = arith.xori %lt3A_734, %ne3A_738 : vector<16xi1>
    %and3A_740 = arith.andi %ne3A_739, %ne3A_731 : vector<16xi1>
    %add3A_741 = vector.broadcast %select_n3A_726 : i32 to vector<16xi32>
    %add3A_742 = arith.addi %rem3A_728, %add3A_741 : vector<16xi32>
    %select_n3A_743 = arith.select %and3A_740, %add3A_742, %rem3A_728 : vector<16xi1>, vector<16xi32>
    %add3A_744 = arith.constant 30 : i32
    %add3A_745 = vector.broadcast %add3A_744 : i32 to vector<16xi32>
    %add3A_746 = arith.addi %iota3A, %add3A_745 : vector<16xi32>
    %jit3A_747 = arith.constant 32 : i32
    %eq3A_748 = arith.constant 0 : i32
    %eq3A_749 = arith.cmpi eq, %jit3A_747, %eq3A_748 : i32
    %jit3A_750 = arith.constant 1 : i32
    %select_n3A_751 = arith.select %eq3A_749, %jit3A_750, %jit3A_747 : i32
    %rem3A_752 = vector.broadcast %select_n3A_751 : i32 to vector<16xi32>
    %rem3A_753 = arith.remsi %add3A_746, %rem3A_752 : vector<16xi32>
    %ne3A_754 = arith.constant 0 : i32
    %ne3A_755 = vector.broadcast %ne3A_754 : i32 to vector<16xi32>
    %ne3A_756 = arith.cmpi ne, %rem3A_753, %ne3A_755 : vector<16xi32>
    %lt3A_757 = arith.constant 0 : i32
    %lt3A_758 = vector.broadcast %lt3A_757 : i32 to vector<16xi32>
    %lt3A_759 = arith.cmpi slt, %rem3A_753, %lt3A_758 : vector<16xi32>
    %lt3A_760 = arith.constant 0 : i32
    %lt3A_761 = arith.cmpi slt, %select_n3A_751, %lt3A_760 : i32
    %ne3A_762 = vector.broadcast %lt3A_761 : i1 to vector<16xi1>
    %ne3A_763 = vector.broadcast %ne3A_762 : vector<16xi1> to vector<16xi1>
    %ne3A_764 = arith.xori %lt3A_759, %ne3A_763 : vector<16xi1>
    %and3A_765 = arith.andi %ne3A_764, %ne3A_756 : vector<16xi1>
    %add3A_766 = vector.broadcast %select_n3A_751 : i32 to vector<16xi32>
    %add3A_767 = arith.addi %rem3A_753, %add3A_766 : vector<16xi32>
    %select_n3A_768 = arith.select %and3A_765, %add3A_767, %rem3A_753 : vector<16xi1>, vector<16xi32>
    %add3A_769 = arith.constant 31 : i32
    %add3A_770 = vector.broadcast %add3A_769 : i32 to vector<16xi32>
    %add3A_771 = arith.addi %iota3A, %add3A_770 : vector<16xi32>
    %jit3A_772 = arith.constant 32 : i32
    %eq3A_773 = arith.constant 0 : i32
    %eq3A_774 = arith.cmpi eq, %jit3A_772, %eq3A_773 : i32
    %jit3A_775 = arith.constant 1 : i32
    %select_n3A_776 = arith.select %eq3A_774, %jit3A_775, %jit3A_772 : i32
    %rem3A_777 = vector.broadcast %select_n3A_776 : i32 to vector<16xi32>
    %rem3A_778 = arith.remsi %add3A_771, %rem3A_777 : vector<16xi32>
    %ne3A_779 = arith.constant 0 : i32
    %ne3A_780 = vector.broadcast %ne3A_779 : i32 to vector<16xi32>
    %ne3A_781 = arith.cmpi ne, %rem3A_778, %ne3A_780 : vector<16xi32>
    %lt3A_782 = arith.constant 0 : i32
    %lt3A_783 = vector.broadcast %lt3A_782 : i32 to vector<16xi32>
    %lt3A_784 = arith.cmpi slt, %rem3A_778, %lt3A_783 : vector<16xi32>
    %lt3A_785 = arith.constant 0 : i32
    %lt3A_786 = arith.cmpi slt, %select_n3A_776, %lt3A_785 : i32
    %ne3A_787 = vector.broadcast %lt3A_786 : i1 to vector<16xi1>
    %ne3A_788 = vector.broadcast %ne3A_787 : vector<16xi1> to vector<16xi1>
    %ne3A_789 = arith.xori %lt3A_784, %ne3A_788 : vector<16xi1>
    %and3A_790 = arith.andi %ne3A_789, %ne3A_781 : vector<16xi1>
    %add3A_791 = vector.broadcast %select_n3A_776 : i32 to vector<16xi32>
    %add3A_792 = arith.addi %rem3A_778, %add3A_791 : vector<16xi32>
    %select_n3A_793 = arith.select %and3A_790, %add3A_792, %rem3A_778 : vector<16xi1>, vector<16xi32>
    %mul3A_794 = arith.constant 32 : i32
    %mul3A_795 = vector.broadcast %mul3A_794 : i32 to vector<16xi32>
    %mul3A_796 = arith.muli %iota3A, %mul3A_795 : vector<16xi32>
    %add3A_797 = arith.constant 0 : i32
    %add3A_798 = vector.broadcast %add3A_797 : i32 to vector<16xi32>
    %add3A_799 = arith.addi %iota3A, %add3A_798 : vector<16xi32>
    %jit3A_800 = arith.constant 32 : i32
    %eq3A_801 = arith.constant 0 : i32
    %eq3A_802 = arith.cmpi eq, %jit3A_800, %eq3A_801 : i32
    %jit3A_803 = arith.constant 1 : i32
    %select_n3A_804 = arith.select %eq3A_802, %jit3A_803, %jit3A_800 : i32
    %rem3A_805 = vector.broadcast %select_n3A_804 : i32 to vector<16xi32>
    %rem3A_806 = arith.remsi %add3A_799, %rem3A_805 : vector<16xi32>
    %ne3A_807 = arith.constant 0 : i32
    %ne3A_808 = vector.broadcast %ne3A_807 : i32 to vector<16xi32>
    %ne3A_809 = arith.cmpi ne, %rem3A_806, %ne3A_808 : vector<16xi32>
    %lt3A_810 = arith.constant 0 : i32
    %lt3A_811 = vector.broadcast %lt3A_810 : i32 to vector<16xi32>
    %lt3A_812 = arith.cmpi slt, %rem3A_806, %lt3A_811 : vector<16xi32>
    %lt3A_813 = arith.constant 0 : i32
    %lt3A_814 = arith.cmpi slt, %select_n3A_804, %lt3A_813 : i32
    %ne3A_815 = vector.broadcast %lt3A_814 : i1 to vector<16xi1>
    %ne3A_816 = vector.broadcast %ne3A_815 : vector<16xi1> to vector<16xi1>
    %ne3A_817 = arith.xori %lt3A_812, %ne3A_816 : vector<16xi1>
    %and3A_818 = arith.andi %ne3A_817, %ne3A_809 : vector<16xi1>
    %add3A_819 = vector.broadcast %select_n3A_804 : i32 to vector<16xi32>
    %add3A_820 = arith.addi %rem3A_806, %add3A_819 : vector<16xi32>
    %select_n3A_821 = arith.select %and3A_818, %add3A_820, %rem3A_806 : vector<16xi1>, vector<16xi32>
    %add3A_822 = arith.addi %mul3A_796, %select_n3A_821 : vector<16xi32>
    %mul3A_823 = arith.constant 32 : i32
    %mul3A_824 = vector.broadcast %mul3A_823 : i32 to vector<16xi32>
    %mul3A_825 = arith.muli %iota3A, %mul3A_824 : vector<16xi32>
    %add3A_826 = arith.constant 1 : i32
    %add3A_827 = vector.broadcast %add3A_826 : i32 to vector<16xi32>
    %add3A_828 = arith.addi %iota3A, %add3A_827 : vector<16xi32>
    %jit3A_829 = arith.constant 32 : i32
    %eq3A_830 = arith.constant 0 : i32
    %eq3A_831 = arith.cmpi eq, %jit3A_829, %eq3A_830 : i32
    %jit3A_832 = arith.constant 1 : i32
    %select_n3A_833 = arith.select %eq3A_831, %jit3A_832, %jit3A_829 : i32
    %rem3A_834 = vector.broadcast %select_n3A_833 : i32 to vector<16xi32>
    %rem3A_835 = arith.remsi %add3A_828, %rem3A_834 : vector<16xi32>
    %ne3A_836 = arith.constant 0 : i32
    %ne3A_837 = vector.broadcast %ne3A_836 : i32 to vector<16xi32>
    %ne3A_838 = arith.cmpi ne, %rem3A_835, %ne3A_837 : vector<16xi32>
    %lt3A_839 = arith.constant 0 : i32
    %lt3A_840 = vector.broadcast %lt3A_839 : i32 to vector<16xi32>
    %lt3A_841 = arith.cmpi slt, %rem3A_835, %lt3A_840 : vector<16xi32>
    %lt3A_842 = arith.constant 0 : i32
    %lt3A_843 = arith.cmpi slt, %select_n3A_833, %lt3A_842 : i32
    %ne3A_844 = vector.broadcast %lt3A_843 : i1 to vector<16xi1>
    %ne3A_845 = vector.broadcast %ne3A_844 : vector<16xi1> to vector<16xi1>
    %ne3A_846 = arith.xori %lt3A_841, %ne3A_845 : vector<16xi1>
    %and3A_847 = arith.andi %ne3A_846, %ne3A_838 : vector<16xi1>
    %add3A_848 = vector.broadcast %select_n3A_833 : i32 to vector<16xi32>
    %add3A_849 = arith.addi %rem3A_835, %add3A_848 : vector<16xi32>
    %select_n3A_850 = arith.select %and3A_847, %add3A_849, %rem3A_835 : vector<16xi1>, vector<16xi32>
    %add3A_851 = arith.addi %mul3A_825, %select_n3A_850 : vector<16xi32>
    %mul3A_852 = arith.constant 32 : i32
    %mul3A_853 = vector.broadcast %mul3A_852 : i32 to vector<16xi32>
    %mul3A_854 = arith.muli %iota3A, %mul3A_853 : vector<16xi32>
    %add3A_855 = arith.constant 2 : i32
    %add3A_856 = vector.broadcast %add3A_855 : i32 to vector<16xi32>
    %add3A_857 = arith.addi %iota3A, %add3A_856 : vector<16xi32>
    %jit3A_858 = arith.constant 32 : i32
    %eq3A_859 = arith.constant 0 : i32
    %eq3A_860 = arith.cmpi eq, %jit3A_858, %eq3A_859 : i32
    %jit3A_861 = arith.constant 1 : i32
    %select_n3A_862 = arith.select %eq3A_860, %jit3A_861, %jit3A_858 : i32
    %rem3A_863 = vector.broadcast %select_n3A_862 : i32 to vector<16xi32>
    %rem3A_864 = arith.remsi %add3A_857, %rem3A_863 : vector<16xi32>
    %ne3A_865 = arith.constant 0 : i32
    %ne3A_866 = vector.broadcast %ne3A_865 : i32 to vector<16xi32>
    %ne3A_867 = arith.cmpi ne, %rem3A_864, %ne3A_866 : vector<16xi32>
    %lt3A_868 = arith.constant 0 : i32
    %lt3A_869 = vector.broadcast %lt3A_868 : i32 to vector<16xi32>
    %lt3A_870 = arith.cmpi slt, %rem3A_864, %lt3A_869 : vector<16xi32>
    %lt3A_871 = arith.constant 0 : i32
    %lt3A_872 = arith.cmpi slt, %select_n3A_862, %lt3A_871 : i32
    %ne3A_873 = vector.broadcast %lt3A_872 : i1 to vector<16xi1>
    %ne3A_874 = vector.broadcast %ne3A_873 : vector<16xi1> to vector<16xi1>
    %ne3A_875 = arith.xori %lt3A_870, %ne3A_874 : vector<16xi1>
    %and3A_876 = arith.andi %ne3A_875, %ne3A_867 : vector<16xi1>
    %add3A_877 = vector.broadcast %select_n3A_862 : i32 to vector<16xi32>
    %add3A_878 = arith.addi %rem3A_864, %add3A_877 : vector<16xi32>
    %select_n3A_879 = arith.select %and3A_876, %add3A_878, %rem3A_864 : vector<16xi1>, vector<16xi32>
    %add3A_880 = arith.addi %mul3A_854, %select_n3A_879 : vector<16xi32>
    %mul3A_881 = arith.constant 32 : i32
    %mul3A_882 = vector.broadcast %mul3A_881 : i32 to vector<16xi32>
    %mul3A_883 = arith.muli %iota3A, %mul3A_882 : vector<16xi32>
    %add3A_884 = arith.constant 3 : i32
    %add3A_885 = vector.broadcast %add3A_884 : i32 to vector<16xi32>
    %add3A_886 = arith.addi %iota3A, %add3A_885 : vector<16xi32>
    %jit3A_887 = arith.constant 32 : i32
    %eq3A_888 = arith.constant 0 : i32
    %eq3A_889 = arith.cmpi eq, %jit3A_887, %eq3A_888 : i32
    %jit3A_890 = arith.constant 1 : i32
    %select_n3A_891 = arith.select %eq3A_889, %jit3A_890, %jit3A_887 : i32
    %rem3A_892 = vector.broadcast %select_n3A_891 : i32 to vector<16xi32>
    %rem3A_893 = arith.remsi %add3A_886, %rem3A_892 : vector<16xi32>
    %ne3A_894 = arith.constant 0 : i32
    %ne3A_895 = vector.broadcast %ne3A_894 : i32 to vector<16xi32>
    %ne3A_896 = arith.cmpi ne, %rem3A_893, %ne3A_895 : vector<16xi32>
    %lt3A_897 = arith.constant 0 : i32
    %lt3A_898 = vector.broadcast %lt3A_897 : i32 to vector<16xi32>
    %lt3A_899 = arith.cmpi slt, %rem3A_893, %lt3A_898 : vector<16xi32>
    %lt3A_900 = arith.constant 0 : i32
    %lt3A_901 = arith.cmpi slt, %select_n3A_891, %lt3A_900 : i32
    %ne3A_902 = vector.broadcast %lt3A_901 : i1 to vector<16xi1>
    %ne3A_903 = vector.broadcast %ne3A_902 : vector<16xi1> to vector<16xi1>
    %ne3A_904 = arith.xori %lt3A_899, %ne3A_903 : vector<16xi1>
    %and3A_905 = arith.andi %ne3A_904, %ne3A_896 : vector<16xi1>
    %add3A_906 = vector.broadcast %select_n3A_891 : i32 to vector<16xi32>
    %add3A_907 = arith.addi %rem3A_893, %add3A_906 : vector<16xi32>
    %select_n3A_908 = arith.select %and3A_905, %add3A_907, %rem3A_893 : vector<16xi1>, vector<16xi32>
    %add3A_909 = arith.addi %mul3A_883, %select_n3A_908 : vector<16xi32>
    %mul3A_910 = arith.constant 32 : i32
    %mul3A_911 = vector.broadcast %mul3A_910 : i32 to vector<16xi32>
    %mul3A_912 = arith.muli %iota3A, %mul3A_911 : vector<16xi32>
    %add3A_913 = arith.constant 4 : i32
    %add3A_914 = vector.broadcast %add3A_913 : i32 to vector<16xi32>
    %add3A_915 = arith.addi %iota3A, %add3A_914 : vector<16xi32>
    %jit3A_916 = arith.constant 32 : i32
    %eq3A_917 = arith.constant 0 : i32
    %eq3A_918 = arith.cmpi eq, %jit3A_916, %eq3A_917 : i32
    %jit3A_919 = arith.constant 1 : i32
    %select_n3A_920 = arith.select %eq3A_918, %jit3A_919, %jit3A_916 : i32
    %rem3A_921 = vector.broadcast %select_n3A_920 : i32 to vector<16xi32>
    %rem3A_922 = arith.remsi %add3A_915, %rem3A_921 : vector<16xi32>
    %ne3A_923 = arith.constant 0 : i32
    %ne3A_924 = vector.broadcast %ne3A_923 : i32 to vector<16xi32>
    %ne3A_925 = arith.cmpi ne, %rem3A_922, %ne3A_924 : vector<16xi32>
    %lt3A_926 = arith.constant 0 : i32
    %lt3A_927 = vector.broadcast %lt3A_926 : i32 to vector<16xi32>
    %lt3A_928 = arith.cmpi slt, %rem3A_922, %lt3A_927 : vector<16xi32>
    %lt3A_929 = arith.constant 0 : i32
    %lt3A_930 = arith.cmpi slt, %select_n3A_920, %lt3A_929 : i32
    %ne3A_931 = vector.broadcast %lt3A_930 : i1 to vector<16xi1>
    %ne3A_932 = vector.broadcast %ne3A_931 : vector<16xi1> to vector<16xi1>
    %ne3A_933 = arith.xori %lt3A_928, %ne3A_932 : vector<16xi1>
    %and3A_934 = arith.andi %ne3A_933, %ne3A_925 : vector<16xi1>
    %add3A_935 = vector.broadcast %select_n3A_920 : i32 to vector<16xi32>
    %add3A_936 = arith.addi %rem3A_922, %add3A_935 : vector<16xi32>
    %select_n3A_937 = arith.select %and3A_934, %add3A_936, %rem3A_922 : vector<16xi1>, vector<16xi32>
    %add3A_938 = arith.addi %mul3A_912, %select_n3A_937 : vector<16xi32>
    %mul3A_939 = arith.constant 32 : i32
    %mul3A_940 = vector.broadcast %mul3A_939 : i32 to vector<16xi32>
    %mul3A_941 = arith.muli %iota3A, %mul3A_940 : vector<16xi32>
    %add3A_942 = arith.constant 5 : i32
    %add3A_943 = vector.broadcast %add3A_942 : i32 to vector<16xi32>
    %add3A_944 = arith.addi %iota3A, %add3A_943 : vector<16xi32>
    %jit3A_945 = arith.constant 32 : i32
    %eq3A_946 = arith.constant 0 : i32
    %eq3A_947 = arith.cmpi eq, %jit3A_945, %eq3A_946 : i32
    %jit3A_948 = arith.constant 1 : i32
    %select_n3A_949 = arith.select %eq3A_947, %jit3A_948, %jit3A_945 : i32
    %rem3A_950 = vector.broadcast %select_n3A_949 : i32 to vector<16xi32>
    %rem3A_951 = arith.remsi %add3A_944, %rem3A_950 : vector<16xi32>
    %ne3A_952 = arith.constant 0 : i32
    %ne3A_953 = vector.broadcast %ne3A_952 : i32 to vector<16xi32>
    %ne3A_954 = arith.cmpi ne, %rem3A_951, %ne3A_953 : vector<16xi32>
    %lt3A_955 = arith.constant 0 : i32
    %lt3A_956 = vector.broadcast %lt3A_955 : i32 to vector<16xi32>
    %lt3A_957 = arith.cmpi slt, %rem3A_951, %lt3A_956 : vector<16xi32>
    %lt3A_958 = arith.constant 0 : i32
    %lt3A_959 = arith.cmpi slt, %select_n3A_949, %lt3A_958 : i32
    %ne3A_960 = vector.broadcast %lt3A_959 : i1 to vector<16xi1>
    %ne3A_961 = vector.broadcast %ne3A_960 : vector<16xi1> to vector<16xi1>
    %ne3A_962 = arith.xori %lt3A_957, %ne3A_961 : vector<16xi1>
    %and3A_963 = arith.andi %ne3A_962, %ne3A_954 : vector<16xi1>
    %add3A_964 = vector.broadcast %select_n3A_949 : i32 to vector<16xi32>
    %add3A_965 = arith.addi %rem3A_951, %add3A_964 : vector<16xi32>
    %select_n3A_966 = arith.select %and3A_963, %add3A_965, %rem3A_951 : vector<16xi1>, vector<16xi32>
    %add3A_967 = arith.addi %mul3A_941, %select_n3A_966 : vector<16xi32>
    %mul3A_968 = arith.constant 32 : i32
    %mul3A_969 = vector.broadcast %mul3A_968 : i32 to vector<16xi32>
    %mul3A_970 = arith.muli %iota3A, %mul3A_969 : vector<16xi32>
    %add3A_971 = arith.constant 6 : i32
    %add3A_972 = vector.broadcast %add3A_971 : i32 to vector<16xi32>
    %add3A_973 = arith.addi %iota3A, %add3A_972 : vector<16xi32>
    %jit3A_974 = arith.constant 32 : i32
    %eq3A_975 = arith.constant 0 : i32
    %eq3A_976 = arith.cmpi eq, %jit3A_974, %eq3A_975 : i32
    %jit3A_977 = arith.constant 1 : i32
    %select_n3A_978 = arith.select %eq3A_976, %jit3A_977, %jit3A_974 : i32
    %rem3A_979 = vector.broadcast %select_n3A_978 : i32 to vector<16xi32>
    %rem3A_980 = arith.remsi %add3A_973, %rem3A_979 : vector<16xi32>
    %ne3A_981 = arith.constant 0 : i32
    %ne3A_982 = vector.broadcast %ne3A_981 : i32 to vector<16xi32>
    %ne3A_983 = arith.cmpi ne, %rem3A_980, %ne3A_982 : vector<16xi32>
    %lt3A_984 = arith.constant 0 : i32
    %lt3A_985 = vector.broadcast %lt3A_984 : i32 to vector<16xi32>
    %lt3A_986 = arith.cmpi slt, %rem3A_980, %lt3A_985 : vector<16xi32>
    %lt3A_987 = arith.constant 0 : i32
    %lt3A_988 = arith.cmpi slt, %select_n3A_978, %lt3A_987 : i32
    %ne3A_989 = vector.broadcast %lt3A_988 : i1 to vector<16xi1>
    %ne3A_990 = vector.broadcast %ne3A_989 : vector<16xi1> to vector<16xi1>
    %ne3A_991 = arith.xori %lt3A_986, %ne3A_990 : vector<16xi1>
    %and3A_992 = arith.andi %ne3A_991, %ne3A_983 : vector<16xi1>
    %add3A_993 = vector.broadcast %select_n3A_978 : i32 to vector<16xi32>
    %add3A_994 = arith.addi %rem3A_980, %add3A_993 : vector<16xi32>
    %select_n3A_995 = arith.select %and3A_992, %add3A_994, %rem3A_980 : vector<16xi1>, vector<16xi32>
    %add3A_996 = arith.addi %mul3A_970, %select_n3A_995 : vector<16xi32>
    %mul3A_997 = arith.constant 32 : i32
    %mul3A_998 = vector.broadcast %mul3A_997 : i32 to vector<16xi32>
    %mul3A_999 = arith.muli %iota3A, %mul3A_998 : vector<16xi32>
    %add3A_1000 = arith.constant 7 : i32
    %add3A_1001 = vector.broadcast %add3A_1000 : i32 to vector<16xi32>
    %add3A_1002 = arith.addi %iota3A, %add3A_1001 : vector<16xi32>
    %jit3A_1003 = arith.constant 32 : i32
    %eq3A_1004 = arith.constant 0 : i32
    %eq3A_1005 = arith.cmpi eq, %jit3A_1003, %eq3A_1004 : i32
    %jit3A_1006 = arith.constant 1 : i32
    %select_n3A_1007 = arith.select %eq3A_1005, %jit3A_1006, %jit3A_1003 : i32
    %rem3A_1008 = vector.broadcast %select_n3A_1007 : i32 to vector<16xi32>
    %rem3A_1009 = arith.remsi %add3A_1002, %rem3A_1008 : vector<16xi32>
    %ne3A_1010 = arith.constant 0 : i32
    %ne3A_1011 = vector.broadcast %ne3A_1010 : i32 to vector<16xi32>
    %ne3A_1012 = arith.cmpi ne, %rem3A_1009, %ne3A_1011 : vector<16xi32>
    %lt3A_1013 = arith.constant 0 : i32
    %lt3A_1014 = vector.broadcast %lt3A_1013 : i32 to vector<16xi32>
    %lt3A_1015 = arith.cmpi slt, %rem3A_1009, %lt3A_1014 : vector<16xi32>
    %lt3A_1016 = arith.constant 0 : i32
    %lt3A_1017 = arith.cmpi slt, %select_n3A_1007, %lt3A_1016 : i32
    %ne3A_1018 = vector.broadcast %lt3A_1017 : i1 to vector<16xi1>
    %ne3A_1019 = vector.broadcast %ne3A_1018 : vector<16xi1> to vector<16xi1>
    %ne3A_1020 = arith.xori %lt3A_1015, %ne3A_1019 : vector<16xi1>
    %and3A_1021 = arith.andi %ne3A_1020, %ne3A_1012 : vector<16xi1>
    %add3A_1022 = vector.broadcast %select_n3A_1007 : i32 to vector<16xi32>
    %add3A_1023 = arith.addi %rem3A_1009, %add3A_1022 : vector<16xi32>
    %select_n3A_1024 = arith.select %and3A_1021, %add3A_1023, %rem3A_1009 : vector<16xi1>, vector<16xi32>
    %add3A_1025 = arith.addi %mul3A_999, %select_n3A_1024 : vector<16xi32>
    %mul3A_1026 = arith.constant 32 : i32
    %mul3A_1027 = vector.broadcast %mul3A_1026 : i32 to vector<16xi32>
    %mul3A_1028 = arith.muli %iota3A, %mul3A_1027 : vector<16xi32>
    %add3A_1029 = arith.constant 8 : i32
    %add3A_1030 = vector.broadcast %add3A_1029 : i32 to vector<16xi32>
    %add3A_1031 = arith.addi %iota3A, %add3A_1030 : vector<16xi32>
    %jit3A_1032 = arith.constant 32 : i32
    %eq3A_1033 = arith.constant 0 : i32
    %eq3A_1034 = arith.cmpi eq, %jit3A_1032, %eq3A_1033 : i32
    %jit3A_1035 = arith.constant 1 : i32
    %select_n3A_1036 = arith.select %eq3A_1034, %jit3A_1035, %jit3A_1032 : i32
    %rem3A_1037 = vector.broadcast %select_n3A_1036 : i32 to vector<16xi32>
    %rem3A_1038 = arith.remsi %add3A_1031, %rem3A_1037 : vector<16xi32>
    %ne3A_1039 = arith.constant 0 : i32
    %ne3A_1040 = vector.broadcast %ne3A_1039 : i32 to vector<16xi32>
    %ne3A_1041 = arith.cmpi ne, %rem3A_1038, %ne3A_1040 : vector<16xi32>
    %lt3A_1042 = arith.constant 0 : i32
    %lt3A_1043 = vector.broadcast %lt3A_1042 : i32 to vector<16xi32>
    %lt3A_1044 = arith.cmpi slt, %rem3A_1038, %lt3A_1043 : vector<16xi32>
    %lt3A_1045 = arith.constant 0 : i32
    %lt3A_1046 = arith.cmpi slt, %select_n3A_1036, %lt3A_1045 : i32
    %ne3A_1047 = vector.broadcast %lt3A_1046 : i1 to vector<16xi1>
    %ne3A_1048 = vector.broadcast %ne3A_1047 : vector<16xi1> to vector<16xi1>
    %ne3A_1049 = arith.xori %lt3A_1044, %ne3A_1048 : vector<16xi1>
    %and3A_1050 = arith.andi %ne3A_1049, %ne3A_1041 : vector<16xi1>
    %add3A_1051 = vector.broadcast %select_n3A_1036 : i32 to vector<16xi32>
    %add3A_1052 = arith.addi %rem3A_1038, %add3A_1051 : vector<16xi32>
    %select_n3A_1053 = arith.select %and3A_1050, %add3A_1052, %rem3A_1038 : vector<16xi1>, vector<16xi32>
    %add3A_1054 = arith.addi %mul3A_1028, %select_n3A_1053 : vector<16xi32>
    %mul3A_1055 = arith.constant 32 : i32
    %mul3A_1056 = vector.broadcast %mul3A_1055 : i32 to vector<16xi32>
    %mul3A_1057 = arith.muli %iota3A, %mul3A_1056 : vector<16xi32>
    %add3A_1058 = arith.constant 9 : i32
    %add3A_1059 = vector.broadcast %add3A_1058 : i32 to vector<16xi32>
    %add3A_1060 = arith.addi %iota3A, %add3A_1059 : vector<16xi32>
    %jit3A_1061 = arith.constant 32 : i32
    %eq3A_1062 = arith.constant 0 : i32
    %eq3A_1063 = arith.cmpi eq, %jit3A_1061, %eq3A_1062 : i32
    %jit3A_1064 = arith.constant 1 : i32
    %select_n3A_1065 = arith.select %eq3A_1063, %jit3A_1064, %jit3A_1061 : i32
    %rem3A_1066 = vector.broadcast %select_n3A_1065 : i32 to vector<16xi32>
    %rem3A_1067 = arith.remsi %add3A_1060, %rem3A_1066 : vector<16xi32>
    %ne3A_1068 = arith.constant 0 : i32
    %ne3A_1069 = vector.broadcast %ne3A_1068 : i32 to vector<16xi32>
    %ne3A_1070 = arith.cmpi ne, %rem3A_1067, %ne3A_1069 : vector<16xi32>
    %lt3A_1071 = arith.constant 0 : i32
    %lt3A_1072 = vector.broadcast %lt3A_1071 : i32 to vector<16xi32>
    %lt3A_1073 = arith.cmpi slt, %rem3A_1067, %lt3A_1072 : vector<16xi32>
    %lt3A_1074 = arith.constant 0 : i32
    %lt3A_1075 = arith.cmpi slt, %select_n3A_1065, %lt3A_1074 : i32
    %ne3A_1076 = vector.broadcast %lt3A_1075 : i1 to vector<16xi1>
    %ne3A_1077 = vector.broadcast %ne3A_1076 : vector<16xi1> to vector<16xi1>
    %ne3A_1078 = arith.xori %lt3A_1073, %ne3A_1077 : vector<16xi1>
    %and3A_1079 = arith.andi %ne3A_1078, %ne3A_1070 : vector<16xi1>
    %add3A_1080 = vector.broadcast %select_n3A_1065 : i32 to vector<16xi32>
    %add3A_1081 = arith.addi %rem3A_1067, %add3A_1080 : vector<16xi32>
    %select_n3A_1082 = arith.select %and3A_1079, %add3A_1081, %rem3A_1067 : vector<16xi1>, vector<16xi32>
    %add3A_1083 = arith.addi %mul3A_1057, %select_n3A_1082 : vector<16xi32>
    %mul3A_1084 = arith.constant 32 : i32
    %mul3A_1085 = vector.broadcast %mul3A_1084 : i32 to vector<16xi32>
    %mul3A_1086 = arith.muli %iota3A, %mul3A_1085 : vector<16xi32>
    %add3A_1087 = arith.constant 10 : i32
    %add3A_1088 = vector.broadcast %add3A_1087 : i32 to vector<16xi32>
    %add3A_1089 = arith.addi %iota3A, %add3A_1088 : vector<16xi32>
    %jit3A_1090 = arith.constant 32 : i32
    %eq3A_1091 = arith.constant 0 : i32
    %eq3A_1092 = arith.cmpi eq, %jit3A_1090, %eq3A_1091 : i32
    %jit3A_1093 = arith.constant 1 : i32
    %select_n3A_1094 = arith.select %eq3A_1092, %jit3A_1093, %jit3A_1090 : i32
    %rem3A_1095 = vector.broadcast %select_n3A_1094 : i32 to vector<16xi32>
    %rem3A_1096 = arith.remsi %add3A_1089, %rem3A_1095 : vector<16xi32>
    %ne3A_1097 = arith.constant 0 : i32
    %ne3A_1098 = vector.broadcast %ne3A_1097 : i32 to vector<16xi32>
    %ne3A_1099 = arith.cmpi ne, %rem3A_1096, %ne3A_1098 : vector<16xi32>
    %lt3A_1100 = arith.constant 0 : i32
    %lt3A_1101 = vector.broadcast %lt3A_1100 : i32 to vector<16xi32>
    %lt3A_1102 = arith.cmpi slt, %rem3A_1096, %lt3A_1101 : vector<16xi32>
    %lt3A_1103 = arith.constant 0 : i32
    %lt3A_1104 = arith.cmpi slt, %select_n3A_1094, %lt3A_1103 : i32
    %ne3A_1105 = vector.broadcast %lt3A_1104 : i1 to vector<16xi1>
    %ne3A_1106 = vector.broadcast %ne3A_1105 : vector<16xi1> to vector<16xi1>
    %ne3A_1107 = arith.xori %lt3A_1102, %ne3A_1106 : vector<16xi1>
    %and3A_1108 = arith.andi %ne3A_1107, %ne3A_1099 : vector<16xi1>
    %add3A_1109 = vector.broadcast %select_n3A_1094 : i32 to vector<16xi32>
    %add3A_1110 = arith.addi %rem3A_1096, %add3A_1109 : vector<16xi32>
    %select_n3A_1111 = arith.select %and3A_1108, %add3A_1110, %rem3A_1096 : vector<16xi1>, vector<16xi32>
    %add3A_1112 = arith.addi %mul3A_1086, %select_n3A_1111 : vector<16xi32>
    %mul3A_1113 = arith.constant 32 : i32
    %mul3A_1114 = vector.broadcast %mul3A_1113 : i32 to vector<16xi32>
    %mul3A_1115 = arith.muli %iota3A, %mul3A_1114 : vector<16xi32>
    %add3A_1116 = arith.constant 11 : i32
    %add3A_1117 = vector.broadcast %add3A_1116 : i32 to vector<16xi32>
    %add3A_1118 = arith.addi %iota3A, %add3A_1117 : vector<16xi32>
    %jit3A_1119 = arith.constant 32 : i32
    %eq3A_1120 = arith.constant 0 : i32
    %eq3A_1121 = arith.cmpi eq, %jit3A_1119, %eq3A_1120 : i32
    %jit3A_1122 = arith.constant 1 : i32
    %select_n3A_1123 = arith.select %eq3A_1121, %jit3A_1122, %jit3A_1119 : i32
    %rem3A_1124 = vector.broadcast %select_n3A_1123 : i32 to vector<16xi32>
    %rem3A_1125 = arith.remsi %add3A_1118, %rem3A_1124 : vector<16xi32>
    %ne3A_1126 = arith.constant 0 : i32
    %ne3A_1127 = vector.broadcast %ne3A_1126 : i32 to vector<16xi32>
    %ne3A_1128 = arith.cmpi ne, %rem3A_1125, %ne3A_1127 : vector<16xi32>
    %lt3A_1129 = arith.constant 0 : i32
    %lt3A_1130 = vector.broadcast %lt3A_1129 : i32 to vector<16xi32>
    %lt3A_1131 = arith.cmpi slt, %rem3A_1125, %lt3A_1130 : vector<16xi32>
    %lt3A_1132 = arith.constant 0 : i32
    %lt3A_1133 = arith.cmpi slt, %select_n3A_1123, %lt3A_1132 : i32
    %ne3A_1134 = vector.broadcast %lt3A_1133 : i1 to vector<16xi1>
    %ne3A_1135 = vector.broadcast %ne3A_1134 : vector<16xi1> to vector<16xi1>
    %ne3A_1136 = arith.xori %lt3A_1131, %ne3A_1135 : vector<16xi1>
    %and3A_1137 = arith.andi %ne3A_1136, %ne3A_1128 : vector<16xi1>
    %add3A_1138 = vector.broadcast %select_n3A_1123 : i32 to vector<16xi32>
    %add3A_1139 = arith.addi %rem3A_1125, %add3A_1138 : vector<16xi32>
    %select_n3A_1140 = arith.select %and3A_1137, %add3A_1139, %rem3A_1125 : vector<16xi1>, vector<16xi32>
    %add3A_1141 = arith.addi %mul3A_1115, %select_n3A_1140 : vector<16xi32>
    %mul3A_1142 = arith.constant 32 : i32
    %mul3A_1143 = vector.broadcast %mul3A_1142 : i32 to vector<16xi32>
    %mul3A_1144 = arith.muli %iota3A, %mul3A_1143 : vector<16xi32>
    %add3A_1145 = arith.constant 12 : i32
    %add3A_1146 = vector.broadcast %add3A_1145 : i32 to vector<16xi32>
    %add3A_1147 = arith.addi %iota3A, %add3A_1146 : vector<16xi32>
    %jit3A_1148 = arith.constant 32 : i32
    %eq3A_1149 = arith.constant 0 : i32
    %eq3A_1150 = arith.cmpi eq, %jit3A_1148, %eq3A_1149 : i32
    %jit3A_1151 = arith.constant 1 : i32
    %select_n3A_1152 = arith.select %eq3A_1150, %jit3A_1151, %jit3A_1148 : i32
    %rem3A_1153 = vector.broadcast %select_n3A_1152 : i32 to vector<16xi32>
    %rem3A_1154 = arith.remsi %add3A_1147, %rem3A_1153 : vector<16xi32>
    %ne3A_1155 = arith.constant 0 : i32
    %ne3A_1156 = vector.broadcast %ne3A_1155 : i32 to vector<16xi32>
    %ne3A_1157 = arith.cmpi ne, %rem3A_1154, %ne3A_1156 : vector<16xi32>
    %lt3A_1158 = arith.constant 0 : i32
    %lt3A_1159 = vector.broadcast %lt3A_1158 : i32 to vector<16xi32>
    %lt3A_1160 = arith.cmpi slt, %rem3A_1154, %lt3A_1159 : vector<16xi32>
    %lt3A_1161 = arith.constant 0 : i32
    %lt3A_1162 = arith.cmpi slt, %select_n3A_1152, %lt3A_1161 : i32
    %ne3A_1163 = vector.broadcast %lt3A_1162 : i1 to vector<16xi1>
    %ne3A_1164 = vector.broadcast %ne3A_1163 : vector<16xi1> to vector<16xi1>
    %ne3A_1165 = arith.xori %lt3A_1160, %ne3A_1164 : vector<16xi1>
    %and3A_1166 = arith.andi %ne3A_1165, %ne3A_1157 : vector<16xi1>
    %add3A_1167 = vector.broadcast %select_n3A_1152 : i32 to vector<16xi32>
    %add3A_1168 = arith.addi %rem3A_1154, %add3A_1167 : vector<16xi32>
    %select_n3A_1169 = arith.select %and3A_1166, %add3A_1168, %rem3A_1154 : vector<16xi1>, vector<16xi32>
    %add3A_1170 = arith.addi %mul3A_1144, %select_n3A_1169 : vector<16xi32>
    %mul3A_1171 = arith.constant 32 : i32
    %mul3A_1172 = vector.broadcast %mul3A_1171 : i32 to vector<16xi32>
    %mul3A_1173 = arith.muli %iota3A, %mul3A_1172 : vector<16xi32>
    %add3A_1174 = arith.constant 13 : i32
    %add3A_1175 = vector.broadcast %add3A_1174 : i32 to vector<16xi32>
    %add3A_1176 = arith.addi %iota3A, %add3A_1175 : vector<16xi32>
    %jit3A_1177 = arith.constant 32 : i32
    %eq3A_1178 = arith.constant 0 : i32
    %eq3A_1179 = arith.cmpi eq, %jit3A_1177, %eq3A_1178 : i32
    %jit3A_1180 = arith.constant 1 : i32
    %select_n3A_1181 = arith.select %eq3A_1179, %jit3A_1180, %jit3A_1177 : i32
    %rem3A_1182 = vector.broadcast %select_n3A_1181 : i32 to vector<16xi32>
    %rem3A_1183 = arith.remsi %add3A_1176, %rem3A_1182 : vector<16xi32>
    %ne3A_1184 = arith.constant 0 : i32
    %ne3A_1185 = vector.broadcast %ne3A_1184 : i32 to vector<16xi32>
    %ne3A_1186 = arith.cmpi ne, %rem3A_1183, %ne3A_1185 : vector<16xi32>
    %lt3A_1187 = arith.constant 0 : i32
    %lt3A_1188 = vector.broadcast %lt3A_1187 : i32 to vector<16xi32>
    %lt3A_1189 = arith.cmpi slt, %rem3A_1183, %lt3A_1188 : vector<16xi32>
    %lt3A_1190 = arith.constant 0 : i32
    %lt3A_1191 = arith.cmpi slt, %select_n3A_1181, %lt3A_1190 : i32
    %ne3A_1192 = vector.broadcast %lt3A_1191 : i1 to vector<16xi1>
    %ne3A_1193 = vector.broadcast %ne3A_1192 : vector<16xi1> to vector<16xi1>
    %ne3A_1194 = arith.xori %lt3A_1189, %ne3A_1193 : vector<16xi1>
    %and3A_1195 = arith.andi %ne3A_1194, %ne3A_1186 : vector<16xi1>
    %add3A_1196 = vector.broadcast %select_n3A_1181 : i32 to vector<16xi32>
    %add3A_1197 = arith.addi %rem3A_1183, %add3A_1196 : vector<16xi32>
    %select_n3A_1198 = arith.select %and3A_1195, %add3A_1197, %rem3A_1183 : vector<16xi1>, vector<16xi32>
    %add3A_1199 = arith.addi %mul3A_1173, %select_n3A_1198 : vector<16xi32>
    %mul3A_1200 = arith.constant 32 : i32
    %mul3A_1201 = vector.broadcast %mul3A_1200 : i32 to vector<16xi32>
    %mul3A_1202 = arith.muli %iota3A, %mul3A_1201 : vector<16xi32>
    %add3A_1203 = arith.constant 14 : i32
    %add3A_1204 = vector.broadcast %add3A_1203 : i32 to vector<16xi32>
    %add3A_1205 = arith.addi %iota3A, %add3A_1204 : vector<16xi32>
    %jit3A_1206 = arith.constant 32 : i32
    %eq3A_1207 = arith.constant 0 : i32
    %eq3A_1208 = arith.cmpi eq, %jit3A_1206, %eq3A_1207 : i32
    %jit3A_1209 = arith.constant 1 : i32
    %select_n3A_1210 = arith.select %eq3A_1208, %jit3A_1209, %jit3A_1206 : i32
    %rem3A_1211 = vector.broadcast %select_n3A_1210 : i32 to vector<16xi32>
    %rem3A_1212 = arith.remsi %add3A_1205, %rem3A_1211 : vector<16xi32>
    %ne3A_1213 = arith.constant 0 : i32
    %ne3A_1214 = vector.broadcast %ne3A_1213 : i32 to vector<16xi32>
    %ne3A_1215 = arith.cmpi ne, %rem3A_1212, %ne3A_1214 : vector<16xi32>
    %lt3A_1216 = arith.constant 0 : i32
    %lt3A_1217 = vector.broadcast %lt3A_1216 : i32 to vector<16xi32>
    %lt3A_1218 = arith.cmpi slt, %rem3A_1212, %lt3A_1217 : vector<16xi32>
    %lt3A_1219 = arith.constant 0 : i32
    %lt3A_1220 = arith.cmpi slt, %select_n3A_1210, %lt3A_1219 : i32
    %ne3A_1221 = vector.broadcast %lt3A_1220 : i1 to vector<16xi1>
    %ne3A_1222 = vector.broadcast %ne3A_1221 : vector<16xi1> to vector<16xi1>
    %ne3A_1223 = arith.xori %lt3A_1218, %ne3A_1222 : vector<16xi1>
    %and3A_1224 = arith.andi %ne3A_1223, %ne3A_1215 : vector<16xi1>
    %add3A_1225 = vector.broadcast %select_n3A_1210 : i32 to vector<16xi32>
    %add3A_1226 = arith.addi %rem3A_1212, %add3A_1225 : vector<16xi32>
    %select_n3A_1227 = arith.select %and3A_1224, %add3A_1226, %rem3A_1212 : vector<16xi1>, vector<16xi32>
    %add3A_1228 = arith.addi %mul3A_1202, %select_n3A_1227 : vector<16xi32>
    %mul3A_1229 = arith.constant 32 : i32
    %mul3A_1230 = vector.broadcast %mul3A_1229 : i32 to vector<16xi32>
    %mul3A_1231 = arith.muli %iota3A, %mul3A_1230 : vector<16xi32>
    %add3A_1232 = arith.constant 15 : i32
    %add3A_1233 = vector.broadcast %add3A_1232 : i32 to vector<16xi32>
    %add3A_1234 = arith.addi %iota3A, %add3A_1233 : vector<16xi32>
    %jit3A_1235 = arith.constant 32 : i32
    %eq3A_1236 = arith.constant 0 : i32
    %eq3A_1237 = arith.cmpi eq, %jit3A_1235, %eq3A_1236 : i32
    %jit3A_1238 = arith.constant 1 : i32
    %select_n3A_1239 = arith.select %eq3A_1237, %jit3A_1238, %jit3A_1235 : i32
    %rem3A_1240 = vector.broadcast %select_n3A_1239 : i32 to vector<16xi32>
    %rem3A_1241 = arith.remsi %add3A_1234, %rem3A_1240 : vector<16xi32>
    %ne3A_1242 = arith.constant 0 : i32
    %ne3A_1243 = vector.broadcast %ne3A_1242 : i32 to vector<16xi32>
    %ne3A_1244 = arith.cmpi ne, %rem3A_1241, %ne3A_1243 : vector<16xi32>
    %lt3A_1245 = arith.constant 0 : i32
    %lt3A_1246 = vector.broadcast %lt3A_1245 : i32 to vector<16xi32>
    %lt3A_1247 = arith.cmpi slt, %rem3A_1241, %lt3A_1246 : vector<16xi32>
    %lt3A_1248 = arith.constant 0 : i32
    %lt3A_1249 = arith.cmpi slt, %select_n3A_1239, %lt3A_1248 : i32
    %ne3A_1250 = vector.broadcast %lt3A_1249 : i1 to vector<16xi1>
    %ne3A_1251 = vector.broadcast %ne3A_1250 : vector<16xi1> to vector<16xi1>
    %ne3A_1252 = arith.xori %lt3A_1247, %ne3A_1251 : vector<16xi1>
    %and3A_1253 = arith.andi %ne3A_1252, %ne3A_1244 : vector<16xi1>
    %add3A_1254 = vector.broadcast %select_n3A_1239 : i32 to vector<16xi32>
    %add3A_1255 = arith.addi %rem3A_1241, %add3A_1254 : vector<16xi32>
    %select_n3A_1256 = arith.select %and3A_1253, %add3A_1255, %rem3A_1241 : vector<16xi1>, vector<16xi32>
    %add3A_1257 = arith.addi %mul3A_1231, %select_n3A_1256 : vector<16xi32>
    %mul3A_1258 = arith.constant 32 : i32
    %mul3A_1259 = vector.broadcast %mul3A_1258 : i32 to vector<16xi32>
    %mul3A_1260 = arith.muli %iota3A, %mul3A_1259 : vector<16xi32>
    %add3A_1261 = arith.constant 16 : i32
    %add3A_1262 = vector.broadcast %add3A_1261 : i32 to vector<16xi32>
    %add3A_1263 = arith.addi %iota3A, %add3A_1262 : vector<16xi32>
    %jit3A_1264 = arith.constant 32 : i32
    %eq3A_1265 = arith.constant 0 : i32
    %eq3A_1266 = arith.cmpi eq, %jit3A_1264, %eq3A_1265 : i32
    %jit3A_1267 = arith.constant 1 : i32
    %select_n3A_1268 = arith.select %eq3A_1266, %jit3A_1267, %jit3A_1264 : i32
    %rem3A_1269 = vector.broadcast %select_n3A_1268 : i32 to vector<16xi32>
    %rem3A_1270 = arith.remsi %add3A_1263, %rem3A_1269 : vector<16xi32>
    %ne3A_1271 = arith.constant 0 : i32
    %ne3A_1272 = vector.broadcast %ne3A_1271 : i32 to vector<16xi32>
    %ne3A_1273 = arith.cmpi ne, %rem3A_1270, %ne3A_1272 : vector<16xi32>
    %lt3A_1274 = arith.constant 0 : i32
    %lt3A_1275 = vector.broadcast %lt3A_1274 : i32 to vector<16xi32>
    %lt3A_1276 = arith.cmpi slt, %rem3A_1270, %lt3A_1275 : vector<16xi32>
    %lt3A_1277 = arith.constant 0 : i32
    %lt3A_1278 = arith.cmpi slt, %select_n3A_1268, %lt3A_1277 : i32
    %ne3A_1279 = vector.broadcast %lt3A_1278 : i1 to vector<16xi1>
    %ne3A_1280 = vector.broadcast %ne3A_1279 : vector<16xi1> to vector<16xi1>
    %ne3A_1281 = arith.xori %lt3A_1276, %ne3A_1280 : vector<16xi1>
    %and3A_1282 = arith.andi %ne3A_1281, %ne3A_1273 : vector<16xi1>
    %add3A_1283 = vector.broadcast %select_n3A_1268 : i32 to vector<16xi32>
    %add3A_1284 = arith.addi %rem3A_1270, %add3A_1283 : vector<16xi32>
    %select_n3A_1285 = arith.select %and3A_1282, %add3A_1284, %rem3A_1270 : vector<16xi1>, vector<16xi32>
    %add3A_1286 = arith.addi %mul3A_1260, %select_n3A_1285 : vector<16xi32>
    %mul3A_1287 = arith.constant 32 : i32
    %mul3A_1288 = vector.broadcast %mul3A_1287 : i32 to vector<16xi32>
    %mul3A_1289 = arith.muli %iota3A, %mul3A_1288 : vector<16xi32>
    %add3A_1290 = arith.constant 17 : i32
    %add3A_1291 = vector.broadcast %add3A_1290 : i32 to vector<16xi32>
    %add3A_1292 = arith.addi %iota3A, %add3A_1291 : vector<16xi32>
    %jit3A_1293 = arith.constant 32 : i32
    %eq3A_1294 = arith.constant 0 : i32
    %eq3A_1295 = arith.cmpi eq, %jit3A_1293, %eq3A_1294 : i32
    %jit3A_1296 = arith.constant 1 : i32
    %select_n3A_1297 = arith.select %eq3A_1295, %jit3A_1296, %jit3A_1293 : i32
    %rem3A_1298 = vector.broadcast %select_n3A_1297 : i32 to vector<16xi32>
    %rem3A_1299 = arith.remsi %add3A_1292, %rem3A_1298 : vector<16xi32>
    %ne3A_1300 = arith.constant 0 : i32
    %ne3A_1301 = vector.broadcast %ne3A_1300 : i32 to vector<16xi32>
    %ne3A_1302 = arith.cmpi ne, %rem3A_1299, %ne3A_1301 : vector<16xi32>
    %lt3A_1303 = arith.constant 0 : i32
    %lt3A_1304 = vector.broadcast %lt3A_1303 : i32 to vector<16xi32>
    %lt3A_1305 = arith.cmpi slt, %rem3A_1299, %lt3A_1304 : vector<16xi32>
    %lt3A_1306 = arith.constant 0 : i32
    %lt3A_1307 = arith.cmpi slt, %select_n3A_1297, %lt3A_1306 : i32
    %ne3A_1308 = vector.broadcast %lt3A_1307 : i1 to vector<16xi1>
    %ne3A_1309 = vector.broadcast %ne3A_1308 : vector<16xi1> to vector<16xi1>
    %ne3A_1310 = arith.xori %lt3A_1305, %ne3A_1309 : vector<16xi1>
    %and3A_1311 = arith.andi %ne3A_1310, %ne3A_1302 : vector<16xi1>
    %add3A_1312 = vector.broadcast %select_n3A_1297 : i32 to vector<16xi32>
    %add3A_1313 = arith.addi %rem3A_1299, %add3A_1312 : vector<16xi32>
    %select_n3A_1314 = arith.select %and3A_1311, %add3A_1313, %rem3A_1299 : vector<16xi1>, vector<16xi32>
    %add3A_1315 = arith.addi %mul3A_1289, %select_n3A_1314 : vector<16xi32>
    %mul3A_1316 = arith.constant 32 : i32
    %mul3A_1317 = vector.broadcast %mul3A_1316 : i32 to vector<16xi32>
    %mul3A_1318 = arith.muli %iota3A, %mul3A_1317 : vector<16xi32>
    %add3A_1319 = arith.constant 18 : i32
    %add3A_1320 = vector.broadcast %add3A_1319 : i32 to vector<16xi32>
    %add3A_1321 = arith.addi %iota3A, %add3A_1320 : vector<16xi32>
    %jit3A_1322 = arith.constant 32 : i32
    %eq3A_1323 = arith.constant 0 : i32
    %eq3A_1324 = arith.cmpi eq, %jit3A_1322, %eq3A_1323 : i32
    %jit3A_1325 = arith.constant 1 : i32
    %select_n3A_1326 = arith.select %eq3A_1324, %jit3A_1325, %jit3A_1322 : i32
    %rem3A_1327 = vector.broadcast %select_n3A_1326 : i32 to vector<16xi32>
    %rem3A_1328 = arith.remsi %add3A_1321, %rem3A_1327 : vector<16xi32>
    %ne3A_1329 = arith.constant 0 : i32
    %ne3A_1330 = vector.broadcast %ne3A_1329 : i32 to vector<16xi32>
    %ne3A_1331 = arith.cmpi ne, %rem3A_1328, %ne3A_1330 : vector<16xi32>
    %lt3A_1332 = arith.constant 0 : i32
    %lt3A_1333 = vector.broadcast %lt3A_1332 : i32 to vector<16xi32>
    %lt3A_1334 = arith.cmpi slt, %rem3A_1328, %lt3A_1333 : vector<16xi32>
    %lt3A_1335 = arith.constant 0 : i32
    %lt3A_1336 = arith.cmpi slt, %select_n3A_1326, %lt3A_1335 : i32
    %ne3A_1337 = vector.broadcast %lt3A_1336 : i1 to vector<16xi1>
    %ne3A_1338 = vector.broadcast %ne3A_1337 : vector<16xi1> to vector<16xi1>
    %ne3A_1339 = arith.xori %lt3A_1334, %ne3A_1338 : vector<16xi1>
    %and3A_1340 = arith.andi %ne3A_1339, %ne3A_1331 : vector<16xi1>
    %add3A_1341 = vector.broadcast %select_n3A_1326 : i32 to vector<16xi32>
    %add3A_1342 = arith.addi %rem3A_1328, %add3A_1341 : vector<16xi32>
    %select_n3A_1343 = arith.select %and3A_1340, %add3A_1342, %rem3A_1328 : vector<16xi1>, vector<16xi32>
    %add3A_1344 = arith.addi %mul3A_1318, %select_n3A_1343 : vector<16xi32>
    %mul3A_1345 = arith.constant 32 : i32
    %mul3A_1346 = vector.broadcast %mul3A_1345 : i32 to vector<16xi32>
    %mul3A_1347 = arith.muli %iota3A, %mul3A_1346 : vector<16xi32>
    %add3A_1348 = arith.constant 19 : i32
    %add3A_1349 = vector.broadcast %add3A_1348 : i32 to vector<16xi32>
    %add3A_1350 = arith.addi %iota3A, %add3A_1349 : vector<16xi32>
    %jit3A_1351 = arith.constant 32 : i32
    %eq3A_1352 = arith.constant 0 : i32
    %eq3A_1353 = arith.cmpi eq, %jit3A_1351, %eq3A_1352 : i32
    %jit3A_1354 = arith.constant 1 : i32
    %select_n3A_1355 = arith.select %eq3A_1353, %jit3A_1354, %jit3A_1351 : i32
    %rem3A_1356 = vector.broadcast %select_n3A_1355 : i32 to vector<16xi32>
    %rem3A_1357 = arith.remsi %add3A_1350, %rem3A_1356 : vector<16xi32>
    %ne3A_1358 = arith.constant 0 : i32
    %ne3A_1359 = vector.broadcast %ne3A_1358 : i32 to vector<16xi32>
    %ne3A_1360 = arith.cmpi ne, %rem3A_1357, %ne3A_1359 : vector<16xi32>
    %lt3A_1361 = arith.constant 0 : i32
    %lt3A_1362 = vector.broadcast %lt3A_1361 : i32 to vector<16xi32>
    %lt3A_1363 = arith.cmpi slt, %rem3A_1357, %lt3A_1362 : vector<16xi32>
    %lt3A_1364 = arith.constant 0 : i32
    %lt3A_1365 = arith.cmpi slt, %select_n3A_1355, %lt3A_1364 : i32
    %ne3A_1366 = vector.broadcast %lt3A_1365 : i1 to vector<16xi1>
    %ne3A_1367 = vector.broadcast %ne3A_1366 : vector<16xi1> to vector<16xi1>
    %ne3A_1368 = arith.xori %lt3A_1363, %ne3A_1367 : vector<16xi1>
    %and3A_1369 = arith.andi %ne3A_1368, %ne3A_1360 : vector<16xi1>
    %add3A_1370 = vector.broadcast %select_n3A_1355 : i32 to vector<16xi32>
    %add3A_1371 = arith.addi %rem3A_1357, %add3A_1370 : vector<16xi32>
    %select_n3A_1372 = arith.select %and3A_1369, %add3A_1371, %rem3A_1357 : vector<16xi1>, vector<16xi32>
    %add3A_1373 = arith.addi %mul3A_1347, %select_n3A_1372 : vector<16xi32>
    %mul3A_1374 = arith.constant 32 : i32
    %mul3A_1375 = vector.broadcast %mul3A_1374 : i32 to vector<16xi32>
    %mul3A_1376 = arith.muli %iota3A, %mul3A_1375 : vector<16xi32>
    %add3A_1377 = arith.constant 20 : i32
    %add3A_1378 = vector.broadcast %add3A_1377 : i32 to vector<16xi32>
    %add3A_1379 = arith.addi %iota3A, %add3A_1378 : vector<16xi32>
    %jit3A_1380 = arith.constant 32 : i32
    %eq3A_1381 = arith.constant 0 : i32
    %eq3A_1382 = arith.cmpi eq, %jit3A_1380, %eq3A_1381 : i32
    %jit3A_1383 = arith.constant 1 : i32
    %select_n3A_1384 = arith.select %eq3A_1382, %jit3A_1383, %jit3A_1380 : i32
    %rem3A_1385 = vector.broadcast %select_n3A_1384 : i32 to vector<16xi32>
    %rem3A_1386 = arith.remsi %add3A_1379, %rem3A_1385 : vector<16xi32>
    %ne3A_1387 = arith.constant 0 : i32
    %ne3A_1388 = vector.broadcast %ne3A_1387 : i32 to vector<16xi32>
    %ne3A_1389 = arith.cmpi ne, %rem3A_1386, %ne3A_1388 : vector<16xi32>
    %lt3A_1390 = arith.constant 0 : i32
    %lt3A_1391 = vector.broadcast %lt3A_1390 : i32 to vector<16xi32>
    %lt3A_1392 = arith.cmpi slt, %rem3A_1386, %lt3A_1391 : vector<16xi32>
    %lt3A_1393 = arith.constant 0 : i32
    %lt3A_1394 = arith.cmpi slt, %select_n3A_1384, %lt3A_1393 : i32
    %ne3A_1395 = vector.broadcast %lt3A_1394 : i1 to vector<16xi1>
    %ne3A_1396 = vector.broadcast %ne3A_1395 : vector<16xi1> to vector<16xi1>
    %ne3A_1397 = arith.xori %lt3A_1392, %ne3A_1396 : vector<16xi1>
    %and3A_1398 = arith.andi %ne3A_1397, %ne3A_1389 : vector<16xi1>
    %add3A_1399 = vector.broadcast %select_n3A_1384 : i32 to vector<16xi32>
    %add3A_1400 = arith.addi %rem3A_1386, %add3A_1399 : vector<16xi32>
    %select_n3A_1401 = arith.select %and3A_1398, %add3A_1400, %rem3A_1386 : vector<16xi1>, vector<16xi32>
    %add3A_1402 = arith.addi %mul3A_1376, %select_n3A_1401 : vector<16xi32>
    %mul3A_1403 = arith.constant 32 : i32
    %mul3A_1404 = vector.broadcast %mul3A_1403 : i32 to vector<16xi32>
    %mul3A_1405 = arith.muli %iota3A, %mul3A_1404 : vector<16xi32>
    %add3A_1406 = arith.constant 21 : i32
    %add3A_1407 = vector.broadcast %add3A_1406 : i32 to vector<16xi32>
    %add3A_1408 = arith.addi %iota3A, %add3A_1407 : vector<16xi32>
    %jit3A_1409 = arith.constant 32 : i32
    %eq3A_1410 = arith.constant 0 : i32
    %eq3A_1411 = arith.cmpi eq, %jit3A_1409, %eq3A_1410 : i32
    %jit3A_1412 = arith.constant 1 : i32
    %select_n3A_1413 = arith.select %eq3A_1411, %jit3A_1412, %jit3A_1409 : i32
    %rem3A_1414 = vector.broadcast %select_n3A_1413 : i32 to vector<16xi32>
    %rem3A_1415 = arith.remsi %add3A_1408, %rem3A_1414 : vector<16xi32>
    %ne3A_1416 = arith.constant 0 : i32
    %ne3A_1417 = vector.broadcast %ne3A_1416 : i32 to vector<16xi32>
    %ne3A_1418 = arith.cmpi ne, %rem3A_1415, %ne3A_1417 : vector<16xi32>
    %lt3A_1419 = arith.constant 0 : i32
    %lt3A_1420 = vector.broadcast %lt3A_1419 : i32 to vector<16xi32>
    %lt3A_1421 = arith.cmpi slt, %rem3A_1415, %lt3A_1420 : vector<16xi32>
    %lt3A_1422 = arith.constant 0 : i32
    %lt3A_1423 = arith.cmpi slt, %select_n3A_1413, %lt3A_1422 : i32
    %ne3A_1424 = vector.broadcast %lt3A_1423 : i1 to vector<16xi1>
    %ne3A_1425 = vector.broadcast %ne3A_1424 : vector<16xi1> to vector<16xi1>
    %ne3A_1426 = arith.xori %lt3A_1421, %ne3A_1425 : vector<16xi1>
    %and3A_1427 = arith.andi %ne3A_1426, %ne3A_1418 : vector<16xi1>
    %add3A_1428 = vector.broadcast %select_n3A_1413 : i32 to vector<16xi32>
    %add3A_1429 = arith.addi %rem3A_1415, %add3A_1428 : vector<16xi32>
    %select_n3A_1430 = arith.select %and3A_1427, %add3A_1429, %rem3A_1415 : vector<16xi1>, vector<16xi32>
    %add3A_1431 = arith.addi %mul3A_1405, %select_n3A_1430 : vector<16xi32>
    %mul3A_1432 = arith.constant 32 : i32
    %mul3A_1433 = vector.broadcast %mul3A_1432 : i32 to vector<16xi32>
    %mul3A_1434 = arith.muli %iota3A, %mul3A_1433 : vector<16xi32>
    %add3A_1435 = arith.constant 22 : i32
    %add3A_1436 = vector.broadcast %add3A_1435 : i32 to vector<16xi32>
    %add3A_1437 = arith.addi %iota3A, %add3A_1436 : vector<16xi32>
    %jit3A_1438 = arith.constant 32 : i32
    %eq3A_1439 = arith.constant 0 : i32
    %eq3A_1440 = arith.cmpi eq, %jit3A_1438, %eq3A_1439 : i32
    %jit3A_1441 = arith.constant 1 : i32
    %select_n3A_1442 = arith.select %eq3A_1440, %jit3A_1441, %jit3A_1438 : i32
    %rem3A_1443 = vector.broadcast %select_n3A_1442 : i32 to vector<16xi32>
    %rem3A_1444 = arith.remsi %add3A_1437, %rem3A_1443 : vector<16xi32>
    %ne3A_1445 = arith.constant 0 : i32
    %ne3A_1446 = vector.broadcast %ne3A_1445 : i32 to vector<16xi32>
    %ne3A_1447 = arith.cmpi ne, %rem3A_1444, %ne3A_1446 : vector<16xi32>
    %lt3A_1448 = arith.constant 0 : i32
    %lt3A_1449 = vector.broadcast %lt3A_1448 : i32 to vector<16xi32>
    %lt3A_1450 = arith.cmpi slt, %rem3A_1444, %lt3A_1449 : vector<16xi32>
    %lt3A_1451 = arith.constant 0 : i32
    %lt3A_1452 = arith.cmpi slt, %select_n3A_1442, %lt3A_1451 : i32
    %ne3A_1453 = vector.broadcast %lt3A_1452 : i1 to vector<16xi1>
    %ne3A_1454 = vector.broadcast %ne3A_1453 : vector<16xi1> to vector<16xi1>
    %ne3A_1455 = arith.xori %lt3A_1450, %ne3A_1454 : vector<16xi1>
    %and3A_1456 = arith.andi %ne3A_1455, %ne3A_1447 : vector<16xi1>
    %add3A_1457 = vector.broadcast %select_n3A_1442 : i32 to vector<16xi32>
    %add3A_1458 = arith.addi %rem3A_1444, %add3A_1457 : vector<16xi32>
    %select_n3A_1459 = arith.select %and3A_1456, %add3A_1458, %rem3A_1444 : vector<16xi1>, vector<16xi32>
    %add3A_1460 = arith.addi %mul3A_1434, %select_n3A_1459 : vector<16xi32>
    %mul3A_1461 = arith.constant 32 : i32
    %mul3A_1462 = vector.broadcast %mul3A_1461 : i32 to vector<16xi32>
    %mul3A_1463 = arith.muli %iota3A, %mul3A_1462 : vector<16xi32>
    %add3A_1464 = arith.constant 23 : i32
    %add3A_1465 = vector.broadcast %add3A_1464 : i32 to vector<16xi32>
    %add3A_1466 = arith.addi %iota3A, %add3A_1465 : vector<16xi32>
    %jit3A_1467 = arith.constant 32 : i32
    %eq3A_1468 = arith.constant 0 : i32
    %eq3A_1469 = arith.cmpi eq, %jit3A_1467, %eq3A_1468 : i32
    %jit3A_1470 = arith.constant 1 : i32
    %select_n3A_1471 = arith.select %eq3A_1469, %jit3A_1470, %jit3A_1467 : i32
    %rem3A_1472 = vector.broadcast %select_n3A_1471 : i32 to vector<16xi32>
    %rem3A_1473 = arith.remsi %add3A_1466, %rem3A_1472 : vector<16xi32>
    %ne3A_1474 = arith.constant 0 : i32
    %ne3A_1475 = vector.broadcast %ne3A_1474 : i32 to vector<16xi32>
    %ne3A_1476 = arith.cmpi ne, %rem3A_1473, %ne3A_1475 : vector<16xi32>
    %lt3A_1477 = arith.constant 0 : i32
    %lt3A_1478 = vector.broadcast %lt3A_1477 : i32 to vector<16xi32>
    %lt3A_1479 = arith.cmpi slt, %rem3A_1473, %lt3A_1478 : vector<16xi32>
    %lt3A_1480 = arith.constant 0 : i32
    %lt3A_1481 = arith.cmpi slt, %select_n3A_1471, %lt3A_1480 : i32
    %ne3A_1482 = vector.broadcast %lt3A_1481 : i1 to vector<16xi1>
    %ne3A_1483 = vector.broadcast %ne3A_1482 : vector<16xi1> to vector<16xi1>
    %ne3A_1484 = arith.xori %lt3A_1479, %ne3A_1483 : vector<16xi1>
    %and3A_1485 = arith.andi %ne3A_1484, %ne3A_1476 : vector<16xi1>
    %add3A_1486 = vector.broadcast %select_n3A_1471 : i32 to vector<16xi32>
    %add3A_1487 = arith.addi %rem3A_1473, %add3A_1486 : vector<16xi32>
    %select_n3A_1488 = arith.select %and3A_1485, %add3A_1487, %rem3A_1473 : vector<16xi1>, vector<16xi32>
    %add3A_1489 = arith.addi %mul3A_1463, %select_n3A_1488 : vector<16xi32>
    %mul3A_1490 = arith.constant 32 : i32
    %mul3A_1491 = vector.broadcast %mul3A_1490 : i32 to vector<16xi32>
    %mul3A_1492 = arith.muli %iota3A, %mul3A_1491 : vector<16xi32>
    %add3A_1493 = arith.constant 24 : i32
    %add3A_1494 = vector.broadcast %add3A_1493 : i32 to vector<16xi32>
    %add3A_1495 = arith.addi %iota3A, %add3A_1494 : vector<16xi32>
    %jit3A_1496 = arith.constant 32 : i32
    %eq3A_1497 = arith.constant 0 : i32
    %eq3A_1498 = arith.cmpi eq, %jit3A_1496, %eq3A_1497 : i32
    %jit3A_1499 = arith.constant 1 : i32
    %select_n3A_1500 = arith.select %eq3A_1498, %jit3A_1499, %jit3A_1496 : i32
    %rem3A_1501 = vector.broadcast %select_n3A_1500 : i32 to vector<16xi32>
    %rem3A_1502 = arith.remsi %add3A_1495, %rem3A_1501 : vector<16xi32>
    %ne3A_1503 = arith.constant 0 : i32
    %ne3A_1504 = vector.broadcast %ne3A_1503 : i32 to vector<16xi32>
    %ne3A_1505 = arith.cmpi ne, %rem3A_1502, %ne3A_1504 : vector<16xi32>
    %lt3A_1506 = arith.constant 0 : i32
    %lt3A_1507 = vector.broadcast %lt3A_1506 : i32 to vector<16xi32>
    %lt3A_1508 = arith.cmpi slt, %rem3A_1502, %lt3A_1507 : vector<16xi32>
    %lt3A_1509 = arith.constant 0 : i32
    %lt3A_1510 = arith.cmpi slt, %select_n3A_1500, %lt3A_1509 : i32
    %ne3A_1511 = vector.broadcast %lt3A_1510 : i1 to vector<16xi1>
    %ne3A_1512 = vector.broadcast %ne3A_1511 : vector<16xi1> to vector<16xi1>
    %ne3A_1513 = arith.xori %lt3A_1508, %ne3A_1512 : vector<16xi1>
    %and3A_1514 = arith.andi %ne3A_1513, %ne3A_1505 : vector<16xi1>
    %add3A_1515 = vector.broadcast %select_n3A_1500 : i32 to vector<16xi32>
    %add3A_1516 = arith.addi %rem3A_1502, %add3A_1515 : vector<16xi32>
    %select_n3A_1517 = arith.select %and3A_1514, %add3A_1516, %rem3A_1502 : vector<16xi1>, vector<16xi32>
    %add3A_1518 = arith.addi %mul3A_1492, %select_n3A_1517 : vector<16xi32>
    %mul3A_1519 = arith.constant 32 : i32
    %mul3A_1520 = vector.broadcast %mul3A_1519 : i32 to vector<16xi32>
    %mul3A_1521 = arith.muli %iota3A, %mul3A_1520 : vector<16xi32>
    %add3A_1522 = arith.constant 25 : i32
    %add3A_1523 = vector.broadcast %add3A_1522 : i32 to vector<16xi32>
    %add3A_1524 = arith.addi %iota3A, %add3A_1523 : vector<16xi32>
    %jit3A_1525 = arith.constant 32 : i32
    %eq3A_1526 = arith.constant 0 : i32
    %eq3A_1527 = arith.cmpi eq, %jit3A_1525, %eq3A_1526 : i32
    %jit3A_1528 = arith.constant 1 : i32
    %select_n3A_1529 = arith.select %eq3A_1527, %jit3A_1528, %jit3A_1525 : i32
    %rem3A_1530 = vector.broadcast %select_n3A_1529 : i32 to vector<16xi32>
    %rem3A_1531 = arith.remsi %add3A_1524, %rem3A_1530 : vector<16xi32>
    %ne3A_1532 = arith.constant 0 : i32
    %ne3A_1533 = vector.broadcast %ne3A_1532 : i32 to vector<16xi32>
    %ne3A_1534 = arith.cmpi ne, %rem3A_1531, %ne3A_1533 : vector<16xi32>
    %lt3A_1535 = arith.constant 0 : i32
    %lt3A_1536 = vector.broadcast %lt3A_1535 : i32 to vector<16xi32>
    %lt3A_1537 = arith.cmpi slt, %rem3A_1531, %lt3A_1536 : vector<16xi32>
    %lt3A_1538 = arith.constant 0 : i32
    %lt3A_1539 = arith.cmpi slt, %select_n3A_1529, %lt3A_1538 : i32
    %ne3A_1540 = vector.broadcast %lt3A_1539 : i1 to vector<16xi1>
    %ne3A_1541 = vector.broadcast %ne3A_1540 : vector<16xi1> to vector<16xi1>
    %ne3A_1542 = arith.xori %lt3A_1537, %ne3A_1541 : vector<16xi1>
    %and3A_1543 = arith.andi %ne3A_1542, %ne3A_1534 : vector<16xi1>
    %add3A_1544 = vector.broadcast %select_n3A_1529 : i32 to vector<16xi32>
    %add3A_1545 = arith.addi %rem3A_1531, %add3A_1544 : vector<16xi32>
    %select_n3A_1546 = arith.select %and3A_1543, %add3A_1545, %rem3A_1531 : vector<16xi1>, vector<16xi32>
    %add3A_1547 = arith.addi %mul3A_1521, %select_n3A_1546 : vector<16xi32>
    %mul3A_1548 = arith.constant 32 : i32
    %mul3A_1549 = vector.broadcast %mul3A_1548 : i32 to vector<16xi32>
    %mul3A_1550 = arith.muli %iota3A, %mul3A_1549 : vector<16xi32>
    %add3A_1551 = arith.constant 26 : i32
    %add3A_1552 = vector.broadcast %add3A_1551 : i32 to vector<16xi32>
    %add3A_1553 = arith.addi %iota3A, %add3A_1552 : vector<16xi32>
    %jit3A_1554 = arith.constant 32 : i32
    %eq3A_1555 = arith.constant 0 : i32
    %eq3A_1556 = arith.cmpi eq, %jit3A_1554, %eq3A_1555 : i32
    %jit3A_1557 = arith.constant 1 : i32
    %select_n3A_1558 = arith.select %eq3A_1556, %jit3A_1557, %jit3A_1554 : i32
    %rem3A_1559 = vector.broadcast %select_n3A_1558 : i32 to vector<16xi32>
    %rem3A_1560 = arith.remsi %add3A_1553, %rem3A_1559 : vector<16xi32>
    %ne3A_1561 = arith.constant 0 : i32
    %ne3A_1562 = vector.broadcast %ne3A_1561 : i32 to vector<16xi32>
    %ne3A_1563 = arith.cmpi ne, %rem3A_1560, %ne3A_1562 : vector<16xi32>
    %lt3A_1564 = arith.constant 0 : i32
    %lt3A_1565 = vector.broadcast %lt3A_1564 : i32 to vector<16xi32>
    %lt3A_1566 = arith.cmpi slt, %rem3A_1560, %lt3A_1565 : vector<16xi32>
    %lt3A_1567 = arith.constant 0 : i32
    %lt3A_1568 = arith.cmpi slt, %select_n3A_1558, %lt3A_1567 : i32
    %ne3A_1569 = vector.broadcast %lt3A_1568 : i1 to vector<16xi1>
    %ne3A_1570 = vector.broadcast %ne3A_1569 : vector<16xi1> to vector<16xi1>
    %ne3A_1571 = arith.xori %lt3A_1566, %ne3A_1570 : vector<16xi1>
    %and3A_1572 = arith.andi %ne3A_1571, %ne3A_1563 : vector<16xi1>
    %add3A_1573 = vector.broadcast %select_n3A_1558 : i32 to vector<16xi32>
    %add3A_1574 = arith.addi %rem3A_1560, %add3A_1573 : vector<16xi32>
    %select_n3A_1575 = arith.select %and3A_1572, %add3A_1574, %rem3A_1560 : vector<16xi1>, vector<16xi32>
    %add3A_1576 = arith.addi %mul3A_1550, %select_n3A_1575 : vector<16xi32>
    %mul3A_1577 = arith.constant 32 : i32
    %mul3A_1578 = vector.broadcast %mul3A_1577 : i32 to vector<16xi32>
    %mul3A_1579 = arith.muli %iota3A, %mul3A_1578 : vector<16xi32>
    %add3A_1580 = arith.constant 27 : i32
    %add3A_1581 = vector.broadcast %add3A_1580 : i32 to vector<16xi32>
    %add3A_1582 = arith.addi %iota3A, %add3A_1581 : vector<16xi32>
    %jit3A_1583 = arith.constant 32 : i32
    %eq3A_1584 = arith.constant 0 : i32
    %eq3A_1585 = arith.cmpi eq, %jit3A_1583, %eq3A_1584 : i32
    %jit3A_1586 = arith.constant 1 : i32
    %select_n3A_1587 = arith.select %eq3A_1585, %jit3A_1586, %jit3A_1583 : i32
    %rem3A_1588 = vector.broadcast %select_n3A_1587 : i32 to vector<16xi32>
    %rem3A_1589 = arith.remsi %add3A_1582, %rem3A_1588 : vector<16xi32>
    %ne3A_1590 = arith.constant 0 : i32
    %ne3A_1591 = vector.broadcast %ne3A_1590 : i32 to vector<16xi32>
    %ne3A_1592 = arith.cmpi ne, %rem3A_1589, %ne3A_1591 : vector<16xi32>
    %lt3A_1593 = arith.constant 0 : i32
    %lt3A_1594 = vector.broadcast %lt3A_1593 : i32 to vector<16xi32>
    %lt3A_1595 = arith.cmpi slt, %rem3A_1589, %lt3A_1594 : vector<16xi32>
    %lt3A_1596 = arith.constant 0 : i32
    %lt3A_1597 = arith.cmpi slt, %select_n3A_1587, %lt3A_1596 : i32
    %ne3A_1598 = vector.broadcast %lt3A_1597 : i1 to vector<16xi1>
    %ne3A_1599 = vector.broadcast %ne3A_1598 : vector<16xi1> to vector<16xi1>
    %ne3A_1600 = arith.xori %lt3A_1595, %ne3A_1599 : vector<16xi1>
    %and3A_1601 = arith.andi %ne3A_1600, %ne3A_1592 : vector<16xi1>
    %add3A_1602 = vector.broadcast %select_n3A_1587 : i32 to vector<16xi32>
    %add3A_1603 = arith.addi %rem3A_1589, %add3A_1602 : vector<16xi32>
    %select_n3A_1604 = arith.select %and3A_1601, %add3A_1603, %rem3A_1589 : vector<16xi1>, vector<16xi32>
    %add3A_1605 = arith.addi %mul3A_1579, %select_n3A_1604 : vector<16xi32>
    %mul3A_1606 = arith.constant 32 : i32
    %mul3A_1607 = vector.broadcast %mul3A_1606 : i32 to vector<16xi32>
    %mul3A_1608 = arith.muli %iota3A, %mul3A_1607 : vector<16xi32>
    %add3A_1609 = arith.constant 28 : i32
    %add3A_1610 = vector.broadcast %add3A_1609 : i32 to vector<16xi32>
    %add3A_1611 = arith.addi %iota3A, %add3A_1610 : vector<16xi32>
    %jit3A_1612 = arith.constant 32 : i32
    %eq3A_1613 = arith.constant 0 : i32
    %eq3A_1614 = arith.cmpi eq, %jit3A_1612, %eq3A_1613 : i32
    %jit3A_1615 = arith.constant 1 : i32
    %select_n3A_1616 = arith.select %eq3A_1614, %jit3A_1615, %jit3A_1612 : i32
    %rem3A_1617 = vector.broadcast %select_n3A_1616 : i32 to vector<16xi32>
    %rem3A_1618 = arith.remsi %add3A_1611, %rem3A_1617 : vector<16xi32>
    %ne3A_1619 = arith.constant 0 : i32
    %ne3A_1620 = vector.broadcast %ne3A_1619 : i32 to vector<16xi32>
    %ne3A_1621 = arith.cmpi ne, %rem3A_1618, %ne3A_1620 : vector<16xi32>
    %lt3A_1622 = arith.constant 0 : i32
    %lt3A_1623 = vector.broadcast %lt3A_1622 : i32 to vector<16xi32>
    %lt3A_1624 = arith.cmpi slt, %rem3A_1618, %lt3A_1623 : vector<16xi32>
    %lt3A_1625 = arith.constant 0 : i32
    %lt3A_1626 = arith.cmpi slt, %select_n3A_1616, %lt3A_1625 : i32
    %ne3A_1627 = vector.broadcast %lt3A_1626 : i1 to vector<16xi1>
    %ne3A_1628 = vector.broadcast %ne3A_1627 : vector<16xi1> to vector<16xi1>
    %ne3A_1629 = arith.xori %lt3A_1624, %ne3A_1628 : vector<16xi1>
    %and3A_1630 = arith.andi %ne3A_1629, %ne3A_1621 : vector<16xi1>
    %add3A_1631 = vector.broadcast %select_n3A_1616 : i32 to vector<16xi32>
    %add3A_1632 = arith.addi %rem3A_1618, %add3A_1631 : vector<16xi32>
    %select_n3A_1633 = arith.select %and3A_1630, %add3A_1632, %rem3A_1618 : vector<16xi1>, vector<16xi32>
    %add3A_1634 = arith.addi %mul3A_1608, %select_n3A_1633 : vector<16xi32>
    %mul3A_1635 = arith.constant 32 : i32
    %mul3A_1636 = vector.broadcast %mul3A_1635 : i32 to vector<16xi32>
    %mul3A_1637 = arith.muli %iota3A, %mul3A_1636 : vector<16xi32>
    %add3A_1638 = arith.constant 29 : i32
    %add3A_1639 = vector.broadcast %add3A_1638 : i32 to vector<16xi32>
    %add3A_1640 = arith.addi %iota3A, %add3A_1639 : vector<16xi32>
    %jit3A_1641 = arith.constant 32 : i32
    %eq3A_1642 = arith.constant 0 : i32
    %eq3A_1643 = arith.cmpi eq, %jit3A_1641, %eq3A_1642 : i32
    %jit3A_1644 = arith.constant 1 : i32
    %select_n3A_1645 = arith.select %eq3A_1643, %jit3A_1644, %jit3A_1641 : i32
    %rem3A_1646 = vector.broadcast %select_n3A_1645 : i32 to vector<16xi32>
    %rem3A_1647 = arith.remsi %add3A_1640, %rem3A_1646 : vector<16xi32>
    %ne3A_1648 = arith.constant 0 : i32
    %ne3A_1649 = vector.broadcast %ne3A_1648 : i32 to vector<16xi32>
    %ne3A_1650 = arith.cmpi ne, %rem3A_1647, %ne3A_1649 : vector<16xi32>
    %lt3A_1651 = arith.constant 0 : i32
    %lt3A_1652 = vector.broadcast %lt3A_1651 : i32 to vector<16xi32>
    %lt3A_1653 = arith.cmpi slt, %rem3A_1647, %lt3A_1652 : vector<16xi32>
    %lt3A_1654 = arith.constant 0 : i32
    %lt3A_1655 = arith.cmpi slt, %select_n3A_1645, %lt3A_1654 : i32
    %ne3A_1656 = vector.broadcast %lt3A_1655 : i1 to vector<16xi1>
    %ne3A_1657 = vector.broadcast %ne3A_1656 : vector<16xi1> to vector<16xi1>
    %ne3A_1658 = arith.xori %lt3A_1653, %ne3A_1657 : vector<16xi1>
    %and3A_1659 = arith.andi %ne3A_1658, %ne3A_1650 : vector<16xi1>
    %add3A_1660 = vector.broadcast %select_n3A_1645 : i32 to vector<16xi32>
    %add3A_1661 = arith.addi %rem3A_1647, %add3A_1660 : vector<16xi32>
    %select_n3A_1662 = arith.select %and3A_1659, %add3A_1661, %rem3A_1647 : vector<16xi1>, vector<16xi32>
    %add3A_1663 = arith.addi %mul3A_1637, %select_n3A_1662 : vector<16xi32>
    %mul3A_1664 = arith.constant 32 : i32
    %mul3A_1665 = vector.broadcast %mul3A_1664 : i32 to vector<16xi32>
    %mul3A_1666 = arith.muli %iota3A, %mul3A_1665 : vector<16xi32>
    %add3A_1667 = arith.constant 30 : i32
    %add3A_1668 = vector.broadcast %add3A_1667 : i32 to vector<16xi32>
    %add3A_1669 = arith.addi %iota3A, %add3A_1668 : vector<16xi32>
    %jit3A_1670 = arith.constant 32 : i32
    %eq3A_1671 = arith.constant 0 : i32
    %eq3A_1672 = arith.cmpi eq, %jit3A_1670, %eq3A_1671 : i32
    %jit3A_1673 = arith.constant 1 : i32
    %select_n3A_1674 = arith.select %eq3A_1672, %jit3A_1673, %jit3A_1670 : i32
    %rem3A_1675 = vector.broadcast %select_n3A_1674 : i32 to vector<16xi32>
    %rem3A_1676 = arith.remsi %add3A_1669, %rem3A_1675 : vector<16xi32>
    %ne3A_1677 = arith.constant 0 : i32
    %ne3A_1678 = vector.broadcast %ne3A_1677 : i32 to vector<16xi32>
    %ne3A_1679 = arith.cmpi ne, %rem3A_1676, %ne3A_1678 : vector<16xi32>
    %lt3A_1680 = arith.constant 0 : i32
    %lt3A_1681 = vector.broadcast %lt3A_1680 : i32 to vector<16xi32>
    %lt3A_1682 = arith.cmpi slt, %rem3A_1676, %lt3A_1681 : vector<16xi32>
    %lt3A_1683 = arith.constant 0 : i32
    %lt3A_1684 = arith.cmpi slt, %select_n3A_1674, %lt3A_1683 : i32
    %ne3A_1685 = vector.broadcast %lt3A_1684 : i1 to vector<16xi1>
    %ne3A_1686 = vector.broadcast %ne3A_1685 : vector<16xi1> to vector<16xi1>
    %ne3A_1687 = arith.xori %lt3A_1682, %ne3A_1686 : vector<16xi1>
    %and3A_1688 = arith.andi %ne3A_1687, %ne3A_1679 : vector<16xi1>
    %add3A_1689 = vector.broadcast %select_n3A_1674 : i32 to vector<16xi32>
    %add3A_1690 = arith.addi %rem3A_1676, %add3A_1689 : vector<16xi32>
    %select_n3A_1691 = arith.select %and3A_1688, %add3A_1690, %rem3A_1676 : vector<16xi1>, vector<16xi32>
    %add3A_1692 = arith.addi %mul3A_1666, %select_n3A_1691 : vector<16xi32>
    %mul3A_1693 = arith.constant 32 : i32
    %mul3A_1694 = vector.broadcast %mul3A_1693 : i32 to vector<16xi32>
    %mul3A_1695 = arith.muli %iota3A, %mul3A_1694 : vector<16xi32>
    %add3A_1696 = arith.constant 31 : i32
    %add3A_1697 = vector.broadcast %add3A_1696 : i32 to vector<16xi32>
    %add3A_1698 = arith.addi %iota3A, %add3A_1697 : vector<16xi32>
    %jit3A_1699 = arith.constant 32 : i32
    %eq3A_1700 = arith.constant 0 : i32
    %eq3A_1701 = arith.cmpi eq, %jit3A_1699, %eq3A_1700 : i32
    %jit3A_1702 = arith.constant 1 : i32
    %select_n3A_1703 = arith.select %eq3A_1701, %jit3A_1702, %jit3A_1699 : i32
    %rem3A_1704 = vector.broadcast %select_n3A_1703 : i32 to vector<16xi32>
    %rem3A_1705 = arith.remsi %add3A_1698, %rem3A_1704 : vector<16xi32>
    %ne3A_1706 = arith.constant 0 : i32
    %ne3A_1707 = vector.broadcast %ne3A_1706 : i32 to vector<16xi32>
    %ne3A_1708 = arith.cmpi ne, %rem3A_1705, %ne3A_1707 : vector<16xi32>
    %lt3A_1709 = arith.constant 0 : i32
    %lt3A_1710 = vector.broadcast %lt3A_1709 : i32 to vector<16xi32>
    %lt3A_1711 = arith.cmpi slt, %rem3A_1705, %lt3A_1710 : vector<16xi32>
    %lt3A_1712 = arith.constant 0 : i32
    %lt3A_1713 = arith.cmpi slt, %select_n3A_1703, %lt3A_1712 : i32
    %ne3A_1714 = vector.broadcast %lt3A_1713 : i1 to vector<16xi1>
    %ne3A_1715 = vector.broadcast %ne3A_1714 : vector<16xi1> to vector<16xi1>
    %ne3A_1716 = arith.xori %lt3A_1711, %ne3A_1715 : vector<16xi1>
    %and3A_1717 = arith.andi %ne3A_1716, %ne3A_1708 : vector<16xi1>
    %add3A_1718 = vector.broadcast %select_n3A_1703 : i32 to vector<16xi32>
    %add3A_1719 = arith.addi %rem3A_1705, %add3A_1718 : vector<16xi32>
    %select_n3A_1720 = arith.select %and3A_1717, %add3A_1719, %rem3A_1705 : vector<16xi1>, vector<16xi32>
    %add3A_1721 = arith.addi %mul3A_1695, %select_n3A_1720 : vector<16xi32>
    %eq3A_1722 = arith.constant 31 : i32
    %eq3A_1723 = arith.cmpi eq, %add3A, %eq3A_1722 : i32
    %convert_element_type3A = arith.extui %eq3A_1723 : i1 to i32
    %cond3A = arith.constant 0 : i32
    %cond3A_1724 = arith.cmpi ne, %convert_element_type3A, %cond3A : i32
    scf.if %cond3A_1724 {
      "tpu.region"() ({
        %run_scoped3A = tpu.sem_alloc : memref<!tpu.dma_semaphore, #tpu.memory_space<semaphore_mem>>
        tpu.enqueue_dma source(%arg3 : memref<2048xf32, #tpu.memory_space<hbm>>) target(%arg9 : memref<2048xf32, #tpu.memory_space<vmem>>) target_semaphore(%run_scoped3A : memref<!tpu.dma_semaphore, #tpu.memory_space<semaphore_mem>>)
        tpu.wait_dma2 semaphore(%run_scoped3A : memref<!tpu.dma_semaphore, #tpu.memory_space<semaphore_mem>>) src(%arg3 : memref<2048xf32, #tpu.memory_space<hbm>>) dst(%arg9 : memref<2048xf32, #tpu.memory_space<vmem>>)
        tpu.yield
      }) : () -> ()
      "tpu.region"() ({
        %run_scoped3A = tpu.sem_alloc : memref<!tpu.dma_semaphore, #tpu.memory_space<semaphore_mem>>
        %dma_start3A = arith.constant 31997952 : i32
        %dma_start3A_1759 = tpu.memref_slice %arg4[%dma_start3A] : memref<32000000xf32, #tpu.memory_space<hbm>> -> memref<2048xf32, #tpu.memory_space<hbm>>
        %dma_start3A_1760 = arith.constant 31997952 : i32
        %dma_start3A_1761 = tpu.memref_slice %arg4[%dma_start3A_1760] : memref<32000000xf32, #tpu.memory_space<hbm>> -> memref<2048xf32, #tpu.memory_space<hbm>>
        tpu.enqueue_dma source(%arg9 : memref<2048xf32, #tpu.memory_space<vmem>>) target(%dma_start3A_1761 : memref<2048xf32, #tpu.memory_space<hbm>>) target_semaphore(%run_scoped3A : memref<!tpu.dma_semaphore, #tpu.memory_space<semaphore_mem>>)
        %dma_wait3A = arith.constant 31997952 : i32
        %dma_wait3A_1762 = tpu.memref_slice %arg4[%dma_wait3A] : memref<32000000xf32, #tpu.memory_space<hbm>> -> memref<2048xf32, #tpu.memory_space<hbm>>
        %dma_wait3A_1763 = arith.constant 31997952 : i32
        %dma_wait3A_1764 = tpu.memref_slice %arg4[%dma_wait3A_1763] : memref<32000000xf32, #tpu.memory_space<hbm>> -> memref<2048xf32, #tpu.memory_space<hbm>>
        tpu.wait_dma2 semaphore(%run_scoped3A : memref<!tpu.dma_semaphore, #tpu.memory_space<semaphore_mem>>) src(%arg9 : memref<2048xf32, #tpu.memory_space<vmem>>) dst(%dma_wait3A_1764 : memref<2048xf32, #tpu.memory_space<hbm>>)
        tpu.yield
      }) : () -> ()
    } else {
    }
    %add3A_1725 = arith.constant 0 : i32
    %add3A_1726 = arith.addi %add3A, %add3A_1725 : i32
    %lt3A_1727 = arith.constant 1953 : i32
    %lt3A_1728 = arith.cmpi slt, %add3A_1726, %lt3A_1727 : i32
    %convert_element_type3A_1729 = arith.extui %lt3A_1728 : i1 to i32
    %cond3A_1730 = arith.constant 0 : i32
    %cond3A_1731 = arith.cmpi ne, %convert_element_type3A_1729, %cond3A_1730 : i32
    scf.if %cond3A_1731 {
      %add3A_1759 = arith.constant 0 : i32
      %add3A_1760 = arith.addi %add3A, %add3A_1759 : i32
      %mul3A_1761 = arith.constant 512 : i32
      %mul3A_1762 = arith.muli %add3A_1760, %mul3A_1761 : i32
      %dma_start3A = arith.constant 0 : i32
      %dma_start3A_1763 = tpu.memref_slice %arg2[%dma_start3A, %mul3A_1762] : memref<32x1000000xf32, #tpu.memory_space<hbm>> -> memref<32x512xf32, #tpu.memory_space<hbm>>
      %dma_start3A_1764 = arith.constant 0 : i32
      %dma_start3A_1765 = tpu.memref_slice %arg2[%dma_start3A_1764, %mul3A_1762] : memref<32x1000000xf32, #tpu.memory_space<hbm>> -> memref<32x512xf32, #tpu.memory_space<hbm>>
      tpu.enqueue_dma source(%dma_start3A_1765 : memref<32x512xf32, #tpu.memory_space<hbm>>) target(%arg5 : memref<32x512xf32, #tpu.memory_space<vmem>>) target_semaphore(%arg10 : memref<!tpu.dma_semaphore, #tpu.memory_space<semaphore_mem>>)
    } else {
    }
    %add3A_1732 = arith.constant 32 : i32
    %add3A_1733 = arith.addi %add3A, %add3A_1732 : i32
    %lt3A_1734 = arith.constant 1953 : i32
    %lt3A_1735 = arith.cmpi slt, %add3A_1733, %lt3A_1734 : i32
    %convert_element_type3A_1736 = arith.extui %lt3A_1735 : i1 to i32
    %cond3A_1737 = arith.constant 0 : i32
    %cond3A_1738 = arith.cmpi ne, %convert_element_type3A_1736, %cond3A_1737 : i32
    scf.if %cond3A_1738 {
      %add3A_1759 = arith.constant 32 : i32
      %add3A_1760 = arith.addi %add3A, %add3A_1759 : i32
      %mul3A_1761 = arith.constant 512 : i32
      %mul3A_1762 = arith.muli %add3A_1760, %mul3A_1761 : i32
      %dma_start3A = arith.constant 0 : i32
      %dma_start3A_1763 = tpu.memref_slice %arg2[%dma_start3A, %mul3A_1762] : memref<32x1000000xf32, #tpu.memory_space<hbm>> -> memref<32x512xf32, #tpu.memory_space<hbm>>
      %dma_start3A_1764 = arith.constant 0 : i32
      %dma_start3A_1765 = tpu.memref_slice %arg2[%dma_start3A_1764, %mul3A_1762] : memref<32x1000000xf32, #tpu.memory_space<hbm>> -> memref<32x512xf32, #tpu.memory_space<hbm>>
      tpu.enqueue_dma source(%dma_start3A_1765 : memref<32x512xf32, #tpu.memory_space<hbm>>) target(%arg6 : memref<32x512xf32, #tpu.memory_space<vmem>>) target_semaphore(%arg11 : memref<!tpu.dma_semaphore, #tpu.memory_space<semaphore_mem>>)
    } else {
    }
    %scan3A = arith.constant 0 : i32
    %scan3A_1739 = arith.constant 0 : i32
    %scan3A_1740 = arith.constant 31 : i32
    %scan3A_1741 = arith.addi %scan3A_1739, %scan3A_1740 : i32
    %scan3A_1742 = arith.constant 1 : i32
    %scan3A_1743 = scf.for %scan3A_1759 = %scan3A_1739 to %scan3A_1741 step %scan3A_1742 iter_args(%scan3A_1760 = %scan3A) -> (i32)  : i32 {
      %mul3A_1761 = arith.constant 2 : i32
      %mul3A_1762 = arith.muli %mul3A_1761, %scan3A_1759 : i32
      %add3A_1763 = arith.constant 0 : i32
      %add3A_1764 = arith.addi %mul3A_1762, %add3A_1763 : i32
      %mul3A_1765 = arith.constant 32 : i32
      %mul3A_1766 = arith.muli %add3A_1764, %mul3A_1765 : i32
      %add3A_1767 = arith.addi %add3A, %mul3A_1766 : i32
      %lt3A_1768 = arith.constant 1953 : i32
      %lt3A_1769 = arith.cmpi slt, %add3A_1767, %lt3A_1768 : i32
      %convert_element_type3A_1770 = arith.extui %lt3A_1769 : i1 to i32
      %cond3A_1771 = arith.constant 0 : i32
      %cond3A_1772 = arith.cmpi ne, %convert_element_type3A_1770, %cond3A_1771 : i32
      scf.if %cond3A_1772 {
        %dma_wait3A = arith.constant 0 : i32
        %dma_wait3A_1786 = arith.constant 0 : i32
        %dma_wait3A_1787 = tpu.memref_slice %arg2[%dma_wait3A, %dma_wait3A_1786] : memref<32x1000000xf32, #tpu.memory_space<hbm>> -> memref<32x512xf32, #tpu.memory_space<hbm>>
        %dma_wait3A_1788 = arith.constant 0 : i32
        %dma_wait3A_1789 = arith.constant 0 : i32
        %dma_wait3A_1790 = tpu.memref_slice %arg2[%dma_wait3A_1788, %dma_wait3A_1789] : memref<32x1000000xf32, #tpu.memory_space<hbm>> -> memref<32x512xf32, #tpu.memory_space<hbm>>
        tpu.wait_dma2 semaphore(%arg10 : memref<!tpu.dma_semaphore, #tpu.memory_space<semaphore_mem>>) src(%dma_wait3A_1790 : memref<32x512xf32, #tpu.memory_space<hbm>>) dst(%arg5 : memref<32x512xf32, #tpu.memory_space<vmem>>)
        %ge3A = arith.constant 2 : i32
        %ge3A_1791 = arith.cmpi sge, %add3A_1764, %ge3A : i32
        %convert_element_type3A_1792 = arith.extui %ge3A_1791 : i1 to i32
        %cond3A_1793 = arith.constant 0 : i32
        %cond3A_1794 = arith.cmpi ne, %convert_element_type3A_1792, %cond3A_1793 : i32
        scf.if %cond3A_1794 {
          %dma_wait3A_1815 = arith.constant 0 : i32
          %dma_wait3A_1816 = tpu.memref_slice %arg4[%dma_wait3A_1815] : memref<32000000xf32, #tpu.memory_space<hbm>> -> memref<16384xf32, #tpu.memory_space<hbm>>
          %dma_wait3A_1817 = arith.constant 0 : i32
          %dma_wait3A_1818 = tpu.memref_slice %arg4[%dma_wait3A_1817] : memref<32000000xf32, #tpu.memory_space<hbm>> -> memref<16384xf32, #tpu.memory_space<hbm>>
          tpu.wait_dma2 semaphore(%arg12 : memref<!tpu.dma_semaphore, #tpu.memory_space<semaphore_mem>>) src(%arg7 : memref<16384xf32, #tpu.memory_space<vmem>>) dst(%dma_wait3A_1818 : memref<16384xf32, #tpu.memory_space<hbm>>)
        } else {
        }
        %parallel_loop3A = arith.constant 0 : i32
        %parallel_loop3A_1795 = arith.constant 32 : i32
        %parallel_loop3A_1796 = arith.constant 1 : i32
        scf.for %parallel_loop3A_1815 = %parallel_loop3A to %parallel_loop3A_1795 step %parallel_loop3A_1796  : i32 {
          %parallel_loop3A_1816 = arith.constant 16 : i32
          %parallel_loop3A_1817 = arith.muli %parallel_loop3A_1815, %parallel_loop3A_1816 : i32
          %parallel_loop3A_1818 = vector.broadcast %parallel_loop3A_1817 : i32 to vector<16xi32>
          %parallel_loop3A_1819 = arith.addi %iota3A, %parallel_loop3A_1818 : vector<16xi32>
          %parallel_loop3A_1820 = arith.constant 512 : i32
          %parallel_loop3A_1821 = arith.muli %parallel_loop3A_1815, %parallel_loop3A_1820 : i32
          %parallel_loop3A_1822 = tpu.vector_load_idx %arg5[%select_n3A_18, %parallel_loop3A_1819] : memref<32x512xf32, #tpu.memory_space<vmem>>[vector<16xi32>, vector<16xi32>], vector<16xf32>,
          %parallel_loop3A_1823 = vector.broadcast %parallel_loop3A_1821 : i32 to vector<16xi32>
          %parallel_loop3A_1824 = arith.addi %add3A_822, %parallel_loop3A_1823 : vector<16xi32>
          tpu.vector_store_idx %arg7[%parallel_loop3A_1824], %parallel_loop3A_1822 : memref<16384xf32, #tpu.memory_space<vmem>>[vector<16xi32>], vector<16xf32>,
          %parallel_loop3A_1825 = tpu.vector_load_idx %arg5[%select_n3A_43, %parallel_loop3A_1819] : memref<32x512xf32, #tpu.memory_space<vmem>>[vector<16xi32>, vector<16xi32>], vector<16xf32>,
          %parallel_loop3A_1826 = vector.broadcast %parallel_loop3A_1821 : i32 to vector<16xi32>
          %parallel_loop3A_1827 = arith.addi %add3A_851, %parallel_loop3A_1826 : vector<16xi32>
          tpu.vector_store_idx %arg7[%parallel_loop3A_1827], %parallel_loop3A_1825 : memref<16384xf32, #tpu.memory_space<vmem>>[vector<16xi32>], vector<16xf32>,
          %parallel_loop3A_1828 = tpu.vector_load_idx %arg5[%select_n3A_68, %parallel_loop3A_1819] : memref<32x512xf32, #tpu.memory_space<vmem>>[vector<16xi32>, vector<16xi32>], vector<16xf32>,
          %parallel_loop3A_1829 = vector.broadcast %parallel_loop3A_1821 : i32 to vector<16xi32>
          %parallel_loop3A_1830 = arith.addi %add3A_880, %parallel_loop3A_1829 : vector<16xi32>
          tpu.vector_store_idx %arg7[%parallel_loop3A_1830], %parallel_loop3A_1828 : memref<16384xf32, #tpu.memory_space<vmem>>[vector<16xi32>], vector<16xf32>,
          %parallel_loop3A_1831 = tpu.vector_load_idx %arg5[%select_n3A_93, %parallel_loop3A_1819] : memref<32x512xf32, #tpu.memory_space<vmem>>[vector<16xi32>, vector<16xi32>], vector<16xf32>,
          %parallel_loop3A_1832 = vector.broadcast %parallel_loop3A_1821 : i32 to vector<16xi32>
          %parallel_loop3A_1833 = arith.addi %add3A_909, %parallel_loop3A_1832 : vector<16xi32>
          tpu.vector_store_idx %arg7[%parallel_loop3A_1833], %parallel_loop3A_1831 : memref<16384xf32, #tpu.memory_space<vmem>>[vector<16xi32>], vector<16xf32>,
          %parallel_loop3A_1834 = tpu.vector_load_idx %arg5[%select_n3A_118, %parallel_loop3A_1819] : memref<32x512xf32, #tpu.memory_space<vmem>>[vector<16xi32>, vector<16xi32>], vector<16xf32>,
          %parallel_loop3A_1835 = vector.broadcast %parallel_loop3A_1821 : i32 to vector<16xi32>
          %parallel_loop3A_1836 = arith.addi %add3A_938, %parallel_loop3A_1835 : vector<16xi32>
          tpu.vector_store_idx %arg7[%parallel_loop3A_1836], %parallel_loop3A_1834 : memref<16384xf32, #tpu.memory_space<vmem>>[vector<16xi32>], vector<16xf32>,
          %parallel_loop3A_1837 = tpu.vector_load_idx %arg5[%select_n3A_143, %parallel_loop3A_1819] : memref<32x512xf32, #tpu.memory_space<vmem>>[vector<16xi32>, vector<16xi32>], vector<16xf32>,
          %parallel_loop3A_1838 = vector.broadcast %parallel_loop3A_1821 : i32 to vector<16xi32>
          %parallel_loop3A_1839 = arith.addi %add3A_967, %parallel_loop3A_1838 : vector<16xi32>
          tpu.vector_store_idx %arg7[%parallel_loop3A_1839], %parallel_loop3A_1837 : memref<16384xf32, #tpu.memory_space<vmem>>[vector<16xi32>], vector<16xf32>,
          %parallel_loop3A_1840 = tpu.vector_load_idx %arg5[%select_n3A_168, %parallel_loop3A_1819] : memref<32x512xf32, #tpu.memory_space<vmem>>[vector<16xi32>, vector<16xi32>], vector<16xf32>,
          %parallel_loop3A_1841 = vector.broadcast %parallel_loop3A_1821 : i32 to vector<16xi32>
          %parallel_loop3A_1842 = arith.addi %add3A_996, %parallel_loop3A_1841 : vector<16xi32>
          tpu.vector_store_idx %arg7[%parallel_loop3A_1842], %parallel_loop3A_1840 : memref<16384xf32, #tpu.memory_space<vmem>>[vector<16xi32>], vector<16xf32>,
          %parallel_loop3A_1843 = tpu.vector_load_idx %arg5[%select_n3A_193, %parallel_loop3A_1819] : memref<32x512xf32, #tpu.memory_space<vmem>>[vector<16xi32>, vector<16xi32>], vector<16xf32>,
          %parallel_loop3A_1844 = vector.broadcast %parallel_loop3A_1821 : i32 to vector<16xi32>
          %parallel_loop3A_1845 = arith.addi %add3A_1025, %parallel_loop3A_1844 : vector<16xi32>
          tpu.vector_store_idx %arg7[%parallel_loop3A_1845], %parallel_loop3A_1843 : memref<16384xf32, #tpu.memory_space<vmem>>[vector<16xi32>], vector<16xf32>,
          %parallel_loop3A_1846 = tpu.vector_load_idx %arg5[%select_n3A_218, %parallel_loop3A_1819] : memref<32x512xf32, #tpu.memory_space<vmem>>[vector<16xi32>, vector<16xi32>], vector<16xf32>,
          %parallel_loop3A_1847 = vector.broadcast %parallel_loop3A_1821 : i32 to vector<16xi32>
          %parallel_loop3A_1848 = arith.addi %add3A_1054, %parallel_loop3A_1847 : vector<16xi32>
          tpu.vector_store_idx %arg7[%parallel_loop3A_1848], %parallel_loop3A_1846 : memref<16384xf32, #tpu.memory_space<vmem>>[vector<16xi32>], vector<16xf32>,
          %parallel_loop3A_1849 = tpu.vector_load_idx %arg5[%select_n3A_243, %parallel_loop3A_1819] : memref<32x512xf32, #tpu.memory_space<vmem>>[vector<16xi32>, vector<16xi32>], vector<16xf32>,
          %parallel_loop3A_1850 = vector.broadcast %parallel_loop3A_1821 : i32 to vector<16xi32>
          %parallel_loop3A_1851 = arith.addi %add3A_1083, %parallel_loop3A_1850 : vector<16xi32>
          tpu.vector_store_idx %arg7[%parallel_loop3A_1851], %parallel_loop3A_1849 : memref<16384xf32, #tpu.memory_space<vmem>>[vector<16xi32>], vector<16xf32>,
          %parallel_loop3A_1852 = tpu.vector_load_idx %arg5[%select_n3A_268, %parallel_loop3A_1819] : memref<32x512xf32, #tpu.memory_space<vmem>>[vector<16xi32>, vector<16xi32>], vector<16xf32>,
          %parallel_loop3A_1853 = vector.broadcast %parallel_loop3A_1821 : i32 to vector<16xi32>
          %parallel_loop3A_1854 = arith.addi %add3A_1112, %parallel_loop3A_1853 : vector<16xi32>
          tpu.vector_store_idx %arg7[%parallel_loop3A_1854], %parallel_loop3A_1852 : memref<16384xf32, #tpu.memory_space<vmem>>[vector<16xi32>], vector<16xf32>,
          %parallel_loop3A_1855 = tpu.vector_load_idx %arg5[%select_n3A_293, %parallel_loop3A_1819] : memref<32x512xf32, #tpu.memory_space<vmem>>[vector<16xi32>, vector<16xi32>], vector<16xf32>,
          %parallel_loop3A_1856 = vector.broadcast %parallel_loop3A_1821 : i32 to vector<16xi32>
          %parallel_loop3A_1857 = arith.addi %add3A_1141, %parallel_loop3A_1856 : vector<16xi32>
          tpu.vector_store_idx %arg7[%parallel_loop3A_1857], %parallel_loop3A_1855 : memref<16384xf32, #tpu.memory_space<vmem>>[vector<16xi32>], vector<16xf32>,
          %parallel_loop3A_1858 = tpu.vector_load_idx %arg5[%select_n3A_318, %parallel_loop3A_1819] : memref<32x512xf32, #tpu.memory_space<vmem>>[vector<16xi32>, vector<16xi32>], vector<16xf32>,
          %parallel_loop3A_1859 = vector.broadcast %parallel_loop3A_1821 : i32 to vector<16xi32>
          %parallel_loop3A_1860 = arith.addi %add3A_1170, %parallel_loop3A_1859 : vector<16xi32>
          tpu.vector_store_idx %arg7[%parallel_loop3A_1860], %parallel_loop3A_1858 : memref<16384xf32, #tpu.memory_space<vmem>>[vector<16xi32>], vector<16xf32>,
          %parallel_loop3A_1861 = tpu.vector_load_idx %arg5[%select_n3A_343, %parallel_loop3A_1819] : memref<32x512xf32, #tpu.memory_space<vmem>>[vector<16xi32>, vector<16xi32>], vector<16xf32>,
          %parallel_loop3A_1862 = vector.broadcast %parallel_loop3A_1821 : i32 to vector<16xi32>
          %parallel_loop3A_1863 = arith.addi %add3A_1199, %parallel_loop3A_1862 : vector<16xi32>
          tpu.vector_store_idx %arg7[%parallel_loop3A_1863], %parallel_loop3A_1861 : memref<16384xf32, #tpu.memory_space<vmem>>[vector<16xi32>], vector<16xf32>,
          %parallel_loop3A_1864 = tpu.vector_load_idx %arg5[%select_n3A_368, %parallel_loop3A_1819] : memref<32x512xf32, #tpu.memory_space<vmem>>[vector<16xi32>, vector<16xi32>], vector<16xf32>,
          %parallel_loop3A_1865 = vector.broadcast %parallel_loop3A_1821 : i32 to vector<16xi32>
          %parallel_loop3A_1866 = arith.addi %add3A_1228, %parallel_loop3A_1865 : vector<16xi32>
          tpu.vector_store_idx %arg7[%parallel_loop3A_1866], %parallel_loop3A_1864 : memref<16384xf32, #tpu.memory_space<vmem>>[vector<16xi32>], vector<16xf32>,
          %parallel_loop3A_1867 = tpu.vector_load_idx %arg5[%select_n3A_393, %parallel_loop3A_1819] : memref<32x512xf32, #tpu.memory_space<vmem>>[vector<16xi32>, vector<16xi32>], vector<16xf32>,
          %parallel_loop3A_1868 = vector.broadcast %parallel_loop3A_1821 : i32 to vector<16xi32>
          %parallel_loop3A_1869 = arith.addi %add3A_1257, %parallel_loop3A_1868 : vector<16xi32>
          tpu.vector_store_idx %arg7[%parallel_loop3A_1869], %parallel_loop3A_1867 : memref<16384xf32, #tpu.memory_space<vmem>>[vector<16xi32>], vector<16xf32>,
          %parallel_loop3A_1870 = tpu.vector_load_idx %arg5[%select_n3A_418, %parallel_loop3A_1819] : memref<32x512xf32, #tpu.memory_space<vmem>>[vector<16xi32>, vector<16xi32>], vector<16xf32>,
          %parallel_loop3A_1871 = vector.broadcast %parallel_loop3A_1821 : i32 to vector<16xi32>
          %parallel_loop3A_1872 = arith.addi %add3A_1286, %parallel_loop3A_1871 : vector<16xi32>
          tpu.vector_store_idx %arg7[%parallel_loop3A_1872], %parallel_loop3A_1870 : memref<16384xf32, #tpu.memory_space<vmem>>[vector<16xi32>], vector<16xf32>,
          %parallel_loop3A_1873 = tpu.vector_load_idx %arg5[%select_n3A_443, %parallel_loop3A_1819] : memref<32x512xf32, #tpu.memory_space<vmem>>[vector<16xi32>, vector<16xi32>], vector<16xf32>,
          %parallel_loop3A_1874 = vector.broadcast %parallel_loop3A_1821 : i32 to vector<16xi32>
          %parallel_loop3A_1875 = arith.addi %add3A_1315, %parallel_loop3A_1874 : vector<16xi32>
          tpu.vector_store_idx %arg7[%parallel_loop3A_1875], %parallel_loop3A_1873 : memref<16384xf32, #tpu.memory_space<vmem>>[vector<16xi32>], vector<16xf32>,
          %parallel_loop3A_1876 = tpu.vector_load_idx %arg5[%select_n3A_468, %parallel_loop3A_1819] : memref<32x512xf32, #tpu.memory_space<vmem>>[vector<16xi32>, vector<16xi32>], vector<16xf32>,
          %parallel_loop3A_1877 = vector.broadcast %parallel_loop3A_1821 : i32 to vector<16xi32>
          %parallel_loop3A_1878 = arith.addi %add3A_1344, %parallel_loop3A_1877 : vector<16xi32>
          tpu.vector_store_idx %arg7[%parallel_loop3A_1878], %parallel_loop3A_1876 : memref<16384xf32, #tpu.memory_space<vmem>>[vector<16xi32>], vector<16xf32>,
          %parallel_loop3A_1879 = tpu.vector_load_idx %arg5[%select_n3A_493, %parallel_loop3A_1819] : memref<32x512xf32, #tpu.memory_space<vmem>>[vector<16xi32>, vector<16xi32>], vector<16xf32>,
          %parallel_loop3A_1880 = vector.broadcast %parallel_loop3A_1821 : i32 to vector<16xi32>
          %parallel_loop3A_1881 = arith.addi %add3A_1373, %parallel_loop3A_1880 : vector<16xi32>
          tpu.vector_store_idx %arg7[%parallel_loop3A_1881], %parallel_loop3A_1879 : memref<16384xf32, #tpu.memory_space<vmem>>[vector<16xi32>], vector<16xf32>,
          %parallel_loop3A_1882 = tpu.vector_load_idx %arg5[%select_n3A_518, %parallel_loop3A_1819] : memref<32x512xf32, #tpu.memory_space<vmem>>[vector<16xi32>, vector<16xi32>], vector<16xf32>,
          %parallel_loop3A_1883 = vector.broadcast %parallel_loop3A_1821 : i32 to vector<16xi32>
          %parallel_loop3A_1884 = arith.addi %add3A_1402, %parallel_loop3A_1883 : vector<16xi32>
          tpu.vector_store_idx %arg7[%parallel_loop3A_1884], %parallel_loop3A_1882 : memref<16384xf32, #tpu.memory_space<vmem>>[vector<16xi32>], vector<16xf32>,
          %parallel_loop3A_1885 = tpu.vector_load_idx %arg5[%select_n3A_543, %parallel_loop3A_1819] : memref<32x512xf32, #tpu.memory_space<vmem>>[vector<16xi32>, vector<16xi32>], vector<16xf32>,
          %parallel_loop3A_1886 = vector.broadcast %parallel_loop3A_1821 : i32 to vector<16xi32>
          %parallel_loop3A_1887 = arith.addi %add3A_1431, %parallel_loop3A_1886 : vector<16xi32>
          tpu.vector_store_idx %arg7[%parallel_loop3A_1887], %parallel_loop3A_1885 : memref<16384xf32, #tpu.memory_space<vmem>>[vector<16xi32>], vector<16xf32>,
          %parallel_loop3A_1888 = tpu.vector_load_idx %arg5[%select_n3A_568, %parallel_loop3A_1819] : memref<32x512xf32, #tpu.memory_space<vmem>>[vector<16xi32>, vector<16xi32>], vector<16xf32>,
          %parallel_loop3A_1889 = vector.broadcast %parallel_loop3A_1821 : i32 to vector<16xi32>
          %parallel_loop3A_1890 = arith.addi %add3A_1460, %parallel_loop3A_1889 : vector<16xi32>
          tpu.vector_store_idx %arg7[%parallel_loop3A_1890], %parallel_loop3A_1888 : memref<16384xf32, #tpu.memory_space<vmem>>[vector<16xi32>], vector<16xf32>,
          %parallel_loop3A_1891 = tpu.vector_load_idx %arg5[%select_n3A_593, %parallel_loop3A_1819] : memref<32x512xf32, #tpu.memory_space<vmem>>[vector<16xi32>, vector<16xi32>], vector<16xf32>,
          %parallel_loop3A_1892 = vector.broadcast %parallel_loop3A_1821 : i32 to vector<16xi32>
          %parallel_loop3A_1893 = arith.addi %add3A_1489, %parallel_loop3A_1892 : vector<16xi32>
          tpu.vector_store_idx %arg7[%parallel_loop3A_1893], %parallel_loop3A_1891 : memref<16384xf32, #tpu.memory_space<vmem>>[vector<16xi32>], vector<16xf32>,
          %parallel_loop3A_1894 = tpu.vector_load_idx %arg5[%select_n3A_618, %parallel_loop3A_1819] : memref<32x512xf32, #tpu.memory_space<vmem>>[vector<16xi32>, vector<16xi32>], vector<16xf32>,
          %parallel_loop3A_1895 = vector.broadcast %parallel_loop3A_1821 : i32 to vector<16xi32>
          %parallel_loop3A_1896 = arith.addi %add3A_1518, %parallel_loop3A_1895 : vector<16xi32>
          tpu.vector_store_idx %arg7[%parallel_loop3A_1896], %parallel_loop3A_1894 : memref<16384xf32, #tpu.memory_space<vmem>>[vector<16xi32>], vector<16xf32>,
          %parallel_loop3A_1897 = tpu.vector_load_idx %arg5[%select_n3A_643, %parallel_loop3A_1819] : memref<32x512xf32, #tpu.memory_space<vmem>>[vector<16xi32>, vector<16xi32>], vector<16xf32>,
          %parallel_loop3A_1898 = vector.broadcast %parallel_loop3A_1821 : i32 to vector<16xi32>
          %parallel_loop3A_1899 = arith.addi %add3A_1547, %parallel_loop3A_1898 : vector<16xi32>
          tpu.vector_store_idx %arg7[%parallel_loop3A_1899], %parallel_loop3A_1897 : memref<16384xf32, #tpu.memory_space<vmem>>[vector<16xi32>], vector<16xf32>,
          %parallel_loop3A_1900 = tpu.vector_load_idx %arg5[%select_n3A_668, %parallel_loop3A_1819] : memref<32x512xf32, #tpu.memory_space<vmem>>[vector<16xi32>, vector<16xi32>], vector<16xf32>,
          %parallel_loop3A_1901 = vector.broadcast %parallel_loop3A_1821 : i32 to vector<16xi32>
          %parallel_loop3A_1902 = arith.addi %add3A_1576, %parallel_loop3A_1901 : vector<16xi32>
          tpu.vector_store_idx %arg7[%parallel_loop3A_1902], %parallel_loop3A_1900 : memref<16384xf32, #tpu.memory_space<vmem>>[vector<16xi32>], vector<16xf32>,
          %parallel_loop3A_1903 = tpu.vector_load_idx %arg5[%select_n3A_693, %parallel_loop3A_1819] : memref<32x512xf32, #tpu.memory_space<vmem>>[vector<16xi32>, vector<16xi32>], vector<16xf32>,
          %parallel_loop3A_1904 = vector.broadcast %parallel_loop3A_1821 : i32 to vector<16xi32>
          %parallel_loop3A_1905 = arith.addi %add3A_1605, %parallel_loop3A_1904 : vector<16xi32>
          tpu.vector_store_idx %arg7[%parallel_loop3A_1905], %parallel_loop3A_1903 : memref<16384xf32, #tpu.memory_space<vmem>>[vector<16xi32>], vector<16xf32>,
          %parallel_loop3A_1906 = tpu.vector_load_idx %arg5[%select_n3A_718, %parallel_loop3A_1819] : memref<32x512xf32, #tpu.memory_space<vmem>>[vector<16xi32>, vector<16xi32>], vector<16xf32>,
          %parallel_loop3A_1907 = vector.broadcast %parallel_loop3A_1821 : i32 to vector<16xi32>
          %parallel_loop3A_1908 = arith.addi %add3A_1634, %parallel_loop3A_1907 : vector<16xi32>
          tpu.vector_store_idx %arg7[%parallel_loop3A_1908], %parallel_loop3A_1906 : memref<16384xf32, #tpu.memory_space<vmem>>[vector<16xi32>], vector<16xf32>,
          %parallel_loop3A_1909 = tpu.vector_load_idx %arg5[%select_n3A_743, %parallel_loop3A_1819] : memref<32x512xf32, #tpu.memory_space<vmem>>[vector<16xi32>, vector<16xi32>], vector<16xf32>,
          %parallel_loop3A_1910 = vector.broadcast %parallel_loop3A_1821 : i32 to vector<16xi32>
          %parallel_loop3A_1911 = arith.addi %add3A_1663, %parallel_loop3A_1910 : vector<16xi32>
          tpu.vector_store_idx %arg7[%parallel_loop3A_1911], %parallel_loop3A_1909 : memref<16384xf32, #tpu.memory_space<vmem>>[vector<16xi32>], vector<16xf32>,
          %parallel_loop3A_1912 = tpu.vector_load_idx %arg5[%select_n3A_768, %parallel_loop3A_1819] : memref<32x512xf32, #tpu.memory_space<vmem>>[vector<16xi32>, vector<16xi32>], vector<16xf32>,
          %parallel_loop3A_1913 = vector.broadcast %parallel_loop3A_1821 : i32 to vector<16xi32>
          %parallel_loop3A_1914 = arith.addi %add3A_1692, %parallel_loop3A_1913 : vector<16xi32>
          tpu.vector_store_idx %arg7[%parallel_loop3A_1914], %parallel_loop3A_1912 : memref<16384xf32, #tpu.memory_space<vmem>>[vector<16xi32>], vector<16xf32>,
          %parallel_loop3A_1915 = tpu.vector_load_idx %arg5[%select_n3A_793, %parallel_loop3A_1819] : memref<32x512xf32, #tpu.memory_space<vmem>>[vector<16xi32>, vector<16xi32>], vector<16xf32>,
          %parallel_loop3A_1916 = vector.broadcast %parallel_loop3A_1821 : i32 to vector<16xi32>
          %parallel_loop3A_1917 = arith.addi %add3A_1721, %parallel_loop3A_1916 : vector<16xi32>
          tpu.vector_store_idx %arg7[%parallel_loop3A_1917], %parallel_loop3A_1915 : memref<16384xf32, #tpu.memory_space<vmem>>[vector<16xi32>], vector<16xf32>,
        } {sc.loop_unroll_factor = 2 : i64, sc.parallel_access}
        %mul3A_1797 = arith.constant 32 : i32
        %mul3A_1798 = arith.muli %add3A_1764, %mul3A_1797 : i32
        %add3A_1799 = arith.addi %add3A, %mul3A_1798 : i32
        %mul3A_1800 = arith.constant 512 : i32
        %mul3A_1801 = arith.muli %add3A_1799, %mul3A_1800 : i32
        %mul3A_1802 = arith.constant 32 : i32
        %mul3A_1803 = arith.muli %mul3A_1801, %mul3A_1802 : i32
        %dma_start3A = tpu.memref_slice %arg4[%mul3A_1803] : memref<32000000xf32, #tpu.memory_space<hbm>> -> memref<16384xf32, #tpu.memory_space<hbm>>
        %dma_start3A_1804 = tpu.memref_slice %arg4[%mul3A_1803] : memref<32000000xf32, #tpu.memory_space<hbm>> -> memref<16384xf32, #tpu.memory_space<hbm>>
        tpu.enqueue_dma source(%arg7 : memref<16384xf32, #tpu.memory_space<vmem>>) target(%dma_start3A_1804 : memref<16384xf32, #tpu.memory_space<hbm>>) target_semaphore(%arg12 : memref<!tpu.dma_semaphore, #tpu.memory_space<semaphore_mem>>)
        %add3A_1805 = arith.constant 2 : i32
        %add3A_1806 = arith.addi %add3A_1764, %add3A_1805 : i32
        %mul3A_1807 = arith.constant 32 : i32
        %mul3A_1808 = arith.muli %add3A_1806, %mul3A_1807 : i32
        %add3A_1809 = arith.addi %add3A, %mul3A_1808 : i32
        %lt3A_1810 = arith.constant 1953 : i32
        %lt3A_1811 = arith.cmpi slt, %add3A_1809, %lt3A_1810 : i32
        %convert_element_type3A_1812 = arith.extui %lt3A_1811 : i1 to i32
        %cond3A_1813 = arith.constant 0 : i32
        %cond3A_1814 = arith.cmpi ne, %convert_element_type3A_1812, %cond3A_1813 : i32
        scf.if %cond3A_1814 {
          %add3A_1815 = arith.constant 2 : i32
          %add3A_1816 = arith.addi %add3A_1764, %add3A_1815 : i32
          %mul3A_1817 = arith.constant 32 : i32
          %mul3A_1818 = arith.muli %add3A_1816, %mul3A_1817 : i32
          %add3A_1819 = arith.addi %add3A, %mul3A_1818 : i32
          %mul3A_1820 = arith.constant 512 : i32
          %mul3A_1821 = arith.muli %add3A_1819, %mul3A_1820 : i32
          %dma_start3A_1822 = arith.constant 0 : i32
          %dma_start3A_1823 = tpu.memref_slice %arg2[%dma_start3A_1822, %mul3A_1821] : memref<32x1000000xf32, #tpu.memory_space<hbm>> -> memref<32x512xf32, #tpu.memory_space<hbm>>
          %dma_start3A_1824 = arith.constant 0 : i32
          %dma_start3A_1825 = tpu.memref_slice %arg2[%dma_start3A_1824, %mul3A_1821] : memref<32x1000000xf32, #tpu.memory_space<hbm>> -> memref<32x512xf32, #tpu.memory_space<hbm>>
          tpu.enqueue_dma source(%dma_start3A_1825 : memref<32x512xf32, #tpu.memory_space<hbm>>) target(%arg5 : memref<32x512xf32, #tpu.memory_space<vmem>>) target_semaphore(%arg10 : memref<!tpu.dma_semaphore, #tpu.memory_space<semaphore_mem>>)
        } else {
        }
      } else {
      }
      %mul3A_1773 = arith.constant 2 : i32
      %mul3A_1774 = arith.muli %mul3A_1773, %scan3A_1759 : i32
      %add3A_1775 = arith.constant 1 : i32
      %add3A_1776 = arith.addi %mul3A_1774, %add3A_1775 : i32
      %mul3A_1777 = arith.constant 32 : i32
      %mul3A_1778 = arith.muli %add3A_1776, %mul3A_1777 : i32
      %add3A_1779 = arith.addi %add3A, %mul3A_1778 : i32
      %lt3A_1780 = arith.constant 1953 : i32
      %lt3A_1781 = arith.cmpi slt, %add3A_1779, %lt3A_1780 : i32
      %convert_element_type3A_1782 = arith.extui %lt3A_1781 : i1 to i32
      %cond3A_1783 = arith.constant 0 : i32
      %cond3A_1784 = arith.cmpi ne, %convert_element_type3A_1782, %cond3A_1783 : i32
      scf.if %cond3A_1784 {
        %dma_wait3A = arith.constant 0 : i32
        %dma_wait3A_1786 = arith.constant 0 : i32
        %dma_wait3A_1787 = tpu.memref_slice %arg2[%dma_wait3A, %dma_wait3A_1786] : memref<32x1000000xf32, #tpu.memory_space<hbm>> -> memref<32x512xf32, #tpu.memory_space<hbm>>
        %dma_wait3A_1788 = arith.constant 0 : i32
        %dma_wait3A_1789 = arith.constant 0 : i32
        %dma_wait3A_1790 = tpu.memref_slice %arg2[%dma_wait3A_1788, %dma_wait3A_1789] : memref<32x1000000xf32, #tpu.memory_space<hbm>> -> memref<32x512xf32, #tpu.memory_space<hbm>>
        tpu.wait_dma2 semaphore(%arg11 : memref<!tpu.dma_semaphore, #tpu.memory_space<semaphore_mem>>) src(%dma_wait3A_1790 : memref<32x512xf32, #tpu.memory_space<hbm>>) dst(%arg6 : memref<32x512xf32, #tpu.memory_space<vmem>>)
        %ge3A = arith.constant 2 : i32
        %ge3A_1791 = arith.cmpi sge, %add3A_1776, %ge3A : i32
        %convert_element_type3A_1792 = arith.extui %ge3A_1791 : i1 to i32
        %cond3A_1793 = arith.constant 0 : i32
        %cond3A_1794 = arith.cmpi ne, %convert_element_type3A_1792, %cond3A_1793 : i32
        scf.if %cond3A_1794 {
          %dma_wait3A_1815 = arith.constant 0 : i32
          %dma_wait3A_1816 = tpu.memref_slice %arg4[%dma_wait3A_1815] : memref<32000000xf32, #tpu.memory_space<hbm>> -> memref<16384xf32, #tpu.memory_space<hbm>>
          %dma_wait3A_1817 = arith.constant 0 : i32
          %dma_wait3A_1818 = tpu.memref_slice %arg4[%dma_wait3A_1817] : memref<32000000xf32, #tpu.memory_space<hbm>> -> memref<16384xf32, #tpu.memory_space<hbm>>
          tpu.wait_dma2 semaphore(%arg13 : memref<!tpu.dma_semaphore, #tpu.memory_space<semaphore_mem>>) src(%arg8 : memref<16384xf32, #tpu.memory_space<vmem>>) dst(%dma_wait3A_1818 : memref<16384xf32, #tpu.memory_space<hbm>>)
        } else {
        }
        %parallel_loop3A = arith.constant 0 : i32
        %parallel_loop3A_1795 = arith.constant 32 : i32
        %parallel_loop3A_1796 = arith.constant 1 : i32
        scf.for %parallel_loop3A_1815 = %parallel_loop3A to %parallel_loop3A_1795 step %parallel_loop3A_1796  : i32 {
          %parallel_loop3A_1816 = arith.constant 16 : i32
          %parallel_loop3A_1817 = arith.muli %parallel_loop3A_1815, %parallel_loop3A_1816 : i32
          %parallel_loop3A_1818 = vector.broadcast %parallel_loop3A_1817 : i32 to vector<16xi32>
          %parallel_loop3A_1819 = arith.addi %iota3A, %parallel_loop3A_1818 : vector<16xi32>
          %parallel_loop3A_1820 = arith.constant 512 : i32
          %parallel_loop3A_1821 = arith.muli %parallel_loop3A_1815, %parallel_loop3A_1820 : i32
          %parallel_loop3A_1822 = tpu.vector_load_idx %arg6[%select_n3A_18, %parallel_loop3A_1819] : memref<32x512xf32, #tpu.memory_space<vmem>>[vector<16xi32>, vector<16xi32>], vector<16xf32>,
          %parallel_loop3A_1823 = vector.broadcast %parallel_loop3A_1821 : i32 to vector<16xi32>
          %parallel_loop3A_1824 = arith.addi %add3A_822, %parallel_loop3A_1823 : vector<16xi32>
          tpu.vector_store_idx %arg8[%parallel_loop3A_1824], %parallel_loop3A_1822 : memref<16384xf32, #tpu.memory_space<vmem>>[vector<16xi32>], vector<16xf32>,
          %parallel_loop3A_1825 = tpu.vector_load_idx %arg6[%select_n3A_43, %parallel_loop3A_1819] : memref<32x512xf32, #tpu.memory_space<vmem>>[vector<16xi32>, vector<16xi32>], vector<16xf32>,
          %parallel_loop3A_1826 = vector.broadcast %parallel_loop3A_1821 : i32 to vector<16xi32>
          %parallel_loop3A_1827 = arith.addi %add3A_851, %parallel_loop3A_1826 : vector<16xi32>
          tpu.vector_store_idx %arg8[%parallel_loop3A_1827], %parallel_loop3A_1825 : memref<16384xf32, #tpu.memory_space<vmem>>[vector<16xi32>], vector<16xf32>,
          %parallel_loop3A_1828 = tpu.vector_load_idx %arg6[%select_n3A_68, %parallel_loop3A_1819] : memref<32x512xf32, #tpu.memory_space<vmem>>[vector<16xi32>, vector<16xi32>], vector<16xf32>,
          %parallel_loop3A_1829 = vector.broadcast %parallel_loop3A_1821 : i32 to vector<16xi32>
          %parallel_loop3A_1830 = arith.addi %add3A_880, %parallel_loop3A_1829 : vector<16xi32>
          tpu.vector_store_idx %arg8[%parallel_loop3A_1830], %parallel_loop3A_1828 : memref<16384xf32, #tpu.memory_space<vmem>>[vector<16xi32>], vector<16xf32>,
          %parallel_loop3A_1831 = tpu.vector_load_idx %arg6[%select_n3A_93, %parallel_loop3A_1819] : memref<32x512xf32, #tpu.memory_space<vmem>>[vector<16xi32>, vector<16xi32>], vector<16xf32>,
          %parallel_loop3A_1832 = vector.broadcast %parallel_loop3A_1821 : i32 to vector<16xi32>
          %parallel_loop3A_1833 = arith.addi %add3A_909, %parallel_loop3A_1832 : vector<16xi32>
          tpu.vector_store_idx %arg8[%parallel_loop3A_1833], %parallel_loop3A_1831 : memref<16384xf32, #tpu.memory_space<vmem>>[vector<16xi32>], vector<16xf32>,
          %parallel_loop3A_1834 = tpu.vector_load_idx %arg6[%select_n3A_118, %parallel_loop3A_1819] : memref<32x512xf32, #tpu.memory_space<vmem>>[vector<16xi32>, vector<16xi32>], vector<16xf32>,
          %parallel_loop3A_1835 = vector.broadcast %parallel_loop3A_1821 : i32 to vector<16xi32>
          %parallel_loop3A_1836 = arith.addi %add3A_938, %parallel_loop3A_1835 : vector<16xi32>
          tpu.vector_store_idx %arg8[%parallel_loop3A_1836], %parallel_loop3A_1834 : memref<16384xf32, #tpu.memory_space<vmem>>[vector<16xi32>], vector<16xf32>,
          %parallel_loop3A_1837 = tpu.vector_load_idx %arg6[%select_n3A_143, %parallel_loop3A_1819] : memref<32x512xf32, #tpu.memory_space<vmem>>[vector<16xi32>, vector<16xi32>], vector<16xf32>,
          %parallel_loop3A_1838 = vector.broadcast %parallel_loop3A_1821 : i32 to vector<16xi32>
          %parallel_loop3A_1839 = arith.addi %add3A_967, %parallel_loop3A_1838 : vector<16xi32>
          tpu.vector_store_idx %arg8[%parallel_loop3A_1839], %parallel_loop3A_1837 : memref<16384xf32, #tpu.memory_space<vmem>>[vector<16xi32>], vector<16xf32>,
          %parallel_loop3A_1840 = tpu.vector_load_idx %arg6[%select_n3A_168, %parallel_loop3A_1819] : memref<32x512xf32, #tpu.memory_space<vmem>>[vector<16xi32>, vector<16xi32>], vector<16xf32>,
          %parallel_loop3A_1841 = vector.broadcast %parallel_loop3A_1821 : i32 to vector<16xi32>
          %parallel_loop3A_1842 = arith.addi %add3A_996, %parallel_loop3A_1841 : vector<16xi32>
          tpu.vector_store_idx %arg8[%parallel_loop3A_1842], %parallel_loop3A_1840 : memref<16384xf32, #tpu.memory_space<vmem>>[vector<16xi32>], vector<16xf32>,
          %parallel_loop3A_1843 = tpu.vector_load_idx %arg6[%select_n3A_193, %parallel_loop3A_1819] : memref<32x512xf32, #tpu.memory_space<vmem>>[vector<16xi32>, vector<16xi32>], vector<16xf32>,
          %parallel_loop3A_1844 = vector.broadcast %parallel_loop3A_1821 : i32 to vector<16xi32>
          %parallel_loop3A_1845 = arith.addi %add3A_1025, %parallel_loop3A_1844 : vector<16xi32>
          tpu.vector_store_idx %arg8[%parallel_loop3A_1845], %parallel_loop3A_1843 : memref<16384xf32, #tpu.memory_space<vmem>>[vector<16xi32>], vector<16xf32>,
          %parallel_loop3A_1846 = tpu.vector_load_idx %arg6[%select_n3A_218, %parallel_loop3A_1819] : memref<32x512xf32, #tpu.memory_space<vmem>>[vector<16xi32>, vector<16xi32>], vector<16xf32>,
          %parallel_loop3A_1847 = vector.broadcast %parallel_loop3A_1821 : i32 to vector<16xi32>
          %parallel_loop3A_1848 = arith.addi %add3A_1054, %parallel_loop3A_1847 : vector<16xi32>
          tpu.vector_store_idx %arg8[%parallel_loop3A_1848], %parallel_loop3A_1846 : memref<16384xf32, #tpu.memory_space<vmem>>[vector<16xi32>], vector<16xf32>,
          %parallel_loop3A_1849 = tpu.vector_load_idx %arg6[%select_n3A_243, %parallel_loop3A_1819] : memref<32x512xf32, #tpu.memory_space<vmem>>[vector<16xi32>, vector<16xi32>], vector<16xf32>,
          %parallel_loop3A_1850 = vector.broadcast %parallel_loop3A_1821 : i32 to vector<16xi32>
          %parallel_loop3A_1851 = arith.addi %add3A_1083, %parallel_loop3A_1850 : vector<16xi32>
          tpu.vector_store_idx %arg8[%parallel_loop3A_1851], %parallel_loop3A_1849 : memref<16384xf32, #tpu.memory_space<vmem>>[vector<16xi32>], vector<16xf32>,
          %parallel_loop3A_1852 = tpu.vector_load_idx %arg6[%select_n3A_268, %parallel_loop3A_1819] : memref<32x512xf32, #tpu.memory_space<vmem>>[vector<16xi32>, vector<16xi32>], vector<16xf32>,
          %parallel_loop3A_1853 = vector.broadcast %parallel_loop3A_1821 : i32 to vector<16xi32>
          %parallel_loop3A_1854 = arith.addi %add3A_1112, %parallel_loop3A_1853 : vector<16xi32>
          tpu.vector_store_idx %arg8[%parallel_loop3A_1854], %parallel_loop3A_1852 : memref<16384xf32, #tpu.memory_space<vmem>>[vector<16xi32>], vector<16xf32>,
          %parallel_loop3A_1855 = tpu.vector_load_idx %arg6[%select_n3A_293, %parallel_loop3A_1819] : memref<32x512xf32, #tpu.memory_space<vmem>>[vector<16xi32>, vector<16xi32>], vector<16xf32>,
          %parallel_loop3A_1856 = vector.broadcast %parallel_loop3A_1821 : i32 to vector<16xi32>
          %parallel_loop3A_1857 = arith.addi %add3A_1141, %parallel_loop3A_1856 : vector<16xi32>
          tpu.vector_store_idx %arg8[%parallel_loop3A_1857], %parallel_loop3A_1855 : memref<16384xf32, #tpu.memory_space<vmem>>[vector<16xi32>], vector<16xf32>,
          %parallel_loop3A_1858 = tpu.vector_load_idx %arg6[%select_n3A_318, %parallel_loop3A_1819] : memref<32x512xf32, #tpu.memory_space<vmem>>[vector<16xi32>, vector<16xi32>], vector<16xf32>,
          %parallel_loop3A_1859 = vector.broadcast %parallel_loop3A_1821 : i32 to vector<16xi32>
          %parallel_loop3A_1860 = arith.addi %add3A_1170, %parallel_loop3A_1859 : vector<16xi32>
          tpu.vector_store_idx %arg8[%parallel_loop3A_1860], %parallel_loop3A_1858 : memref<16384xf32, #tpu.memory_space<vmem>>[vector<16xi32>], vector<16xf32>,
          %parallel_loop3A_1861 = tpu.vector_load_idx %arg6[%select_n3A_343, %parallel_loop3A_1819] : memref<32x512xf32, #tpu.memory_space<vmem>>[vector<16xi32>, vector<16xi32>], vector<16xf32>,
          %parallel_loop3A_1862 = vector.broadcast %parallel_loop3A_1821 : i32 to vector<16xi32>
          %parallel_loop3A_1863 = arith.addi %add3A_1199, %parallel_loop3A_1862 : vector<16xi32>
          tpu.vector_store_idx %arg8[%parallel_loop3A_1863], %parallel_loop3A_1861 : memref<16384xf32, #tpu.memory_space<vmem>>[vector<16xi32>], vector<16xf32>,
          %parallel_loop3A_1864 = tpu.vector_load_idx %arg6[%select_n3A_368, %parallel_loop3A_1819] : memref<32x512xf32, #tpu.memory_space<vmem>>[vector<16xi32>, vector<16xi32>], vector<16xf32>,
          %parallel_loop3A_1865 = vector.broadcast %parallel_loop3A_1821 : i32 to vector<16xi32>
          %parallel_loop3A_1866 = arith.addi %add3A_1228, %parallel_loop3A_1865 : vector<16xi32>
          tpu.vector_store_idx %arg8[%parallel_loop3A_1866], %parallel_loop3A_1864 : memref<16384xf32, #tpu.memory_space<vmem>>[vector<16xi32>], vector<16xf32>,
          %parallel_loop3A_1867 = tpu.vector_load_idx %arg6[%select_n3A_393, %parallel_loop3A_1819] : memref<32x512xf32, #tpu.memory_space<vmem>>[vector<16xi32>, vector<16xi32>], vector<16xf32>,
          %parallel_loop3A_1868 = vector.broadcast %parallel_loop3A_1821 : i32 to vector<16xi32>
          %parallel_loop3A_1869 = arith.addi %add3A_1257, %parallel_loop3A_1868 : vector<16xi32>
          tpu.vector_store_idx %arg8[%parallel_loop3A_1869], %parallel_loop3A_1867 : memref<16384xf32, #tpu.memory_space<vmem>>[vector<16xi32>], vector<16xf32>,
          %parallel_loop3A_1870 = tpu.vector_load_idx %arg6[%select_n3A_418, %parallel_loop3A_1819] : memref<32x512xf32, #tpu.memory_space<vmem>>[vector<16xi32>, vector<16xi32>], vector<16xf32>,
          %parallel_loop3A_1871 = vector.broadcast %parallel_loop3A_1821 : i32 to vector<16xi32>
          %parallel_loop3A_1872 = arith.addi %add3A_1286, %parallel_loop3A_1871 : vector<16xi32>
          tpu.vector_store_idx %arg8[%parallel_loop3A_1872], %parallel_loop3A_1870 : memref<16384xf32, #tpu.memory_space<vmem>>[vector<16xi32>], vector<16xf32>,
          %parallel_loop3A_1873 = tpu.vector_load_idx %arg6[%select_n3A_443, %parallel_loop3A_1819] : memref<32x512xf32, #tpu.memory_space<vmem>>[vector<16xi32>, vector<16xi32>], vector<16xf32>,
          %parallel_loop3A_1874 = vector.broadcast %parallel_loop3A_1821 : i32 to vector<16xi32>
          %parallel_loop3A_1875 = arith.addi %add3A_1315, %parallel_loop3A_1874 : vector<16xi32>
          tpu.vector_store_idx %arg8[%parallel_loop3A_1875], %parallel_loop3A_1873 : memref<16384xf32, #tpu.memory_space<vmem>>[vector<16xi32>], vector<16xf32>,
          %parallel_loop3A_1876 = tpu.vector_load_idx %arg6[%select_n3A_468, %parallel_loop3A_1819] : memref<32x512xf32, #tpu.memory_space<vmem>>[vector<16xi32>, vector<16xi32>], vector<16xf32>,
          %parallel_loop3A_1877 = vector.broadcast %parallel_loop3A_1821 : i32 to vector<16xi32>
          %parallel_loop3A_1878 = arith.addi %add3A_1344, %parallel_loop3A_1877 : vector<16xi32>
          tpu.vector_store_idx %arg8[%parallel_loop3A_1878], %parallel_loop3A_1876 : memref<16384xf32, #tpu.memory_space<vmem>>[vector<16xi32>], vector<16xf32>,
          %parallel_loop3A_1879 = tpu.vector_load_idx %arg6[%select_n3A_493, %parallel_loop3A_1819] : memref<32x512xf32, #tpu.memory_space<vmem>>[vector<16xi32>, vector<16xi32>], vector<16xf32>,
          %parallel_loop3A_1880 = vector.broadcast %parallel_loop3A_1821 : i32 to vector<16xi32>
          %parallel_loop3A_1881 = arith.addi %add3A_1373, %parallel_loop3A_1880 : vector<16xi32>
          tpu.vector_store_idx %arg8[%parallel_loop3A_1881], %parallel_loop3A_1879 : memref<16384xf32, #tpu.memory_space<vmem>>[vector<16xi32>], vector<16xf32>,
          %parallel_loop3A_1882 = tpu.vector_load_idx %arg6[%select_n3A_518, %parallel_loop3A_1819] : memref<32x512xf32, #tpu.memory_space<vmem>>[vector<16xi32>, vector<16xi32>], vector<16xf32>,
          %parallel_loop3A_1883 = vector.broadcast %parallel_loop3A_1821 : i32 to vector<16xi32>
          %parallel_loop3A_1884 = arith.addi %add3A_1402, %parallel_loop3A_1883 : vector<16xi32>
          tpu.vector_store_idx %arg8[%parallel_loop3A_1884], %parallel_loop3A_1882 : memref<16384xf32, #tpu.memory_space<vmem>>[vector<16xi32>], vector<16xf32>,
          %parallel_loop3A_1885 = tpu.vector_load_idx %arg6[%select_n3A_543, %parallel_loop3A_1819] : memref<32x512xf32, #tpu.memory_space<vmem>>[vector<16xi32>, vector<16xi32>], vector<16xf32>,
          %parallel_loop3A_1886 = vector.broadcast %parallel_loop3A_1821 : i32 to vector<16xi32>
          %parallel_loop3A_1887 = arith.addi %add3A_1431, %parallel_loop3A_1886 : vector<16xi32>
          tpu.vector_store_idx %arg8[%parallel_loop3A_1887], %parallel_loop3A_1885 : memref<16384xf32, #tpu.memory_space<vmem>>[vector<16xi32>], vector<16xf32>,
          %parallel_loop3A_1888 = tpu.vector_load_idx %arg6[%select_n3A_568, %parallel_loop3A_1819] : memref<32x512xf32, #tpu.memory_space<vmem>>[vector<16xi32>, vector<16xi32>], vector<16xf32>,
          %parallel_loop3A_1889 = vector.broadcast %parallel_loop3A_1821 : i32 to vector<16xi32>
          %parallel_loop3A_1890 = arith.addi %add3A_1460, %parallel_loop3A_1889 : vector<16xi32>
          tpu.vector_store_idx %arg8[%parallel_loop3A_1890], %parallel_loop3A_1888 : memref<16384xf32, #tpu.memory_space<vmem>>[vector<16xi32>], vector<16xf32>,
          %parallel_loop3A_1891 = tpu.vector_load_idx %arg6[%select_n3A_593, %parallel_loop3A_1819] : memref<32x512xf32, #tpu.memory_space<vmem>>[vector<16xi32>, vector<16xi32>], vector<16xf32>,
          %parallel_loop3A_1892 = vector.broadcast %parallel_loop3A_1821 : i32 to vector<16xi32>
          %parallel_loop3A_1893 = arith.addi %add3A_1489, %parallel_loop3A_1892 : vector<16xi32>
          tpu.vector_store_idx %arg8[%parallel_loop3A_1893], %parallel_loop3A_1891 : memref<16384xf32, #tpu.memory_space<vmem>>[vector<16xi32>], vector<16xf32>,
          %parallel_loop3A_1894 = tpu.vector_load_idx %arg6[%select_n3A_618, %parallel_loop3A_1819] : memref<32x512xf32, #tpu.memory_space<vmem>>[vector<16xi32>, vector<16xi32>], vector<16xf32>,
          %parallel_loop3A_1895 = vector.broadcast %parallel_loop3A_1821 : i32 to vector<16xi32>
          %parallel_loop3A_1896 = arith.addi %add3A_1518, %parallel_loop3A_1895 : vector<16xi32>
          tpu.vector_store_idx %arg8[%parallel_loop3A_1896], %parallel_loop3A_1894 : memref<16384xf32, #tpu.memory_space<vmem>>[vector<16xi32>], vector<16xf32>,
          %parallel_loop3A_1897 = tpu.vector_load_idx %arg6[%select_n3A_643, %parallel_loop3A_1819] : memref<32x512xf32, #tpu.memory_space<vmem>>[vector<16xi32>, vector<16xi32>], vector<16xf32>,
          %parallel_loop3A_1898 = vector.broadcast %parallel_loop3A_1821 : i32 to vector<16xi32>
          %parallel_loop3A_1899 = arith.addi %add3A_1547, %parallel_loop3A_1898 : vector<16xi32>
          tpu.vector_store_idx %arg8[%parallel_loop3A_1899], %parallel_loop3A_1897 : memref<16384xf32, #tpu.memory_space<vmem>>[vector<16xi32>], vector<16xf32>,
          %parallel_loop3A_1900 = tpu.vector_load_idx %arg6[%select_n3A_668, %parallel_loop3A_1819] : memref<32x512xf32, #tpu.memory_space<vmem>>[vector<16xi32>, vector<16xi32>], vector<16xf32>,
          %parallel_loop3A_1901 = vector.broadcast %parallel_loop3A_1821 : i32 to vector<16xi32>
          %parallel_loop3A_1902 = arith.addi %add3A_1576, %parallel_loop3A_1901 : vector<16xi32>
          tpu.vector_store_idx %arg8[%parallel_loop3A_1902], %parallel_loop3A_1900 : memref<16384xf32, #tpu.memory_space<vmem>>[vector<16xi32>], vector<16xf32>,
          %parallel_loop3A_1903 = tpu.vector_load_idx %arg6[%select_n3A_693, %parallel_loop3A_1819] : memref<32x512xf32, #tpu.memory_space<vmem>>[vector<16xi32>, vector<16xi32>], vector<16xf32>,
          %parallel_loop3A_1904 = vector.broadcast %parallel_loop3A_1821 : i32 to vector<16xi32>
          %parallel_loop3A_1905 = arith.addi %add3A_1605, %parallel_loop3A_1904 : vector<16xi32>
          tpu.vector_store_idx %arg8[%parallel_loop3A_1905], %parallel_loop3A_1903 : memref<16384xf32, #tpu.memory_space<vmem>>[vector<16xi32>], vector<16xf32>,
          %parallel_loop3A_1906 = tpu.vector_load_idx %arg6[%select_n3A_718, %parallel_loop3A_1819] : memref<32x512xf32, #tpu.memory_space<vmem>>[vector<16xi32>, vector<16xi32>], vector<16xf32>,
          %parallel_loop3A_1907 = vector.broadcast %parallel_loop3A_1821 : i32 to vector<16xi32>
          %parallel_loop3A_1908 = arith.addi %add3A_1634, %parallel_loop3A_1907 : vector<16xi32>
          tpu.vector_store_idx %arg8[%parallel_loop3A_1908], %parallel_loop3A_1906 : memref<16384xf32, #tpu.memory_space<vmem>>[vector<16xi32>], vector<16xf32>,
          %parallel_loop3A_1909 = tpu.vector_load_idx %arg6[%select_n3A_743, %parallel_loop3A_1819] : memref<32x512xf32, #tpu.memory_space<vmem>>[vector<16xi32>, vector<16xi32>], vector<16xf32>,
          %parallel_loop3A_1910 = vector.broadcast %parallel_loop3A_1821 : i32 to vector<16xi32>
          %parallel_loop3A_1911 = arith.addi %add3A_1663, %parallel_loop3A_1910 : vector<16xi32>
          tpu.vector_store_idx %arg8[%parallel_loop3A_1911], %parallel_loop3A_1909 : memref<16384xf32, #tpu.memory_space<vmem>>[vector<16xi32>], vector<16xf32>,
          %parallel_loop3A_1912 = tpu.vector_load_idx %arg6[%select_n3A_768, %parallel_loop3A_1819] : memref<32x512xf32, #tpu.memory_space<vmem>>[vector<16xi32>, vector<16xi32>], vector<16xf32>,
          %parallel_loop3A_1913 = vector.broadcast %parallel_loop3A_1821 : i32 to vector<16xi32>
          %parallel_loop3A_1914 = arith.addi %add3A_1692, %parallel_loop3A_1913 : vector<16xi32>
          tpu.vector_store_idx %arg8[%parallel_loop3A_1914], %parallel_loop3A_1912 : memref<16384xf32, #tpu.memory_space<vmem>>[vector<16xi32>], vector<16xf32>,
          %parallel_loop3A_1915 = tpu.vector_load_idx %arg6[%select_n3A_793, %parallel_loop3A_1819] : memref<32x512xf32, #tpu.memory_space<vmem>>[vector<16xi32>, vector<16xi32>], vector<16xf32>,
          %parallel_loop3A_1916 = vector.broadcast %parallel_loop3A_1821 : i32 to vector<16xi32>
          %parallel_loop3A_1917 = arith.addi %add3A_1721, %parallel_loop3A_1916 : vector<16xi32>
          tpu.vector_store_idx %arg8[%parallel_loop3A_1917], %parallel_loop3A_1915 : memref<16384xf32, #tpu.memory_space<vmem>>[vector<16xi32>], vector<16xf32>,
        } {sc.loop_unroll_factor = 2 : i64, sc.parallel_access}
        %mul3A_1797 = arith.constant 32 : i32
        %mul3A_1798 = arith.muli %add3A_1776, %mul3A_1797 : i32
        %add3A_1799 = arith.addi %add3A, %mul3A_1798 : i32
        %mul3A_1800 = arith.constant 512 : i32
        %mul3A_1801 = arith.muli %add3A_1799, %mul3A_1800 : i32
        %mul3A_1802 = arith.constant 32 : i32
        %mul3A_1803 = arith.muli %mul3A_1801, %mul3A_1802 : i32
        %dma_start3A = tpu.memref_slice %arg4[%mul3A_1803] : memref<32000000xf32, #tpu.memory_space<hbm>> -> memref<16384xf32, #tpu.memory_space<hbm>>
        %dma_start3A_1804 = tpu.memref_slice %arg4[%mul3A_1803] : memref<32000000xf32, #tpu.memory_space<hbm>> -> memref<16384xf32, #tpu.memory_space<hbm>>
        tpu.enqueue_dma source(%arg8 : memref<16384xf32, #tpu.memory_space<vmem>>) target(%dma_start3A_1804 : memref<16384xf32, #tpu.memory_space<hbm>>) target_semaphore(%arg13 : memref<!tpu.dma_semaphore, #tpu.memory_space<semaphore_mem>>)
        %add3A_1805 = arith.constant 2 : i32
        %add3A_1806 = arith.addi %add3A_1776, %add3A_1805 : i32
        %mul3A_1807 = arith.constant 32 : i32
        %mul3A_1808 = arith.muli %add3A_1806, %mul3A_1807 : i32
        %add3A_1809 = arith.addi %add3A, %mul3A_1808 : i32
        %lt3A_1810 = arith.constant 1953 : i32
        %lt3A_1811 = arith.cmpi slt, %add3A_1809, %lt3A_1810 : i32
        %convert_element_type3A_1812 = arith.extui %lt3A_1811 : i1 to i32
        %cond3A_1813 = arith.constant 0 : i32
        %cond3A_1814 = arith.cmpi ne, %convert_element_type3A_1812, %cond3A_1813 : i32
        scf.if %cond3A_1814 {
          %add3A_1815 = arith.constant 2 : i32
          %add3A_1816 = arith.addi %add3A_1776, %add3A_1815 : i32
          %mul3A_1817 = arith.constant 32 : i32
          %mul3A_1818 = arith.muli %add3A_1816, %mul3A_1817 : i32
          %add3A_1819 = arith.addi %add3A, %mul3A_1818 : i32
          %mul3A_1820 = arith.constant 512 : i32
          %mul3A_1821 = arith.muli %add3A_1819, %mul3A_1820 : i32
          %dma_start3A_1822 = arith.constant 0 : i32
          %dma_start3A_1823 = tpu.memref_slice %arg2[%dma_start3A_1822, %mul3A_1821] : memref<32x1000000xf32, #tpu.memory_space<hbm>> -> memref<32x512xf32, #tpu.memory_space<hbm>>
          %dma_start3A_1824 = arith.constant 0 : i32
          %dma_start3A_1825 = tpu.memref_slice %arg2[%dma_start3A_1824, %mul3A_1821] : memref<32x1000000xf32, #tpu.memory_space<hbm>> -> memref<32x512xf32, #tpu.memory_space<hbm>>
          tpu.enqueue_dma source(%dma_start3A_1825 : memref<32x512xf32, #tpu.memory_space<hbm>>) target(%arg6 : memref<32x512xf32, #tpu.memory_space<vmem>>) target_semaphore(%arg11 : memref<!tpu.dma_semaphore, #tpu.memory_space<semaphore_mem>>)
        } else {
        }
      } else {
      }
      %scan3A_1785 = arith.constant 0 : i32
      scf.yield %scan3A_1785 : i32
    }
    %scan3A_1744 = arith.constant 31 : i32
    %add3A_1745 = arith.constant 0 : i32
    %add3A_1746 = arith.addi %add3A, %add3A_1745 : i32
    %lt3A_1747 = arith.constant 1953 : i32
    %lt3A_1748 = arith.cmpi slt, %add3A_1746, %lt3A_1747 : i32
    %convert_element_type3A_1749 = arith.extui %lt3A_1748 : i1 to i32
    %cond3A_1750 = arith.constant 0 : i32
    %cond3A_1751 = arith.cmpi ne, %convert_element_type3A_1749, %cond3A_1750 : i32
    scf.if %cond3A_1751 {
      %dma_wait3A = arith.constant 0 : i32
      %dma_wait3A_1759 = tpu.memref_slice %arg4[%dma_wait3A] : memref<32000000xf32, #tpu.memory_space<hbm>> -> memref<16384xf32, #tpu.memory_space<hbm>>
      %dma_wait3A_1760 = arith.constant 0 : i32
      %dma_wait3A_1761 = tpu.memref_slice %arg4[%dma_wait3A_1760] : memref<32000000xf32, #tpu.memory_space<hbm>> -> memref<16384xf32, #tpu.memory_space<hbm>>
      tpu.wait_dma2 semaphore(%arg12 : memref<!tpu.dma_semaphore, #tpu.memory_space<semaphore_mem>>) src(%arg7 : memref<16384xf32, #tpu.memory_space<vmem>>) dst(%dma_wait3A_1761 : memref<16384xf32, #tpu.memory_space<hbm>>)
    } else {
    }
    %add3A_1752 = arith.constant 32 : i32
    %add3A_1753 = arith.addi %add3A, %add3A_1752 : i32
    %lt3A_1754 = arith.constant 1953 : i32
    %lt3A_1755 = arith.cmpi slt, %add3A_1753, %lt3A_1754 : i32
    %convert_element_type3A_1756 = arith.extui %lt3A_1755 : i1 to i32
    %cond3A_1757 = arith.constant 0 : i32
    %cond3A_1758 = arith.cmpi ne, %convert_element_type3A_1756, %cond3A_1757 : i32
    scf.if %cond3A_1758 {
      %dma_wait3A = arith.constant 0 : i32
      %dma_wait3A_1759 = tpu.memref_slice %arg4[%dma_wait3A] : memref<32000000xf32, #tpu.memory_space<hbm>> -> memref<16384xf32, #tpu.memory_space<hbm>>
      %dma_wait3A_1760 = arith.constant 0 : i32
      %dma_wait3A_1761 = tpu.memref_slice %arg4[%dma_wait3A_1760] : memref<32000000xf32, #tpu.memory_space<hbm>> -> memref<16384xf32, #tpu.memory_space<hbm>>
      tpu.wait_dma2 semaphore(%arg13 : memref<!tpu.dma_semaphore, #tpu.memory_space<semaphore_mem>>) src(%arg8 : memref<16384xf32, #tpu.memory_space<vmem>>) dst(%dma_wait3A_1761 : memref<16384xf32, #tpu.memory_space<hbm>>)
    } else {
    }
    return
  }
}

#map = affine_map<(d0, d1) -> (0, 0)>
#map1 = affine_map<(d0, d1) -> (0, 0, 0)>
module attributes {stable_mosaic.version = 14 : i64} {
  func.func @_gather_kernel(%arg0: i32, %arg1: i32, %arg2: memref<50x16384xi32, #tpu.memory_space<hbm>>, %arg3: memref<1000000x32xf32, #tpu.memory_space<hbm>>, %arg4: memref<50x32x16384xf32, #tpu.memory_space<hbm>>, %arg5: memref<50x512xi32, #tpu.memory_space<vmem>>, %arg6: memref<512x32xf32, #tpu.memory_space<vmem>>, %arg7: memref<512x32xf32, #tpu.memory_space<vmem>>, %arg8: memref<32x513xf32, #tpu.memory_space<vmem>>, %arg9: memref<32x513xf32, #tpu.memory_space<vmem>>, %arg10: memref<!tpu.dma_semaphore, #tpu.memory_space<semaphore_mem>>, %arg11: memref<!tpu.dma_semaphore, #tpu.memory_space<semaphore_mem>>, %arg12: memref<!tpu.dma_semaphore, #tpu.memory_space<semaphore_mem>>, %arg13: memref<!tpu.dma_semaphore, #tpu.memory_space<semaphore_mem>>) attributes {dimension_semantics = [#tpu.dimension_semantics<core_parallel>, #tpu.dimension_semantics<subcore_parallel>], iteration_bounds = array<i64: 2, 16>, scalar_prefetch = 0 : i64, scratch_operands = 9 : i64, tpu.core_type = #tpu.core_type<sc_vector_subcore>, window_params = [{transform_indices = #map}, {transform_indices = #map}, {transform_indices = #map1}]} {
    %mul3A = arith.constant 2 : i32
    %mul3A_0 = arith.muli %arg1, %mul3A : i32
    %add3A = arith.addi %mul3A_0, %arg0 : i32
    %mul3A_1 = arith.constant 512 : i32
    %mul3A_2 = arith.muli %add3A, %mul3A_1 : i32
    %iota3A = tpu.iota {dimensions = array<i32: 0>} : vector<16xi32>
    %add3A_3 = arith.constant 16 : i32
    %add3A_4 = vector.broadcast %add3A_3 : i32 to vector<16xi32>
    %add3A_5 = arith.addi %iota3A, %add3A_4 : vector<16xi32>
    "tpu.region"() ({
      %run_scoped3A = tpu.sem_alloc : memref<!tpu.dma_semaphore, #tpu.memory_space<semaphore_mem>>
      %dma_start3A_50 = arith.constant 0 : i32
      %dma_start3A_51 = tpu.memref_slice %arg2[%dma_start3A_50, %mul3A_2] : memref<50x16384xi32, #tpu.memory_space<hbm>> -> memref<50x512xi32, #tpu.memory_space<hbm>>
      %dma_start3A_52 = arith.constant 0 : i32
      %dma_start3A_53 = tpu.memref_slice %arg2[%dma_start3A_52, %mul3A_2] : memref<50x16384xi32, #tpu.memory_space<hbm>> -> memref<50x512xi32, #tpu.memory_space<hbm>>
      tpu.enqueue_dma source(%dma_start3A_53 : memref<50x512xi32, #tpu.memory_space<hbm>>) target(%arg5 : memref<50x512xi32, #tpu.memory_space<vmem>>) target_semaphore(%run_scoped3A : memref<!tpu.dma_semaphore, #tpu.memory_space<semaphore_mem>>)
      %dma_wait3A_54 = arith.constant 0 : i32
      %dma_wait3A_55 = tpu.memref_slice %arg2[%dma_wait3A_54, %mul3A_2] : memref<50x16384xi32, #tpu.memory_space<hbm>> -> memref<50x512xi32, #tpu.memory_space<hbm>>
      %dma_wait3A_56 = arith.constant 0 : i32
      %dma_wait3A_57 = tpu.memref_slice %arg2[%dma_wait3A_56, %mul3A_2] : memref<50x16384xi32, #tpu.memory_space<hbm>> -> memref<50x512xi32, #tpu.memory_space<hbm>>
      tpu.wait_dma2 semaphore(%run_scoped3A : memref<!tpu.dma_semaphore, #tpu.memory_space<semaphore_mem>>) src(%dma_wait3A_57 : memref<50x512xi32, #tpu.memory_space<hbm>>) dst(%arg5 : memref<50x512xi32, #tpu.memory_space<vmem>>)
      tpu.yield
    }) : () -> ()
    %dma_start3A = arith.constant 0 : i32
    %dma_start3A_6 = arith.constant 0 : i32
    %dma_start3A_7 = tpu.memref_slice %arg5[%dma_start3A, %dma_start3A_6] : memref<50x512xi32, #tpu.memory_space<vmem>> -> memref<1x512xi32, #tpu.memory_space<vmem>>
    %dma_start3A_8 = tpu.memref_squeeze %dma_start3A_7 : memref<1x512xi32, #tpu.memory_space<vmem>> -> memref<512xi32, #tpu.memory_space<vmem>>
    %dma_start3A_9 = arith.constant 0 : i32
    %dma_start3A_10 = arith.constant 0 : i32
    %dma_start3A_11 = tpu.memref_slice %arg3[%dma_start3A_9, %dma_start3A_10] : memref<1000000x32xf32, #tpu.memory_space<hbm>> -> memref<1000000x32xf32, #tpu.memory_space<hbm>>
    tpu.enqueue_indirect_dma source(%dma_start3A_11 : memref<1000000x32xf32, #tpu.memory_space<hbm>>) target(%arg6 : memref<512x32xf32, #tpu.memory_space<vmem>>) offsets(%dma_start3A_8 : memref<512xi32, #tpu.memory_space<vmem>>) semaphore(%arg10 : memref<!tpu.dma_semaphore, #tpu.memory_space<semaphore_mem>>)
    %dma_start3A_12 = arith.constant 1 : i32
    %dma_start3A_13 = arith.constant 0 : i32
    %dma_start3A_14 = tpu.memref_slice %arg5[%dma_start3A_12, %dma_start3A_13] : memref<50x512xi32, #tpu.memory_space<vmem>> -> memref<1x512xi32, #tpu.memory_space<vmem>>
    %dma_start3A_15 = tpu.memref_squeeze %dma_start3A_14 : memref<1x512xi32, #tpu.memory_space<vmem>> -> memref<512xi32, #tpu.memory_space<vmem>>
    %dma_start3A_16 = arith.constant 0 : i32
    %dma_start3A_17 = arith.constant 0 : i32
    %dma_start3A_18 = tpu.memref_slice %arg3[%dma_start3A_16, %dma_start3A_17] : memref<1000000x32xf32, #tpu.memory_space<hbm>> -> memref<1000000x32xf32, #tpu.memory_space<hbm>>
    tpu.enqueue_indirect_dma source(%dma_start3A_18 : memref<1000000x32xf32, #tpu.memory_space<hbm>>) target(%arg7 : memref<512x32xf32, #tpu.memory_space<vmem>>) offsets(%dma_start3A_15 : memref<512xi32, #tpu.memory_space<vmem>>) semaphore(%arg11 : memref<!tpu.dma_semaphore, #tpu.memory_space<semaphore_mem>>)
    %scan3A = arith.constant 0 : i32
    %scan3A_19 = arith.constant 0 : i32
    %scan3A_20 = arith.constant 25 : i32
    %scan3A_21 = arith.addi %scan3A_19, %scan3A_20 : i32
    %scan3A_22 = arith.constant 1 : i32
    %scan3A_23 = scf.for %scan3A_50 = %scan3A_19 to %scan3A_21 step %scan3A_22 iter_args(%scan3A_51 = %scan3A) -> (i32)  : i32 {
      %mul3A_52 = arith.constant 2 : i32
      %mul3A_53 = arith.muli %scan3A_50, %mul3A_52 : i32
      %add3A_54 = arith.constant 0 : i32
      %add3A_55 = arith.addi %mul3A_53, %add3A_54 : i32
      %dma_wait3A_56 = arith.constant 0 : i32
      %dma_wait3A_57 = tpu.memref_slice %arg5[%add3A_55, %dma_wait3A_56] : memref<50x512xi32, #tpu.memory_space<vmem>> -> memref<1x512xi32, #tpu.memory_space<vmem>>
      %dma_wait3A_58 = tpu.memref_squeeze %dma_wait3A_57 : memref<1x512xi32, #tpu.memory_space<vmem>> -> memref<512xi32, #tpu.memory_space<vmem>>
      %dma_wait3A_59 = arith.constant 0 : i32
      %dma_wait3A_60 = arith.constant 0 : i32
      %dma_wait3A_61 = tpu.memref_slice %arg3[%dma_wait3A_59, %dma_wait3A_60] : memref<1000000x32xf32, #tpu.memory_space<hbm>> -> memref<1000000x32xf32, #tpu.memory_space<hbm>>
      tpu.wait_indirect_dma semaphore(%arg10 : memref<!tpu.dma_semaphore, #tpu.memory_space<semaphore_mem>>) src(%dma_wait3A_61 : memref<1000000x32xf32, #tpu.memory_space<hbm>>) dst(%arg6 : memref<512x32xf32, #tpu.memory_space<vmem>>)
      %ge3A = arith.constant 1 : i32
      %ge3A_62 = arith.cmpi sge, %scan3A_50, %ge3A : i32
      %convert_element_type3A = arith.extui %ge3A_62 : i1 to i32
      %cond3A = arith.constant 0 : i32
      %cond3A_63 = arith.cmpi ne, %convert_element_type3A, %cond3A : i32
      scf.if %cond3A_63 {
        %dma_wait3A_122 = arith.constant 0 : i32
        %dma_wait3A_123 = arith.constant 0 : i32
        %dma_wait3A_124 = tpu.memref_slice %arg8[%dma_wait3A_122, %dma_wait3A_123] : memref<32x513xf32, #tpu.memory_space<vmem>> -> memref<32x512xf32, #tpu.memory_space<vmem>>
        %dma_wait3A_125 = arith.constant 0 : i32
        %dma_wait3A_126 = tpu.memref_slice %arg4[%add3A_55, %dma_wait3A_125, %mul3A_2] : memref<50x32x16384xf32, #tpu.memory_space<hbm>> -> memref<1x32x512xf32, #tpu.memory_space<hbm>>
        %dma_wait3A_127 = tpu.memref_squeeze %dma_wait3A_126 : memref<1x32x512xf32, #tpu.memory_space<hbm>> -> memref<32x512xf32, #tpu.memory_space<hbm>>
        %dma_wait3A_128 = arith.constant 0 : i32
        %dma_wait3A_129 = tpu.memref_slice %arg4[%add3A_55, %dma_wait3A_128, %mul3A_2] : memref<50x32x16384xf32, #tpu.memory_space<hbm>> -> memref<1x32x512xf32, #tpu.memory_space<hbm>>
        %dma_wait3A_130 = tpu.memref_squeeze %dma_wait3A_129 : memref<1x32x512xf32, #tpu.memory_space<hbm>> -> memref<32x512xf32, #tpu.memory_space<hbm>>
        %dma_wait3A_131 = arith.constant 0 : i32
        %dma_wait3A_132 = arith.constant 0 : i32
        %dma_wait3A_133 = tpu.memref_slice %arg8[%dma_wait3A_131, %dma_wait3A_132] : memref<32x513xf32, #tpu.memory_space<vmem>> -> memref<32x512xf32, #tpu.memory_space<vmem>>
        tpu.wait_dma2 semaphore(%arg12 : memref<!tpu.dma_semaphore, #tpu.memory_space<semaphore_mem>>) src(%dma_wait3A_133 : memref<32x512xf32, #tpu.memory_space<vmem>>) dst(%dma_wait3A_130 : memref<32x512xf32, #tpu.memory_space<hbm>>)
      } else {
      }
      %parallel_loop3A = arith.constant 0 : i32
      %parallel_loop3A_64 = arith.constant 512 : i32
      %parallel_loop3A_65 = arith.constant 1 : i32
      scf.for %parallel_loop3A_122 = %parallel_loop3A to %parallel_loop3A_64 step %parallel_loop3A_65  : i32 {
        %parallel_loop3A_123 = arith.constant 0 : i32
        %parallel_loop3A_124 = vector.broadcast %parallel_loop3A_123 : i32 to vector<16xi32>
        %parallel_loop3A_125 = vector.broadcast %parallel_loop3A_122 : i32 to vector<16xi32>
        %parallel_loop3A_126 = arith.addi %parallel_loop3A_124, %parallel_loop3A_125 : vector<16xi32>
        %parallel_loop3A_127 = arith.index_cast %parallel_loop3A_122 : i32 to index
        %parallel_loop3A_128 = arith.constant 0 : index
        %parallel_loop3A_129 = tpu.vector_load %arg6[%parallel_loop3A_127, %parallel_loop3A_128] {strides = array<i32>} : memref<512x32xf32, #tpu.memory_space<vmem>>, vector<16xf32>,
        %parallel_loop3A_130 = arith.index_cast %parallel_loop3A_122 : i32 to index
        %parallel_loop3A_131 = arith.constant 16 : index
        %parallel_loop3A_132 = tpu.vector_load %arg6[%parallel_loop3A_130, %parallel_loop3A_131] {strides = array<i32>} : memref<512x32xf32, #tpu.memory_space<vmem>>, vector<16xf32>,
        tpu.vector_store_idx %arg8[%iota3A, %parallel_loop3A_126], %parallel_loop3A_129 : memref<32x513xf32, #tpu.memory_space<vmem>>[vector<16xi32>, vector<16xi32>], vector<16xf32>,
        tpu.vector_store_idx %arg8[%add3A_5, %parallel_loop3A_126], %parallel_loop3A_132 : memref<32x513xf32, #tpu.memory_space<vmem>>[vector<16xi32>, vector<16xi32>], vector<16xf32>,
      } {sc.loop_unroll_factor = 8 : i64, sc.parallel_access}
      %dma_start3A_66 = arith.constant 0 : i32
      %dma_start3A_67 = arith.constant 0 : i32
      %dma_start3A_68 = tpu.memref_slice %arg8[%dma_start3A_66, %dma_start3A_67] : memref<32x513xf32, #tpu.memory_space<vmem>> -> memref<32x512xf32, #tpu.memory_space<vmem>>
      %dma_start3A_69 = arith.constant 0 : i32
      %dma_start3A_70 = tpu.memref_slice %arg4[%add3A_55, %dma_start3A_69, %mul3A_2] : memref<50x32x16384xf32, #tpu.memory_space<hbm>> -> memref<1x32x512xf32, #tpu.memory_space<hbm>>
      %dma_start3A_71 = tpu.memref_squeeze %dma_start3A_70 : memref<1x32x512xf32, #tpu.memory_space<hbm>> -> memref<32x512xf32, #tpu.memory_space<hbm>>
      %dma_start3A_72 = arith.constant 0 : i32
      %dma_start3A_73 = tpu.memref_slice %arg4[%add3A_55, %dma_start3A_72, %mul3A_2] : memref<50x32x16384xf32, #tpu.memory_space<hbm>> -> memref<1x32x512xf32, #tpu.memory_space<hbm>>
      %dma_start3A_74 = tpu.memref_squeeze %dma_start3A_73 : memref<1x32x512xf32, #tpu.memory_space<hbm>> -> memref<32x512xf32, #tpu.memory_space<hbm>>
      %dma_start3A_75 = arith.constant 0 : i32
      %dma_start3A_76 = arith.constant 0 : i32
      %dma_start3A_77 = tpu.memref_slice %arg8[%dma_start3A_75, %dma_start3A_76] : memref<32x513xf32, #tpu.memory_space<vmem>> -> memref<32x512xf32, #tpu.memory_space<vmem>>
      tpu.enqueue_dma source(%dma_start3A_77 : memref<32x512xf32, #tpu.memory_space<vmem>>) target(%dma_start3A_74 : memref<32x512xf32, #tpu.memory_space<hbm>>) target_semaphore(%arg12 : memref<!tpu.dma_semaphore, #tpu.memory_space<semaphore_mem>>)
      %add3A_78 = arith.constant 2 : i32
      %add3A_79 = arith.addi %add3A_55, %add3A_78 : i32
      %lt3A = arith.constant 50 : i32
      %lt3A_80 = arith.cmpi slt, %add3A_79, %lt3A : i32
      %convert_element_type3A_81 = arith.extui %lt3A_80 : i1 to i32
      %cond3A_82 = arith.constant 0 : i32
      %cond3A_83 = arith.cmpi ne, %convert_element_type3A_81, %cond3A_82 : i32
      scf.if %cond3A_83 {
        %add3A_122 = arith.constant 2 : i32
        %add3A_123 = arith.addi %add3A_55, %add3A_122 : i32
        %dma_start3A_124 = arith.constant 0 : i32
        %dma_start3A_125 = tpu.memref_slice %arg5[%add3A_123, %dma_start3A_124] : memref<50x512xi32, #tpu.memory_space<vmem>> -> memref<1x512xi32, #tpu.memory_space<vmem>>
        %dma_start3A_126 = tpu.memref_squeeze %dma_start3A_125 : memref<1x512xi32, #tpu.memory_space<vmem>> -> memref<512xi32, #tpu.memory_space<vmem>>
        %dma_start3A_127 = arith.constant 0 : i32
        %dma_start3A_128 = arith.constant 0 : i32
        %dma_start3A_129 = tpu.memref_slice %arg3[%dma_start3A_127, %dma_start3A_128] : memref<1000000x32xf32, #tpu.memory_space<hbm>> -> memref<1000000x32xf32, #tpu.memory_space<hbm>>
        tpu.enqueue_indirect_dma source(%dma_start3A_129 : memref<1000000x32xf32, #tpu.memory_space<hbm>>) target(%arg6 : memref<512x32xf32, #tpu.memory_space<vmem>>) offsets(%dma_start3A_126 : memref<512xi32, #tpu.memory_space<vmem>>) semaphore(%arg10 : memref<!tpu.dma_semaphore, #tpu.memory_space<semaphore_mem>>)
      } else {
      }
      %mul3A_84 = arith.constant 2 : i32
      %mul3A_85 = arith.muli %scan3A_50, %mul3A_84 : i32
      %add3A_86 = arith.constant 1 : i32
      %add3A_87 = arith.addi %mul3A_85, %add3A_86 : i32
      %dma_wait3A_88 = arith.constant 0 : i32
      %dma_wait3A_89 = tpu.memref_slice %arg5[%add3A_87, %dma_wait3A_88] : memref<50x512xi32, #tpu.memory_space<vmem>> -> memref<1x512xi32, #tpu.memory_space<vmem>>
      %dma_wait3A_90 = tpu.memref_squeeze %dma_wait3A_89 : memref<1x512xi32, #tpu.memory_space<vmem>> -> memref<512xi32, #tpu.memory_space<vmem>>
      %dma_wait3A_91 = arith.constant 0 : i32
      %dma_wait3A_92 = arith.constant 0 : i32
      %dma_wait3A_93 = tpu.memref_slice %arg3[%dma_wait3A_91, %dma_wait3A_92] : memref<1000000x32xf32, #tpu.memory_space<hbm>> -> memref<1000000x32xf32, #tpu.memory_space<hbm>>
      tpu.wait_indirect_dma semaphore(%arg11 : memref<!tpu.dma_semaphore, #tpu.memory_space<semaphore_mem>>) src(%dma_wait3A_93 : memref<1000000x32xf32, #tpu.memory_space<hbm>>) dst(%arg7 : memref<512x32xf32, #tpu.memory_space<vmem>>)
      %ge3A_94 = arith.constant 1 : i32
      %ge3A_95 = arith.cmpi sge, %scan3A_50, %ge3A_94 : i32
      %convert_element_type3A_96 = arith.extui %ge3A_95 : i1 to i32
      %cond3A_97 = arith.constant 0 : i32
      %cond3A_98 = arith.cmpi ne, %convert_element_type3A_96, %cond3A_97 : i32
      scf.if %cond3A_98 {
        %dma_wait3A_122 = arith.constant 0 : i32
        %dma_wait3A_123 = arith.constant 0 : i32
        %dma_wait3A_124 = tpu.memref_slice %arg9[%dma_wait3A_122, %dma_wait3A_123] : memref<32x513xf32, #tpu.memory_space<vmem>> -> memref<32x512xf32, #tpu.memory_space<vmem>>
        %dma_wait3A_125 = arith.constant 0 : i32
        %dma_wait3A_126 = tpu.memref_slice %arg4[%add3A_87, %dma_wait3A_125, %mul3A_2] : memref<50x32x16384xf32, #tpu.memory_space<hbm>> -> memref<1x32x512xf32, #tpu.memory_space<hbm>>
        %dma_wait3A_127 = tpu.memref_squeeze %dma_wait3A_126 : memref<1x32x512xf32, #tpu.memory_space<hbm>> -> memref<32x512xf32, #tpu.memory_space<hbm>>
        %dma_wait3A_128 = arith.constant 0 : i32
        %dma_wait3A_129 = tpu.memref_slice %arg4[%add3A_87, %dma_wait3A_128, %mul3A_2] : memref<50x32x16384xf32, #tpu.memory_space<hbm>> -> memref<1x32x512xf32, #tpu.memory_space<hbm>>
        %dma_wait3A_130 = tpu.memref_squeeze %dma_wait3A_129 : memref<1x32x512xf32, #tpu.memory_space<hbm>> -> memref<32x512xf32, #tpu.memory_space<hbm>>
        %dma_wait3A_131 = arith.constant 0 : i32
        %dma_wait3A_132 = arith.constant 0 : i32
        %dma_wait3A_133 = tpu.memref_slice %arg9[%dma_wait3A_131, %dma_wait3A_132] : memref<32x513xf32, #tpu.memory_space<vmem>> -> memref<32x512xf32, #tpu.memory_space<vmem>>
        tpu.wait_dma2 semaphore(%arg13 : memref<!tpu.dma_semaphore, #tpu.memory_space<semaphore_mem>>) src(%dma_wait3A_133 : memref<32x512xf32, #tpu.memory_space<vmem>>) dst(%dma_wait3A_130 : memref<32x512xf32, #tpu.memory_space<hbm>>)
      } else {
      }
      %parallel_loop3A_99 = arith.constant 0 : i32
      %parallel_loop3A_100 = arith.constant 512 : i32
      %parallel_loop3A_101 = arith.constant 1 : i32
      scf.for %parallel_loop3A_122 = %parallel_loop3A_99 to %parallel_loop3A_100 step %parallel_loop3A_101  : i32 {
        %parallel_loop3A_123 = arith.constant 0 : i32
        %parallel_loop3A_124 = vector.broadcast %parallel_loop3A_123 : i32 to vector<16xi32>
        %parallel_loop3A_125 = vector.broadcast %parallel_loop3A_122 : i32 to vector<16xi32>
        %parallel_loop3A_126 = arith.addi %parallel_loop3A_124, %parallel_loop3A_125 : vector<16xi32>
        %parallel_loop3A_127 = arith.index_cast %parallel_loop3A_122 : i32 to index
        %parallel_loop3A_128 = arith.constant 0 : index
        %parallel_loop3A_129 = tpu.vector_load %arg7[%parallel_loop3A_127, %parallel_loop3A_128] {strides = array<i32>} : memref<512x32xf32, #tpu.memory_space<vmem>>, vector<16xf32>,
        %parallel_loop3A_130 = arith.index_cast %parallel_loop3A_122 : i32 to index
        %parallel_loop3A_131 = arith.constant 16 : index
        %parallel_loop3A_132 = tpu.vector_load %arg7[%parallel_loop3A_130, %parallel_loop3A_131] {strides = array<i32>} : memref<512x32xf32, #tpu.memory_space<vmem>>, vector<16xf32>,
        tpu.vector_store_idx %arg9[%iota3A, %parallel_loop3A_126], %parallel_loop3A_129 : memref<32x513xf32, #tpu.memory_space<vmem>>[vector<16xi32>, vector<16xi32>], vector<16xf32>,
        tpu.vector_store_idx %arg9[%add3A_5, %parallel_loop3A_126], %parallel_loop3A_132 : memref<32x513xf32, #tpu.memory_space<vmem>>[vector<16xi32>, vector<16xi32>], vector<16xf32>,
      } {sc.loop_unroll_factor = 8 : i64, sc.parallel_access}
      %dma_start3A_102 = arith.constant 0 : i32
      %dma_start3A_103 = arith.constant 0 : i32
      %dma_start3A_104 = tpu.memref_slice %arg9[%dma_start3A_102, %dma_start3A_103] : memref<32x513xf32, #tpu.memory_space<vmem>> -> memref<32x512xf32, #tpu.memory_space<vmem>>
      %dma_start3A_105 = arith.constant 0 : i32
      %dma_start3A_106 = tpu.memref_slice %arg4[%add3A_87, %dma_start3A_105, %mul3A_2] : memref<50x32x16384xf32, #tpu.memory_space<hbm>> -> memref<1x32x512xf32, #tpu.memory_space<hbm>>
      %dma_start3A_107 = tpu.memref_squeeze %dma_start3A_106 : memref<1x32x512xf32, #tpu.memory_space<hbm>> -> memref<32x512xf32, #tpu.memory_space<hbm>>
      %dma_start3A_108 = arith.constant 0 : i32
      %dma_start3A_109 = tpu.memref_slice %arg4[%add3A_87, %dma_start3A_108, %mul3A_2] : memref<50x32x16384xf32, #tpu.memory_space<hbm>> -> memref<1x32x512xf32, #tpu.memory_space<hbm>>
      %dma_start3A_110 = tpu.memref_squeeze %dma_start3A_109 : memref<1x32x512xf32, #tpu.memory_space<hbm>> -> memref<32x512xf32, #tpu.memory_space<hbm>>
      %dma_start3A_111 = arith.constant 0 : i32
      %dma_start3A_112 = arith.constant 0 : i32
      %dma_start3A_113 = tpu.memref_slice %arg9[%dma_start3A_111, %dma_start3A_112] : memref<32x513xf32, #tpu.memory_space<vmem>> -> memref<32x512xf32, #tpu.memory_space<vmem>>
      tpu.enqueue_dma source(%dma_start3A_113 : memref<32x512xf32, #tpu.memory_space<vmem>>) target(%dma_start3A_110 : memref<32x512xf32, #tpu.memory_space<hbm>>) target_semaphore(%arg13 : memref<!tpu.dma_semaphore, #tpu.memory_space<semaphore_mem>>)
      %add3A_114 = arith.constant 2 : i32
      %add3A_115 = arith.addi %add3A_87, %add3A_114 : i32
      %lt3A_116 = arith.constant 50 : i32
      %lt3A_117 = arith.cmpi slt, %add3A_115, %lt3A_116 : i32
      %convert_element_type3A_118 = arith.extui %lt3A_117 : i1 to i32
      %cond3A_119 = arith.constant 0 : i32
      %cond3A_120 = arith.cmpi ne, %convert_element_type3A_118, %cond3A_119 : i32
      scf.if %cond3A_120 {
        %add3A_122 = arith.constant 2 : i32
        %add3A_123 = arith.addi %add3A_87, %add3A_122 : i32
        %dma_start3A_124 = arith.constant 0 : i32
        %dma_start3A_125 = tpu.memref_slice %arg5[%add3A_123, %dma_start3A_124] : memref<50x512xi32, #tpu.memory_space<vmem>> -> memref<1x512xi32, #tpu.memory_space<vmem>>
        %dma_start3A_126 = tpu.memref_squeeze %dma_start3A_125 : memref<1x512xi32, #tpu.memory_space<vmem>> -> memref<512xi32, #tpu.memory_space<vmem>>
        %dma_start3A_127 = arith.constant 0 : i32
        %dma_start3A_128 = arith.constant 0 : i32
        %dma_start3A_129 = tpu.memref_slice %arg3[%dma_start3A_127, %dma_start3A_128] : memref<1000000x32xf32, #tpu.memory_space<hbm>> -> memref<1000000x32xf32, #tpu.memory_space<hbm>>
        tpu.enqueue_indirect_dma source(%dma_start3A_129 : memref<1000000x32xf32, #tpu.memory_space<hbm>>) target(%arg7 : memref<512x32xf32, #tpu.memory_space<vmem>>) offsets(%dma_start3A_126 : memref<512xi32, #tpu.memory_space<vmem>>) semaphore(%arg11 : memref<!tpu.dma_semaphore, #tpu.memory_space<semaphore_mem>>)
      } else {
      }
      %scan3A_121 = arith.constant 0 : i32
      scf.yield %scan3A_121 : i32
    }
    %scan3A_24 = arith.constant 25 : i32
    %dma_wait3A = arith.constant 48 : i32
    %dma_wait3A_25 = arith.constant 0 : i32
    %dma_wait3A_26 = arith.constant 0 : i32
    %dma_wait3A_27 = tpu.memref_slice %arg8[%dma_wait3A_25, %dma_wait3A_26] : memref<32x513xf32, #tpu.memory_space<vmem>> -> memref<32x512xf32, #tpu.memory_space<vmem>>
    %dma_wait3A_28 = arith.constant 0 : i32
    %dma_wait3A_29 = tpu.memref_slice %arg4[%dma_wait3A, %dma_wait3A_28, %mul3A_2] : memref<50x32x16384xf32, #tpu.memory_space<hbm>> -> memref<1x32x512xf32, #tpu.memory_space<hbm>>
    %dma_wait3A_30 = tpu.memref_squeeze %dma_wait3A_29 : memref<1x32x512xf32, #tpu.memory_space<hbm>> -> memref<32x512xf32, #tpu.memory_space<hbm>>
    %dma_wait3A_31 = arith.constant 0 : i32
    %dma_wait3A_32 = tpu.memref_slice %arg4[%dma_wait3A, %dma_wait3A_31, %mul3A_2] : memref<50x32x16384xf32, #tpu.memory_space<hbm>> -> memref<1x32x512xf32, #tpu.memory_space<hbm>>
    %dma_wait3A_33 = tpu.memref_squeeze %dma_wait3A_32 : memref<1x32x512xf32, #tpu.memory_space<hbm>> -> memref<32x512xf32, #tpu.memory_space<hbm>>
    %dma_wait3A_34 = arith.constant 0 : i32
    %dma_wait3A_35 = arith.constant 0 : i32
    %dma_wait3A_36 = tpu.memref_slice %arg8[%dma_wait3A_34, %dma_wait3A_35] : memref<32x513xf32, #tpu.memory_space<vmem>> -> memref<32x512xf32, #tpu.memory_space<vmem>>
    tpu.wait_dma2 semaphore(%arg12 : memref<!tpu.dma_semaphore, #tpu.memory_space<semaphore_mem>>) src(%dma_wait3A_36 : memref<32x512xf32, #tpu.memory_space<vmem>>) dst(%dma_wait3A_33 : memref<32x512xf32, #tpu.memory_space<hbm>>)
    %dma_wait3A_37 = arith.constant 49 : i32
    %dma_wait3A_38 = arith.constant 0 : i32
    %dma_wait3A_39 = arith.constant 0 : i32
    %dma_wait3A_40 = tpu.memref_slice %arg9[%dma_wait3A_38, %dma_wait3A_39] : memref<32x513xf32, #tpu.memory_space<vmem>> -> memref<32x512xf32, #tpu.memory_space<vmem>>
    %dma_wait3A_41 = arith.constant 0 : i32
    %dma_wait3A_42 = tpu.memref_slice %arg4[%dma_wait3A_37, %dma_wait3A_41, %mul3A_2] : memref<50x32x16384xf32, #tpu.memory_space<hbm>> -> memref<1x32x512xf32, #tpu.memory_space<hbm>>
    %dma_wait3A_43 = tpu.memref_squeeze %dma_wait3A_42 : memref<1x32x512xf32, #tpu.memory_space<hbm>> -> memref<32x512xf32, #tpu.memory_space<hbm>>
    %dma_wait3A_44 = arith.constant 0 : i32
    %dma_wait3A_45 = tpu.memref_slice %arg4[%dma_wait3A_37, %dma_wait3A_44, %mul3A_2] : memref<50x32x16384xf32, #tpu.memory_space<hbm>> -> memref<1x32x512xf32, #tpu.memory_space<hbm>>
    %dma_wait3A_46 = tpu.memref_squeeze %dma_wait3A_45 : memref<1x32x512xf32, #tpu.memory_space<hbm>> -> memref<32x512xf32, #tpu.memory_space<hbm>>
    %dma_wait3A_47 = arith.constant 0 : i32
    %dma_wait3A_48 = arith.constant 0 : i32
    %dma_wait3A_49 = tpu.memref_slice %arg9[%dma_wait3A_47, %dma_wait3A_48] : memref<32x513xf32, #tpu.memory_space<vmem>> -> memref<32x512xf32, #tpu.memory_space<vmem>>
    tpu.wait_dma2 semaphore(%arg13 : memref<!tpu.dma_semaphore, #tpu.memory_space<semaphore_mem>>) src(%dma_wait3A_49 : memref<32x512xf32, #tpu.memory_space<vmem>>) dst(%dma_wait3A_46 : memref<32x512xf32, #tpu.memory_space<hbm>>)
    return
  }
}

</mosaic_0001>

<sc_bundles>
// kernel: kernel.4.cloned.1.call-start
scs
__scs_entry_jumppad:
0x0: {  	(pc) =	sbr.rel $0x88, $3  }
0x1: {  	(tag) =	ssettag $0x0;
	lr =	simm.s32 $0x1  }
0x2: {  	[smem:$0x3F9F] =	sst lr;
	_ =	strace $0xD0000000  }
0x3: {  	_ = 	snop  }
0x4: {  	_ = 	snop  }
0x5: {  	_ = 	snop  }
0x6: {  	_ = 	snop  }
0x7: {  	_ = 	snop  }
__scs_overlays_trampoline_lowered:
0x8: {  	[smem:$0x3FAE] =	sst s0  }
0x9: {  	[smem:$0x3FAF] =	sst s1  }
0xa: {  	[smem:$0x3FB0] =	sst s2  }
0xb: {  	[smem:$0x3FB1] =	sst s3  }
0xc: {  	[smem:$0x3FB2] =	sst s4  }
0xd: {  	[smem:$0x3FB3] =	sst s5  }
0xe: {  	[smem:$0x3FB4] =	sst s6  }
0xf: {  	[smem:$0x3FB5] =	sst s7  }
0x10: {  	[smem:$0x3FB6] =	sst s8  }
0x11: {  	[smem:$0x3FB7] =	sst s9;
	s0 =	simm.s32 @!p0 $0x0  }
0x12: {  	s1 =	sld [smem:$0x3F9D];
	s0 =	simm.s32 @p0 $0x1  }
0x13: {  	[smem:$0x3FB8] =	sst s0;
	s0 =	simm.s32 @!p1 $0x0  }
0x14: {  	s2 =	sld [smem:$0x3F9C];
	s0 =	simm.s32 @p1 $0x1  }
0x15: {  	[smem:$0x3FB9] =	sst s0;
	s0 =	simm.s32 @!p2 $0x0  }
0x16: {  	s3 =	sld [smem:$0x3FDB];
	s0 =	simm.s32 @p2 $0x1  }
0x17: {  	s4 =	simm.s32 $0x1BF5;
	[smem:$0x3FBB] =	sst s0  }
0x18: {  	s0 =	sld [smem:$0x3F9E];
	_ =	swait.ge [sflag:s4], $0x0  }
0x19: {  	s7 =	sld [smem:$0x3F9F]  }
0x1a: {  	s8 =	sadd.s32 $0xFFFFE003, lr  }
0x1b: {  	s9 =	sadd.s32 $0xFFFFFEF7, lr;
	s5 =	simm.s32 $0xFFFFFFFF;
	p2 =	slt.u32 s8, $0xFFFFF086  }
0x1c: {  	p1 =	slt.u32 s9, $0xF7A;
	s5 =	simm.s32 @!p2 $0x0  }
0x1d: {  	s5 =	simm.s32 @p1 $0x1;
	p0 =	seq.s32 s7, s2  }
0x1e: {  	s7 =	smul.u32 @!p0 $0xF7A, s2;
	p2 =	seq.s32 @!p0 s5, $0x0  }
0x1f: {  	s9 =	smul.u32 $0xF7A, s1;
	s8 =	simm.s32 @!p0 $0x1BF5;
	p2 =	por !p2, p0  }
0x20: {  	[sflag:s8] =	ssyncset.s32 @!p0 $0xFFFFF086;
	s6 =	sadd.s32 @!p0 s3, s7;
	s7 =	simm.s32 @!p0 $0x108  }
0x21: {  	s3 =	sadd.s32 s3, s9;
	s6 =	sadd.s32 @!p0 $0x88, s6;
	s7 =	simm.s32 @p2 $0x1082  }
0x22: {  	[simem:s7], [sflag:s8] =	dma.local @!p0 [hbm:s6], $0xF7A  }
0x23: {  	s9 =	sor.u32 $0xD0000000, s2;
	s6 =	simm.s32 $0x108;
	_ =	swait.ge @!p0 [sflag:s8], $0x0  }
0x24: {  	s3 =	sadd.s32 $0x88, s3;
	s6 =	simm.s32 @!p1 $0x1082;
	[sflag:s4] =	ssyncset.s32 $0xFFFFF086  }
0x25: {  	[simem:s6], [sflag:s4] =	dma.local [hbm:s3], $0xF7A  }
0x26: {  	[smem:$0x3F9F] =	sst s1;
	(tag) =	ssettag s2;
	_ =	strace s9  }
0x27: {  	s1 =	sld [smem:$0x3FAF]  }
0x28: {  	s2 =	sld [smem:$0x3FB0]  }
0x29: {  	s4 =	sld [smem:$0x3FB2]  }
0x2a: {  	p0 =	seq.s32 s5, $0x0;
	s5 =	sld [smem:$0x3FB3]  }
0x2b: {  	s6 =	sld [smem:$0x3FB4]  }
0x2c: {  	s7 =	sld [smem:$0x3FB5]  }
0x2d: {  	s3 =	simm.s32 $0x108;
	s8 =	sld [smem:$0x3FB6]  }
0x2e: {  	s3 =	simm.s32 @!p0 $0x1082;
	s9 =	sld [smem:$0x3FB7]  }
0x2f: {  	lr =	sadd.s32 s0, s3;
	s0 =	sld [smem:$0x3FAE]  }
0x30: {  	s3 =	sld [smem:$0x3FB1]  }
0x31: {  	[smem:$0x3FBA] =	sst s10  }
0x32: {  	s10 =	sld [smem:$0x3FB8];
	_ =	sdelay $0x3  }
0x33: {  	p0 =	seq.s32 s10, $0x1;
	s10 =	sld [smem:$0x3FBA];
	_ =	sdelay $0x3  }
0x34: {  	[smem:$0x3FBA] =	sst s10  }
0x35: {  	s10 =	sld [smem:$0x3FB9];
	_ =	sdelay $0x3  }
0x36: {  	p1 =	seq.s32 s10, $0x1;
	s10 =	sld [smem:$0x3FBA];
	_ =	sdelay $0x3  }
0x37: {  	[smem:$0x3FBA] =	sst s10  }
0x38: {  	s10 =	sld [smem:$0x3FBB]  }
0x39: {  	_ = 	snop;
	(pc) =	sbr.ind lr, $3  }
0x3a: {  	_ = 	snop  }
0x3b: {  	_ = 	snop  }
0x3c: {  	p2 =	seq.s32 s10, $0x1;
	s10 =	sld [smem:$0x3FBA]  }
0x3d: {  	_ =	shalt  }
0x3e: {  	_ =	shalt  }
0x3f: {  	_ =	shalt  }
0x40: {  	_ =	shalt  }
0x41: {  	_ =	shalt  }
0x42: {  	_ =	shalt  }
0x43: {  	_ =	shalt  }
0x44: {  	_ =	shalt  }
0x45: {  	_ =	shalt  }
0x46: {  	_ =	shalt  }
0x47: {  	_ =	shalt  }
0x48: {  	_ =	shalt  }
0x49: {  	_ =	shalt  }
0x4a: {  	_ =	shalt  }
0x4b: {  	_ =	shalt  }
0x4c: {  	_ =	shalt  }
0x4d: {  	_ =	shalt  }
0x4e: {  	_ =	shalt  }
0x4f: {  	_ =	shalt  }
0x50: {  	_ =	shalt  }
0x51: {  	_ =	shalt  }
0x52: {  	_ =	shalt  }
0x53: {  	_ =	shalt  }
0x54: {  	_ =	shalt  }
0x55: {  	_ =	shalt  }
0x56: {  	_ =	shalt  }
0x57: {  	_ =	shalt  }
0x58: {  	_ =	shalt  }
0x59: {  	_ =	shalt  }
0x5a: {  	_ =	shalt  }
0x5b: {  	_ =	shalt  }
0x5c: {  	_ =	shalt  }
0x5d: {  	_ =	shalt  }
0x5e: {  	_ =	shalt  }
0x5f: {  	_ =	shalt  }
0x60: {  	_ =	shalt  }
0x61: {  	_ =	shalt  }
0x62: {  	_ =	shalt  }
0x63: {  	_ =	shalt  }
0x64: {  	_ =	shalt  }
0x65: {  	_ =	shalt  }
0x66: {  	_ =	shalt  }
0x67: {  	_ =	shalt  }
0x68: {  	_ =	shalt  }
0x69: {  	_ =	shalt  }
0x6a: {  	_ =	shalt  }
0x6b: {  	_ =	shalt  }
0x6c: {  	_ =	shalt  }
0x6d: {  	_ =	shalt  }
0x6e: {  	_ =	shalt  }
0x6f: {  	_ =	shalt  }
0x70: {  	_ =	shalt  }
0x71: {  	_ =	shalt  }
0x72: {  	_ =	shalt  }
0x73: {  	_ =	shalt  }
0x74: {  	_ =	shalt  }
0x75: {  	_ =	shalt  }
0x76: {  	_ =	shalt  }
0x77: {  	_ =	shalt  }
0x78: {  	_ =	shalt  }
0x79: {  	_ =	shalt  }
0x7a: {  	_ =	shalt  }
0x7b: {  	_ =	shalt  }
0x7c: {  	_ =	shalt  }
0x7d: {  	_ =	shalt  }
0x7e: {  	_ =	shalt  }
0x7f: {  	_ =	shalt  }
0x80: {  	_ =	shalt  }
0x81: {  	_ =	shalt  }
0x82: {  	_ =	shalt  }
0x83: {  	_ =	shalt  }
0x84: {  	_ =	shalt  }
0x85: {  	_ =	shalt  }
0x86: {  	_ =	shalt  }
0x87: {  	_ =	shalt  }
.Lfunc_end0:
.L_simem_size_0:
called_computation_lowered:
.L_overlay_start_0:
0x88: {  	s2 =	sld [smem:$0x3FD9]  }
0x89: {  	s3 =	sld [smem:$0x3FFE];
	_ =	sdelay $0x1  }
0x8a: {  	s1 =	srdreg.scid  }
0x8b: {  	s0 =	sand.u32 $0x1, s1  }
0x8c: {  	s17 =	sshll.u32 s0, $0xA;
	s2 =	sadd.s32 s3, s2  }
0x8d: {  	s2 =	sadd.s32 s2, s17  }
0x8e: {  	[smem:$0x3FC6] =	sst s2  }
0x8f: {  	_ = 	snop  }
0x90: {  	s2 =	sld [smem:$0x3FC8];
	(tm) =	ssettm $0x1  }
0x91: {  	s18 =	sld [smem:$0x3FFB];
	_ =	sdelay $0x3  }
0x92: {  	_ =	strace s18  }
0x93: {  	s3 =	sld [smem:$0x3FFC];
	_ =	sdelay $0x3  }
0x94: {  	_ =	strace s3  }
0x95: {  	s3 =	sld [smem:$0x3FFD];
	_ =	sdelay $0x3  }
0x96: {  	_ =	strace s3  }
0x97: {  	_ =	strace $0x8FFFFFFF  }
0x98: {  	s19 =	sld [smem:$0x3FDB];
	_ =	sdelay $0x1  }
0x99: {  	s4 =	simm.s32 $_scs_section_size  }
0x9a: {  	s5 =	simm.s32 $_size__tile_overlayer_lowered;
	s6 =	simm.s32 $_tile_overlayer_lowered  }
0x9b: {  	s22 =	simm.s32 $0x1BFF;
	s21 =	sshll.u32 s6, $0x1;
	s3 =	sadd.s32 s4, s19  }
0x9c: {  	s7 =	simm.s32 $0x0;
	s20 =	sshll.u32 s5, $0x1;
	s5 =	sadd.s32 s21, s3  }
0x9d: {  	[timem:s7], [sflag:s22] =	dma.local [hbm:s5], s20  }
0x9e: {  	_ =	swait.ge [sflag:s22], s20  }
0x9f: {  	s4 =	ssub.s32 $0x0, s20;
	[sflag:s22] =	ssyncset.done $0x0  }
0xa0: {  	[sflag:s22] =	ssyncadd.s32 s4;
	_ =	sdelay $0x1  }
0xa1: {  	s23 =	simm.s32 $0x1B8B  }
0xa2: {  	_ =	swait.ge [sflag:s23], $0x1  }
0xa3: {  	[sflag:s23] =	ssyncset.done $0x0  }
0xa4: {  	s25 =	simm.s32 $0x1B8E;
	s24 =	sld [smem:$0x3FFE];
	[sflag:s23] =	ssyncadd.s32 $0xFFFFFFFF  }
0xa5: {  	s26 =	simm.s32 $execute0_lowered;
	[smem:$0x3FD2] =	sst s25  }
0xa6: {  	s5 =	sshll.u32 s26, $0x1;
	_ =	strace $0x80000046;
	[dreg:$0x1] =	wrdreg $0xFFFFFFFF  }
0xa7: {  	s28 =	simm.s32 $_size_execute0_lowered;
	s3 =	sadd.s32 s3, s5;
	[dreg:$0x0] =	wrdreg $0x0  }
0xa8: {  	s5 =	sshll.u32 s28, $0x1;
	[dreg:$0x2] =	wrdreg s3  }
0xa9: {  	[dreg:$0x3] =	wrdreg s5  }
0xaa: {  	[dreg:$0x4] =	wrdreg $0xC0  }
0xab: {  	_ =	task [dreg:s7], $0x5FFFF  }
0xac: {  	[dreg:$0x1] =	wrdreg $0xFFFFFFFF  }
0xad: {  	[dreg:$0x0] =	wrdreg $0x60  }
0xae: {  	[dreg:$0x2] =	wrdreg s2  }
0xaf: {  	[dreg:$0x3] =	wrdreg s24  }
0xb0: {  	[dreg:$0x4] =	wrdreg $0x9  }
0xb1: {  	_ =	task.clear_ibuf [dreg:s7], $0x5FFFF;
	_ =	strace $0x90000046  }
0xb2: {  	s29 =	simm.s32 $0x9;
	_ =	strace $0x80000048  }
0xb3: {  	_ =	swait.ge [sflag:s29], $0x1  }
0xb4: {  	[sflag:s29] =	ssyncadd.s32 $0xFFFFFFFF  }
0xb5: {  	_ =	strace $0x90000048  }
0xb6: {  	_ =	sfence  }
0xb7: {  	s30 =	sld [smem:$0x0];
	_ =	sdelay $0x2  }
0xb8: {  	s31 =	sshll.u32 s1, $0xD;
	s1 =	sshrl.u32 s1, $0x2  }
0xb9: {  	s3 =	sand.u32 $0x4000, s31;
	s1 =	sadd.s32 s1, s30  }
0xba: {  	s0 =	sor.u32 s3, s0;
	s1 =	sshll.u32 s1, $0x11  }
0xbb: {  	s0 =	sor.u32 s1, s0  }
0xbc: {  	s0 =	sadd.s32 $0x8F2B, s0  }
0xbd: {  	[sflag:s0] =	ssyncadd.remote.s32 $0x1  }
0xbe: {  	_ =	sfence.sel $0xFFFF  }
0xbf: {  	[dreg:$0x0] =	wrdreg $0xFFFFFFFF;
	(pc) =	sbr.abs _section_cstart, $3  }
0xc0: {  	[dreg:$0x1] =	wrdreg $0xFFFFFFFF  }
0xc1: {  	_ =	task.clear_ibuf [dreg:s7], $0x2FFFF;
	_ =	strace $0x9FFFFFFF  }
0xc2: {  	(tm) =	ssettm $0x7FFFFFFF  }
0xc3: {  	_ =	shalt  }
tec
execute0_lowered:
.L_overlay_start_1:
0x0: {  	(tag) =	ssettag $0x1  }
0x1: {  	vm2 =	vcmask $0x300;
	v0 =	vimm.s32 $0x1380  }
0x2: {  	vm1 =	vcmask $0x704;
	vm0 =	vcmask $0xB08;
	v1 =	vimm.s32 $0x2000  }
0x3: {  	v2 =	vimm.s32 $0x2080;
	v3 =	vimm.s32 $0x2100;
	v4 =	vimm.s32 $0x2180  }
0x4: {  	v5 =	vimm.s32 $0x2200;
	v6 =	vimm.s32 $0x2280;
	v7 =	vimm.s32 $0x2300  }
0x5: {  	v8 =	vimm.s32 $0x2380;
	v9 =	vimm.s32 $0x3000;
	v10 =	vimm.s32 $0x3080  }
0x6: {  	v11 =	vimm.s32 $0x3100;
	v12 =	vimm.s32 $0x3180;
	v13 =	vimm.s32 $0x3200  }
0x7: {  	v14 =	vimm.s32 $0x3280;
	v15 =	vimm.s32 $0x3300;
	v16 =	vimm.s32 $0x3380  }
0x8: {  	v17 =	vimm.s32 $0x0;
	v18 =	vimm.s32 $0x80;
	v19 =	vimm.s32 $0x100  }
0x9: {  	v20 =	vimm.s32 $0x180;
	v21 =	vimm.s32 $0x200;
	v22 =	vimm.s32 $0x280  }
0xa: {  	v23 =	vimm.s32 $0x300;
	v24 =	vimm.s32 $0x380;
	v25 =	vimm.s32 $0x1000  }
0xb: {  	v26 =	vimm.s32 $0x1080;
	v27 =	vimm.s32 $0x1100;
	v28 =	vimm.s32 $0x1180  }
0xc: {  	v29 =	vimm.s32 $0x1200;
	v30 =	vimm.s32 $0x1280;
	v31 =	vimm.s32 $0x1300  }
0xd: {  	vm14 =	vcmask $0xF0C;
	vm15 =	vcmask $0x1310;
	vm3 =	vcmask $0x1714  }
0xe: {  	vm5 =	vcmask $0x1B18;
	vm6 =	vcmask $0x1F1C;
	vm7 =	vcmask $0xF00  }
0xf: {  	vm8 =	vcmask $0x2320;
	v62 =	vimm.s32 $0x76553413;
	v63 =	vimm.s32 $0xF9D8B796  }
0x10: {  	v47 =	vimm.s32 $0x77563514;
	v48 =	vimm.s32 $0x78573615;
	v49 =	vimm.s32 $0x79583716  }
0x11: {  	v50 =	vimm.s32 $0x7A593817;
	v51 =	vimm.s32 $0x7B5A3918;
	v42 =	vimm.s32 $0x7C5B3A19  }
0x12: {  	v43 =	vimm.s32 $0x7D5C3B1A;
	v44 =	vimm.s32 $0x7E5D3C1B;
	v45 =	vimm.s32 $0x7F5E3D1C  }
0x13: {  	v46 =	vimm.s32 $0x605F3E1D;
	vm9 =	vcmask $0x1F10;
	v52 =	vimm.s32 $0xFAD9B897  }
0x14: {  	v54 =	vimm.s32 $0xFCDBBA99;
	v58 =	vimm.s32 $0xFEDDBC9B;
	vm10 =	vcmask $0x2724  }
0x15: {  	vm11 =	vcmask $0x2B28;
	vm12 =	vcmask $0x2F2C;
	vm13 =	vcmask $0x3330  }
0x16: {  	v0 =	vsel vm2, $0x0, v0;
	v1 =	vsel vm2, $0x80, v1;
	v2 =	vsel vm2, $0x100, v2  }
0x17: {  	v3 =	vsel vm2, $0x180, v3;
	v4 =	vsel vm2, $0x200, v4;
	v5 =	vsel vm2, $0x280, v5  }
0x18: {  	v6 =	vsel vm2, $0x300, v6;
	v7 =	vsel vm2, $0x380, v7;
	v8 =	vsel vm2, $0x1000, v8  }
0x19: {  	v9 =	vsel vm2, $0x1080, v9;
	v10 =	vsel vm2, $0x1100, v10;
	v11 =	vsel vm2, $0x1180, v11  }
0x1a: {  	v12 =	vsel vm2, $0x1200, v12;
	v13 =	vsel vm2, $0x1280, v13;
	v14 =	vsel vm2, $0x1300, v14  }
0x1b: {  	v15 =	vsel vm2, $0x1380, v15;
	v16 =	vsel vm2, $0x2000, v16;
	v17 =	vsel vm2, $0x2080, v17  }
0x1c: {  	v18 =	vsel vm2, $0x2100, v18;
	v19 =	vsel vm2, $0x2180, v19;
	v20 =	vsel vm2, $0x2200, v20  }
0x1d: {  	v21 =	vsel vm2, $0x2280, v21;
	v22 =	vsel vm2, $0x2300, v22;
	v23 =	vsel vm2, $0x2380, v23  }
0x1e: {  	v24 =	vsel vm2, $0x3000, v24;
	v25 =	vsel vm2, $0x3080, v25;
	v26 =	vsel vm2, $0x3100, v26  }
0x1f: {  	v27 =	vsel vm2, $0x3180, v27;
	v28 =	vsel vm2, $0x3200, v28;
	v29 =	vsel vm2, $0x3280, v29  }
0x20: {  	v30 =	vsel vm2, $0x3300, v30;
	v31 =	vsel vm2, $0x3380, v31;
	v42 =	vunpack.c.0.s8.s32 v42  }
0x21: {  	v43 =	vunpack.c.0.s8.s32 v43;
	v44 =	vunpack.c.0.s8.s32 v44;
	v45 =	vunpack.c.0.s8.s32 v45  }
0x22: {  	v46 =	vunpack.c.0.s8.s32 v46;
	v0 =	vsel vm1, $0x80, v0;
	v1 =	vsel vm1, $0x100, v1  }
0x23: {  	v2 =	vsel vm1, $0x180, v2;
	v3 =	vsel vm1, $0x200, v3;
	v4 =	vsel vm1, $0x280, v4  }
0x24: {  	v5 =	vsel vm1, $0x300, v5;
	v6 =	vsel vm1, $0x380, v6;
	v7 =	vsel vm1, $0x1000, v7  }
0x25: {  	v8 =	vsel vm1, $0x1080, v8;
	v9 =	vsel vm1, $0x1100, v9;
	v10 =	vsel vm1, $0x1180, v10  }
0x26: {  	v11 =	vsel vm1, $0x1200, v11;
	v12 =	vsel vm1, $0x1280, v12;
	v13 =	vsel vm1, $0x1300, v13  }
0x27: {  	v14 =	vsel vm1, $0x1380, v14;
	v15 =	vsel vm1, $0x2000, v15;
	v16 =	vsel vm1, $0x2080, v16  }
0x28: {  	v17 =	vsel vm1, $0x2100, v17;
	v18 =	vsel vm1, $0x2180, v18;
	v19 =	vsel vm1, $0x2200, v19  }
0x29: {  	v20 =	vsel vm1, $0x2280, v20;
	v21 =	vsel vm1, $0x2300, v21;
	v22 =	vsel vm1, $0x2380, v22  }
0x2a: {  	v23 =	vsel vm1, $0x3000, v23;
	v24 =	vsel vm1, $0x3080, v24;
	v25 =	vsel vm1, $0x3100, v25  }
0x2b: {  	v26 =	vsel vm1, $0x3180, v26;
	v27 =	vsel vm1, $0x3200, v27;
	v28 =	vsel vm1, $0x3280, v28  }
0x2c: {  	v29 =	vsel vm1, $0x3300, v29;
	v30 =	vsel vm1, $0x3380, v30;
	v31 =	vsel vm1, $0x0, v31  }
0x2d: {  	v0 =	vsel vm0, $0x100, v0;
	v1 =	vsel vm0, $0x180, v1;
	v2 =	vsel vm0, $0x200, v2  }
0x2e: {  	v3 =	vsel vm0, $0x280, v3;
	v4 =	vsel vm0, $0x300, v4;
	v5 =	vsel vm0, $0x380, v5  }
0x2f: {  	v6 =	vsel vm0, $0x1000, v6;
	v7 =	vsel vm0, $0x1080, v7;
	v8 =	vsel vm0, $0x1100, v8  }
0x30: {  	v9 =	vsel vm0, $0x1180, v9;
	v10 =	vsel vm0, $0x1200, v10;
	v11 =	vsel vm0, $0x1280, v11  }
0x31: {  	v12 =	vsel vm0, $0x1300, v12;
	v13 =	vsel vm0, $0x1380, v13;
	v14 =	vsel vm0, $0x2000, v14  }
0x32: {  	v15 =	vsel vm0, $0x2080, v15;
	v16 =	vsel vm0, $0x2100, v16;
	v17 =	vsel vm0, $0x2180, v17  }
0x33: {  	v18 =	vsel vm0, $0x2200, v18;
	v19 =	vsel vm0, $0x2280, v19;
	v20 =	vsel vm0, $0x2300, v20  }
0x34: {  	v21 =	vsel vm0, $0x2380, v21;
	v22 =	vsel vm0, $0x3000, v22;
	v23 =	vsel vm0, $0x3080, v23  }
0x35: {  	v24 =	vsel vm0, $0x3100, v24;
	v25 =	vsel vm0, $0x3180, v25;
	v26 =	vsel vm0, $0x3200, v26  }
0x36: {  	v27 =	vsel vm0, $0x3280, v27;
	v28 =	vsel vm0, $0x3300, v28;
	v29 =	vsel vm0, $0x3380, v29  }
0x37: {  	v30 =	vsel vm0, $0x0, v30;
	v31 =	vsel vm0, $0x80, v31;
	v42 =	vand.u32 $0xFF, v42  }
0x38: {  	v43 =	vand.u32 $0xFF, v43;
	v44 =	vand.u32 $0xFF, v44;
	v45 =	vand.u32 $0xFF, v45  }
0x39: {  	v46 =	vand.u32 $0xFF, v46;
	v0 =	vsel vm14, $0x180, v0;
	v1 =	vsel vm14, $0x200, v1  }
0x3a: {  	v2 =	vsel vm14, $0x280, v2;
	v3 =	vsel vm14, $0x300, v3;
	v4 =	vsel vm14, $0x380, v4  }
0x3b: {  	v5 =	vsel vm14, $0x1000, v5;
	v6 =	vsel vm14, $0x1080, v6;
	v7 =	vsel vm14, $0x1100, v7  }
0x3c: {  	v8 =	vsel vm14, $0x1180, v8;
	v9 =	vsel vm14, $0x1200, v9;
	v10 =	vsel vm14, $0x1280, v10  }
0x3d: {  	v11 =	vsel vm14, $0x1300, v11;
	v12 =	vsel vm14, $0x1380, v12;
	v13 =	vsel vm14, $0x2000, v13  }
0x3e: {  	v14 =	vsel vm14, $0x2080, v14;
	v15 =	vsel vm14, $0x2100, v15;
	v16 =	vsel vm14, $0x2180, v16  }
0x3f: {  	v17 =	vsel vm14, $0x2200, v17;
	v18 =	vsel vm14, $0x2280, v18;
	v19 =	vsel vm14, $0x2300, v19  }
0x40: {  	v20 =	vsel vm14, $0x2380, v20;
	v21 =	vsel vm14, $0x3000, v21;
	v22 =	vsel vm14, $0x3080, v22  }
0x41: {  	v23 =	vsel vm14, $0x3100, v23;
	v24 =	vsel vm14, $0x3180, v24;
	v25 =	vsel vm14, $0x3200, v25  }
0x42: {  	v26 =	vsel vm14, $0x3280, v26;
	v27 =	vsel vm14, $0x3300, v27;
	v28 =	vsel vm14, $0x3380, v28  }
0x43: {  	v29 =	vsel vm14, $0x0, v29;
	v30 =	vsel vm14, $0x80, v30;
	v31 =	vsel vm14, $0x100, v31  }
0x44: {  	v42 =	vnsel vm7, $0x1E8, v42;
	v43 =	vnsel vm7, $0x1E9, v43;
	v44 =	vnsel vm7, $0x1EA, v44  }
0x45: {  	v45 =	vnsel vm7, $0x1EB, v45;
	v46 =	vnsel vm7, $0x1EC, v46;
	vm14 =	vcmask $0x3734  }
0x46: {  	v0 =	vsel vm15, $0x200, v0;
	v1 =	vsel vm15, $0x280, v1;
	v2 =	vsel vm15, $0x300, v2  }
0x47: {  	v3 =	vsel vm15, $0x380, v3;
	v4 =	vsel vm15, $0x1000, v4;
	v5 =	vsel vm15, $0x1080, v5  }
0x48: {  	v6 =	vsel vm15, $0x1100, v6;
	v7 =	vsel vm15, $0x1180, v7;
	v8 =	vsel vm15, $0x1200, v8  }
0x49: {  	v9 =	vsel vm15, $0x1280, v9;
	v10 =	vsel vm15, $0x1300, v10;
	v11 =	vsel vm15, $0x1380, v11  }
0x4a: {  	v12 =	vsel vm15, $0x2000, v12;
	v13 =	vsel vm15, $0x2080, v13;
	v14 =	vsel vm15, $0x2100, v14  }
0x4b: {  	v15 =	vsel vm15, $0x2180, v15;
	v16 =	vsel vm15, $0x2200, v16;
	v17 =	vsel vm15, $0x2280, v17  }
0x4c: {  	v18 =	vsel vm15, $0x2300, v18;
	v19 =	vsel vm15, $0x2380, v19;
	v20 =	vsel vm15, $0x3000, v20  }
0x4d: {  	v21 =	vsel vm15, $0x3080, v21;
	v22 =	vsel vm15, $0x3100, v22;
	v23 =	vsel vm15, $0x3180, v23  }
0x4e: {  	v24 =	vsel vm15, $0x3200, v24;
	v25 =	vsel vm15, $0x3280, v25;
	v26 =	vsel vm15, $0x3300, v26  }
0x4f: {  	v27 =	vsel vm15, $0x3380, v27;
	v28 =	vsel vm15, $0x0, v28;
	v29 =	vsel vm15, $0x80, v29  }
0x50: {  	v30 =	vsel vm15, $0x100, v30;
	v31 =	vsel vm15, $0x180, v31;
	vm15 =	vcmask $0x3B38  }
0x51: {  	v0 =	vsel vm3, $0x280, v0;
	v1 =	vsel vm3, $0x300, v1;
	v2 =	vsel vm3, $0x380, v2  }
0x52: {  	v3 =	vsel vm3, $0x1000, v3;
	v4 =	vsel vm3, $0x1080, v4;
	v5 =	vsel vm3, $0x1100, v5  }
0x53: {  	v6 =	vsel vm3, $0x1180, v6;
	v7 =	vsel vm3, $0x1200, v7;
	v8 =	vsel vm3, $0x1280, v8  }
0x54: {  	v9 =	vsel vm3, $0x1300, v9;
	v10 =	vsel vm3, $0x1380, v10;
	v11 =	vsel vm3, $0x2000, v11  }
0x55: {  	v12 =	vsel vm3, $0x2080, v12;
	v13 =	vsel vm3, $0x2100, v13;
	v14 =	vsel vm3, $0x2180, v14  }
0x56: {  	v15 =	vsel vm3, $0x2200, v15;
	v16 =	vsel vm3, $0x2280, v16;
	v17 =	vsel vm3, $0x2300, v17  }
0x57: {  	v18 =	vsel vm3, $0x2380, v18;
	v19 =	vsel vm3, $0x3000, v19;
	v20 =	vsel vm3, $0x3080, v20  }
0x58: {  	v21 =	vsel vm3, $0x3100, v21;
	v22 =	vsel vm3, $0x3180, v22;
	v23 =	vsel vm3, $0x3200, v23  }
0x59: {  	v24 =	vsel vm3, $0x3280, v24;
	v25 =	vsel vm3, $0x3300, v25;
	v26 =	vsel vm3, $0x3380, v26  }
0x5a: {  	v27 =	vsel vm3, $0x0, v27;
	v28 =	vsel vm3, $0x80, v28;
	v29 =	vsel vm3, $0x100, v29  }
0x5b: {  	v30 =	vsel vm3, $0x180, v30;
	v32 =	vsel vm3, $0x200, v31;
	v0 =	vsel vm5, $0x300, v0  }
0x5c: {  	v15 =	vsel vm5, $0x2280, v15;
	v18 =	vsel vm5, $0x3000, v18;
	v19 =	vsel vm5, $0x3080, v19  }
0x5d: {  	v20 =	vsel vm5, $0x3100, v20;
	v21 =	vsel vm5, $0x3180, v21;
	v22 =	vsel vm5, $0x3200, v22  }
0x5e: {  	v23 =	vsel vm5, $0x3280, v23;
	v24 =	vsel vm5, $0x3300, v24;
	v34 =	vsel vm5, $0x3380, v25  }
0x5f: {  	v35 =	vsel vm5, $0x0, v26;
	v36 =	vsel vm5, $0x80, v27;
	v37 =	vsel vm5, $0x100, v28  }
0x60: {  	v38 =	vsel vm5, $0x180, v29;
	v39 =	vsel vm5, $0x200, v30;
	v32 =	vsel vm5, $0x280, v32  }
0x61: {  	v31 =	vsel vm6, $0x380, v0;
	v0 =	vsel vm5, $0x380, v1;
	v1 =	vsel vm5, $0x1000, v2  }
0x62: {  	v2 =	vsel vm5, $0x1080, v3;
	v3 =	vsel vm5, $0x1100, v4;
	v4 =	vsel vm5, $0x1180, v5  }
0x63: {  	v5 =	vsel vm5, $0x1200, v6;
	v6 =	vsel vm5, $0x1280, v7;
	v7 =	vsel vm5, $0x1300, v8  }
0x64: {  	v8 =	vsel vm5, $0x1380, v9;
	v9 =	vsel vm5, $0x2000, v10;
	v10 =	vsel vm5, $0x2080, v11  }
0x65: {  	v11 =	vsel vm5, $0x2100, v12;
	v12 =	vsel vm5, $0x2180, v13;
	v13 =	vsel vm5, $0x2200, v14  }
0x66: {  	v14 =	vimm.s32 $0x74533211;
	v29 =	vsel vm6, $0x3080, v18;
	v30 =	vsel vm6, $0x3100, v19  }
0x67: {  	v28 =	vsel vm6, $0x3180, v20;
	v27 =	vsel vm6, $0x3200, v21;
	v26 =	vsel vm6, $0x3280, v22  }
0x68: {  	v25 =	vsel vm6, $0x3300, v23;
	v24 =	vsel vm6, $0x3380, v24;
	v23 =	vsel vm6, $0x0, v34  }
0x69: {  	v22 =	vsel vm6, $0x80, v35;
	v21 =	vsel vm6, $0x100, v36;
	v20 =	vsel vm6, $0x180, v37  }
0x6a: {  	v19 =	vsel vm6, $0x200, v38;
	v18 =	vsel vm6, $0x280, v39;
	v35 =	vunpack.c.0.s8.s32 v62  }
0x6b: {  	v37 =	vunpack.c.0.s8.s32 v47;
	v38 =	vunpack.c.0.s8.s32 v48;
	v39 =	vunpack.c.0.s8.s32 v49  }
0x6c: {  	v47 =	vimm.s32 $0x61403F1E;
	v48 =	vimm.s32 $0x6241201F;
	v36 =	vunpack.c.0.s8.s32 v63  }
0x6d: {  	v34 =	vunpack.c.0.s8.s32 v52;
	v49 =	vimm.s32 $0xFBDAB998;
	v62 =	vimm.s32 $0xE0DFBE9D  }
0x6e: {  	v63 =	vimm.s32 $0xE1C0BF9E;
	v52 =	vimm.s32 $0xE2C1A09F;
	v0 =	vsel vm6, $0x1000, v0  }
0x6f: {  	v1 =	vsel vm6, $0x1080, v1;
	v2 =	vsel vm6, $0x1100, v2;
	v4 =	vsel vm6, $0x1200, v4  }
0x70: {  	v5 =	vsel vm6, $0x1280, v5;
	v6 =	vsel vm6, $0x1300, v6;
	v7 =	vsel vm6, $0x1380, v7  }
0x71: {  	v8 =	vsel vm6, $0x2000, v8;
	v9 =	vsel vm6, $0x2080, v9;
	v10 =	vsel vm6, $0x2100, v10  }
0x72: {  	v11 =	vsel vm6, $0x2180, v11;
	v12 =	vsel vm6, $0x2200, v12;
	v33 =	vunpack.c.0.s8.s32 v14  }
0x73: {  	v14 =	vsel vm6, $0x2300, v15;
	v15 =	vsel vm5, $0x2300, v16;
	v16 =	vsel vm5, $0x2380, v17  }
0x74: {  	v17 =	vimm.s32 $0xF8D7B695;
	v47 =	vunpack.c.0.s8.s32 v47;
	v48 =	vunpack.c.0.s8.s32 v48  }
0x75: {  	v31 =	vsel vm8, $0x1000, v31;
	v53 =	vunpack.c.0.s8.s32 v49;
	v49 =	vunpack.c.0.s8.s32 v54  }
0x76: {  	v29 =	vsel vm8, $0x3100, v29;
	v30 =	vsel vm8, $0x3180, v30;
	v28 =	vsel vm8, $0x3200, v28  }
0x77: {  	v27 =	vsel vm8, $0x3280, v27;
	v26 =	vsel vm8, $0x3300, v26;
	v25 =	vsel vm8, $0x3380, v25  }
0x78: {  	v24 =	vsel vm8, $0x0, v24;
	v23 =	vsel vm8, $0x80, v23;
	v22 =	vsel vm8, $0x100, v22  }
0x79: {  	v21 =	vsel vm8, $0x180, v21;
	v15 =	vsel vm6, $0x2380, v15;
	v16 =	vsel vm6, $0x3000, v16  }
0x7a: {  	v40 =	vunpack.c.0.s8.s32 v17;
	v17 =	vimm.s32 $0x75543312;
	v35 =	vand.u32 $0xFF, v35  }
0x7b: {  	v37 =	vand.u32 $0xFF, v37;
	v38 =	vand.u32 $0xFF, v38;
	v39 =	vand.u32 $0xFF, v39  }
0x7c: {  	v36 =	vand.u32 $0xFF, v36;
	v34 =	vand.u32 $0xFF, v34;
	v31 =	vsel vm10, $0x1080, v31  }
0x7d: {  	v0 =	vsel vm8, $0x1080, v0;
	v1 =	vsel vm8, $0x1100, v1;
	v2 =	vsel vm8, $0x1180, v2  }
0x7e: {  	v4 =	vsel vm8, $0x1280, v4;
	v5 =	vsel vm8, $0x1300, v5;
	v6 =	vsel vm8, $0x1380, v6  }
0x7f: {  	v7 =	vsel vm8, $0x2000, v7;
	v8 =	vsel vm8, $0x2080, v8;
	v9 =	vsel vm8, $0x2100, v9  }
0x80: {  	v10 =	vsel vm8, $0x2180, v10;
	v11 =	vsel vm8, $0x2200, v11;
	v12 =	vsel vm8, $0x2280, v12  }
0x81: {  	v29 =	vsel vm10, $0x3180, v29;
	v30 =	vsel vm10, $0x3200, v30;
	v28 =	vsel vm10, $0x3280, v28  }
0x82: {  	v27 =	vsel vm10, $0x3300, v27;
	v26 =	vsel vm10, $0x3380, v26;
	v25 =	vsel vm10, $0x0, v25  }
0x83: {  	v24 =	vsel vm10, $0x80, v24;
	v23 =	vsel vm10, $0x100, v23;
	v22 =	vsel vm10, $0x180, v22  }
0x84: {  	v21 =	vsel vm10, $0x200, v21;
	v33 =	vand.u32 $0xFF, v33;
	v41 =	vunpack.c.0.s8.s32 v17  }
0x85: {  	v17 =	vsel vm6, $0x300, v32;
	v35 =	vnsel vm7, $0x1E2, v35;
	v37 =	vnsel vm7, $0x1E3, v37  }
0x86: {  	v38 =	vnsel vm7, $0x1E4, v38;
	v39 =	vnsel vm7, $0x1E5, v39;
	v47 =	vand.u32 $0xFF, v47  }
0x87: {  	v48 =	vand.u32 $0xFF, v48;
	v55 =	vand.u32 $0xFF, v53;
	v57 =	vand.u32 $0xFF, v49  }
0x88: {  	v49 =	vunpack.c.0.s8.s32 v58;
	v58 =	vimm.s32 $0xE5C4A382;
	v15 =	vsel vm8, $0x3000, v15  }
0x89: {  	v16 =	vsel vm8, $0x3080, v16;
	v31 =	vsel vm11, $0x1100, v31;
	v0 =	vsel vm10, $0x1100, v0  }
0x8a: {  	v1 =	vsel vm10, $0x1180, v1;
	v2 =	vsel vm10, $0x1200, v2;
	v4 =	vsel vm10, $0x1300, v4  }
0x8b: {  	v5 =	vsel vm10, $0x1380, v5;
	v6 =	vsel vm10, $0x2000, v6;
	v7 =	vsel vm10, $0x2080, v7  }
0x8c: {  	v8 =	vsel vm10, $0x2100, v8;
	v9 =	vsel vm10, $0x2180, v9;
	v10 =	vsel vm10, $0x2200, v10  }
0x8d: {  	v11 =	vsel vm10, $0x2280, v11;
	v12 =	vsel vm10, $0x2300, v12;
	v29 =	vsel vm11, $0x3200, v29  }
0x8e: {  	v30 =	vsel vm11, $0x3280, v30;
	v28 =	vsel vm11, $0x3300, v28;
	v27 =	vsel vm11, $0x3380, v27  }
0x8f: {  	v26 =	vsel vm11, $0x0, v26;
	v25 =	vsel vm11, $0x80, v25;
	v24 =	vsel vm11, $0x100, v24  }
0x90: {  	v23 =	vsel vm11, $0x180, v23;
	v22 =	vsel vm11, $0x200, v22;
	v21 =	vsel vm11, $0x280, v21  }
0x91: {  	v59 =	vnsel vm7, $0x1E0, v33;
	v61 =	vand.u32 $0xFF, v40;
	v40 =	vunpack.c.0.s8.s32 v50  }
0x92: {  	v47 =	vnsel vm7, $0x1ED, v47;
	v48 =	vnsel vm7, $0x1EE, v48;
	v50 =	vimm.s32 $0xFDDCBB9A  }
0x93: {  	v34 =	vsel vm9, v34, v35;
	v35 =	vsel vm9, v55, v37;
	v37 =	vsel vm9, v57, v38  }
0x94: {  	v57 =	vimm.s32 $0xE4C3A281;
	v15 =	vsel vm10, $0x3080, v15;
	v16 =	vsel vm10, $0x3100, v16  }
0x95: {  	v31 =	vsel vm12, $0x1180, v31;
	v0 =	vsel vm11, $0x1180, v0;
	v1 =	vsel vm11, $0x1200, v1  }
0x96: {  	v2 =	vsel vm11, $0x1280, v2;
	v4 =	vsel vm11, $0x1380, v4;
	v5 =	vsel vm11, $0x2000, v5  }
0x97: {  	v6 =	vsel vm11, $0x2080, v6;
	v7 =	vsel vm11, $0x2100, v7;
	v8 =	vsel vm11, $0x2180, v8  }
0x98: {  	v9 =	vsel vm11, $0x2200, v9;
	v10 =	vsel vm11, $0x2280, v10;
	v11 =	vsel vm11, $0x2300, v11  }
0x99: {  	v28 =	vsel vm12, $0x3380, v28;
	v27 =	vsel vm12, $0x0, v27;
	v26 =	vsel vm12, $0x80, v26  }
0x9a: {  	v25 =	vsel vm12, $0x100, v25;
	v24 =	vsel vm12, $0x180, v24;
	v23 =	vsel vm12, $0x200, v23  }
0x9b: {  	v22 =	vsel vm12, $0x280, v22;
	v60 =	vand.u32 $0xFF, v41;
	v41 =	vunpack.c.0.s8.s32 v51  }
0x9c: {  	v32 =	vsel vm9, v61, v59;
	v56 =	vunpack.c.0.s8.s32 v50;
	v59 =	vimm.s32 $0xFFDEBD9C  }
0x9d: {  	v61 =	vand.u32 $0xFF, v49;
	v49 =	vunpack.c.0.s8.s32 v62;
	v50 =	vunpack.c.0.s8.s32 v63  }
0x9e: {  	v51 =	vimm.s32 $0xE6C5A483;
	v34 =	vsel vm8, $0x11B, v34;
	v37 =	vsel vm8, $0x11D, v37  }
0x9f: {  	v16 =	vsel vm11, $0x3180, v16;
	v31 =	vsel vm13, $0x1200, v31;
	v0 =	vsel vm12, $0x1200, v0  }
0xa0: {  	v1 =	vsel vm12, $0x1280, v1;
	v2 =	vsel vm12, $0x1300, v2;
	v4 =	vsel vm12, $0x2000, v4  }
0xa1: {  	v5 =	vsel vm12, $0x2080, v5;
	v6 =	vsel vm12, $0x2100, v6;
	v7 =	vsel vm12, $0x2180, v7  }
0xa2: {  	v8 =	vsel vm12, $0x2200, v8;
	v9 =	vsel vm12, $0x2280, v9;
	v10 =	vsel vm12, $0x2300, v10  }
0xa3: {  	v11 =	vsel vm12, $0x2380, v11;
	v28 =	vsel vm13, $0x0, v28;
	v27 =	vsel vm13, $0x80, v27  }
0xa4: {  	v26 =	vsel vm13, $0x100, v26;
	v25 =	vsel vm13, $0x180, v25;
	v24 =	vsel vm13, $0x200, v24  }
0xa5: {  	v23 =	vsel vm13, $0x280, v23;
	v22 =	vsel vm13, $0x300, v22;
	v62 =	vlaneseq.u32  }
0xa6: {  	v33 =	vnsel vm7, $0x1E1, v60;
	v40 =	vand.u32 $0xFF, v40;
	v60 =	vunpack.c.0.s8.s32 v59  }
0xa7: {  	v51 =	vunpack.c.0.s8.s32 v51;
	v32 =	vsel vm8, $0x119, v32;
	v34 =	vsel vm10, $0x13C, v34  }
0xa8: {  	v37 =	vsel vm10, $0x13E, v37;
	v16 =	vsel vm12, $0x3200, v16;
	v31 =	vsel vm14, $0x1280, v31  }
0xa9: {  	v0 =	vsel vm13, $0x1280, v0;
	v1 =	vsel vm13, $0x1300, v1;
	v2 =	vsel vm13, $0x1380, v2  }
0xaa: {  	v4 =	vsel vm13, $0x2080, v4;
	v5 =	vsel vm13, $0x2100, v5;
	v6 =	vsel vm13, $0x2180, v6  }
0xab: {  	v7 =	vsel vm13, $0x2200, v7;
	v8 =	vsel vm13, $0x2280, v8;
	v9 =	vsel vm13, $0x2300, v9  }
0xac: {  	v10 =	vsel vm13, $0x2380, v10;
	v11 =	vsel vm13, $0x3000, v11;
	v28 =	vsel vm14, $0x80, v28  }
0xad: {  	v27 =	vsel vm14, $0x100, v27;
	v22 =	vsel vm14, $0x380, v22;
	v40 =	vnsel vm7, $0x1E6, v40  }
0xae: {  	v41 =	vand.u32 $0xFF, v41;
	v33 =	vsel vm9, v36, v33;
	v36 =	vand.u32 $0xFF, v56  }
0xaf: {  	v53 =	vand.u32 $0xFF, v49;
	v54 =	vand.u32 $0xFF, v50;
	v56 =	vimm.s32 $0xE3C2A180  }
0xb0: {  	v49 =	vunpack.c.0.s8.s32 v57;
	v50 =	vunpack.c.0.s8.s32 v58;
	v32 =	vsel vm10, $0x13A, v32  }
0xb1: {  	v34 =	vsel vm11, $0x15D, v34;
	v37 =	vsel vm11, $0x15F, v37;
	v16 =	vsel vm13, $0x3280, v16  }
0xb2: {  	v0 =	vsel vm14, $0x1300, v0;
	v1 =	vsel vm14, $0x1380, v1;
	v2 =	vsel vm14, $0x2000, v2  }
0xb3: {  	v4 =	vsel vm14, $0x2100, v4;
	v5 =	vsel vm14, $0x2180, v5;
	v6 =	vsel vm14, $0x2200, v6  }
0xb4: {  	v7 =	vsel vm14, $0x2280, v7;
	v8 =	vsel vm14, $0x2300, v8;
	v9 =	vsel vm14, $0x2380, v9  }
0xb5: {  	v10 =	vsel vm14, $0x3000, v10;
	v11 =	vsel vm14, $0x3080, v11;
	v57 =	vsel vm14, $0x280, v24  }
0xb6: {  	v58 =	vsel vm15, $0x1300, v31;
	v41 =	vnsel vm7, $0x1E7, v41;
	v36 =	vsel vm9, v36, v39  }
0xb7: {  	v38 =	vand.u32 $0xFF, v60;
	v39 =	vsel vm9, v61, v40;
	v40 =	vunpack.c.0.s8.s32 v52  }
0xb8: {  	v55 =	vsel vm9, v54, v43;
	v43 =	vunpack.c.0.s8.s32 v56;
	v61 =	vand.u32 $0xFF, v51  }
0xb9: {  	v33 =	vsel vm8, $0x11A, v33;
	v32 =	vsel vm11, $0x15B, v32;
	v34 =	vsel vm12, $0x17E, v34  }
0xba: {  	v37 =	vsel vm12, $0x160, v37;
	v16 =	vsel vm14, $0x3300, v16;
	v0 =	vsel vm15, $0x1380, v0  }
0xbb: {  	v1 =	vsel vm15, $0x2000, v1;
	v2 =	vsel vm15, $0x2080, v2;
	v4 =	vsel vm15, $0x2180, v4  }
0xbc: {  	v51 =	vsel vm15, $0x3080, v10;
	v38 =	vsel vm9, v38, v41;
	v41 =	vsel vm9, v53, v42  }
0xbd: {  	v59 =	vand.u32 $0xFF, v49;
	v60 =	vand.u32 $0xFF, v50;
	v36 =	vsel vm8, $0x11E, v36  }
0xbe: {  	v39 =	vsel vm8, $0x11F, v39;
	v42 =	vsel vm8, $0x102, v55;
	v33 =	vsel vm10, $0x13B, v33  }
0xbf: {  	v32 =	vsel vm12, $0x17C, v32;
	v34 =	vsel vm13, $0x19F, v34;
	v37 =	vsel vm13, $0x181, v37  }
0xc0: {  	v53 =	vsel vm14, $0x180, v26;
	v26 =	vsel vm14, $0x200, v25;
	v50 =	vsel vm14, $0x300, v23  }
0xc1: {  	v49 =	vsel vm15, $0x2380, v8;
	v25 =	vsel vm15, $0x3000, v9;
	v24 =	vsel vm15, $0x3380, v16  }
0xc2: {  	v8 =	vsel vm15, $0x180, v27;
	v63 =	vmovc v0;
	v0 =	vsel vm15, $0x1000, v22;
	v40 =	vand.u32 $0xFF, v40  }
0xc3: {  	v43 =	vand.u32 $0xFF, v43;
	v38 =	vsel vm8, $0x100, v38;
	v41 =	vsel vm8, $0x101, v41  }
0xc4: {  	v36 =	vsel vm10, $0x13F, v36;
	v39 =	vsel vm10, $0x120, v39;
	v42 =	vsel vm10, $0x123, v42  }
0xc5: {  	v33 =	vsel vm11, $0x15C, v33;
	v32 =	vsel vm13, $0x19D, v32;
	v34 =	vsel vm14, $0x1A0, v34  }
0xc6: {  	v37 =	vsel vm14, $0x1A2, v37;
	[tilespmem:$0x1FC20] =	vst v8;
	v8 =	vsel vm15, $0x280, v26;
	v40 =	vsel vm9, v40, v44  }
0xc7: {  	v43 =	vsel vm9, v43, v45;
	v44 =	vsel vm9, v59, v46;
	v45 =	vsel vm9, v60, v47  }
0xc8: {  	v46 =	vsel vm9, v61, v48;
	v38 =	vsel vm10, $0x121, v38;
	v41 =	vsel vm10, $0x122, v41  }
0xc9: {  	v36 =	vsel vm11, $0x140, v36;
	v39 =	vsel vm11, $0x141, v39;
	v33 =	vsel vm12, $0x17D, v33  }
0xca: {  	v32 =	vsel vm14, $0x1BE, v32;
	v9 =	vsel vm15, $0x1C3, v37;
	v40 =	vsel vm8, $0x103, v40  }
0xcb: {  	v43 =	vsel vm8, $0x104, v43;
	v44 =	vsel vm8, $0x105, v44;
	v45 =	vsel vm8, $0x106, v45  }
0xcc: {  	v46 =	vsel vm8, $0x107, v46;
	v38 =	vsel vm11, $0x142, v38;
	v41 =	vsel vm11, $0x143, v41  }
0xcd: {  	v36 =	vsel vm12, $0x161, v36;
	v39 =	vsel vm12, $0x162, v39;
	[tilespmem:$0x1FC30] =	vst v9;
	v9 =	vsel vm15, $0x200, v53  }
0xce: {  	v40 =	vsel vm10, $0x124, v40;
	v44 =	vsel vm10, $0x126, v44;
	v45 =	vsel vm10, $0x127, v45  }
0xcf: {  	v46 =	vsel vm10, $0x128, v46;
	v38 =	vsel vm12, $0x163, v38;
	v41 =	vsel vm12, $0x164, v41  }
0xd0: {  	v36 =	vsel vm13, $0x182, v36;
	v39 =	vsel vm13, $0x183, v39;
	v40 =	vsel vm11, $0x145, v40  }
0xd1: {  	v44 =	vsel vm11, $0x147, v44;
	v45 =	vsel vm11, $0x148, v45;
	v46 =	vsel vm11, $0x149, v46  }
0xd2: {  	[tilespmem:$0x1FCC0] =	vst v0;
	v38 =	vsel vm13, $0x184, v38;
	v41 =	vsel vm13, $0x185, v41;
	v36 =	vsel vm14, $0x1A3, v36  }
0xd3: {  	[tilespmem:$0x1FC60] =	vst v8;
	v39 =	vsel vm14, $0x1A4, v39;
	v40 =	vsel vm12, $0x166, v40;
	v44 =	vsel vm12, $0x168, v44  }
0xd4: {  	[tilespmem:$0x1FC40] =	vst v9;
	v45 =	vsel vm12, $0x169, v45;
	v46 =	vsel vm12, $0x16A, v46;
	v10 =	vsel vm15, $0x1C4, v36  }
0xd5: {  	v38 =	vsel vm14, $0x1A5, v38;
	v8 =	vsel vm15, $0x1C5, v39;
	v46 =	vsel vm13, $0x18B, v46;
	[tilespmem:$0x1FC50] =	vst v10  }
0xd6: {  	v41 =	vsel vm14, $0x1A6, v41;
	[tilespmem:$0x1FC70] =	vst v8;
	v8 =	vsel vm15, $0x300, v57;
	v48 =	vsel vm14, $0x1AC, v46  }
0xd7: {  	v46 =	vsel vm15, $0x2200, v5;
	v5 =	vsel vm15, $0x2280, v6;
	[tilespmem:$0x1FC80] =	vst v8;
	v8 =	vsel vm15, $0x1C6, v38  }
0xd8: {  	v6 =	vsel vm15, $0x2300, v7;
	v7 =	vsel vm15, $0x3100, v11;
	v11 =	vsel vm15, $0x1C7, v41;
	[tilespmem:$0x1FC90] =	vst v8  }
0xd9: {  	v40 =	vsel vm13, $0x187, v40;
	v44 =	vsel vm13, $0x189, v44;
	v16 =	vmovc v7;
	v7 =	vsel vm15, $0x1DF, v32;
	[tilespmem:$0x1FCB0] =	vst v11  }
0xda: {  	v45 =	vsel vm13, $0x18A, v45;
	v40 =	vsel vm14, $0x1A8, v40;
	v8 =	vsel vm15, $0x380, v50;
	[tilespmem:$0x1FC00] =	vst v7  }
0xdb: {  	s0 =	rddreg [dreg:$0x0];
	s2 =	simm.s32 $0x0;
	v47 =	vsel vm14, $0x1AB, v45;
	v45 =	vmul.u32 $0x21, v62;
	v7 =	vsel vm15, $0x1C1, v34;
	[tilespmem:$0x1FCA0] =	vst v8  }
0xdc: {  	[smem:$0x7FF] =	sst s2;
	v43 =	vsel vm10, $0x125, v43;
	v59 =	vsel vm14, $0x1AA, v44;
	v0 =	vsel vm15, $0x1C9, v40;
	[tilespmem:$0x1FC10] =	vst v7  }
0xdd: {  	s1 =	rddreg [dreg:$0x1];
	v33 =	vsel vm13, $0x19E, v33;
	v43 =	vsel vm11, $0x146, v43;
	v37 =	vmovc v45;
	v40 =	vmovc v1;
	v1 =	vsel vm15, $0x1CB, v59;
	_ =	strace $0x80000047;
	[tilespmem:$0x1FCD0] =	vst v0  }
0xde: {  	v33 =	vsel vm14, $0x1BF, v33;
	v43 =	vsel vm12, $0x167, v43;
	v32 =	vmovc v2;
	v2 =	vadd.s32 $0x10, v37;
	[tilespmem:$0x1FD10] =	vst v1  }
0xdf: {  	v42 =	vsel vm11, $0x144, v42;
	v54 =	vsel vm15, $0x1C0, v33;
	v43 =	vsel vm13, $0x188, v43;
	[tilespmem:$0x1FD50] =	vst v2  }
0xe0: {  	v23 =	vsel vm14, $0x1A9, v43;
	v34 =	vmovc v6;
	v38 =	vadd.s32 $0x1, v45;
	v6 =	vadd.s32 $0x4, v45;
	[tilespmem:$0x1FD60] =	vst v58  }
0xe1: {  	v33 =	vmovc v4;
	v4 =	vadd.s32 $0x2, v45;
	v43 =	vadd.s32 $0x3, v45;
	v45 =	vadd.s32 $0x5, v45;
	[tilespmem:$0x1FD70] =	vst v6  }
0xe2: {  	v12 =	vsel vm11, $0x2380, v12;
	v28 =	vsel vm15, $0x100, v28;
	v42 =	vsel vm12, $0x165, v42;
	[tilespmem:$0x1FD80] =	vst v45  }
0xe3: {  	v29 =	vsel vm12, $0x3280, v29;
	v21 =	vsel vm12, $0x300, v21;
	v42 =	vsel vm13, $0x186, v42;
	[tilespmem:$0x1FDC0] =	vst v28  }
0xe4: {  	v15 =	vsel vm11, $0x3100, v15;
	v21 =	vsel vm13, $0x380, v21;
	v61 =	vsel vm14, $0x1A7, v42;
	[tilespmem:$0x1FDD0] =	vst v32  }
0xe5: {  	v12 =	vsel vm12, $0x3000, v12;
	v21 =	vsel vm14, $0x1000, v21;
	v11 =	vsel vm15, $0x1C8, v61;
	[tilespmem:$0x1FDE0] =	vst v34  }
0xe6: {  	v15 =	vsel vm12, $0x3180, v15;
	v12 =	vsel vm13, $0x3080, v12;
	v10 =	vsel vm15, $0x1080, v21;
	[tilespmem:$0x1FDF0] =	vst v11  }
0xe7: {  	v30 =	vsel vm12, $0x3300, v30;
	v15 =	vsel vm13, $0x3200, v15;
	v12 =	vsel vm14, $0x3100, v12;
	[tilespmem:$0x1FE10] =	vst v10  }
0xe8: {  	v35 =	vsel vm8, $0x11C, v35;
	v15 =	vsel vm14, $0x3280, v15;
	v12 =	vsel vm15, $0x3180, v12;
	[tilespmem:$0x1FE20] =	vst v16  }
0xe9: {  	v29 =	vsel vm13, $0x3300, v29;
	v30 =	vsel vm13, $0x3380, v30;
	v15 =	vsel vm15, $0x3300, v15;
	[tilespmem:$0x1FE30] =	vst v12  }
0xea: {  	v35 =	vsel vm10, $0x13D, v35;
	v29 =	vsel vm14, $0x3380, v29;
	v30 =	vsel vm14, $0x0, v30;
	[tilespmem:$0x1FE60] =	vst v15  }
0xeb: {  	v35 =	vsel vm11, $0x15E, v35;
	v44 =	vsel vm15, $0x0, v29;
	v29 =	vsel vm15, $0x80, v30;
	[tilespmem:$0x1FE70] =	vst v24  }
0xec: {  	v3 =	vsel vm6, $0x1180, v3;
	v35 =	vsel vm12, $0x17F, v35;
	[tilespmem:$0x1FE80] =	vst v29  }
0xed: {  	v3 =	vsel vm8, $0x1200, v3;
	v35 =	vsel vm13, $0x180, v35;
	[tilespmem:$0x1FEC0] =	vst v38  }
0xee: {  	v3 =	vsel vm10, $0x1280, v3;
	v35 =	vsel vm14, $0x1A1, v35;
	[tilespmem:$0x1FED0] =	vst v25  }
0xef: {  	v3 =	vsel vm11, $0x1300, v3;
	v60 =	vsel vm15, $0x1C2, v35;
	[tilespmem:$0x1FEE0] =	vst v54  }
0xf0: {  	v3 =	vsel vm12, $0x1380, v3;
	[tilespmem:$0x1FEF0] =	vst v60  }
0xf1: {  	v3 =	vsel vm13, $0x2000, v3;
	[tilespmem:$0x1FF00] =	vst v5  }
0xf2: {  	v3 =	vsel vm14, $0x2080, v3;
	[tilespmem:$0x1FF10] =	vst v51  }
0xf3: {  	v3 =	vsel vm15, $0x2100, v3;
	[tilespmem:$0x1FF20] =	vst v44  }
0xf4: {  	[tilespmem:$0x1FF30] =	vst v3  }
0xf5: {  	v53 =	vadd.s32 $0xB, v37;
	[tilespmem:$0x1FF40] =	vst v37  }
0xf6: {  	v20 =	vsel vm8, $0x200, v20;
	[tilespmem:$0x1FF50] =	vst v53  }
0xf7: {  	v20 =	vsel vm10, $0x280, v20;
	[tilespmem:$0x1FF60] =	vst v33  }
0xf8: {  	v20 =	vsel vm11, $0x300, v20;
	v61 =	vadd.s32 $0xC, v37;
	[tilespmem:$0x1FF70] =	vst v40  }
0xf9: {  	v20 =	vsel vm12, $0x380, v20;
	[tilespmem:$0x1FFA0] =	vst v61  }
0xfa: {  	v20 =	vsel vm13, $0x1000, v20;
	v22 =	vadd.s32 $0xD, v37;
	[tilespmem:$0x1FFB0] =	vst v43  }
0xfb: {  	v13 =	vsel vm6, $0x2280, v13;
	v19 =	vsel vm8, $0x280, v19;
	v20 =	vsel vm14, $0x1080, v20;
	[tilespmem:$0x1FFD0] =	vst v22  }
0xfc: {  	v18 =	vsel vm8, $0x300, v18;
	v14 =	vsel vm8, $0x2380, v14;
	v0 =	vsel vm15, $0x1100, v20;
	[tilespmem:$0x1FFF0] =	vst v4  }
0xfd: {  	v13 =	vsel vm8, $0x2300, v13;
	v14 =	vsel vm10, $0x3000, v14;
	v8 =	vmovc v46;
	v46 =	vadd.s32 $0x6, v37;
	[tilespmem:$0x1FCE0] =	vst v0  }
0xfe: {  	v19 =	vsel vm10, $0x300, v19;
	v14 =	vsel vm11, $0x3080, v14;
	v1 =	vsel vm15, $0x1CC, v47;
	[tilespmem:$0x1FD90] =	vst v46  }
0xff: {  	v18 =	vsel vm10, $0x380, v18;
	v19 =	vsel vm11, $0x380, v19;
	v14 =	vsel vm12, $0x3100, v14;
	[tilespmem:$0x1FDB0] =	vst v1  }
0x100: {  	v19 =	vsel vm12, $0x1000, v19;
	v14 =	vsel vm13, $0x3180, v14;
	v47 =	vadd.s32 $0x9, v37;
	[tilespmem:$0x1FE00] =	vst v8  }
0x101: {  	v19 =	vsel vm13, $0x1080, v19;
	v14 =	vsel vm14, $0x3200, v14;
	v0 =	vsel vm15, $0x1CA, v23;
	[tilespmem:$0x1FEA0] =	vst v47  }
0x102: {  	v19 =	vsel vm14, $0x1100, v19;
	v14 =	vsel vm15, $0x3280, v14;
	v7 =	vmovc v63;
	v63 =	vadd.s32 $0xA, v37;
	[tilespmem:$0x1FCF0] =	vst v0  }
0x103: {  	v13 =	vsel vm10, $0x2380, v13;
	v18 =	vsel vm11, $0x1000, v18;
	v17 =	vsel vm8, $0x380, v17;
	[tilespmem:$0x1FEB0] =	vst v63  }
0x104: {  	v13 =	vsel vm11, $0x3000, v13;
	v18 =	vsel vm12, $0x1080, v18;
	v0 =	vsel vm15, $0x1180, v19;
	[tilespmem:$0x1FF80] =	vst v7  }
0x105: {  	v13 =	vsel vm12, $0x3080, v13;
	v18 =	vsel vm13, $0x1100, v18;
	v19 =	vmovc v14;
	v14 =	vmovc v49;
	v49 =	vadd.s32 $0x7, v37;
	[tilespmem:$0x1FD00] =	vst v0  }
0x106: {  	s3 =	srdreg.scid;
	s4 =	stileid.u32;
	s15 =	simm.s32 $0x4000;
	v17 =	vsel vm10, $0x1000, v17;
	v13 =	vsel vm13, $0x3100, v13;
	v18 =	vsel vm14, $0x1180, v18;
	[tilespmem:$0x1FDA0] =	vst v49  }
0x107: {  	s16 =	simm.s32 $0x1;
	s17 =	simm.s32 $0x8000;
	s18 =	simm.s32 $0x2;
	v17 =	vsel vm11, $0x1080, v17;
	v13 =	vsel vm14, $0x3180, v13;
	[tilespmem:$0x1FE50] =	vst v19  }
0x108: {  	s19 =	simm.s32 $0xC000;
	s20 =	simm.s32 $0x3;
	s21 =	simm.s32 $0x4;
	v17 =	vsel vm12, $0x1100, v17;
	v13 =	vsel vm15, $0x3200, v13;
	v0 =	vsel vm15, $0x1200, v18;
	[tilespmem:$0x1FE90] =	vst v14  }
0x109: {  	s22 =	simm.s32 $0x0;
	s3 =	sand.u32 $0x1, s3;
	s4 =	sshll.u32 s4, $0x1;
	v17 =	vsel vm13, $0x1180, v17;
	v18 =	vmov v13;
	[tilespmem:$0x1FD20] =	vst v0  }
0x10a: {  	s5 =	sadd.s32 $0xA00, s1;
	s6 =	sadd.s32 $0xC00, s1;
	s7 =	ssub.s32 $0x2, s3;
	v17 =	vsel vm14, $0x1200, v17;
	v13 =	vadd.s32 $0x8, v37;
	[tilespmem:$0x1FE40] =	vst v18  }
.Ltmp0:
0x10b: {  	[dreg:$0x3] =	wrdreg s5;
	s5 =	sor.u32 s3, s4;
	v0 =	vsel vm15, $0x1280, v17;
	[tilespmem:$0x1FFE0] =	vst v13;
	(pc) =	sbr.rel .LBB2_1-.Ltmp0, $4  }
0x10c: {  	s1 =	sadd.s32 $0x3D1400, s1;
	s30 =	sshrl.u32 s7, $0x1;
	s4 =	sshll.u32 s5, $0x9;
	[tilespmem:$0x1FD30] =	vst v0;
	v0 =	vsel vm15, $0x1CD, v48  }
0x10d: {  	s3 =	ssub.s32 s7, s30;
	[dreg:$0x4] =	wrdreg s1;
	s8 =	sadd.s32 s0, s4;
	v48 =	vadd.s32 $0xE, v37;
	[tilespmem:$0x1FD40] =	vst v0  }
0x10e: {  	v39 =	vlaneseq.u32;
	v21 =	vmovc v24;
	v57 =	vmov v25;
	s10 =	sor.u32 $0x40, s5;
	s11 =	sor.u32 $0x60, s5;
	s31 =	sadd.s32 $0x4000, s8;
	v0 =	vadd.s32 $0xF, v37;
	[tilespmem:$0x1FFC0] =	vst v48  }
0x10f: {  	v36 =	vmovc v3;
	v27 =	vmovc v29;
	v9 =	vmov v5;
	v20 =	vmov v15;
	s12 =	smax.u32 s3, $0x1;
	p0 =	sne.s32 s5, $0x1F;
	v17 =	vmov v12;
	[dreg:$0x5] =	wrdreg s31;
	[tilespmem:$0x1FF90] =	vst v0  }
.LBB2_9:
0x110: {  	s22 =	sadd.s32 $0x1, s22  }
0x111: {  	_ =	swait.ge [sflag:s20], $0x4000;
	p1 =	sne.s32 s22, s12  }
.Ltmp1:
0x112: {  	[sflag:s20] =	ssyncset.done $0x0;
	(pc) =	sbr.rel @!p1 .LBB2_10-.Ltmp1, $4  }
0x113: {  	[sflag:s20] =	ssyncadd.s32 $0xFFFFC000  }
0x114: {  	_ =	swait.ge [sflag:s21], $0x4000  }
0x115: {  	[sflag:s21] =	ssyncset.done $0x0  }
0x116: {  	[sflag:s21] =	ssyncadd.s32 $0xFFFFC000  }
.LBB2_1:
0x117: {  	s1 =	simm.s32 @!p0 $0x0;
	s3 =	simm.s32 @!p0 $0x10000;
	s4 =	rddreg [dreg:$0x3]  }
0x118: {  	[tilespmem:s3], [sflag:$0x5] =	stream.linear.gather @!p0 [hbm4b:s4+s1], $0x800, $0x38;
	[tilespmem:$0x10800] =	vst v63  }
0x119: {  	s4 =	simm.s32 @!p0 $0x5  }
0x11a: {  	_ =	swait.ge @!p0 [sflag:s4], $0x800  }
0x11b: {  	[sflag:s4] =	ssyncset.done @!p0 $0x0  }
0x11c: {  	s7 =	rddreg [dreg:$0x4];
	[sflag:s4] =	ssyncadd.s32 @!p0 $0xFFFFF800  }
0x11d: {  	[hbm4b:s7+s1] =	stream.linear.scatter @!p0 [tilespmem:s3], [sflag:$0x5], $0x800, $0x38;
	[tilespmem:$0x10800] =	vst v63  }
0x11e: {  	_ =	swait.ge @!p0 [sflag:s4], $0x800  }
.Ltmp2:
0x11f: {  	[sflag:s4] =	ssyncset.done @!p0 $0x0;
	(pc) =	sbr.rel .LBB2_2-.Ltmp2, $4  }
0x120: {  	s29 =	simm.s32 $0x1000;
	s30 =	simm.s32 $0x7A1400;
	[sflag:s4] =	ssyncadd.s32 @!p0 $0xFFFFF800  }
0x121: {  	[tilespmem:s2], [sflag:$0x1] =	stream.strided.gather [hbm4b:s8+s29], $0x4000, s30, s29, $0x38;
	[tilespmem:$0x10800] =	vst v63  }
0x122: {  	s23 =	simm.s32 $0x0;
	s31 =	rddreg [dreg:$0x5]  }
0x123: {  	[tilespmem:s15], [sflag:$0x2] =	stream.strided.gather [hbm4b:s31+s29], $0x4000, s30, s29, $0x38;
	[tilespmem:$0x10800] =	vst v63  }
.LBB2_8:
0x124: {  	s23 =	sadd.s32 $0x1, s23  }
0x125: {  	v58 =	vld [tilespmem:$0x1FD60];
	p1 =	sne.s32 s23, $0x1F  }
.Ltmp3:
0x126: {  	v54 =	vmov v6;
	v6 =	vld [tilespmem:$0x1FD70];
	(pc) =	sbr.rel @!p1 .LBB2_9-.Ltmp3, $4  }
0x127: {  	v45 =	vld [tilespmem:$0x1FD80]  }
0x128: {  	v27 =	vmov v46;
	v46 =	vld [tilespmem:$0x1FD90]  }
0x129: {  	v44 =	vmov v49;
	v49 =	vld [tilespmem:$0x1FDA0]  }
0x12a: {  	v60 =	vmov v56;
	v51 =	vmov v2;
	v28 =	vld [tilespmem:$0x1FDC0]  }
.LBB2_2:
0x12b: {  	s1 =	simm.s32 $0x10  }
0x12c: {  	v1 =	vmov s1  }
0x12d: {  	v2 =	vor.u32 s1, v39;
	v1 =	vshll.u32 v1, $0x3  }
0x12e: {  	v2 =	vand.u32 $0x7F, v2;
	v1 =	vand.u32 $0xC00, v1  }
0x12f: {  	_ =	swait.ge [sflag:s16], $0x4000;
	v56 =	vor.u32 v1, v2  }
0x130: {  	p1 =	seq.s32 s23, $0x0;
	[sflag:s16] =	ssyncset.done $0x0;
	v1 =	vor.u32 v58, v56  }
0x131: {  	s1 =	simm.s32 @!p1 $0x3;
	[sflag:s16] =	ssyncadd.s32 $0xFFFFC000  }
0x132: {  	_ =	swait.ge @!p1 [sflag:s1], $0x4000  }
0x133: {  	[sflag:s1] =	ssyncset.done @!p1 $0x0  }
0x134: {  	s28 =	simm.s32 $0x200;
	[sflag:s1] =	ssyncadd.s32 @!p1 $0xFFFFC000  }
0x135: {  	v2 =	vor.u32 s28, v37;
	v1 =	vld.idx.msk [tilespmem:v1+s2+$0x0], $0xffff  }
0x136: {  	v3 =	vor.u32 v7, v56;
	_ =	sdelay $0x3  }
0x137: {  	[tilespmem:v2+s17+$0x0] =	vst.idx.msk $0xffff, v1  }
0x138: {  	v2 =	vor.u32 s28, v38;
	v1 =	vld.idx.msk [tilespmem:v3+s2+$0x0], $0xffff  }
0x139: {  	v3 =	vor.u32 v40, v56;
	_ =	sdelay $0x3  }
0x13a: {  	[tilespmem:v2+s17+$0x0] =	vst.idx.msk $0xffff, v1  }
0x13b: {  	v2 =	vor.u32 s28, v4;
	v1 =	vld.idx.msk [tilespmem:v3+s2+$0x0], $0xffff  }
0x13c: {  	v3 =	vor.u32 v32, v56;
	_ =	sdelay $0x3  }
0x13d: {  	s4 =	simm.s32 $0x0;
	[tilespmem:v2+s17+$0x0] =	vst.idx.msk $0xffff, v1  }
0x13e: {  	v2 =	vor.u32 s28, v43;
	v1 =	vld.idx.msk [tilespmem:v3+s2+$0x0], $0xffff;
	v3 =	vmov s4  }
0x13f: {  	v29 =	vmovc v4;
	v5 =	vor.u32 s4, v39;
	v4 =	vor.u32 v36, v56;
	v3 =	vshll.u32 v3, $0x3  }
0x140: {  	v5 =	vand.u32 $0x6F, v5;
	v3 =	vand.u32 $0xC00, v3  }
0x141: {  	v3 =	vor.u32 v3, v5  }
0x142: {  	v5 =	vor.u32 v58, v3  }
0x143: {  	[tilespmem:v2+s17+$0x0] =	vst.idx.msk $0xffff, v1  }
0x144: {  	v2 =	vor.u32 s28, v6;
	v1 =	vld.idx.msk [tilespmem:v4+s2+$0x0], $0xffff  }
0x145: {  	v4 =	vor.u32 v33, v56  }
0x146: {  	s29 =	simm.s32 $0x0  }
0x147: {  	v31 =	vmov v6;
	v6 =	vor.u32 s29, v37;
	v5 =	vld.idx.msk [tilespmem:v5+s2+$0x0], $0xffff  }
0x148: {  	v55 =	vmov v32;
	v32 =	vmov v7;
	v7 =	vor.u32 v7, v3  }
0x149: {  	[tilespmem:v2+s17+$0x0] =	vst.idx.msk $0xffff, v1  }
0x14a: {  	v2 =	vor.u32 s28, v45;
	v1 =	vld.idx.msk [tilespmem:v4+s2+$0x0], $0xffff  }
0x14b: {  	v4 =	vor.u32 v8, v56  }
0x14c: {  	[tilespmem:v6+s17+$0x0] =	vst.idx.msk $0xffff, v5  }
0x14d: {  	v6 =	vor.u32 s29, v38;
	v5 =	vld.idx.msk [tilespmem:v7+s2+$0x0], $0xffff  }
0x14e: {  	v7 =	vor.u32 v40, v3  }
0x14f: {  	[tilespmem:v2+s17+$0x0] =	vst.idx.msk $0xffff, v1  }
0x150: {  	v2 =	vor.u32 s28, v46;
	v1 =	vld.idx.msk [tilespmem:v4+s2+$0x0], $0xffff  }
0x151: {  	v4 =	vor.u32 v9, v56  }
0x152: {  	s7 =	simm.s32 $0x30;
	s3 =	simm.s32 $0x20;
	[tilespmem:v6+s17+$0x0] =	vst.idx.msk $0xffff, v5  }
0x153: {  	v10 =	vmov s3;
	v11 =	vmov s7;
	v5 =	vor.u32 s29, v29;
	v7 =	vld.idx.msk [tilespmem:v7+s2+$0x0], $0xffff  }
0x154: {  	v11 =	vshll.u32 v11, $0x3;
	v10 =	vshll.u32 v10, $0x3;
	v6 =	vor.u32 v55, v3  }
0x155: {  	v59 =	vmovc v8;
	v11 =	vand.u32 $0xC00, v11;
	v8 =	vor.u32 v34, v56;
	[tilespmem:v2+s17+$0x0] =	vst.idx.msk $0xffff, v1;
	v2 =	vor.u32 s7, v39  }
0x156: {  	v25 =	vmovc v34;
	v34 =	vmovc v9;
	v9 =	vor.u32 s28, v49;
	v1 =	vor.u32 s3, v39;
	v4 =	vld.idx.msk [tilespmem:v4+s2+$0x0], $0xffff;
	v2 =	vand.u32 $0x7F, v2  }
0x157: {  	v10 =	vand.u32 $0xC00, v10;
	v12 =	vand.u32 $0x6F, v1;
	v1 =	vor.u32 v11, v2  }
0x158: {  	v62 =	vmov v43;
	v2 =	vor.u32 v10, v12;
	v10 =	vor.u32 v58, v1;
	[tilespmem:v5+s17+$0x0] =	vst.idx.msk $0xffff, v7  }
0x159: {  	v5 =	vor.u32 v58, v2;
	v7 =	vor.u32 s29, v62;
	v6 =	vld.idx.msk [tilespmem:v6+s2+$0x0], $0xffff  }
0x15a: {  	v11 =	vor.u32 v36, v3  }
0x15b: {  	[tilespmem:v9+s17+$0x0] =	vst.idx.msk $0xffff, v4  }
0x15c: {  	s26 =	simm.s32 $0x600;
	v4 =	vor.u32 s28, v13;
	v8 =	vld.idx.msk [tilespmem:v8+s2+$0x0], $0xffff  }
0x15d: {  	s25 =	simm.s32 $0x400;
	v24 =	vmovc v21;
	v21 =	vmov v13;
	v12 =	vor.u32 s26, v37;
	v9 =	vor.u32 v14, v56;
	v10 =	vld.idx.msk [tilespmem:v10+s2+$0x0], $0xffff  }
0x15e: {  	v30 =	vmov v14;
	v13 =	vor.u32 s25, v37;
	v14 =	vor.u32 v32, v1;
	v5 =	vld.idx.msk [tilespmem:v5+s2+$0x0], $0xffff;
	[tilespmem:v7+s17+$0x0] =	vst.idx.msk $0xffff, v6  }
0x15f: {  	v6 =	vor.u32 v32, v2;
	v7 =	vld.idx.msk [tilespmem:v11+s2+$0x0], $0xffff;
	v11 =	vor.u32 s29, v31  }
0x160: {  	v15 =	vor.u32 v33, v3  }
0x161: {  	[tilespmem:v4+s17+$0x0] =	vst.idx.msk $0xffff, v8  }
0x162: {  	v23 =	vmov v38;
	v8 =	vor.u32 s28, v47;
	v4 =	vld.idx.msk [tilespmem:v9+s2+$0x0], $0xffff;
	[tilespmem:v12+s17+$0x0] =	vst.idx.msk $0xffff, v10  }
0x163: {  	v9 =	vor.u32 v57, v56;
	[tilespmem:v13+s17+$0x0] =	vst.idx.msk $0xffff, v5;
	v10 =	vor.u32 s26, v23;
	v5 =	vld.idx.msk [tilespmem:v14+s2+$0x0], $0xffff  }
0x164: {  	v12 =	vor.u32 s25, v23;
	v13 =	vor.u32 v40, v1;
	v6 =	vld.idx.msk [tilespmem:v6+s2+$0x0], $0xffff;
	[tilespmem:v11+s17+$0x0] =	vst.idx.msk $0xffff, v7  }
0x165: {  	v14 =	vor.u32 s29, v45;
	v7 =	vor.u32 v40, v2;
	v11 =	vld.idx.msk [tilespmem:v15+s2+$0x0], $0xffff  }
0x166: {  	v15 =	vor.u32 v59, v3  }
0x167: {  	[tilespmem:v8+s17+$0x0] =	vst.idx.msk $0xffff, v4  }
0x168: {  	v8 =	vor.u32 s28, v63;
	v4 =	vld.idx.msk [tilespmem:v9+s2+$0x0], $0xffff;
	[tilespmem:v10+s17+$0x0] =	vst.idx.msk $0xffff, v5  }
0x169: {  	v5 =	vor.u32 v51, v56;
	[tilespmem:v12+s17+$0x0] =	vst.idx.msk $0xffff, v6;
	v9 =	vor.u32 s26, v29;
	v6 =	vld.idx.msk [tilespmem:v13+s2+$0x0], $0xffff  }
0x16a: {  	v10 =	vor.u32 s25, v29;
	v12 =	vor.u32 v55, v1;
	v7 =	vld.idx.msk [tilespmem:v7+s2+$0x0], $0xffff;
	[tilespmem:v14+s17+$0x0] =	vst.idx.msk $0xffff, v11  }
0x16b: {  	v11 =	vor.u32 v55, v2;
	v14 =	vor.u32 s29, v46;
	v13 =	vld.idx.msk [tilespmem:v15+s2+$0x0], $0xffff  }
0x16c: {  	v15 =	vor.u32 v34, v3  }
0x16d: {  	[tilespmem:v8+s17+$0x0] =	vst.idx.msk $0xffff, v4  }
0x16e: {  	v4 =	vld.idx.msk [tilespmem:v5+s2+$0x0], $0xffff;
	v5 =	vor.u32 s28, v53;
	[tilespmem:v9+s17+$0x0] =	vst.idx.msk $0xffff, v6  }
0x16f: {  	v8 =	vor.u32 s26, v62;
	v6 =	vor.u32 v16, v56;
	[tilespmem:v10+s17+$0x0] =	vst.idx.msk $0xffff, v7;
	v7 =	vld.idx.msk [tilespmem:v12+s2+$0x0], $0xffff  }
0x170: {  	v10 =	vor.u32 s25, v62;
	v9 =	vld.idx.msk [tilespmem:v11+s2+$0x0], $0xffff;
	v11 =	vor.u32 v36, v1;
	[tilespmem:v14+s17+$0x0] =	vst.idx.msk $0xffff, v13  }
0x171: {  	v12 =	vor.u32 v36, v2;
	v14 =	vor.u32 s29, v49;
	v13 =	vld.idx.msk [tilespmem:v15+s2+$0x0], $0xffff  }
0x172: {  	v15 =	vor.u32 v25, v3  }
0x173: {  	[tilespmem:v5+s17+$0x0] =	vst.idx.msk $0xffff, v4  }
0x174: {  	v5 =	vor.u32 s28, v61;
	v4 =	vld.idx.msk [tilespmem:v6+s2+$0x0], $0xffff;
	[tilespmem:v8+s17+$0x0] =	vst.idx.msk $0xffff, v7  }
0x175: {  	v6 =	vor.u32 v17, v56;
	[tilespmem:v10+s17+$0x0] =	vst.idx.msk $0xffff, v9;
	v8 =	vor.u32 s26, v31;
	v7 =	vld.idx.msk [tilespmem:v11+s2+$0x0], $0xffff  }
0x176: {  	v10 =	vor.u32 s25, v31;
	v9 =	vld.idx.msk [tilespmem:v12+s2+$0x0], $0xffff;
	v11 =	vor.u32 v33, v1;
	[tilespmem:v14+s17+$0x0] =	vst.idx.msk $0xffff, v13  }
0x177: {  	v12 =	vor.u32 v33, v2;
	v13 =	vor.u32 s29, v21;
	v14 =	vld.idx.msk [tilespmem:v15+s2+$0x0], $0xffff  }
0x178: {  	v15 =	vor.u32 v30, v3  }
0x179: {  	[tilespmem:v5+s17+$0x0] =	vst.idx.msk $0xffff, v4  }
0x17a: {  	v5 =	vor.u32 s28, v22;
	v4 =	vld.idx.msk [tilespmem:v6+s2+$0x0], $0xffff;
	[tilespmem:v8+s17+$0x0] =	vst.idx.msk $0xffff, v7  }
0x17b: {  	v6 =	vor.u32 v18, v56;
	[tilespmem:v10+s17+$0x0] =	vst.idx.msk $0xffff, v9;
	v8 =	vor.u32 s26, v45;
	v7 =	vld.idx.msk [tilespmem:v11+s2+$0x0], $0xffff  }
0x17c: {  	v10 =	vor.u32 s25, v45;
	v9 =	vld.idx.msk [tilespmem:v12+s2+$0x0], $0xffff;
	v11 =	vor.u32 v59, v1;
	[tilespmem:v13+s17+$0x0] =	vst.idx.msk $0xffff, v14  }
0x17d: {  	v12 =	vor.u32 v59, v2;
	v14 =	vor.u32 s29, v47;
	v13 =	vld.idx.msk [tilespmem:v15+s2+$0x0], $0xffff  }
0x17e: {  	v15 =	vor.u32 v57, v3  }
0x17f: {  	[tilespmem:v5+s17+$0x0] =	vst.idx.msk $0xffff, v4  }
0x180: {  	v5 =	vor.u32 s28, v48;
	v4 =	vld.idx.msk [tilespmem:v6+s2+$0x0], $0xffff;
	[tilespmem:v8+s17+$0x0] =	vst.idx.msk $0xffff, v7  }
0x181: {  	[tilespmem:v10+s17+$0x0] =	vst.idx.msk $0xffff, v9;
	v8 =	vor.u32 s26, v46;
	v7 =	vld.idx.msk [tilespmem:v11+s2+$0x0], $0xffff  }
0x182: {  	v10 =	vor.u32 s25, v46;
	v9 =	vld.idx.msk [tilespmem:v12+s2+$0x0], $0xffff;
	[tilespmem:v14+s17+$0x0] =	vst.idx.msk $0xffff, v13  }
0x183: {  	v6 =	vor.u32 v19, v56;
	v14 =	vor.u32 s29, v63;
	v13 =	vld.idx.msk [tilespmem:v15+s2+$0x0], $0xffff;
	_ =	sdelay $0x1  }
0x184: {  	[tilespmem:v5+s17+$0x0] =	vst.idx.msk $0xffff, v4  }
0x185: {  	v11 =	vor.u32 v34, v1;
	[tilespmem:v8+s17+$0x0] =	vst.idx.msk $0xffff, v7  }
0x186: {  	v35 =	vmov v40;
	v40 =	vmov v51;
	v12 =	vor.u32 v34, v2;
	[tilespmem:v10+s17+$0x0] =	vst.idx.msk $0xffff, v9  }
0x187: {  	v15 =	vor.u32 v40, v3;
	v4 =	vld.idx.msk [tilespmem:v6+s2+$0x0], $0xffff;
	v6 =	vor.u32 s28, v0;
	[tilespmem:v14+s17+$0x0] =	vst.idx.msk $0xffff, v13  }
0x188: {  	v43 =	vmov v34;
	v34 =	vmov v33;
	v7 =	vor.u32 v20, v56;
	v33 =	vld [tilespmem:$0x1FD50];
	_ =	sdelay $0x1  }
0x189: {  	v9 =	vor.u32 s26, v49;
	v8 =	vld.idx.msk [tilespmem:v11+s2+$0x0], $0xffff  }
0x18a: {  	v51 =	vmov v53;
	v11 =	vld.idx.msk [tilespmem:v12+s2+$0x0], $0xffff;
	v12 =	vor.u32 s25, v49  }
0x18b: {  	s9 =	simm.s32 $0x40;
	v10 =	vor.u32 s29, v51;
	v15 =	vld.idx.msk [tilespmem:v15+s2+$0x0], $0xffff;
	[tilespmem:v6+s17+$0x0] =	vst.idx.msk $0xffff, v4  }
0x18c: {  	v59 =	vmovc v16;
	v16 =	vmov s9;
	v5 =	vor.u32 v25, v1;
	v7 =	vld.idx.msk [tilespmem:v7+s2+$0x0], $0xffff;
	v6 =	vor.u32 s28, v33  }
0x18d: {  	v41 =	vmovc v57;
	v16 =	vshll.u32 v16, $0x3;
	v57 =	vmov v61;
	v14 =	vor.u32 s9, v39  }
0x18e: {  	s13 =	simm.s32 $0x50;
	v61 =	vmovc v17;
	v17 =	vor.u32 v59, v3;
	v16 =	vand.u32 $0xC00, v16;
	v14 =	vand.u32 $0x6F, v14;
	[tilespmem:v9+s17+$0x0] =	vst.idx.msk $0xffff, v8  }
0x18f: {  	v13 =	vor.u32 v25, v2;
	v4 =	vor.u32 v16, v14;
	v16 =	vmov s13;
	[tilespmem:v12+s17+$0x0] =	vst.idx.msk $0xffff, v11  }
0x190: {  	v11 =	vor.u32 s13, v39;
	v12 =	vshll.u32 v16, $0x3;
	[tilespmem:v10+s17+$0x0] =	vst.idx.msk $0xffff, v15  }
0x191: {  	v8 =	vor.u32 v58, v4;
	v16 =	vld.idx.msk [tilespmem:v5+s2+$0x0], $0xffff;
	v5 =	vand.u32 $0x7F, v11;
	v11 =	vand.u32 $0xC00, v12;
	[tilespmem:v6+s17+$0x0] =	vst.idx.msk $0xffff, v7  }
0x192: {  	v26 =	vmovc v63;
	v63 =	vmovc v18;
	v18 =	vor.u32 v24, v56;
	v14 =	vor.u32 s26, v21;
	v5 =	vor.u32 v11, v5;
	v50 =	vld [tilespmem:$0x1FC00]  }
0x193: {  	v15 =	vor.u32 s29, v57;
	v11 =	vld.idx.msk [tilespmem:v17+s2+$0x0], $0xffff;
	v17 =	vor.u32 v58, v5  }
0x194: {  	v9 =	vor.u32 s25, v21;
	v13 =	vld.idx.msk [tilespmem:v13+s2+$0x0], $0xffff;
	v12 =	vor.u32 v30, v1  }
0x195: {  	s30 =	simm.s32 $0x800;
	v10 =	vor.u32 v30, v2  }
0x196: {  	v52 =	vmov v19;
	v19 =	vor.u32 v61, v3;
	v6 =	vld.idx.msk [tilespmem:v8+s2+$0x0], $0xffff;
	v7 =	vor.u32 s30, v37  }
0x197: {  	s31 =	simm.s32 $0xA00;
	v18 =	vld.idx.msk [tilespmem:v18+s2+$0x0], $0xffff;
	[tilespmem:v14+s17+$0x0] =	vst.idx.msk $0xffff, v16;
	v14 =	vor.u32 v32, v4;
	v8 =	vor.u32 s28, v50  }
0x198: {  	v16 =	vor.u32 v44, v56;
	[tilespmem:v15+s17+$0x0] =	vst.idx.msk $0xffff, v11;
	v15 =	vld.idx.msk [tilespmem:v17+s2+$0x0], $0xffff;
	v17 =	vor.u32 s31, v37  }
0x199: {  	[tilespmem:v9+s17+$0x0] =	vst.idx.msk $0xffff, v13;
	v9 =	vld.idx.msk [tilespmem:v12+s2+$0x0], $0xffff;
	v12 =	vor.u32 s26, v47  }
0x19a: {  	v13 =	vor.u32 s25, v47;
	v10 =	vld.idx.msk [tilespmem:v10+s2+$0x0], $0xffff  }
0x19b: {  	v21 =	vor.u32 s29, v22;
	v19 =	vld.idx.msk [tilespmem:v19+s2+$0x0], $0xffff;
	[tilespmem:v7+s17+$0x0] =	vst.idx.msk $0xffff, v6  }
0x19c: {  	v7 =	vld.idx.msk [tilespmem:v14+s2+$0x0], $0xffff;
	[tilespmem:v8+s17+$0x0] =	vst.idx.msk $0xffff, v18;
	v8 =	vor.u32 s30, v23  }
0x19d: {  	v25 =	vmov v20;
	v20 =	vor.u32 v41, v1;
	[tilespmem:v17+s17+$0x0] =	vst.idx.msk $0xffff, v15;
	v14 =	vld.idx.msk [tilespmem:v16+s2+$0x0], $0xffff;
	v16 =	vor.u32 s28, v54  }
0x19e: {  	[tilespmem:v12+s17+$0x0] =	vst.idx.msk $0xffff, v9  }
0x19f: {  	v11 =	vor.u32 v41, v2;
	[tilespmem:v13+s17+$0x0] =	vst.idx.msk $0xffff, v10  }
0x1a0: {  	v53 =	vmov v22;
	v22 =	vor.u32 v32, v5;
	[tilespmem:v21+s17+$0x0] =	vst.idx.msk $0xffff, v19  }
0x1a1: {  	v6 =	vor.u32 v63, v3;
	[tilespmem:v8+s17+$0x0] =	vst.idx.msk $0xffff, v7  }
0x1a2: {  	v9 =	vor.u32 v35, v4;
	v10 =	vld.idx.msk [tilespmem:v20+s2+$0x0], $0xffff;
	[tilespmem:v16+s17+$0x0] =	vst.idx.msk $0xffff, v14  }
0x1a3: {  	v12 =	vor.u32 v27, v56;
	v13 =	vor.u32 s26, v26;
	v18 =	vor.u32 s25, v26;
	v26 =	vld [tilespmem:$0x1FC10]  }
0x1a4: {  	v15 =	vor.u32 v40, v1;
	v11 =	vld.idx.msk [tilespmem:v11+s2+$0x0], $0xffff  }
0x1a5: {  	v17 =	vor.u32 v40, v2;
	v19 =	vld.idx.msk [tilespmem:v22+s2+$0x0], $0xffff;
	v20 =	vor.u32 s31, v23  }
0x1a6: {  	v21 =	vor.u32 s29, v48;
	v22 =	vor.u32 v35, v5;
	v6 =	vld.idx.msk [tilespmem:v6+s2+$0x0], $0xffff  }
0x1a7: {  	v55 =	vmov v55;
	v7 =	vor.u32 v52, v3;
	v8 =	vld.idx.msk [tilespmem:v9+s2+$0x0], $0xffff;
	v9 =	vor.u32 s30, v29  }
0x1a8: {  	v12 =	vld.idx.msk [tilespmem:v12+s2+$0x0], $0xffff;
	[tilespmem:v13+s17+$0x0] =	vst.idx.msk $0xffff, v10;
	v10 =	vor.u32 v55, v4;
	v14 =	vor.u32 s28, v26  }
0x1a9: {  	v13 =	vor.u32 v28, v56;
	[tilespmem:v18+s17+$0x0] =	vst.idx.msk $0xffff, v11;
	v11 =	vld.idx.msk [tilespmem:v15+s2+$0x0], $0xffff;
	v15 =	vor.u32 s26, v51  }
0x1aa: {  	[tilespmem:v20+s17+$0x0] =	vst.idx.msk $0xffff, v19;
	v16 =	vld.idx.msk [tilespmem:v17+s2+$0x0], $0xffff;
	v17 =	vor.u32 s25, v51  }
0x1ab: {  	v18 =	vor.u32 v59, v1;
	[tilespmem:v21+s17+$0x0] =	vst.idx.msk $0xffff, v6;
	v20 =	vor.u32 s31, v29;
	v19 =	vld.idx.msk [tilespmem:v22+s2+$0x0], $0xffff  }
0x1ac: {  	v6 =	vor.u32 v59, v2;
	v21 =	vor.u32 s29, v0;
	v7 =	vld.idx.msk [tilespmem:v7+s2+$0x0], $0xffff;
	[tilespmem:v9+s17+$0x0] =	vst.idx.msk $0xffff, v8  }
0x1ad: {  	v9 =	vld.idx.msk [tilespmem:v10+s2+$0x0], $0xffff;
	v10 =	vor.u32 s30, v62;
	[tilespmem:v14+s17+$0x0] =	vst.idx.msk $0xffff, v12  }
0x1ae: {  	[tilespmem:v15+s17+$0x0] =	vst.idx.msk $0xffff, v11;
	v12 =	vld.idx.msk [tilespmem:v13+s2+$0x0], $0xffff;
	v13 =	vor.u32 s28, v60  }
0x1af: {  	v42 =	vmov v31;
	v31 =	vmov v36;
	v36 =	vmov v54;
	v54 =	vld [tilespmem:$0x1FC20];
	[tilespmem:v17+s17+$0x0] =	vst.idx.msk $0xffff, v16  }
0x1b0: {  	v22 =	vor.u32 v55, v5;
	v15 =	vld.idx.msk [tilespmem:v18+s2+$0x0], $0xffff;
	v16 =	vor.u32 s26, v57;
	[tilespmem:v20+s17+$0x0] =	vst.idx.msk $0xffff, v19  }
0x1b1: {  	v8 =	vor.u32 v25, v3;
	v17 =	vor.u32 s25, v57;
	[tilespmem:v21+s17+$0x0] =	vst.idx.msk $0xffff, v7;
	v6 =	vld.idx.msk [tilespmem:v6+s2+$0x0], $0xffff  }
0x1b2: {  	[tilespmem:v10+s17+$0x0] =	vst.idx.msk $0xffff, v9  }
0x1b3: {  	v11 =	vor.u32 v31, v4;
	[tilespmem:v13+s17+$0x0] =	vst.idx.msk $0xffff, v12  }
0x1b4: {  	v14 =	vor.u32 v54, v56;
	v38 =	vld [tilespmem:$0x1FC30]  }
0x1b5: {  	v19 =	vld.idx.msk [tilespmem:v22+s2+$0x0], $0xffff;
	[tilespmem:v16+s17+$0x0] =	vst.idx.msk $0xffff, v15  }
0x1b6: {  	v18 =	vor.u32 v61, v1;
	v20 =	vor.u32 s31, v62;
	v8 =	vld.idx.msk [tilespmem:v8+s2+$0x0], $0xffff;
	[tilespmem:v17+s17+$0x0] =	vst.idx.msk $0xffff, v6  }
0x1b7: {  	v7 =	vor.u32 v61, v2;
	v21 =	vor.u32 s29, v33;
	v6 =	vld [tilespmem:$0x1FC40]  }
0x1b8: {  	v22 =	vor.u32 v31, v5;
	v10 =	vld.idx.msk [tilespmem:v11+s2+$0x0], $0xffff;
	v11 =	vor.u32 s30, v42  }
0x1b9: {  	v9 =	vor.u32 v24, v3;
	v12 =	vld.idx.msk [tilespmem:v14+s2+$0x0], $0xffff;
	v13 =	vor.u32 s28, v38;
	_ =	sdelay $0x1  }
0x1ba: {  	v15 =	vld.idx.msk [tilespmem:v18+s2+$0x0], $0xffff;
	[tilespmem:v20+s17+$0x0] =	vst.idx.msk $0xffff, v19;
	v14 =	vor.u32 v34, v4  }
0x1bb: {  	v16 =	vor.u32 s26, v53;
	v7 =	vld.idx.msk [tilespmem:v7+s2+$0x0], $0xffff;
	[tilespmem:v21+s17+$0x0] =	vst.idx.msk $0xffff, v8;
	v6 =	vor.u32 v6, v56  }
0x1bc: {  	[tilespmem:v11+s17+$0x0] =	vst.idx.msk $0xffff, v10;
	v19 =	vld.idx.msk [tilespmem:v22+s2+$0x0], $0xffff  }
0x1bd: {  	v17 =	vor.u32 s25, v53;
	v18 =	vor.u32 v63, v1;
	v9 =	vld.idx.msk [tilespmem:v9+s2+$0x0], $0xffff;
	[tilespmem:v13+s17+$0x0] =	vst.idx.msk $0xffff, v12  }
0x1be: {  	v53 =	vld [tilespmem:$0x1FC50]  }
0x1bf: {  	v20 =	vor.u32 s31, v42;
	v11 =	vld.idx.msk [tilespmem:v14+s2+$0x0], $0xffff  }
0x1c0: {  	v21 =	vor.u32 s29, v50;
	v6 =	vld.idx.msk [tilespmem:v6+s2+$0x0], $0xffff;
	[tilespmem:v16+s17+$0x0] =	vst.idx.msk $0xffff, v15  }
0x1c1: {  	v41 =	vmov v23;
	v12 =	vor.u32 s30, v45;
	v23 =	vld [tilespmem:$0x1FE00]  }
0x1c2: {  	v8 =	vor.u32 v63, v2;
	v16 =	vor.u32 s26, v48;
	[tilespmem:v17+s17+$0x0] =	vst.idx.msk $0xffff, v7;
	v15 =	vld.idx.msk [tilespmem:v18+s2+$0x0], $0xffff  }
0x1c3: {  	v22 =	vor.u32 v34, v5;
	v34 =	vld [tilespmem:$0x1FC60];
	v13 =	vor.u32 s28, v53  }
0x1c4: {  	[tilespmem:v20+s17+$0x0] =	vst.idx.msk $0xffff, v19  }
0x1c5: {  	v10 =	vor.u32 v44, v3;
	[tilespmem:v21+s17+$0x0] =	vst.idx.msk $0xffff, v9  }
0x1c6: {  	v18 =	vor.u32 v52, v1;
	[tilespmem:v12+s17+$0x0] =	vst.idx.msk $0xffff, v11  }
0x1c7: {  	v8 =	vld.idx.msk [tilespmem:v8+s2+$0x0], $0xffff;
	v14 =	vor.u32 v23, v4;
	[tilespmem:v16+s17+$0x0] =	vst.idx.msk $0xffff, v15  }
0x1c8: {  	v17 =	vor.u32 s25, v48;
	v9 =	vld.idx.msk [tilespmem:v22+s2+$0x0], $0xffff;
	v7 =	vor.u32 v34, v56;
	[tilespmem:v13+s17+$0x0] =	vst.idx.msk $0xffff, v6  }
0x1c9: {  	v19 =	vor.u32 s31, v45;
	v55 =	vld [tilespmem:$0x1FC70]  }
0x1ca: {  	v10 =	vld.idx.msk [tilespmem:v10+s2+$0x0], $0xffff  }
0x1cb: {  	v21 =	vor.u32 s29, v36;
	v20 =	vor.u32 v23, v5;
	v15 =	vld.idx.msk [tilespmem:v18+s2+$0x0], $0xffff  }
0x1cc: {  	v6 =	vor.u32 v27, v3;
	v11 =	vld.idx.msk [tilespmem:v14+s2+$0x0], $0xffff  }
0x1cd: {  	v12 =	vor.u32 s30, v46;
	v13 =	vor.u32 v52, v2;
	[tilespmem:v17+s17+$0x0] =	vst.idx.msk $0xffff, v8;
	v7 =	vld.idx.msk [tilespmem:v7+s2+$0x0], $0xffff  }
0x1ce: {  	v35 =	vmovc v60;
	v60 =	vmov v24;
	v8 =	vor.u32 v43, v4;
	v24 =	vld [tilespmem:$0x1FDE0];
	[tilespmem:v19+s17+$0x0] =	vst.idx.msk $0xffff, v9;
	v14 =	vor.u32 s28, v55  }
0x1cf: {  	v22 =	vmov v43;
	v16 =	vor.u32 s26, v0;
	v43 =	vld [tilespmem:$0x1FC80]  }
0x1d0: {  	v18 =	vld.idx.msk [tilespmem:v20+s2+$0x0], $0xffff;
	[tilespmem:v21+s17+$0x0] =	vst.idx.msk $0xffff, v10;
	v10 =	vor.u32 s31, v46  }
0x1d1: {  	v21 =	vor.u32 s29, v26;
	v6 =	vld.idx.msk [tilespmem:v6+s2+$0x0], $0xffff  }
0x1d2: {  	v19 =	vor.u32 v25, v1;
	[tilespmem:v12+s17+$0x0] =	vst.idx.msk $0xffff, v11;
	v11 =	vld.idx.msk [tilespmem:v13+s2+$0x0], $0xffff;
	v12 =	vor.u32 s25, v0  }
0x1d3: {  	[tilespmem:v14+s17+$0x0] =	vst.idx.msk $0xffff, v7;
	v7 =	vld.idx.msk [tilespmem:v8+s2+$0x0], $0xffff;
	v8 =	vor.u32 s30, v49  }
0x1d4: {  	v20 =	vor.u32 v22, v5;
	[tilespmem:v16+s17+$0x0] =	vst.idx.msk $0xffff, v15  }
0x1d5: {  	v42 =	vmov v54;
	v15 =	vor.u32 v54, v3;
	v9 =	vor.u32 v43, v56;
	v48 =	vld [tilespmem:$0x1FC90];
	[tilespmem:v10+s17+$0x0] =	vst.idx.msk $0xffff, v18  }
0x1d6: {  	v17 =	vor.u32 v24, v5;
	v22 =	vor.u32 v24, v4;
	v54 =	vmov v24;
	v24 =	vld [tilespmem:$0x1FCA0];
	[tilespmem:v21+s17+$0x0] =	vst.idx.msk $0xffff, v6  }
0x1d7: {  	v10 =	vld.idx.msk [tilespmem:v19+s2+$0x0], $0xffff;
	[tilespmem:v12+s17+$0x0] =	vst.idx.msk $0xffff, v11  }
0x1d8: {  	v31 =	vmov v35;
	v23 =	vor.u32 s29, v35;
	v13 =	vor.u32 v28, v3;
	v35 =	vld [tilespmem:$0x1FCB0];
	[tilespmem:v8+s17+$0x0] =	vst.idx.msk $0xffff, v7  }
0x1d9: {  	v19 =	vor.u32 s26, v33;
	v33 =	vmov v27;
	v27 =	vld [tilespmem:$0x1FFE0]  }
0x1da: {  	v9 =	vld.idx.msk [tilespmem:v9+s2+$0x0], $0xffff;
	v16 =	vor.u32 s28, v48  }
0x1db: {  	s14 =	simm.s32 $0x60;
	v18 =	vor.u32 v24, v56  }
0x1dc: {  	v20 =	vld.idx.msk [tilespmem:v20+s2+$0x0], $0xffff;
	v21 =	vor.u32 s31, v49;
	v6 =	vmov s14;
	v24 =	vor.u32 v60, v1  }
0x1dd: {  	v14 =	vor.u32 v25, v2;
	v49 =	vmovc v26;
	v26 =	vor.u32 s14, v39;
	v12 =	vld.idx.msk [tilespmem:v13+s2+$0x0], $0xffff;
	v6 =	vshll.u32 v6, $0x3  }
0x1de: {  	v6 =	vand.u32 $0xC00, v6;
	v7 =	vand.u32 $0x6F, v26;
	v22 =	vld.idx.msk [tilespmem:v22+s2+$0x0], $0xffff;
	v8 =	vor.u32 s30, v27  }
0x1df: {  	s24 =	simm.s32 $0x70;
	v25 =	vor.u32 v30, v4;
	v6 =	vor.u32 v6, v7;
	[tilespmem:v16+s17+$0x0] =	vst.idx.msk $0xffff, v9  }
0x1e0: {  	[tilespmem:v19+s17+$0x0] =	vst.idx.msk $0xffff, v10;
	v7 =	vor.u32 s24, v39;
	v13 =	vor.u32 s28, v35;
	v16 =	vmov s24;
	v18 =	vld.idx.msk [tilespmem:v18+s2+$0x0], $0xffff  }
0x1e1: {  	[tilespmem:v21+s17+$0x0] =	vst.idx.msk $0xffff, v20;
	v19 =	vor.u32 v58, v6;
	v9 =	vor.u32 s26, v50;
	v10 =	vshll.u32 v16, $0x3;
	v16 =	vld.idx.msk [tilespmem:v24+s2+$0x0], $0xffff  }
0x1e2: {  	v11 =	vor.u32 v44, v1;
	v7 =	vand.u32 $0x7F, v7;
	v17 =	vld.idx.msk [tilespmem:v17+s2+$0x0], $0xffff;
	[tilespmem:v23+s17+$0x0] =	vst.idx.msk $0xffff, v12;
	v10 =	vand.u32 $0xC00, v10  }
0x1e3: {  	v12 =	vld.idx.msk [tilespmem:v15+s2+$0x0], $0xffff;
	v20 =	vor.u32 s31, v27;
	v7 =	vor.u32 v10, v7;
	[tilespmem:v8+s17+$0x0] =	vst.idx.msk $0xffff, v22  }
0x1e4: {  	v21 =	vor.u32 s29, v38;
	v15 =	vor.u32 v30, v5;
	v23 =	vor.u32 v58, v7;
	v8 =	vld.idx.msk [tilespmem:v25+s2+$0x0], $0xffff  }
0x1e5: {  	s1 =	simm.s32 $0xC00;
	v10 =	vor.u32 v54, v7;
	v58 =	vmov v54;
	v54 =	vld [tilespmem:$0x1FC40];
	[tilespmem:v13+s17+$0x0] =	vst.idx.msk $0xffff, v18;
	v13 =	vor.u32 s30, v47  }
0x1e6: {  	v18 =	vld.idx.msk [tilespmem:v19+s2+$0x0], $0xffff;
	[tilespmem:v9+s17+$0x0] =	vst.idx.msk $0xffff, v16;
	v9 =	vor.u32 s1, v37  }
0x1e7: {  	v25 =	vld [tilespmem:$0x1FED0]  }
0x1e8: {  	[tilespmem:v20+s17+$0x0] =	vst.idx.msk $0xffff, v17;
	v11 =	vld.idx.msk [tilespmem:v11+s2+$0x0], $0xffff  }
0x1e9: {  	v19 =	vor.u32 s26, v36;
	v17 =	vor.u32 v32, v6;
	[tilespmem:v21+s17+$0x0] =	vst.idx.msk $0xffff, v12;
	v15 =	vld.idx.msk [tilespmem:v15+s2+$0x0], $0xffff  }
0x1ea: {  	v12 =	vor.u32 s31, v47;
	v21 =	vld.idx.msk [tilespmem:v23+s2+$0x0], $0xffff;
	[tilespmem:v13+s17+$0x0] =	vst.idx.msk $0xffff, v8  }
0x1eb: {  	v8 =	vld [tilespmem:$0x1FD30];
	[tilespmem:v9+s17+$0x0] =	vst.idx.msk $0xffff, v18  }
0x1ec: {  	v60 =	vmov v29;
	v22 =	vor.u32 v54, v3;
	v29 =	vld [tilespmem:$0x1FD20]  }
0x1ed: {  	v35 =	vmov v28;
	v16 =	vor.u32 v25, v4;
	v28 =	vld [tilespmem:$0x1FEB0]  }
0x1ee: {  	s14 =	simm.s32 $0xE00;
	v17 =	vld.idx.msk [tilespmem:v17+s2+$0x0], $0xffff;
	[tilespmem:v19+s17+$0x0] =	vst.idx.msk $0xffff, v11  }
0x1ef: {  	v23 =	vor.u32 s14, v37;
	v50 =	vld [tilespmem:$0x1FCC0];
	[tilespmem:v12+s17+$0x0] =	vst.idx.msk $0xffff, v15  }
0x1f0: {  	v20 =	vor.u32 v33, v1;
	v19 =	vor.u32 s1, v41;
	v30 =	vld [tilespmem:$0x1FF70]  }
0x1f1: {  	v24 =	vor.u32 v32, v7;
	v13 =	vor.u32 s29, v53;
	v22 =	vld.idx.msk [tilespmem:v22+s2+$0x0], $0xffff  }
0x1f2: {  	v25 =	vor.u32 v25, v5;
	v16 =	vld.idx.msk [tilespmem:v16+s2+$0x0], $0xffff;
	v26 =	vor.u32 s30, v28;
	_ =	sdelay $0x1  }
0x1f3: {  	v14 =	vld.idx.msk [tilespmem:v14+s2+$0x0], $0xffff;
	v18 =	vor.u32 v34, v3;
	[tilespmem:v23+s17+$0x0] =	vst.idx.msk $0xffff, v21  }
0x1f4: {  	v12 =	vld.idx.msk [tilespmem:v20+s2+$0x0], $0xffff;
	[tilespmem:v19+s17+$0x0] =	vst.idx.msk $0xffff, v17;
	v11 =	vor.u32 v50, v56  }
0x1f5: {  	v27 =	vor.u32 v40, v4;
	v23 =	vld.idx.msk [tilespmem:v24+s2+$0x0], $0xffff;
	[tilespmem:v13+s17+$0x0] =	vst.idx.msk $0xffff, v22  }
0x1f6: {  	v21 =	vor.u32 s26, v49;
	v20 =	vld.idx.msk [tilespmem:v25+s2+$0x0], $0xffff;
	v15 =	vor.u32 v30, v6;
	[tilespmem:v26+s17+$0x0] =	vst.idx.msk $0xffff, v16  }
0x1f7: {  	v24 =	vor.u32 s31, v28;
	v13 =	vor.u32 s14, v41;
	v41 =	vld [tilespmem:$0x1FDF0]  }
0x1f8: {  	v18 =	vld.idx.msk [tilespmem:v18+s2+$0x0], $0xffff  }
0x1f9: {  	v25 =	vor.u32 v35, v1;
	v9 =	vor.u32 v29, v3;
	v16 =	vor.u32 s29, v55;
	v26 =	vld.idx.msk [tilespmem:v11+s2+$0x0], $0xffff  }
0x1fa: {  	v28 =	vor.u32 v40, v5;
	v11 =	vor.u32 v29, v56;
	v17 =	vld.idx.msk [tilespmem:v27+s2+$0x0], $0xffff;
	v29 =	vor.u32 s30, v51  }
0x1fb: {  	v22 =	vor.u32 v30, v7;
	[tilespmem:v21+s17+$0x0] =	vst.idx.msk $0xffff, v12;
	v21 =	vor.u32 s1, v60;
	v15 =	vld.idx.msk [tilespmem:v15+s2+$0x0], $0xffff  }
0x1fc: {  	v19 =	vor.u32 v43, v3;
	v40 =	vld [tilespmem:$0x1FE10];
	[tilespmem:v24+s17+$0x0] =	vst.idx.msk $0xffff, v20;
	v27 =	vor.u32 s28, v41  }
0x1fd: {  	v47 =	vld [tilespmem:$0x1FDD0];
	[tilespmem:v13+s17+$0x0] =	vst.idx.msk $0xffff, v23  }
0x1fe: {  	v20 =	vld.idx.msk [tilespmem:v25+s2+$0x0], $0xffff;
	v23 =	vor.u32 s26, v31;
	[tilespmem:v16+s17+$0x0] =	vst.idx.msk $0xffff, v18  }
0x1ff: {  	v25 =	vor.u32 s31, v51;
	v13 =	vld.idx.msk [tilespmem:v28+s2+$0x0], $0xffff;
	[tilespmem:v29+s17+$0x0] =	vst.idx.msk $0xffff, v17  }
0x200: {  	v22 =	vld.idx.msk [tilespmem:v22+s2+$0x0], $0xffff;
	v16 =	vor.u32 s14, v60;
	[tilespmem:v21+s17+$0x0] =	vst.idx.msk $0xffff, v15  }
0x201: {  	v19 =	vld.idx.msk [tilespmem:v19+s2+$0x0], $0xffff;
	[tilespmem:v27+s17+$0x0] =	vst.idx.msk $0xffff, v26  }
0x202: {  	v30 =	vor.u32 v59, v4;
	v18 =	vor.u32 v59, v5;
	v59 =	vld [tilespmem:$0x1FCA0]  }
0x203: {  	v37 =	vmov v44;
	v12 =	vor.u32 v40, v56;
	v44 =	vld [tilespmem:$0x1FCD0];
	[tilespmem:v23+s17+$0x0] =	vst.idx.msk $0xffff, v20  }
0x204: {  	v24 =	vor.u32 v47, v6;
	v32 =	vld [tilespmem:$0x1FCE0];
	[tilespmem:v25+s17+$0x0] =	vst.idx.msk $0xffff, v13  }
0x205: {  	v28 =	vor.u32 v42, v1;
	v35 =	vld [tilespmem:$0x1FF30];
	[tilespmem:v16+s17+$0x0] =	vst.idx.msk $0xffff, v22  }
0x206: {  	v51 =	vld [tilespmem:$0x1FD50]  }
0x207: {  	v17 =	vor.u32 s29, v48;
	v15 =	vld.idx.msk [tilespmem:v30+s2+$0x0], $0xffff  }
0x208: {  	v29 =	vor.u32 s30, v57;
	v26 =	vor.u32 v47, v7;
	v12 =	vld.idx.msk [tilespmem:v12+s2+$0x0], $0xffff  }
0x209: {  	v24 =	vld.idx.msk [tilespmem:v24+s2+$0x0], $0xffff;
	v21 =	vor.u32 v59, v3;
	v27 =	vor.u32 s28, v44  }
0x20a: {  	v23 =	vor.u32 s1, v62;
	v13 =	vld.idx.msk [tilespmem:v28+s2+$0x0], $0xffff  }
0x20b: {  	v16 =	vld.idx.msk [tilespmem:v18+s2+$0x0], $0xffff;
	v18 =	vor.u32 s25, v51  }
0x20c: {  	v60 =	vmov v48;
	v48 =	vld [tilespmem:$0x1FE70];
	[tilespmem:v17+s17+$0x0] =	vst.idx.msk $0xffff, v19  }
0x20d: {  	v30 =	vor.u32 v61, v4;
	[tilespmem:v29+s17+$0x0] =	vst.idx.msk $0xffff, v15;
	v22 =	vld.idx.msk [tilespmem:v26+s2+$0x0], $0xffff;
	v26 =	vor.u32 s31, v57  }
0x20e: {  	v21 =	vld.idx.msk [tilespmem:v21+s2+$0x0], $0xffff;
	[tilespmem:v27+s17+$0x0] =	vst.idx.msk $0xffff, v12  }
0x20f: {  	v17 =	vor.u32 s14, v62;
	v19 =	vor.u32 v61, v5;
	v57 =	vld [tilespmem:$0x1FCB0];
	[tilespmem:v23+s17+$0x0] =	vst.idx.msk $0xffff, v24  }
0x210: {  	v25 =	vor.u32 v35, v6;
	v12 =	vor.u32 v35, v7;
	v35 =	vld [tilespmem:$0x1FFD0];
	[tilespmem:v18+s17+$0x0] =	vst.idx.msk $0xffff, v14  }
0x211: {  	v14 =	vor.u32 v54, v1;
	v54 =	vld [tilespmem:$0x1FD70]  }
0x212: {  	v23 =	vld.idx.msk [tilespmem:v30+s2+$0x0], $0xffff;
	[tilespmem:v26+s17+$0x0] =	vst.idx.msk $0xffff, v16  }
0x213: {  	v20 =	vor.u32 v32, v56;
	v27 =	vor.u32 v50, v3;
	v24 =	vor.u32 s26, v38;
	v50 =	vld [tilespmem:$0x1FF60]  }
0x214: {  	v28 =	vor.u32 v48, v2;
	[tilespmem:v17+s17+$0x0] =	vst.idx.msk $0xffff, v22;
	v17 =	vld.idx.msk [tilespmem:v19+s2+$0x0], $0xffff;
	v15 =	vor.u32 s29, v57  }
0x215: {  	v19 =	vld [tilespmem:$0x1FC00];
	v29 =	vor.u32 s30, v35  }
0x216: {  	v25 =	vld.idx.msk [tilespmem:v25+s2+$0x0], $0xffff;
	v18 =	vor.u32 s1, v54;
	_ =	sdelay $0x1  }
0x217: {  	v20 =	vld.idx.msk [tilespmem:v20+s2+$0x0], $0xffff;
	[tilespmem:v24+s17+$0x0] =	vst.idx.msk $0xffff, v13  }
0x218: {  	v30 =	vor.u32 v63, v4;
	v16 =	vld.idx.msk [tilespmem:v28+s2+$0x0], $0xffff;
	[tilespmem:v15+s17+$0x0] =	vst.idx.msk $0xffff, v21  }
0x219: {  	v12 =	vld.idx.msk [tilespmem:v12+s2+$0x0], $0xffff;
	v26 =	vor.u32 v50, v6;
	v19 =	vor.u32 s25, v19;
	[tilespmem:v29+s17+$0x0] =	vst.idx.msk $0xffff, v23  }
0x21a: {  	v28 =	vor.u32 v37, v2;
	v22 =	vor.u32 s31, v35;
	v14 =	vld.idx.msk [tilespmem:v14+s2+$0x0], $0xffff;
	[tilespmem:v18+s17+$0x0] =	vst.idx.msk $0xffff, v25  }
0x21b: {  	v15 =	vor.u32 s14, v54;
	v61 =	vld [tilespmem:$0x1FFC0]  }
0x21c: {  	v13 =	vld.idx.msk [tilespmem:v27+s2+$0x0], $0xffff  }
0x21d: {  	v21 =	vor.u32 v63, v5;
	v18 =	vld.idx.msk [tilespmem:v30+s2+$0x0], $0xffff  }
0x21e: {  	v24 =	vor.u32 v50, v7;
	v23 =	vor.u32 s29, v41;
	v26 =	vld.idx.msk [tilespmem:v26+s2+$0x0], $0xffff;
	[tilespmem:v19+s17+$0x0] =	vst.idx.msk $0xffff, v16  }
0x21f: {  	v25 =	vor.u32 s26, v53;
	[tilespmem:v22+s17+$0x0] =	vst.idx.msk $0xffff, v17;
	v22 =	vld.idx.msk [tilespmem:v28+s2+$0x0], $0xffff  }
0x220: {  	v27 =	vor.u32 v40, v3;
	v62 =	vld [tilespmem:$0x1FE00];
	[tilespmem:v15+s17+$0x0] =	vst.idx.msk $0xffff, v12;
	v29 =	vor.u32 s30, v61  }
0x221: {  	v30 =	vor.u32 v52, v4;
	v19 =	vor.u32 s1, v45;
	v38 =	vld [tilespmem:$0x1FCF0]  }
0x222: {  	v12 =	vld.idx.msk [tilespmem:v21+s2+$0x0], $0xffff  }
0x223: {  	v21 =	vld.idx.msk [tilespmem:v24+s2+$0x0], $0xffff;
	[tilespmem:v23+s17+$0x0] =	vst.idx.msk $0xffff, v13  }
0x224: {  	v40 =	vld [tilespmem:$0x1FD00];
	[tilespmem:v25+s17+$0x0] =	vst.idx.msk $0xffff, v14;
	v24 =	vor.u32 s31, v61  }
0x225: {  	v16 =	vor.u32 v34, v1;
	v23 =	vor.u32 s14, v45;
	v14 =	vld.idx.msk [tilespmem:v27+s2+$0x0], $0xffff;
	[tilespmem:v29+s17+$0x0] =	vst.idx.msk $0xffff, v18  }
0x226: {  	[tilespmem:v19+s17+$0x0] =	vst.idx.msk $0xffff, v26;
	v17 =	vor.u32 v62, v6;
	v15 =	vor.u32 s28, v38;
	v19 =	vld.idx.msk [tilespmem:v30+s2+$0x0], $0xffff  }
0x227: {  	v28 =	vor.u32 v52, v5;
	v27 =	vor.u32 s29, v44;
	v63 =	vld [tilespmem:$0x1FF00]  }
0x228: {  	v25 =	vor.u32 v62, v7;
	v18 =	vor.u32 s25, v36;
	v44 =	vld [tilespmem:$0x1FE60]  }
0x229: {  	v52 =	vmov v31;
	v31 =	vor.u32 v32, v3;
	v30 =	vor.u32 s30, v0;
	v45 =	vld [tilespmem:$0x1FDC0];
	[tilespmem:v24+s17+$0x0] =	vst.idx.msk $0xffff, v12  }
0x22a: {  	v16 =	vld.idx.msk [tilespmem:v16+s2+$0x0], $0xffff;
	v13 =	vor.u32 v40, v56;
	[tilespmem:v23+s17+$0x0] =	vst.idx.msk $0xffff, v21;
	v23 =	vor.u32 s26, v55  }
0x22b: {  	v26 =	vor.u32 v33, v2;
	v29 =	vld.idx.msk [tilespmem:v17+s2+$0x0], $0xffff;
	[tilespmem:v15+s17+$0x0] =	vst.idx.msk $0xffff, v20;
	v15 =	vor.u32 s1, v46  }
0x22c: {  	[tilespmem:v27+s17+$0x0] =	vst.idx.msk $0xffff, v14;
	v21 =	vld.idx.msk [tilespmem:v28+s2+$0x0], $0xffff  }
0x22d: {  	v28 =	vld.idx.msk [tilespmem:v25+s2+$0x0], $0xffff;
	[tilespmem:v18+s17+$0x0] =	vst.idx.msk $0xffff, v22  }
0x22e: {  	v61 =	vld.idx.msk [tilespmem:v31+s2+$0x0], $0xffff;
	[tilespmem:v30+s17+$0x0] =	vst.idx.msk $0xffff, v19  }
0x22f: {  	v8 =	vor.u32 v8, v56;
	v17 =	vld.idx.msk [tilespmem:v13+s2+$0x0], $0xffff;
	v20 =	vor.u32 v44, v4;
	[tilespmem:v23+s17+$0x0] =	vst.idx.msk $0xffff, v16  }
0x230: {  	v25 =	vor.u32 s31, v0;
	v24 =	vor.u32 v63, v6;
	v55 =	vld.idx.msk [tilespmem:v26+s2+$0x0], $0xffff;
	[tilespmem:v15+s17+$0x0] =	vst.idx.msk $0xffff, v29  }
0x231: {  	v18 =	vor.u32 v43, v1;
	v22 =	vor.u32 s14, v46;
	v56 =	vor.u32 v63, v7;
	v63 =	vld [tilespmem:$0x1FD10]  }
0x232: {  	v53 =	vor.u32 v44, v5;
	v30 =	vor.u32 s25, v49;
	v0 =	vld [tilespmem:$0x1FDB0]  }
0x233: {  	v33 =	vor.u32 v58, v6;
	v14 =	vor.u32 s30, v52;
	v26 =	vor.u32 s29, v38;
	v49 =	vld [tilespmem:$0x1FDA0]  }
0x234: {  	v12 =	vor.u32 s1, v52;
	v13 =	vor.u32 s25, v52;
	v62 =	vor.u32 v45, v2;
	v15 =	vld.idx.msk [tilespmem:v20+s2+$0x0], $0xffff  }
0x235: {  	v23 =	vor.u32 v40, v3;
	v19 =	vor.u32 v42, v2;
	[tilespmem:v25+s17+$0x0] =	vst.idx.msk $0xffff, v21;
	v31 =	vld.idx.msk [tilespmem:v24+s2+$0x0], $0xffff  }
0x236: {  	v29 =	vor.u32 s31, v51;
	v25 =	vor.u32 s26, v60;
	[tilespmem:v22+s17+$0x0] =	vst.idx.msk $0xffff, v28;
	v22 =	vor.u32 v37, v5;
	v24 =	vld.idx.msk [tilespmem:v18+s2+$0x0], $0xffff  }
0x237: {  	v28 =	vld.idx.msk [tilespmem:v53+s2+$0x0], $0xffff;
	v20 =	vor.u32 v59, v1;
	[tilespmem:v30+s17+$0x0] =	vst.idx.msk $0xffff, v55;
	v30 =	vor.u32 v48, v5  }
0x238: {  	s4 =	simm.s32 $0x6;
	s24 =	sshll.u32 s23, $0x6;
	v34 =	vld.idx.msk [tilespmem:v56+s2+$0x0], $0xffff;
	[tilespmem:v26+s17+$0x0] =	vst.idx.msk $0xffff, v61;
	v18 =	vor.u32 s26, v57;
	v27 =	vor.u32 s28, v63;
	v16 =	vor.u32 s28, v0  }
0x239: {  	s7 =	simm.s32 $0x90;
	s13 =	simm.s32 $0xE00;
	s3 =	sor.u32 s5, s24;
	v26 =	vld.idx.msk [tilespmem:v62+s2+$0x0], $0xffff;
	v32 =	vor.u32 s1, v49;
	v21 =	vor.u32 s29, v63;
	v35 =	vor.u32 s14, v49  }
.LBB2_3:
0x23a: {  	v55 =	vld [tilespmem:$0x1FE90]  }
0x23b: {  	v0 =	vld [tilespmem:$0x1FFE0]  }
0x23c: {  	v56 =	vld [tilespmem:$0x1FC00]  }
0x23d: {  	v23 =	vld.idx.msk [tilespmem:v23+s2+$0x0], $0xffff  }
0x23e: {  	v58 =	vld [tilespmem:$0x1FDE0]  }
0x23f: {  	v48 =	vld [tilespmem:$0x1FC30]  }
0x240: {  	v43 =	vld [tilespmem:$0x1FDB0]  }
0x241: {  	v47 =	vld [tilespmem:$0x1FD30]  }
0x242: {  	v44 =	vld [tilespmem:$0x1FC40]  }
0x243: {  	v51 =	vld [tilespmem:$0x1FD40]  }
0x244: {  	v53 =	vld [tilespmem:$0x1FE80]  }
0x245: {  	v62 =	vld [tilespmem:$0x1FF40]  }
0x246: {  	v63 =	vld [tilespmem:$0x1FED0]  }
0x247: {  	v41 =	vld [tilespmem:$0x1FF80]  }
0x248: {  	v52 =	vld [tilespmem:$0x1FC60]  }
0x249: {  	v57 =	vld [tilespmem:$0x1FEC0]  }
0x24a: {  	v59 =	vld [tilespmem:$0x1FF10]  }
0x24b: {  	[tilespmem:v27+s17+$0x0] =	vst.idx.msk $0xffff, v17;
	v50 =	vld [tilespmem:$0x1FDF0]  }
0x24c: {  	s9 =	sadd.s32 $0xFFFFFFF0, s7;
	[tilespmem:v32+s17+$0x0] =	vst.idx.msk $0xffff, v31;
	v11 =	vld.idx.msk [tilespmem:v11+s2+$0x0], $0xffff  }
0x24d: {  	v60 =	vmov s7;
	v61 =	vlaneseq.u32;
	v17 =	vmov s9;
	v33 =	vld.idx.msk [tilespmem:v33+s2+$0x0], $0xffff  }
0x24e: {  	v27 =	vor.u32 s9, v39;
	v39 =	vor.u32 s7, v61;
	v61 =	vld [tilespmem:$0x1FCC0];
	v17 =	vshll.u32 v17, $0x3  }
0x24f: {  	[tilespmem:v25+s17+$0x0] =	vst.idx.msk $0xffff, v24;
	v24 =	vand.u32 $0x6F, v27;
	v17 =	vand.u32 $0xC00, v17;
	v25 =	vshll.u32 v60, $0x3;
	v60 =	vld [tilespmem:$0x1FC50]  }
0x250: {  	[tilespmem:v29+s17+$0x0] =	vst.idx.msk $0xffff, v28;
	v24 =	vor.u32 v17, v24;
	v17 =	vand.u32 $0x7F, v39;
	v39 =	vld [tilespmem:$0x1FEF0]  }
0x251: {  	v20 =	vld.idx.msk [tilespmem:v20+s2+$0x0], $0xffff  }
0x252: {  	[tilespmem:v13+s17+$0x0] =	vst.idx.msk $0xffff, v26;
	v37 =	vor.u32 s14, v0;
	v31 =	vor.u32 s1, v0;
	v0 =	vld [tilespmem:$0x1FD60]  }
0x253: {  	v19 =	vld.idx.msk [tilespmem:v19+s2+$0x0], $0xffff  }
0x254: {  	v36 =	vor.u32 v55, v6;
	[tilespmem:v21+s17+$0x0] =	vst.idx.msk $0xffff, v23;
	v21 =	vor.u32 v55, v7;
	v55 =	vld [tilespmem:$0x1FFA0]  }
0x255: {  	[tilespmem:v35+s17+$0x0] =	vst.idx.msk $0xffff, v34;
	v35 =	vld [tilespmem:$0x1FE30]  }
0x256: {  	v25 =	vand.u32 $0xC00, v25;
	v27 =	vld.idx.msk [tilespmem:v30+s2+$0x0], $0xffff  }
0x257: {  	v38 =	vor.u32 s31, v56;
	v17 =	vor.u32 v25, v17;
	v25 =	vld.idx.msk [tilespmem:v10+s2+$0x0], $0xffff  }
0x258: {  	v9 =	vld.idx.msk [tilespmem:v9+s2+$0x0], $0xffff;
	[tilespmem:v16+s17+$0x0] =	vst.idx.msk $0xffff, v11  }
0x259: {  	v8 =	vld.idx.msk [tilespmem:v8+s2+$0x0], $0xffff  }
0x25a: {  	v28 =	vor.u32 v0, v24;
	v26 =	vor.u32 v0, v17;
	[tilespmem:v31+s17+$0x0] =	vst.idx.msk $0xffff, v33;
	v0 =	vld [tilespmem:$0x1FEA0]  }
0x25b: {  	[tilespmem:v18+s17+$0x0] =	vst.idx.msk $0xffff, v20;
	v29 =	vld.idx.msk [tilespmem:v36+s2+$0x0], $0xffff  }
0x25c: {  	v23 =	vor.u32 s25, v48;
	[tilespmem:v38+s17+$0x0] =	vst.idx.msk $0xffff, v27;
	v38 =	vld [tilespmem:$0x1FC10]  }
0x25d: {  	[tilespmem:v37+s17+$0x0] =	vst.idx.msk $0xffff, v25;
	v37 =	vld [tilespmem:$0x1FEE0]  }
0x25e: {  	v18 =	vor.u32 s28, v51;
	v22 =	vld.idx.msk [tilespmem:v22+s2+$0x0], $0xffff  }
0x25f: {  	s14 =	sadd.s32 $0x400, s14;
	v11 =	vor.u32 s29, v43;
	v16 =	vor.u32 v47, v3;
	v3 =	vmov v2;
	v21 =	vld.idx.msk [tilespmem:v21+s2+$0x0], $0xffff  }
0x260: {  	v13 =	vmov v14;
	s9 =	sadd.s32 $0xFFFFFE00, s14;
	v14 =	vor.u32 v44, v3;
	v20 =	vld.idx.msk [tilespmem:v28+s2+$0x0], $0xffff  }
0x261: {  	s28 =	smov.u32 s26;
	s26 =	smov.u32 s31;
	s31 =	smov.u32 s13;
	v28 =	vor.u32 s1, v0;
	[tilespmem:v23+s17+$0x0] =	vst.idx.msk $0xffff, v19;
	v19 =	vld.idx.msk [tilespmem:v26+s2+$0x0], $0xffff  }
0x262: {  	v2 =	vmovc v4;
	v4 =	vmov v6;
	v30 =	vor.u32 s9, v62;
	v26 =	vor.u32 s31, v0;
	v0 =	vld [tilespmem:$0x1FD20]  }
0x263: {  	v40 =	vor.u32 v63, v4;
	[tilespmem:v18+s17+$0x0] =	vst.idx.msk $0xffff, v8;
	v8 =	vor.u32 v47, v1;
	v47 =	vld [tilespmem:$0x1FC70]  }
0x264: {  	v25 =	vor.u32 v41, v24;
	[tilespmem:v11+s17+$0x0] =	vst.idx.msk $0xffff, v9;
	v11 =	vor.u32 v63, v7;
	v63 =	vld [tilespmem:$0x1FF70]  }
0x265: {  	v18 =	vor.u32 s25, v60;
	v45 =	vld.idx.msk [tilespmem:v14+s2+$0x0], $0xffff  }
0x266: {  	v42 =	vor.u32 s26, v37;
	[tilespmem:v28+s17+$0x0] =	vst.idx.msk $0xffff, v29;
	v28 =	vor.u32 s29, v51;
	v51 =	vld [tilespmem:$0x1FEB0]  }
0x267: {  	v16 =	vld.idx.msk [tilespmem:v16+s2+$0x0], $0xffff;
	[tilespmem:v30+s17+$0x0] =	vst.idx.msk $0xffff, v20  }
0x268: {  	v27 =	vor.u32 v53, v5;
	v20 =	vld.idx.msk [tilespmem:v40+s2+$0x0], $0xffff  }
0x269: {  	v23 =	vor.u32 s14, v62;
	v25 =	vld.idx.msk [tilespmem:v25+s2+$0x0], $0xffff  }
0x26a: {  	[tilespmem:v18+s17+$0x0] =	vst.idx.msk $0xffff, v45;
	v45 =	vld [tilespmem:$0x1FC80]  }
0x26b: {  	v6 =	vmov v24;
	v62 =	vor.u32 v59, v4;
	[tilespmem:v42+s17+$0x0] =	vst.idx.msk $0xffff, v22;
	v42 =	vor.u32 v59, v7;
	v59 =	vld [tilespmem:$0x1FE10]  }
0x26c: {  	s29 =	smov.u32 s25;
	v18 =	vor.u32 v63, v17;
	[tilespmem:v26+s17+$0x0] =	vst.idx.msk $0xffff, v21;
	v26 =	vor.u32 v63, v6;
	v63 =	vld [tilespmem:$0x1FFF0]  }
0x26d: {  	v31 =	vor.u32 s9, v39;
	v24 =	vor.u32 v41, v17;
	s25 =	smov.u32 s30;
	s30 =	smov.u32 s1;
	v29 =	vor.u32 v52, v3;
	s1 =	smov.u32 s9;
	v21 =	vld.idx.msk [tilespmem:v27+s2+$0x0], $0xffff  }
0x26e: {  	v14 =	vmovc v12;
	v12 =	vmovc v31;
	v31 =	vor.u32 s1, v57;
	[tilespmem:v23+s17+$0x0] =	vst.idx.msk $0xffff, v19;
	v27 =	vor.u32 s14, v57;
	v57 =	vld [tilespmem:$0x1FE20];
	v30 =	vor.u32 s30, v51  }
0x26f: {  	v22 =	vor.u32 v61, v1;
	v23 =	vor.u32 s26, v38;
	v19 =	vld.idx.msk [tilespmem:v11+s2+$0x0], $0xffff  }
0x270: {  	v9 =	vor.u32 v0, v3;
	v11 =	vor.u32 v0, v1;
	v0 =	vld [tilespmem:$0x1FF50]  }
0x271: {  	v40 =	vor.u32 s31, v51;
	v51 =	vld [tilespmem:$0x1FDC0]  }
0x272: {  	v29 =	vld.idx.msk [tilespmem:v29+s2+$0x0], $0xffff;
	[tilespmem:v28+s17+$0x0] =	vst.idx.msk $0xffff, v16  }
0x273: {  	v24 =	vld.idx.msk [tilespmem:v24+s2+$0x0], $0xffff;
	[tilespmem:v30+s17+$0x0] =	vst.idx.msk $0xffff, v20  }
0x274: {  	v20 =	vld.idx.msk [tilespmem:v22+s2+$0x0], $0xffff;
	[tilespmem:v23+s17+$0x0] =	vst.idx.msk $0xffff, v21  }
0x275: {  	v16 =	vor.u32 s29, v47;
	v30 =	vor.u32 s30, v0;
	v33 =	vor.u32 s31, v0;
	v0 =	vld [tilespmem:$0x1FD50];
	[tilespmem:v31+s17+$0x0] =	vst.idx.msk $0xffff, v25  }
0x276: {  	[tilespmem:v40+s17+$0x0] =	vst.idx.msk $0xffff, v19;
	v40 =	vld [tilespmem:$0x1FC90]  }
0x277: {  	v41 =	vor.u32 v51, v5;
	v22 =	vld.idx.msk [tilespmem:v62+s2+$0x0], $0xffff  }
0x278: {  	v26 =	vld.idx.msk [tilespmem:v26+s2+$0x0], $0xffff  }
0x279: {  	v62 =	vld [tilespmem:$0x1FDD0]  }
0x27a: {  	v31 =	vor.u32 v57, v4;
	[tilespmem:v16+s17+$0x0] =	vst.idx.msk $0xffff, v29;
	v29 =	vor.u32 v57, v7;
	v57 =	vld [tilespmem:$0x1FCD0]  }
0x27b: {  	v23 =	vor.u32 s1, v63;
	v16 =	vor.u32 s14, v63;
	v63 =	vld [tilespmem:$0x1FF30]  }
0x27c: {  	v28 =	vor.u32 s28, v50;
	v25 =	vor.u32 v45, v3;
	v19 =	vld.idx.msk [tilespmem:v41+s2+$0x0], $0xffff;
	[tilespmem:v27+s17+$0x0] =	vst.idx.msk $0xffff, v24  }
0x27d: {  	v24 =	vld.idx.msk [tilespmem:v42+s2+$0x0], $0xffff  }
0x27e: {  	v42 =	vld [tilespmem:$0x1FC20]  }
0x27f: {  	v21 =	vor.u32 v59, v1;
	v27 =	vor.u32 s26, v39;
	v39 =	vld [tilespmem:$0x1FFB0]  }
0x280: {  	v18 =	vld.idx.msk [tilespmem:v18+s2+$0x0], $0xffff  }
0x281: {  	v25 =	vld.idx.msk [tilespmem:v25+s2+$0x0], $0xffff;
	[tilespmem:v28+s17+$0x0] =	vst.idx.msk $0xffff, v20;
	v32 =	vor.u32 v62, v6  }
0x282: {  	v20 =	vor.u32 v62, v17;
	[tilespmem:v30+s17+$0x0] =	vst.idx.msk $0xffff, v22;
	v22 =	vor.u32 s29, v40;
	v62 =	vld [tilespmem:$0x1FCA0]  }
0x283: {  	v41 =	vld [tilespmem:$0x1FCE0];
	v34 =	vor.u32 v42, v5  }
0x284: {  	v21 =	vld.idx.msk [tilespmem:v21+s2+$0x0], $0xffff;
	[tilespmem:v23+s17+$0x0] =	vst.idx.msk $0xffff, v26  }
0x285: {  	v23 =	vld.idx.msk [tilespmem:v31+s2+$0x0], $0xffff;
	[tilespmem:v27+s17+$0x0] =	vst.idx.msk $0xffff, v19  }
0x286: {  	[tilespmem:v33+s17+$0x0] =	vst.idx.msk $0xffff, v24;
	v30 =	vld.idx.msk [tilespmem:v32+s2+$0x0], $0xffff  }
0x287: {  	v27 =	vor.u32 s1, v39;
	v26 =	vor.u32 v62, v3;
	[tilespmem:v22+s17+$0x0] =	vst.idx.msk $0xffff, v25;
	v22 =	vor.u32 s14, v39;
	v39 =	vld [tilespmem:$0x1FFD0]  }
0x288: {  	v28 =	vor.u32 s28, v57;
	v24 =	vld.idx.msk [tilespmem:v34+s2+$0x0], $0xffff;
	[tilespmem:v16+s17+$0x0] =	vst.idx.msk $0xffff, v18  }
0x289: {  	v31 =	vor.u32 s30, v55;
	v19 =	vor.u32 v41, v1;
	v16 =	vld.idx.msk [tilespmem:v29+s2+$0x0], $0xffff  }
0x28a: {  	v20 =	vld.idx.msk [tilespmem:v20+s2+$0x0], $0xffff  }
0x28b: {  	v32 =	vor.u32 v35, v4;
	v29 =	vor.u32 s31, v55;
	v55 =	vld [tilespmem:$0x1FE70]  }
0x28c: {  	v33 =	vor.u32 v63, v6;
	v18 =	vor.u32 s25, v0;
	v26 =	vld.idx.msk [tilespmem:v26+s2+$0x0], $0xffff  }
0x28d: {  	[tilespmem:v28+s17+$0x0] =	vst.idx.msk $0xffff, v21;
	v21 =	vor.u32 v63, v17;
	v63 =	vld [tilespmem:$0x1FCB0]  }
0x28e: {  	[tilespmem:v31+s17+$0x0] =	vst.idx.msk $0xffff, v23;
	v19 =	vld.idx.msk [tilespmem:v19+s2+$0x0], $0xffff  }
0x28f: {  	v25 =	vor.u32 v35, v7;
	[tilespmem:v27+s17+$0x0] =	vst.idx.msk $0xffff, v30;
	v30 =	vor.u32 v61, v3;
	v61 =	vld [tilespmem:$0x1FF60]  }
0x290: {  	v27 =	vld.idx.msk [tilespmem:v32+s2+$0x0], $0xffff  }
0x291: {  	v28 =	vor.u32 s26, v48;
	v31 =	vld.idx.msk [tilespmem:v33+s2+$0x0], $0xffff;
	[tilespmem:v18+s17+$0x0] =	vst.idx.msk $0xffff, v15  }
0x292: {  	v15 =	vor.u32 v44, v5;
	v44 =	vld [tilespmem:$0x1FE40];
	[tilespmem:v29+s17+$0x0] =	vst.idx.msk $0xffff, v16  }
0x293: {  	v34 =	vor.u32 v55, v2;
	v23 =	vor.u32 s29, v63;
	[tilespmem:v22+s17+$0x0] =	vst.idx.msk $0xffff, v20;
	v22 =	vor.u32 s25, v56;
	v56 =	vld [tilespmem:$0x1FF20]  }
0x294: {  	v20 =	vld.idx.msk [tilespmem:v25+s2+$0x0], $0xffff  }
0x295: {  	v32 =	vor.u32 s30, v39;
	v21 =	vld.idx.msk [tilespmem:v21+s2+$0x0], $0xffff  }
0x296: {  	v18 =	vor.u32 s1, v54;
	v29 =	vor.u32 v61, v6;
	[tilespmem:v28+s17+$0x0] =	vst.idx.msk $0xffff, v24;
	v28 =	vor.u32 v61, v17;
	v61 =	vld [tilespmem:$0x1FE50]  }
0x297: {  	v15 =	vld.idx.msk [tilespmem:v15+s2+$0x0], $0xffff  }
0x298: {  	v48 =	vor.u32 v44, v4;
	v16 =	vld.idx.msk [tilespmem:v34+s2+$0x0], $0xffff;
	[tilespmem:v23+s17+$0x0] =	vst.idx.msk $0xffff, v26  }
0x299: {  	v25 =	vor.u32 s31, v39;
	v39 =	vor.u32 v56, v2;
	v24 =	vld.idx.msk [tilespmem:v30+s2+$0x0], $0xffff  }
0x29a: {  	[tilespmem:v32+s17+$0x0] =	vst.idx.msk $0xffff, v27;
	v30 =	vor.u32 s26, v60;
	v60 =	vld [tilespmem:$0x1FD80]  }
0x29b: {  	[tilespmem:v18+s17+$0x0] =	vst.idx.msk $0xffff, v31;
	v31 =	vor.u32 v59, v3;
	v59 =	vld [tilespmem:$0x1FFC0]  }
0x29c: {  	v23 =	vor.u32 s14, v54;
	v29 =	vld.idx.msk [tilespmem:v29+s2+$0x0], $0xffff  }
0x29d: {  	v26 =	vor.u32 v44, v7;
	v18 =	vld.idx.msk [tilespmem:v48+s2+$0x0], $0xffff;
	[tilespmem:v22+s17+$0x0] =	vst.idx.msk $0xffff, v16  }
0x29e: {  	[tilespmem:v25+s17+$0x0] =	vst.idx.msk $0xffff, v20;
	v20 =	vld.idx.msk [tilespmem:v39+s2+$0x0], $0xffff  }
0x29f: {  	v27 =	vor.u32 s29, v50;
	v39 =	vld [tilespmem:$0x1FCF0]  }
0x2a0: {  	v16 =	vor.u32 v52, v5;
	v52 =	vld [tilespmem:$0x1FE00]  }
0x2a1: {  	v44 =	vld [tilespmem:$0x1FD00];
	[tilespmem:v23+s17+$0x0] =	vst.idx.msk $0xffff, v21;
	v32 =	vor.u32 s30, v59  }
0x2a2: {  	v22 =	vor.u32 s1, v60;
	v21 =	vld.idx.msk [tilespmem:v26+s2+$0x0], $0xffff  }
0x2a3: {  	v50 =	vor.u32 v61, v4;
	v26 =	vld.idx.msk [tilespmem:v28+s2+$0x0], $0xffff  }
0x2a4: {  	[tilespmem:v27+s17+$0x0] =	vst.idx.msk $0xffff, v24;
	v27 =	vor.u32 s14, v60;
	v60 =	vld [tilespmem:$0x1FF90];
	v23 =	vor.u32 s28, v39  }
0x2a5: {  	[tilespmem:v30+s17+$0x0] =	vst.idx.msk $0xffff, v15;
	v28 =	vor.u32 s31, v59;
	v15 =	vld.idx.msk [tilespmem:v31+s2+$0x0], $0xffff;
	v25 =	vor.u32 v52, v6  }
0x2a6: {  	v24 =	vor.u32 v44, v1;
	v16 =	vld.idx.msk [tilespmem:v16+s2+$0x0], $0xffff;
	[tilespmem:v32+s17+$0x0] =	vst.idx.msk $0xffff, v18;
	v18 =	vor.u32 s25, v37  }
0x2a7: {  	v30 =	vor.u32 v52, v17;
	v52 =	vld [tilespmem:$0x1FF00];
	[tilespmem:v22+s17+$0x0] =	vst.idx.msk $0xffff, v29;
	v29 =	vor.u32 v53, v2  }
0x2a8: {  	v59 =	vor.u32 v61, v7;
	v22 =	vld.idx.msk [tilespmem:v50+s2+$0x0], $0xffff  }
0x2a9: {  	v10 =	vor.u32 v58, v17;
	v31 =	vor.u32 s29, v57;
	v50 =	vld [tilespmem:$0x1FE60];
	[tilespmem:v23+s17+$0x0] =	vst.idx.msk $0xffff, v19  }
0x2aa: {  	v48 =	vor.u32 v41, v3;
	v61 =	vor.u32 s30, v60;
	v25 =	vld.idx.msk [tilespmem:v25+s2+$0x0], $0xffff;
	[tilespmem:v28+s17+$0x0] =	vst.idx.msk $0xffff, v21  }
0x2ab: {  	v1 =	vmovc v5;
	v5 =	vmov v7;
	v7 =	vmov v17;
	v19 =	vor.u32 s1, v46;
	[tilespmem:v18+s17+$0x0] =	vst.idx.msk $0xffff, v20;
	v17 =	vld.idx.msk [tilespmem:v24+s2+$0x0], $0xffff  }
0x2ac: {  	v21 =	vor.u32 v52, v6;
	[tilespmem:v27+s17+$0x0] =	vst.idx.msk $0xffff, v26;
	v57 =	vld.idx.msk [tilespmem:v29+s2+$0x0], $0xffff  }
0x2ad: {  	v26 =	vor.u32 s26, v47;
	v24 =	vld.idx.msk [tilespmem:v59+s2+$0x0], $0xffff  }
0x2ae: {  	[tilespmem:v31+s17+$0x0] =	vst.idx.msk $0xffff, v15;
	v23 =	vor.u32 v50, v4;
	v28 =	vld.idx.msk [tilespmem:v30+s2+$0x0], $0xffff;
	v30 =	vor.u32 s31, v60  }
0x2af: {  	v18 =	vor.u32 v45, v1;
	[tilespmem:v61+s17+$0x0] =	vst.idx.msk $0xffff, v22;
	v59 =	vor.u32 s25, v38  }
0x2b0: {  	v20 =	vor.u32 s14, v46;
	v61 =	vor.u32 v51, v2;
	v60 =	vld.idx.msk [tilespmem:v48+s2+$0x0], $0xffff;
	[tilespmem:v19+s17+$0x0] =	vst.idx.msk $0xffff, v25  }
0x2b1: {  	s4 =	sadd.s32 $0x2, s4;
	v39 =	vor.u32 s29, v39;
	v53 =	vor.u32 v50, v5;
	v31 =	vld.idx.msk [tilespmem:v21+s2+$0x0], $0xffff  }
0x2b2: {  	p2 =	slt.u32 s4, $0x1E;
	v33 =	vor.u32 v58, v6;
	v29 =	vor.u32 v52, v7;
	v21 =	vld [tilespmem:$0x1FD10];
	[tilespmem:v26+s17+$0x0] =	vst.idx.msk $0xffff, v16  }
.Ltmp4:
0x2b3: {  	v35 =	vor.u32 s14, v49;
	v32 =	vor.u32 s1, v49;
	v22 =	vor.u32 v56, v5;
	v15 =	vld.idx.msk [tilespmem:v23+s2+$0x0], $0xffff;
	[tilespmem:v30+s17+$0x0] =	vst.idx.msk $0xffff, v24;
	(pc) =	sbr.rel @p2 .LBB2_3-.Ltmp4, $4  }
0x2b4: {  	v19 =	vor.u32 v42, v2;
	v25 =	vor.u32 s26, v40;
	v16 =	vor.u32 s28, v43;
	[tilespmem:v59+s17+$0x0] =	vst.idx.msk $0xffff, v57;
	v24 =	vld.idx.msk [tilespmem:v18+s2+$0x0], $0xffff  }
0x2b5: {  	v23 =	vor.u32 v44, v3;
	v30 =	vor.u32 v55, v5;
	[tilespmem:v20+s17+$0x0] =	vst.idx.msk $0xffff, v28;
	v26 =	vld.idx.msk [tilespmem:v61+s2+$0x0], $0xffff  }
0x2b6: {  	v20 =	vor.u32 v62, v1;
	v18 =	vor.u32 s26, v63;
	[tilespmem:v39+s17+$0x0] =	vst.idx.msk $0xffff, v60;
	v39 =	vlaneseq.u32;
	v28 =	vld.idx.msk [tilespmem:v53+s2+$0x0], $0xffff  }
0x2b7: {  	s7 =	sadd.s32 $0x20, s7;
	s13 =	smov.u32 s14;
	v34 =	vld.idx.msk [tilespmem:v29+s2+$0x0], $0xffff;
	v29 =	vor.u32 s31, v0;
	v27 =	vor.u32 s28, v21;
	v21 =	vor.u32 s29, v21  }
0x2b8: {  	_ =	sdelay $0x3  }
0x2b9: {  	[tilespmem:v35+s17+$0x0] =	vst.idx.msk $0xffff, v34  }
0x2ba: {  	v54 =	vld [tilespmem:$0x1FFE0];
	_ =	sdelay $0x4  }
0x2bb: {  	[tilespmem:v32+s17+$0x0] =	vst.idx.msk $0xffff, v31;
	v10 =	vld.idx.msk [tilespmem:v10+s2+$0x0], $0xffff;
	v63 =	vor.u32 s14, v54  }
0x2bc: {  	v32 =	vld.idx.msk [tilespmem:v33+s2+$0x0], $0xffff;
	v36 =	vor.u32 s1, v54  }
0x2bd: {  	v50 =	vld [tilespmem:$0x1FE90];
	_ =	sdelay $0x2  }
0x2be: {  	[tilespmem:v63+s17+$0x0] =	vst.idx.msk $0xffff, v10  }
0x2bf: {  	[tilespmem:v36+s17+$0x0] =	vst.idx.msk $0xffff, v32  }
0x2c0: {  	v37 =	vor.u32 v50, v7;
	v0 =	vld [tilespmem:$0x1FEA0]  }
0x2c1: {  	v38 =	vor.u32 v50, v6;
	_ =	sdelay $0x3  }
0x2c2: {  	v10 =	vld.idx.msk [tilespmem:v37+s2+$0x0], $0xffff;
	v40 =	vor.u32 s13, v0  }
0x2c3: {  	v32 =	vld.idx.msk [tilespmem:v38+s2+$0x0], $0xffff;
	v41 =	vor.u32 s1, v0  }
0x2c4: {  	v57 =	vld [tilespmem:$0x1FED0];
	_ =	sdelay $0x2  }
0x2c5: {  	[tilespmem:v40+s17+$0x0] =	vst.idx.msk $0xffff, v10  }
0x2c6: {  	[tilespmem:v41+s17+$0x0] =	vst.idx.msk $0xffff, v32  }
0x2c7: {  	v42 =	vor.u32 v57, v7;
	v0 =	vld [tilespmem:$0x1FEB0]  }
0x2c8: {  	v43 =	vor.u32 v57, v6;
	_ =	sdelay $0x3  }
0x2c9: {  	v10 =	vld.idx.msk [tilespmem:v42+s2+$0x0], $0xffff;
	v44 =	vor.u32 s13, v0  }
0x2ca: {  	v32 =	vld.idx.msk [tilespmem:v43+s2+$0x0], $0xffff;
	v45 =	vor.u32 s1, v0  }
0x2cb: {  	v51 =	vld [tilespmem:$0x1FF10];
	_ =	sdelay $0x2  }
0x2cc: {  	[tilespmem:v44+s17+$0x0] =	vst.idx.msk $0xffff, v10  }
0x2cd: {  	[tilespmem:v45+s17+$0x0] =	vst.idx.msk $0xffff, v32  }
0x2ce: {  	v46 =	vor.u32 v51, v7;
	v0 =	vld [tilespmem:$0x1FF50]  }
0x2cf: {  	v47 =	vor.u32 v51, v6;
	_ =	sdelay $0x3  }
0x2d0: {  	v10 =	vld.idx.msk [tilespmem:v46+s2+$0x0], $0xffff;
	v48 =	vor.u32 s13, v0  }
0x2d1: {  	v32 =	vld.idx.msk [tilespmem:v47+s2+$0x0], $0xffff;
	v49 =	vor.u32 s1, v0  }
0x2d2: {  	v0 =	vld [tilespmem:$0x1FE20];
	_ =	sdelay $0x2  }
0x2d3: {  	[tilespmem:v48+s17+$0x0] =	vst.idx.msk $0xffff, v10  }
0x2d4: {  	[tilespmem:v49+s17+$0x0] =	vst.idx.msk $0xffff, v32  }
0x2d5: {  	v52 =	vor.u32 v0, v7;
	v53 =	vor.u32 v0, v6;
	v0 =	vld [tilespmem:$0x1FFA0];
	_ =	sdelay $0x4  }
0x2d6: {  	v10 =	vld.idx.msk [tilespmem:v52+s2+$0x0], $0xffff;
	v55 =	vor.u32 s13, v0  }
0x2d7: {  	v32 =	vld.idx.msk [tilespmem:v53+s2+$0x0], $0xffff;
	v56 =	vor.u32 s1, v0  }
0x2d8: {  	v0 =	vld [tilespmem:$0x1FE30];
	_ =	sdelay $0x2  }
0x2d9: {  	[tilespmem:v55+s17+$0x0] =	vst.idx.msk $0xffff, v10  }
0x2da: {  	[tilespmem:v56+s17+$0x0] =	vst.idx.msk $0xffff, v32  }
0x2db: {  	v58 =	vor.u32 v0, v7;
	v59 =	vor.u32 v0, v6;
	v0 =	vld [tilespmem:$0x1FFD0];
	_ =	sdelay $0x4  }
0x2dc: {  	v10 =	vld.idx.msk [tilespmem:v58+s2+$0x0], $0xffff;
	v60 =	vor.u32 s13, v0  }
0x2dd: {  	v32 =	vld.idx.msk [tilespmem:v59+s2+$0x0], $0xffff;
	v61 =	vor.u32 s1, v0  }
0x2de: {  	v0 =	vld [tilespmem:$0x1FE40];
	_ =	sdelay $0x2  }
0x2df: {  	[tilespmem:v60+s17+$0x0] =	vst.idx.msk $0xffff, v10  }
0x2e0: {  	[tilespmem:v61+s17+$0x0] =	vst.idx.msk $0xffff, v32  }
0x2e1: {  	v62 =	vor.u32 v0, v7;
	v59 =	vld [tilespmem:$0x1FFC0]  }
0x2e2: {  	v63 =	vor.u32 v0, v6;
	_ =	sdelay $0x3  }
0x2e3: {  	v10 =	vld.idx.msk [tilespmem:v62+s2+$0x0], $0xffff;
	v36 =	vor.u32 s13, v59  }
0x2e4: {  	v32 =	vld.idx.msk [tilespmem:v63+s2+$0x0], $0xffff;
	v37 =	vor.u32 s1, v59  }
0x2e5: {  	v55 =	vld [tilespmem:$0x1FE50];
	_ =	sdelay $0x2  }
0x2e6: {  	[tilespmem:v36+s17+$0x0] =	vst.idx.msk $0xffff, v10  }
0x2e7: {  	[tilespmem:v37+s17+$0x0] =	vst.idx.msk $0xffff, v32  }
0x2e8: {  	v38 =	vor.u32 v55, v7;
	v60 =	vld [tilespmem:$0x1FF90]  }
0x2e9: {  	v40 =	vor.u32 v55, v6;
	_ =	sdelay $0x2  }
0x2ea: {  	v49 =	vld [tilespmem:$0x1FE60]  }
0x2eb: {  	v10 =	vld.idx.msk [tilespmem:v38+s2+$0x0], $0xffff;
	v41 =	vor.u32 s13, v60  }
0x2ec: {  	v32 =	vld.idx.msk [tilespmem:v40+s2+$0x0], $0xffff;
	v42 =	vor.u32 s1, v60;
	_ =	sdelay $0x1  }
0x2ed: {  	v0 =	vld [tilespmem:$0x1FD50]  }
0x2ee: {  	v43 =	vor.u32 v49, v7  }
0x2ef: {  	[tilespmem:v41+s17+$0x0] =	vst.idx.msk $0xffff, v10  }
0x2f0: {  	v46 =	vld [tilespmem:$0x1FE70];
	[tilespmem:v42+s17+$0x0] =	vst.idx.msk $0xffff, v32  }
0x2f1: {  	v48 =	vor.u32 v49, v6;
	[tilespmem:v29+s17+$0x0] =	vst.idx.msk $0xffff, v28  }
0x2f2: {  	v36 =	vor.u32 s30, v0;
	v52 =	vor.u32 s13, v0;
	v56 =	vor.u32 s1, v0;
	v0 =	vld [tilespmem:$0x1FC00]  }
0x2f3: {  	v31 =	vld.idx.msk [tilespmem:v43+s2+$0x0], $0xffff;
	_ =	sdelay $0x2  }
0x2f4: {  	v33 =	vld.idx.msk [tilespmem:v48+s2+$0x0], $0xffff  }
0x2f5: {  	v29 =	vld.idx.msk [tilespmem:v30+s2+$0x0], $0xffff;
	[tilespmem:v36+s17+$0x0] =	vst.idx.msk $0xffff, v15;
	v10 =	vor.u32 v46, v4;
	v58 =	vor.u32 s31, v0  }
0x2f6: {  	[tilespmem:v52+s17+$0x0] =	vst.idx.msk $0xffff, v31  }
0x2f7: {  	v38 =	vld [tilespmem:$0x1FF20];
	_ =	sdelay $0x1  }
0x2f8: {  	v53 =	vor.u32 v46, v7;
	[tilespmem:v56+s17+$0x0] =	vst.idx.msk $0xffff, v33  }
0x2f9: {  	v37 =	vor.u32 v46, v6;
	v10 =	vld.idx.msk [tilespmem:v10+s2+$0x0], $0xffff;
	[tilespmem:v58+s17+$0x0] =	vst.idx.msk $0xffff, v29  }
0x2fa: {  	v15 =	vor.u32 s30, v0;
	v56 =	vld [tilespmem:$0x1FEE0]  }
0x2fb: {  	v61 =	vor.u32 v38, v4;
	_ =	sdelay $0x1  }
0x2fc: {  	v62 =	vor.u32 s13, v0;
	v32 =	vld.idx.msk [tilespmem:v53+s2+$0x0], $0xffff  }
0x2fd: {  	v41 =	vor.u32 s1, v0;
	v40 =	vld.idx.msk [tilespmem:v37+s2+$0x0], $0xffff  }
0x2fe: {  	v22 =	vld.idx.msk [tilespmem:v22+s2+$0x0], $0xffff;
	[tilespmem:v15+s17+$0x0] =	vst.idx.msk $0xffff, v10;
	v43 =	vor.u32 s31, v56  }
0x2ff: {  	v15 =	vld.idx.msk [tilespmem:v61+s2+$0x0], $0xffff;
	v47 =	vor.u32 s30, v56  }
0x300: {  	v45 =	vld [tilespmem:$0x1FE80]  }
0x301: {  	v63 =	vor.u32 v38, v7;
	[tilespmem:v62+s17+$0x0] =	vst.idx.msk $0xffff, v32  }
0x302: {  	v42 =	vor.u32 v38, v6;
	[tilespmem:v41+s17+$0x0] =	vst.idx.msk $0xffff, v40  }
0x303: {  	[tilespmem:v43+s17+$0x0] =	vst.idx.msk $0xffff, v22  }
0x304: {  	[tilespmem:v47+s17+$0x0] =	vst.idx.msk $0xffff, v15  }
0x305: {  	v10 =	vor.u32 v45, v5;
	v58 =	vld [tilespmem:$0x1FC10]  }
0x306: {  	v31 =	vld.idx.msk [tilespmem:v63+s2+$0x0], $0xffff;
	v53 =	vor.u32 s13, v56;
	v48 =	vor.u32 v45, v4  }
0x307: {  	v34 =	vld.idx.msk [tilespmem:v42+s2+$0x0], $0xffff;
	v62 =	vor.u32 s1, v56;
	_ =	sdelay $0x2  }
0x308: {  	v10 =	vld.idx.msk [tilespmem:v10+s2+$0x0], $0xffff;
	v15 =	vor.u32 s31, v58  }
0x309: {  	v61 =	vor.u32 v45, v7;
	[tilespmem:v53+s17+$0x0] =	vst.idx.msk $0xffff, v31;
	v37 =	vld.idx.msk [tilespmem:v48+s2+$0x0], $0xffff;
	v40 =	vor.u32 s30, v58  }
0x30a: {  	v53 =	vld [tilespmem:$0x1FDC0];
	[tilespmem:v62+s17+$0x0] =	vst.idx.msk $0xffff, v34  }
0x30b: {  	[tilespmem:v27+s17+$0x0] =	vst.idx.msk $0xffff, v17  }
0x30c: {  	v63 =	vor.u32 v45, v6;
	[tilespmem:v25+s17+$0x0] =	vst.idx.msk $0xffff, v24  }
0x30d: {  	[tilespmem:v15+s17+$0x0] =	vst.idx.msk $0xffff, v10  }
0x30e: {  	v31 =	vld.idx.msk [tilespmem:v61+s2+$0x0], $0xffff;
	[tilespmem:v40+s17+$0x0] =	vst.idx.msk $0xffff, v37  }
0x30f: {  	v42 =	vor.u32 s13, v58;
	v22 =	vor.u32 v53, v5;
	v29 =	vld [tilespmem:$0x1FEF0];
	_ =	sdelay $0x1  }
0x310: {  	v43 =	vld.idx.msk [tilespmem:v63+s2+$0x0], $0xffff;
	v44 =	vor.u32 s1, v58;
	_ =	sdelay $0x1  }
0x311: {  	v10 =	vld.idx.msk [tilespmem:v23+s2+$0x0], $0xffff  }
0x312: {  	v41 =	vor.u32 v53, v4;
	v15 =	vld.idx.msk [tilespmem:v22+s2+$0x0], $0xffff;
	[tilespmem:v42+s17+$0x0] =	vst.idx.msk $0xffff, v31;
	v22 =	vor.u32 s31, v29  }
0x313: {  	v48 =	vld [tilespmem:$0x1FC20]  }
0x314: {  	v17 =	vor.u32 v53, v7;
	[tilespmem:v44+s17+$0x0] =	vst.idx.msk $0xffff, v43  }
0x315: {  	v47 =	vor.u32 v53, v6;
	[tilespmem:v13+s17+$0x0] =	vst.idx.msk $0xffff, v26  }
0x316: {  	[tilespmem:v21+s17+$0x0] =	vst.idx.msk $0xffff, v10  }
0x317: {  	v52 =	vld.idx.msk [tilespmem:v41+s2+$0x0], $0xffff;
	[tilespmem:v22+s17+$0x0] =	vst.idx.msk $0xffff, v15  }
0x318: {  	v23 =	vor.u32 v48, v5;
	v0 =	vld [tilespmem:$0x1FC30]  }
0x319: {  	v17 =	vld.idx.msk [tilespmem:v17+s2+$0x0], $0xffff  }
0x31a: {  	v24 =	vld.idx.msk [tilespmem:v47+s2+$0x0], $0xffff;
	v58 =	vor.u32 s13, v29  }
0x31b: {  	v10 =	vld.idx.msk [tilespmem:v11+s2+$0x0], $0xffff  }
0x31c: {  	v15 =	vld.idx.msk [tilespmem:v19+s2+$0x0], $0xffff  }
0x31d: {  	[tilespmem:v14+s17+$0x0] =	vst.idx.msk $0xffff, v52;
	v21 =	vld.idx.msk [tilespmem:v23+s2+$0x0], $0xffff;
	v19 =	vor.u32 s25, v0  }
0x31e: {  	v53 =	vor.u32 v48, v4;
	v31 =	vld [tilespmem:$0x1FC40];
	v22 =	vor.u32 s31, v0  }
0x31f: {  	[tilespmem:v58+s17+$0x0] =	vst.idx.msk $0xffff, v17  }
0x320: {  	v13 =	vor.u32 v48, v7;
	[tilespmem:v12+s17+$0x0] =	vst.idx.msk $0xffff, v24  }
0x321: {  	v11 =	vor.u32 v48, v6;
	[tilespmem:v16+s17+$0x0] =	vst.idx.msk $0xffff, v10  }
0x322: {  	[tilespmem:v19+s17+$0x0] =	vst.idx.msk $0xffff, v15  }
0x323: {  	v23 =	vld.idx.msk [tilespmem:v53+s2+$0x0], $0xffff;
	v14 =	vor.u32 v31, v2;
	[tilespmem:v22+s17+$0x0] =	vst.idx.msk $0xffff, v21  }
0x324: {  	v61 =	vor.u32 s30, v0;
	v17 =	vor.u32 v31, v5;
	v35 =	vld [tilespmem:$0x1FC50]  }
0x325: {  	v13 =	vld.idx.msk [tilespmem:v13+s2+$0x0], $0xffff  }
0x326: {  	v11 =	vld.idx.msk [tilespmem:v11+s2+$0x0], $0xffff;
	v62 =	vor.u32 s13, v0  }
0x327: {  	v16 =	vor.u32 s1, v0;
	v15 =	vld.idx.msk [tilespmem:v20+s2+$0x0], $0xffff  }
0x328: {  	v14 =	vld.idx.msk [tilespmem:v14+s2+$0x0], $0xffff  }
0x329: {  	v12 =	vor.u32 v31, v4;
	[tilespmem:v61+s17+$0x0] =	vst.idx.msk $0xffff, v23;
	v17 =	vld.idx.msk [tilespmem:v17+s2+$0x0], $0xffff;
	v20 =	vor.u32 s25, v35  }
0x32a: {  	v63 =	vld [tilespmem:$0x1FC60];
	v22 =	vor.u32 s31, v35  }
0x32b: {  	[tilespmem:v62+s17+$0x0] =	vst.idx.msk $0xffff, v13  }
0x32c: {  	[tilespmem:v16+s17+$0x0] =	vst.idx.msk $0xffff, v11  }
0x32d: {  	v10 =	vor.u32 v31, v7;
	[tilespmem:v18+s17+$0x0] =	vst.idx.msk $0xffff, v15  }
0x32e: {  	v19 =	vor.u32 v31, v6;
	v12 =	vld.idx.msk [tilespmem:v12+s2+$0x0], $0xffff;
	[tilespmem:v20+s17+$0x0] =	vst.idx.msk $0xffff, v14  }
0x32f: {  	v21 =	vor.u32 v63, v2;
	v43 =	vld [tilespmem:$0x1FDB0];
	[tilespmem:v22+s17+$0x0] =	vst.idx.msk $0xffff, v17  }
0x330: {  	v23 =	vor.u32 s30, v35;
	v13 =	vor.u32 v63, v5;
	v0 =	vld [tilespmem:$0x1FC70]  }
0x331: {  	v9 =	vld.idx.msk [tilespmem:v9+s2+$0x0], $0xffff  }
0x332: {  	v10 =	vld.idx.msk [tilespmem:v10+s2+$0x0], $0xffff;
	v16 =	vor.u32 s13, v35  }
0x333: {  	v18 =	vld.idx.msk [tilespmem:v19+s2+$0x0], $0xffff;
	v19 =	vor.u32 s1, v35  }
0x334: {  	v17 =	vld.idx.msk [tilespmem:v21+s2+$0x0], $0xffff;
	v14 =	vor.u32 s29, v43  }
0x335: {  	[tilespmem:v23+s17+$0x0] =	vst.idx.msk $0xffff, v12;
	v13 =	vld.idx.msk [tilespmem:v13+s2+$0x0], $0xffff;
	v21 =	vor.u32 s25, v0  }
0x336: {  	v42 =	vld [tilespmem:$0x1FC80];
	v22 =	vor.u32 s31, v0  }
0x337: {  	[tilespmem:v16+s17+$0x0] =	vst.idx.msk $0xffff, v10  }
0x338: {  	v11 =	vor.u32 v63, v4;
	[tilespmem:v19+s17+$0x0] =	vst.idx.msk $0xffff, v18  }
0x339: {  	v15 =	vor.u32 v63, v7;
	[tilespmem:v14+s17+$0x0] =	vst.idx.msk $0xffff, v9  }
0x33a: {  	v8 =	vld.idx.msk [tilespmem:v8+s2+$0x0], $0xffff;
	v20 =	vor.u32 v63, v6;
	[tilespmem:v21+s17+$0x0] =	vst.idx.msk $0xffff, v17  }
0x33b: {  	v12 =	vor.u32 v42, v2;
	v47 =	vld [tilespmem:$0x1FD40];
	[tilespmem:v22+s17+$0x0] =	vst.idx.msk $0xffff, v13  }
0x33c: {  	v41 =	vld [tilespmem:$0x1FC90]  }
0x33d: {  	v11 =	vld.idx.msk [tilespmem:v11+s2+$0x0], $0xffff;
	v16 =	vor.u32 s30, v0;
	v10 =	vor.u32 v42, v5  }
0x33e: {  	v15 =	vld.idx.msk [tilespmem:v15+s2+$0x0], $0xffff;
	v19 =	vor.u32 s13, v0  }
0x33f: {  	v14 =	vld.idx.msk [tilespmem:v20+s2+$0x0], $0xffff;
	v20 =	vor.u32 s1, v0  }
0x340: {  	v12 =	vld.idx.msk [tilespmem:v12+s2+$0x0], $0xffff;
	v17 =	vor.u32 s28, v47  }
0x341: {  	v44 =	vld [tilespmem:$0x1FD30];
	v13 =	vor.u32 s25, v41  }
0x342: {  	v18 =	vor.u32 v42, v4;
	[tilespmem:v16+s17+$0x0] =	vst.idx.msk $0xffff, v11;
	v10 =	vld.idx.msk [tilespmem:v10+s2+$0x0], $0xffff;
	v16 =	vor.u32 s31, v41  }
0x343: {  	v63 =	vld [tilespmem:$0x1FCA0];
	[tilespmem:v19+s17+$0x0] =	vst.idx.msk $0xffff, v15  }
0x344: {  	v9 =	vor.u32 v42, v7;
	[tilespmem:v20+s17+$0x0] =	vst.idx.msk $0xffff, v14  }
0x345: {  	v21 =	vor.u32 v42, v6;
	[tilespmem:v17+s17+$0x0] =	vst.idx.msk $0xffff, v8  }
0x346: {  	v3 =	vor.u32 v44, v3;
	[tilespmem:v13+s17+$0x0] =	vst.idx.msk $0xffff, v12  }
0x347: {  	v18 =	vld.idx.msk [tilespmem:v18+s2+$0x0], $0xffff;
	[tilespmem:v16+s17+$0x0] =	vst.idx.msk $0xffff, v10  }
0x348: {  	v11 =	vor.u32 v63, v2;
	v62 =	vld [tilespmem:$0x1FCB0]  }
0x349: {  	v9 =	vld.idx.msk [tilespmem:v9+s2+$0x0], $0xffff;
	v19 =	vor.u32 s30, v41  }
0x34a: {  	v20 =	vor.u32 s13, v41;
	v17 =	vld.idx.msk [tilespmem:v21+s2+$0x0], $0xffff  }
0x34b: {  	v21 =	vor.u32 s1, v41;
	v3 =	vld.idx.msk [tilespmem:v3+s2+$0x0], $0xffff  }
0x34c: {  	v12 =	vor.u32 s29, v47;
	v61 =	vld [tilespmem:$0x1FCC0]  }
0x34d: {  	v15 =	vor.u32 v63, v5;
	v11 =	vld.idx.msk [tilespmem:v11+s2+$0x0], $0xffff;
	v16 =	vor.u32 s25, v62  }
0x34e: {  	[tilespmem:v19+s17+$0x0] =	vst.idx.msk $0xffff, v18  }
0x34f: {  	v14 =	vor.u32 v63, v4;
	[tilespmem:v20+s17+$0x0] =	vst.idx.msk $0xffff, v9  }
0x350: {  	v8 =	vor.u32 v63, v7;
	[tilespmem:v21+s17+$0x0] =	vst.idx.msk $0xffff, v17  }
0x351: {  	v13 =	vor.u32 v63, v6;
	[tilespmem:v12+s17+$0x0] =	vst.idx.msk $0xffff, v3  }
0x352: {  	v15 =	vld.idx.msk [tilespmem:v15+s2+$0x0], $0xffff;
	v10 =	vor.u32 v61, v1;
	[tilespmem:v16+s17+$0x0] =	vst.idx.msk $0xffff, v11  }
0x353: {  	v18 =	vor.u32 v61, v2;
	v19 =	vor.u32 s31, v62;
	v25 =	vld [tilespmem:$0x1FDF0]  }
0x354: {  	v14 =	vld.idx.msk [tilespmem:v14+s2+$0x0], $0xffff  }
0x355: {  	v8 =	vld.idx.msk [tilespmem:v8+s2+$0x0], $0xffff;
	v20 =	vor.u32 s30, v62  }
0x356: {  	v12 =	vld.idx.msk [tilespmem:v13+s2+$0x0], $0xffff;
	v21 =	vor.u32 s13, v62  }
0x357: {  	v13 =	vor.u32 s1, v62;
	v10 =	vld.idx.msk [tilespmem:v10+s2+$0x0], $0xffff  }
0x358: {  	[tilespmem:v19+s17+$0x0] =	vst.idx.msk $0xffff, v15;
	v18 =	vld.idx.msk [tilespmem:v18+s2+$0x0], $0xffff;
	v11 =	vor.u32 s26, v25  }
0x359: {  	v9 =	vor.u32 v61, v5;
	v23 =	vld [tilespmem:$0x1FE10];
	v19 =	vor.u32 s25, v25  }
0x35a: {  	[tilespmem:v20+s17+$0x0] =	vst.idx.msk $0xffff, v14  }
0x35b: {  	v17 =	vor.u32 v61, v4;
	[tilespmem:v21+s17+$0x0] =	vst.idx.msk $0xffff, v8  }
0x35c: {  	v3 =	vor.u32 v61, v7;
	[tilespmem:v13+s17+$0x0] =	vst.idx.msk $0xffff, v12  }
0x35d: {  	v16 =	vor.u32 v61, v6;
	[tilespmem:v11+s17+$0x0] =	vst.idx.msk $0xffff, v10  }
0x35e: {  	v9 =	vld.idx.msk [tilespmem:v9+s2+$0x0], $0xffff;
	v15 =	vor.u32 v23, v1;
	[tilespmem:v19+s17+$0x0] =	vst.idx.msk $0xffff, v18  }
0x35f: {  	v20 =	vor.u32 s31, v25;
	v14 =	vor.u32 v23, v2;
	v26 =	vld [tilespmem:$0x1FCD0]  }
0x360: {  	v17 =	vld.idx.msk [tilespmem:v17+s2+$0x0], $0xffff  }
0x361: {  	v3 =	vld.idx.msk [tilespmem:v3+s2+$0x0], $0xffff;
	v21 =	vor.u32 s30, v25  }
0x362: {  	v13 =	vor.u32 s13, v25;
	v11 =	vld.idx.msk [tilespmem:v16+s2+$0x0], $0xffff  }
0x363: {  	v16 =	vor.u32 s1, v25;
	v15 =	vld.idx.msk [tilespmem:v15+s2+$0x0], $0xffff  }
0x364: {  	[tilespmem:v20+s17+$0x0] =	vst.idx.msk $0xffff, v9;
	v14 =	vld.idx.msk [tilespmem:v14+s2+$0x0], $0xffff;
	v18 =	vor.u32 s26, v26  }
0x365: {  	v8 =	vor.u32 v23, v5;
	v28 =	vld [tilespmem:$0x1FCE0];
	v20 =	vor.u32 s25, v26  }
0x366: {  	[tilespmem:v21+s17+$0x0] =	vst.idx.msk $0xffff, v17  }
0x367: {  	v12 =	vor.u32 v23, v4;
	[tilespmem:v13+s17+$0x0] =	vst.idx.msk $0xffff, v3  }
0x368: {  	v10 =	vor.u32 v23, v7;
	[tilespmem:v16+s17+$0x0] =	vst.idx.msk $0xffff, v11  }
0x369: {  	v19 =	vor.u32 v23, v6;
	[tilespmem:v18+s17+$0x0] =	vst.idx.msk $0xffff, v15  }
0x36a: {  	v8 =	vld.idx.msk [tilespmem:v8+s2+$0x0], $0xffff;
	v9 =	vor.u32 v28, v1;
	[tilespmem:v20+s17+$0x0] =	vst.idx.msk $0xffff, v14  }
0x36b: {  	v21 =	vor.u32 s31, v26;
	v17 =	vor.u32 v28, v2;
	v22 =	vld [tilespmem:$0x1FCF0]  }
0x36c: {  	v12 =	vld.idx.msk [tilespmem:v12+s2+$0x0], $0xffff  }
0x36d: {  	v10 =	vld.idx.msk [tilespmem:v10+s2+$0x0], $0xffff;
	v13 =	vor.u32 s30, v26;
	v3 =	vor.u32 v28, v5  }
0x36e: {  	v16 =	vor.u32 s13, v26;
	v18 =	vld.idx.msk [tilespmem:v19+s2+$0x0], $0xffff  }
0x36f: {  	v19 =	vor.u32 s1, v26;
	v9 =	vld.idx.msk [tilespmem:v9+s2+$0x0], $0xffff  }
0x370: {  	[tilespmem:v21+s17+$0x0] =	vst.idx.msk $0xffff, v8;
	v17 =	vld.idx.msk [tilespmem:v17+s2+$0x0], $0xffff;
	v14 =	vor.u32 s26, v22  }
0x371: {  	v0 =	vld [tilespmem:$0x1FD00];
	v21 =	vor.u32 s25, v22  }
0x372: {  	[tilespmem:v13+s17+$0x0] =	vst.idx.msk $0xffff, v12;
	v3 =	vld.idx.msk [tilespmem:v3+s2+$0x0], $0xffff;
	v13 =	vor.u32 s31, v22  }
0x373: {  	[tilespmem:v16+s17+$0x0] =	vst.idx.msk $0xffff, v10  }
0x374: {  	v11 =	vor.u32 v28, v4;
	[tilespmem:v19+s17+$0x0] =	vst.idx.msk $0xffff, v18  }
0x375: {  	v15 =	vor.u32 v28, v7;
	[tilespmem:v14+s17+$0x0] =	vst.idx.msk $0xffff, v9  }
0x376: {  	v20 =	vor.u32 v28, v6;
	v8 =	vor.u32 v0, v1;
	[tilespmem:v21+s17+$0x0] =	vst.idx.msk $0xffff, v17  }
0x377: {  	v12 =	vor.u32 v0, v2;
	v10 =	vor.u32 v0, v5;
	v52 =	vld [tilespmem:$0x1FD10];
	[tilespmem:v13+s17+$0x0] =	vst.idx.msk $0xffff, v3  }
0x378: {  	v18 =	vor.u32 v0, v4;
	v9 =	vor.u32 v0, v7;
	v21 =	vor.u32 v0, v6;
	v0 =	vld [tilespmem:$0x1FD20]  }
0x379: {  	v11 =	vld.idx.msk [tilespmem:v11+s2+$0x0], $0xffff;
	v16 =	vor.u32 s30, v22  }
0x37a: {  	v15 =	vld.idx.msk [tilespmem:v15+s2+$0x0], $0xffff;
	v19 =	vor.u32 s13, v22  }
0x37b: {  	v14 =	vld.idx.msk [tilespmem:v20+s2+$0x0], $0xffff;
	v20 =	vor.u32 s1, v22  }
0x37c: {  	v8 =	vld.idx.msk [tilespmem:v8+s2+$0x0], $0xffff;
	v17 =	vor.u32 s26, v52  }
0x37d: {  	v12 =	vld.idx.msk [tilespmem:v12+s2+$0x0], $0xffff;
	v13 =	vor.u32 s25, v52;
	v3 =	vor.u32 v0, v1  }
0x37e: {  	[tilespmem:v16+s17+$0x0] =	vst.idx.msk $0xffff, v11;
	v10 =	vld.idx.msk [tilespmem:v10+s2+$0x0], $0xffff;
	v16 =	vor.u32 s31, v52;
	v11 =	vor.u32 v0, v2  }
0x37f: {  	[tilespmem:v19+s17+$0x0] =	vst.idx.msk $0xffff, v15;
	v18 =	vld.idx.msk [tilespmem:v18+s2+$0x0], $0xffff;
	v19 =	vor.u32 s30, v52;
	v15 =	vor.u32 v0, v5  }
0x380: {  	[tilespmem:v20+s17+$0x0] =	vst.idx.msk $0xffff, v14;
	v9 =	vld.idx.msk [tilespmem:v9+s2+$0x0], $0xffff;
	v20 =	vor.u32 s13, v52;
	v14 =	vor.u32 v0, v4  }
0x381: {  	v21 =	vld.idx.msk [tilespmem:v21+s2+$0x0], $0xffff;
	[tilespmem:v17+s17+$0x0] =	vst.idx.msk $0xffff, v8;
	v8 =	vor.u32 v0, v7;
	v17 =	vor.u32 s1, v52  }
0x382: {  	[tilespmem:v13+s17+$0x0] =	vst.idx.msk $0xffff, v12;
	v12 =	vor.u32 s26, v43;
	v13 =	vor.u32 v0, v6;
	v3 =	vld.idx.msk [tilespmem:v3+s2+$0x0], $0xffff  }
0x383: {  	v1 =	vor.u32 v44, v1;
	[tilespmem:v16+s17+$0x0] =	vst.idx.msk $0xffff, v10;
	v10 =	vld.idx.msk [tilespmem:v11+s2+$0x0], $0xffff;
	v11 =	vor.u32 s25, v43  }
0x384: {  	v2 =	vor.u32 v44, v2;
	[tilespmem:v19+s17+$0x0] =	vst.idx.msk $0xffff, v18;
	v16 =	vor.u32 s31, v43;
	v15 =	vld.idx.msk [tilespmem:v15+s2+$0x0], $0xffff  }
0x385: {  	v5 =	vor.u32 v44, v5;
	[tilespmem:v20+s17+$0x0] =	vst.idx.msk $0xffff, v9;
	v9 =	vld.idx.msk [tilespmem:v14+s2+$0x0], $0xffff;
	v14 =	vor.u32 s30, v43  }
0x386: {  	v4 =	vor.u32 v44, v4;
	[tilespmem:v17+s17+$0x0] =	vst.idx.msk $0xffff, v21;
	v17 =	vor.u32 s13, v43;
	v8 =	vld.idx.msk [tilespmem:v8+s2+$0x0], $0xffff  }
0x387: {  	[tilespmem:v12+s17+$0x0] =	vst.idx.msk $0xffff, v3;
	v3 =	vor.u32 v44, v7;
	v7 =	vld.idx.msk [tilespmem:v13+s2+$0x0], $0xffff;
	v12 =	vor.u32 s1, v43  }
0x388: {  	v6 =	vor.u32 v44, v6;
	[tilespmem:v11+s17+$0x0] =	vst.idx.msk $0xffff, v10;
	v10 =	vor.u32 s26, v47;
	v1 =	vld.idx.msk [tilespmem:v1+s2+$0x0], $0xffff  }
0x389: {  	[tilespmem:v16+s17+$0x0] =	vst.idx.msk $0xffff, v15;
	v11 =	vor.u32 s25, v47;
	v2 =	vld.idx.msk [tilespmem:v2+s2+$0x0], $0xffff  }
0x38a: {  	[tilespmem:v14+s17+$0x0] =	vst.idx.msk $0xffff, v9;
	v9 =	vor.u32 s31, v47;
	v5 =	vld.idx.msk [tilespmem:v5+s2+$0x0], $0xffff  }
0x38b: {  	v4 =	vld.idx.msk [tilespmem:v4+s2+$0x0], $0xffff;
	[tilespmem:v17+s17+$0x0] =	vst.idx.msk $0xffff, v8;
	v8 =	vor.u32 s30, v47  }
0x38c: {  	[tilespmem:v12+s17+$0x0] =	vst.idx.msk $0xffff, v7;
	v3 =	vld.idx.msk [tilespmem:v3+s2+$0x0], $0xffff;
	v7 =	vor.u32 s13, v47  }
0x38d: {  	[tilespmem:v10+s17+$0x0] =	vst.idx.msk $0xffff, v1;
	v1 =	vld.idx.msk [tilespmem:v6+s2+$0x0], $0xffff;
	v6 =	vor.u32 s1, v47  }
0x38e: {  	[tilespmem:v11+s17+$0x0] =	vst.idx.msk $0xffff, v2  }
0x38f: {  	[tilespmem:v9+s17+$0x0] =	vst.idx.msk $0xffff, v5  }
0x390: {  	[tilespmem:v8+s17+$0x0] =	vst.idx.msk $0xffff, v4  }
0x391: {  	[tilespmem:v7+s17+$0x0] =	vst.idx.msk $0xffff, v3  }
0x392: {  	[tilespmem:v6+s17+$0x0] =	vst.idx.msk $0xffff, v1  }
0x393: {  	v37 =	vld [tilespmem:$0x1FF40]  }
0x394: {  	v7 =	vld [tilespmem:$0x1FF80]  }
0x395: {  	v40 =	vld [tilespmem:$0x1FF70]  }
0x396: {  	v32 =	vld [tilespmem:$0x1FDD0]  }
0x397: {  	v36 =	vld [tilespmem:$0x1FF30]  }
0x398: {  	v33 =	vld [tilespmem:$0x1FF60]  }
0x399: {  	s31 =	sshll.u32 s3, $0xB;
	v8 =	vld [tilespmem:$0x1FE00]  }
0x39a: {  	s1 =	sadd.s32 s6, s31;
	v9 =	vld [tilespmem:$0x1FF00]  }
0x39b: {  	[hbm4b:s1+s2] =	stream.linear.scatter [tilespmem:s17], [sflag:$0x3], $0x4000, $0x38;
	v34 =	vld [tilespmem:$0x1FDE0]  }
0x39c: {  	s1 =	sadd.s32 s10, s24;
	v16 =	vld [tilespmem:$0x1FE20]  }
0x39d: {  	v17 =	vld [tilespmem:$0x1FE30];
	p2 =	sgt.u32 s1, $0x7A0  }
0x39e: {  	s25 =	sor.u32 $0x20, s3;
	v18 =	vld [tilespmem:$0x1FE40];
	s1 =	sshll.u32 @!p2 s1, $0x9;
	s4 =	simm.s32 @!p2 $0x1000  }
0x39f: {  	v20 =	vmov v49;
	v49 =	vmov v38;
	v38 =	vld [tilespmem:$0x1FEC0];
	s7 =	simm.s32 @!p2 $0x7A1400;
	s9 =	simm.s32 @!p2 $0x0;
	s1 =	sadd.s32 @!p2 s0, s1  }
0x3a0: {  	v4 =	vld [tilespmem:$0x1FFF0];
	[tilespmem:s9], [sflag:$0x1] =	stream.strided.gather @!p2 [hbm4b:s1+s4], $0x4000, s7, s4, $0x38  }
0x3a1: {  	v43 =	vld [tilespmem:$0x1FFB0];
	p2 =	sgt.u32 s25, $0x7A0  }
.Ltmp5:
0x3a2: {  	v47 =	vld [tilespmem:$0x1FEA0];
	(pc) =	sbr.rel @p2 .LBB2_8-.Ltmp5, $4  }
0x3a3: {  	v63 =	vld [tilespmem:$0x1FEB0]  }
0x3a4: {  	v53 =	vld [tilespmem:$0x1FF50]  }
0x3a5: {  	v48 =	vmovc v59;
	v19 =	vmovc v55;
	v0 =	vmov v60;
	v21 =	vmov v46;
	v46 =	vmov v45;
	v61 =	vld [tilespmem:$0x1FFA0]  }
0x3a6: {  	v14 =	vmovc v50;
	v13 =	vmovc v54;
	v2 =	vmov v51;
	v6 =	vmov v56;
	v56 =	vmov v29;
	v22 =	vld [tilespmem:$0x1FFD0]  }
0x3a7: {  	_ =	swait.ge [sflag:s18], $0x4000  }
0x3a8: {  	s1 =	simm.s32 $0x10;
	v51 =	vld [tilespmem:$0x1FD60]  }
0x3a9: {  	v1 =	vmov s1  }
0x3aa: {  	v23 =	vmov v2;
	v2 =	vor.u32 s1, v39;
	v1 =	vshll.u32 v1, $0x3  }
0x3ab: {  	v2 =	vand.u32 $0x7F, v2;
	v1 =	vand.u32 $0xC00, v1  }
0x3ac: {  	v59 =	vor.u32 v1, v2  }
0x3ad: {  	[sflag:s18] =	ssyncset.done $0x0;
	v1 =	vor.u32 v51, v59  }
0x3ae: {  	s1 =	simm.s32 @!p1 $0x4;
	[sflag:s18] =	ssyncadd.s32 $0xFFFFC000  }
0x3af: {  	_ =	swait.ge @!p1 [sflag:s1], $0x4000  }
0x3b0: {  	[sflag:s1] =	ssyncset.done @!p1 $0x0  }
0x3b1: {  	s29 =	simm.s32 $0x200;
	[sflag:s1] =	ssyncadd.s32 @!p1 $0xFFFFC000  }
0x3b2: {  	v2 =	vor.u32 s29, v37;
	v1 =	vld.idx.msk [tilespmem:v1+s15+$0x0], $0xffff  }
0x3b3: {  	v3 =	vor.u32 v7, v59;
	_ =	sdelay $0x3  }
0x3b4: {  	[tilespmem:v2+s19+$0x0] =	vst.idx.msk $0xffff, v1  }
0x3b5: {  	v2 =	vor.u32 s29, v38;
	v1 =	vld.idx.msk [tilespmem:v3+s15+$0x0], $0xffff  }
0x3b6: {  	v3 =	vor.u32 v40, v59;
	_ =	sdelay $0x3  }
0x3b7: {  	[tilespmem:v2+s19+$0x0] =	vst.idx.msk $0xffff, v1  }
0x3b8: {  	v2 =	vor.u32 s29, v4;
	v1 =	vld.idx.msk [tilespmem:v3+s15+$0x0], $0xffff  }
0x3b9: {  	v3 =	vor.u32 v32, v59;
	_ =	sdelay $0x3  }
0x3ba: {  	[tilespmem:v2+s19+$0x0] =	vst.idx.msk $0xffff, v1  }
0x3bb: {  	v2 =	vor.u32 s29, v43;
	v1 =	vld.idx.msk [tilespmem:v3+s15+$0x0], $0xffff;
	_ =	sdelay $0x4  }
0x3bc: {  	[tilespmem:v2+s19+$0x0] =	vst.idx.msk $0xffff, v1  }
0x3bd: {  	v26 =	vmov v4;
	v4 =	vor.u32 v36, v59;
	v41 =	vld [tilespmem:$0x1FD70];
	_ =	sdelay $0x4  }
0x3be: {  	s3 =	simm.s32 $0x0;
	v1 =	vld.idx.msk [tilespmem:v4+s15+$0x0], $0xffff;
	v2 =	vor.u32 s29, v41  }
0x3bf: {  	v3 =	vmov s3  }
0x3c0: {  	v5 =	vor.u32 s3, v39;
	v3 =	vshll.u32 v3, $0x3  }
0x3c1: {  	v5 =	vand.u32 $0x6F, v5;
	v3 =	vand.u32 $0xC00, v3  }
0x3c2: {  	v3 =	vor.u32 v3, v5  }
0x3c3: {  	v5 =	vor.u32 v51, v3;
	[tilespmem:v2+s19+$0x0] =	vst.idx.msk $0xffff, v1  }
0x3c4: {  	v42 =	vmov v40;
	v4 =	vor.u32 v33, v59;
	v40 =	vld [tilespmem:$0x1FD80];
	_ =	sdelay $0x2  }
0x3c5: {  	s30 =	simm.s32 $0x0  }
0x3c6: {  	v45 =	vmov v6;
	v6 =	vor.u32 s30, v37;
	v5 =	vld.idx.msk [tilespmem:v5+s15+$0x0], $0xffff  }
0x3c7: {  	v15 =	vmov v7;
	v7 =	vor.u32 v7, v3;
	v1 =	vld.idx.msk [tilespmem:v4+s15+$0x0], $0xffff;
	v2 =	vor.u32 s29, v40;
	_ =	sdelay $0x3  }
0x3c8: {  	[tilespmem:v6+s19+$0x0] =	vst.idx.msk $0xffff, v5  }
0x3c9: {  	v5 =	vld.idx.msk [tilespmem:v7+s15+$0x0], $0xffff;
	[tilespmem:v2+s19+$0x0] =	vst.idx.msk $0xffff, v1  }
0x3ca: {  	v4 =	vor.u32 v8, v59;
	v6 =	vor.u32 s30, v38;
	v30 =	vld [tilespmem:$0x1FD90];
	_ =	sdelay $0x4  }
0x3cb: {  	v7 =	vor.u32 v42, v3;
	v1 =	vld.idx.msk [tilespmem:v4+s15+$0x0], $0xffff;
	[tilespmem:v6+s19+$0x0] =	vst.idx.msk $0xffff, v5;
	v2 =	vor.u32 s29, v30  }
0x3cc: {  	v4 =	vor.u32 v9, v59;
	v24 =	vld [tilespmem:$0x1FDA0]  }
0x3cd: {  	s4 =	simm.s32 $0x30  }
0x3ce: {  	v11 =	vmov s4;
	s3 =	simm.s32 $0x20  }
0x3cf: {  	v11 =	vshll.u32 v11, $0x3;
	v10 =	vmov s3  }
0x3d0: {  	v11 =	vand.u32 $0xC00, v11;
	v10 =	vshll.u32 v10, $0x3;
	v5 =	vor.u32 s30, v26;
	v7 =	vld.idx.msk [tilespmem:v7+s15+$0x0], $0xffff;
	[tilespmem:v2+s19+$0x0] =	vst.idx.msk $0xffff, v1  }
0x3d1: {  	v60 =	vmovc v9;
	v6 =	vor.u32 v32, v3;
	v9 =	vor.u32 s29, v24;
	v2 =	vor.u32 s4, v39;
	v4 =	vld.idx.msk [tilespmem:v4+s15+$0x0], $0xffff  }
0x3d2: {  	v50 =	vmovc v35;
	v35 =	vmovc v8;
	v8 =	vor.u32 v34, v59;
	v1 =	vor.u32 s3, v39;
	v2 =	vand.u32 $0x7F, v2  }
0x3d3: {  	v10 =	vand.u32 $0xC00, v10;
	v12 =	vand.u32 $0x6F, v1;
	v1 =	vor.u32 v11, v2  }
0x3d4: {  	v2 =	vor.u32 v10, v12;
	v10 =	vor.u32 v51, v1  }
0x3d5: {  	[tilespmem:v5+s19+$0x0] =	vst.idx.msk $0xffff, v7;
	v5 =	vor.u32 v51, v2  }
0x3d6: {  	v7 =	vor.u32 s30, v43;
	v6 =	vld.idx.msk [tilespmem:v6+s15+$0x0], $0xffff;
	[tilespmem:v9+s19+$0x0] =	vst.idx.msk $0xffff, v4  }
0x3d7: {  	v11 =	vor.u32 v36, v3;
	v4 =	vor.u32 s29, v13;
	v8 =	vld.idx.msk [tilespmem:v8+s15+$0x0], $0xffff  }
0x3d8: {  	s28 =	simm.s32 $0x600;
	v9 =	vor.u32 v14, v59  }
0x3d9: {  	s26 =	simm.s32 $0x400;
	v12 =	vor.u32 s28, v37;
	v10 =	vld.idx.msk [tilespmem:v10+s15+$0x0], $0xffff  }
0x3da: {  	v27 =	vmovc v13;
	v54 =	vmov v14;
	v13 =	vor.u32 s26, v37;
	v14 =	vor.u32 v15, v1;
	v5 =	vld.idx.msk [tilespmem:v5+s15+$0x0], $0xffff  }
0x3db: {  	[tilespmem:v7+s19+$0x0] =	vst.idx.msk $0xffff, v6;
	v6 =	vor.u32 v15, v2  }
0x3dc: {  	v7 =	vld.idx.msk [tilespmem:v11+s15+$0x0], $0xffff;
	v11 =	vor.u32 s30, v41;
	[tilespmem:v4+s19+$0x0] =	vst.idx.msk $0xffff, v8  }
0x3dd: {  	v28 =	vmov v15;
	v15 =	vor.u32 v33, v3;
	v8 =	vor.u32 s29, v47;
	v4 =	vld.idx.msk [tilespmem:v9+s15+$0x0], $0xffff  }
0x3de: {  	[tilespmem:v12+s19+$0x0] =	vst.idx.msk $0xffff, v10;
	v9 =	vor.u32 v57, v59  }
0x3df: {  	[tilespmem:v13+s19+$0x0] =	vst.idx.msk $0xffff, v5;
	v10 =	vor.u32 s28, v38;
	v5 =	vld.idx.msk [tilespmem:v14+s15+$0x0], $0xffff  }
0x3e0: {  	v12 =	vor.u32 s26, v38;
	v13 =	vor.u32 v42, v1;
	v6 =	vld.idx.msk [tilespmem:v6+s15+$0x0], $0xffff  }
0x3e1: {  	[tilespmem:v11+s19+$0x0] =	vst.idx.msk $0xffff, v7  }
0x3e2: {  	v7 =	vor.u32 v42, v2;
	v11 =	vld.idx.msk [tilespmem:v15+s15+$0x0], $0xffff;
	v14 =	vor.u32 s30, v40;
	[tilespmem:v8+s19+$0x0] =	vst.idx.msk $0xffff, v4  }
0x3e3: {  	v15 =	vor.u32 v35, v3;
	v8 =	vor.u32 s29, v63;
	v4 =	vld.idx.msk [tilespmem:v9+s15+$0x0], $0xffff  }
0x3e4: {  	[tilespmem:v10+s19+$0x0] =	vst.idx.msk $0xffff, v5;
	v5 =	vor.u32 v23, v59  }
0x3e5: {  	[tilespmem:v12+s19+$0x0] =	vst.idx.msk $0xffff, v6;
	v9 =	vor.u32 s28, v26;
	v6 =	vld.idx.msk [tilespmem:v13+s15+$0x0], $0xffff;
	_ =	sdelay $0x1  }
0x3e6: {  	v10 =	vor.u32 s26, v26;
	v12 =	vor.u32 v32, v1;
	[tilespmem:v14+s19+$0x0] =	vst.idx.msk $0xffff, v11;
	v7 =	vld.idx.msk [tilespmem:v7+s15+$0x0], $0xffff  }
0x3e7: {  	v11 =	vor.u32 v32, v2;
	v14 =	vor.u32 s30, v30;
	v13 =	vld.idx.msk [tilespmem:v15+s15+$0x0], $0xffff;
	[tilespmem:v8+s19+$0x0] =	vst.idx.msk $0xffff, v4  }
0x3e8: {  	v15 =	vor.u32 v60, v3;
	v4 =	vld.idx.msk [tilespmem:v5+s15+$0x0], $0xffff;
	v5 =	vor.u32 s29, v53  }
0x3e9: {  	[tilespmem:v9+s19+$0x0] =	vst.idx.msk $0xffff, v6;
	v6 =	vor.u32 v16, v59;
	_ =	sdelay $0x1  }
0x3ea: {  	v8 =	vor.u32 s28, v43;
	[tilespmem:v10+s19+$0x0] =	vst.idx.msk $0xffff, v7;
	v7 =	vld.idx.msk [tilespmem:v12+s15+$0x0], $0xffff  }
0x3eb: {  	v10 =	vor.u32 s26, v43;
	[tilespmem:v14+s19+$0x0] =	vst.idx.msk $0xffff, v13;
	v9 =	vld.idx.msk [tilespmem:v11+s15+$0x0], $0xffff;
	v11 =	vor.u32 v36, v1  }
0x3ec: {  	v14 =	vor.u32 s30, v24;
	v12 =	vor.u32 v36, v2;
	v13 =	vld.idx.msk [tilespmem:v15+s15+$0x0], $0xffff;
	[tilespmem:v5+s19+$0x0] =	vst.idx.msk $0xffff, v4  }
0x3ed: {  	v15 =	vor.u32 v34, v3;
	v5 =	vor.u32 s29, v61;
	v4 =	vld.idx.msk [tilespmem:v6+s15+$0x0], $0xffff  }
0x3ee: {  	v6 =	vor.u32 v17, v59  }
0x3ef: {  	[tilespmem:v8+s19+$0x0] =	vst.idx.msk $0xffff, v7  }
0x3f0: {  	[tilespmem:v10+s19+$0x0] =	vst.idx.msk $0xffff, v9;
	v8 =	vor.u32 s28, v41;
	v7 =	vld.idx.msk [tilespmem:v11+s15+$0x0], $0xffff  }
0x3f1: {  	v10 =	vor.u32 s26, v41;
	[tilespmem:v14+s19+$0x0] =	vst.idx.msk $0xffff, v13;
	v9 =	vld.idx.msk [tilespmem:v12+s15+$0x0], $0xffff;
	v11 =	vor.u32 v33, v1  }
0x3f2: {  	v13 =	vor.u32 s30, v27;
	v12 =	vor.u32 v33, v2;
	v14 =	vld.idx.msk [tilespmem:v15+s15+$0x0], $0xffff;
	[tilespmem:v5+s19+$0x0] =	vst.idx.msk $0xffff, v4  }
0x3f3: {  	v15 =	vor.u32 v54, v3;
	v5 =	vor.u32 s29, v22;
	v4 =	vld.idx.msk [tilespmem:v6+s15+$0x0], $0xffff  }
0x3f4: {  	v6 =	vor.u32 v18, v59  }
0x3f5: {  	[tilespmem:v8+s19+$0x0] =	vst.idx.msk $0xffff, v7  }
0x3f6: {  	[tilespmem:v10+s19+$0x0] =	vst.idx.msk $0xffff, v9;
	v8 =	vor.u32 s28, v40;
	v7 =	vld.idx.msk [tilespmem:v11+s15+$0x0], $0xffff  }
0x3f7: {  	v10 =	vor.u32 s26, v40;
	[tilespmem:v13+s19+$0x0] =	vst.idx.msk $0xffff, v14;
	v9 =	vld.idx.msk [tilespmem:v12+s15+$0x0], $0xffff;
	v11 =	vor.u32 v35, v1  }
0x3f8: {  	v14 =	vor.u32 s30, v47;
	v12 =	vor.u32 v35, v2;
	v13 =	vld.idx.msk [tilespmem:v15+s15+$0x0], $0xffff;
	[tilespmem:v5+s19+$0x0] =	vst.idx.msk $0xffff, v4  }
0x3f9: {  	v15 =	vor.u32 v57, v3;
	v5 =	vor.u32 s29, v48;
	v4 =	vld.idx.msk [tilespmem:v6+s15+$0x0], $0xffff  }
0x3fa: {  	v6 =	vor.u32 v19, v59  }
0x3fb: {  	[tilespmem:v8+s19+$0x0] =	vst.idx.msk $0xffff, v7  }
0x3fc: {  	[tilespmem:v10+s19+$0x0] =	vst.idx.msk $0xffff, v9;
	v8 =	vor.u32 s28, v30;
	v7 =	vld.idx.msk [tilespmem:v11+s15+$0x0], $0xffff  }
0x3fd: {  	v10 =	vor.u32 s26, v30;
	[tilespmem:v14+s19+$0x0] =	vst.idx.msk $0xffff, v13;
	v9 =	vld.idx.msk [tilespmem:v12+s15+$0x0], $0xffff  }
0x3fe: {  	v14 =	vor.u32 s30, v63;
	v13 =	vld.idx.msk [tilespmem:v15+s15+$0x0], $0xffff;
	[tilespmem:v5+s19+$0x0] =	vst.idx.msk $0xffff, v4  }
0x3ff: {  	v4 =	vld.idx.msk [tilespmem:v6+s15+$0x0], $0xffff;
	v6 =	vor.u32 s29, v0;
	_ =	sdelay $0x1  }
0x400: {  	[tilespmem:v8+s19+$0x0] =	vst.idx.msk $0xffff, v7  }
0x401: {  	v11 =	vor.u32 v60, v1;
	[tilespmem:v10+s19+$0x0] =	vst.idx.msk $0xffff, v9  }
0x402: {  	v12 =	vor.u32 v60, v2;
	[tilespmem:v14+s19+$0x0] =	vst.idx.msk $0xffff, v13  }
0x403: {  	v15 =	vor.u32 v23, v3;
	[tilespmem:v6+s19+$0x0] =	vst.idx.msk $0xffff, v4  }
0x404: {  	v7 =	vor.u32 v20, v59;
	v31 =	vld [tilespmem:$0x1FD50];
	_ =	sdelay $0x1  }
0x405: {  	v9 =	vor.u32 s28, v24;
	v8 =	vld.idx.msk [tilespmem:v11+s15+$0x0], $0xffff  }
0x406: {  	v11 =	vld.idx.msk [tilespmem:v12+s15+$0x0], $0xffff;
	v12 =	vor.u32 s26, v24  }
0x407: {  	v10 =	vor.u32 s30, v53;
	v15 =	vld.idx.msk [tilespmem:v15+s15+$0x0], $0xffff  }
0x408: {  	s7 =	simm.s32 $0x40;
	v5 =	vor.u32 v34, v1;
	v7 =	vld.idx.msk [tilespmem:v7+s15+$0x0], $0xffff;
	v6 =	vor.u32 s29, v31  }
0x409: {  	v52 =	vmov v34;
	v34 =	vmov v16;
	v16 =	vmov s7  }
0x40a: {  	v13 =	vor.u32 v52, v2;
	v14 =	vor.u32 s7, v39;
	v16 =	vshll.u32 v16, $0x3;
	[tilespmem:v9+s19+$0x0] =	vst.idx.msk $0xffff, v8  }
0x40b: {  	s9 =	simm.s32 $0x50;
	v55 =	vmovc v18;
	v18 =	vor.u32 v21, v59;
	v14 =	vand.u32 $0x6F, v14;
	v16 =	vand.u32 $0xC00, v16;
	[tilespmem:v12+s19+$0x0] =	vst.idx.msk $0xffff, v11  }
0x40c: {  	v35 =	vmovc v17;
	v17 =	vor.u32 v34, v3;
	v4 =	vor.u32 v16, v14;
	v16 =	vmov s9;
	[tilespmem:v10+s19+$0x0] =	vst.idx.msk $0xffff, v15  }
0x40d: {  	v8 =	vor.u32 v51, v4;
	v12 =	vshll.u32 v16, $0x3;
	v16 =	vld.idx.msk [tilespmem:v5+s15+$0x0], $0xffff;
	[tilespmem:v6+s19+$0x0] =	vst.idx.msk $0xffff, v7  }
0x40e: {  	v14 =	vor.u32 s28, v27;
	v9 =	vor.u32 s26, v27;
	v11 =	vor.u32 s9, v39;
	v27 =	vld [tilespmem:$0x1FC00]  }
0x40f: {  	v13 =	vld.idx.msk [tilespmem:v13+s15+$0x0], $0xffff;
	v5 =	vand.u32 $0x7F, v11;
	v11 =	vand.u32 $0xC00, v12;
	v12 =	vor.u32 v54, v1  }
0x410: {  	v10 =	vor.u32 v54, v2;
	v5 =	vor.u32 v11, v5  }
0x411: {  	s31 =	simm.s32 $0x800;
	v15 =	vor.u32 s30, v61;
	v11 =	vld.idx.msk [tilespmem:v17+s15+$0x0], $0xffff;
	v17 =	vor.u32 v51, v5  }
0x412: {  	v62 =	vmovc v42;
	v42 =	vmovc v40;
	v40 =	vmov v19;
	v19 =	vor.u32 v35, v3;
	v6 =	vld.idx.msk [tilespmem:v8+s15+$0x0], $0xffff;
	v7 =	vor.u32 s31, v37  }
0x413: {  	v18 =	vld.idx.msk [tilespmem:v18+s15+$0x0], $0xffff;
	[tilespmem:v14+s19+$0x0] =	vst.idx.msk $0xffff, v16;
	v14 =	vor.u32 v28, v4;
	v8 =	vor.u32 s29, v27  }
0x414: {  	v16 =	vor.u32 v49, v59;
	[tilespmem:v9+s19+$0x0] =	vst.idx.msk $0xffff, v13;
	v9 =	vld.idx.msk [tilespmem:v12+s15+$0x0], $0xffff;
	v12 =	vor.u32 s28, v47  }
0x415: {  	s1 =	simm.s32 $0xA00;
	v24 =	vmovc v50;
	v50 =	vmov v20;
	v20 =	vor.u32 v57, v1;
	v13 =	vor.u32 s26, v47;
	v10 =	vld.idx.msk [tilespmem:v10+s15+$0x0], $0xffff  }
0x416: {  	[tilespmem:v15+s19+$0x0] =	vst.idx.msk $0xffff, v11;
	v15 =	vld.idx.msk [tilespmem:v17+s15+$0x0], $0xffff;
	v17 =	vor.u32 s1, v37  }
0x417: {  	v58 =	vmov v53;
	v53 =	vmov v21;
	v21 =	vor.u32 s30, v22;
	v19 =	vld.idx.msk [tilespmem:v19+s15+$0x0], $0xffff;
	[tilespmem:v7+s19+$0x0] =	vst.idx.msk $0xffff, v6  }
0x418: {  	v29 =	vmov v22;
	v22 =	vor.u32 v28, v5;
	v7 =	vld.idx.msk [tilespmem:v14+s15+$0x0], $0xffff;
	[tilespmem:v8+s19+$0x0] =	vst.idx.msk $0xffff, v18;
	v8 =	vor.u32 s31, v38  }
0x419: {  	v11 =	vor.u32 v57, v2;
	[tilespmem:v12+s19+$0x0] =	vst.idx.msk $0xffff, v9;
	v14 =	vld.idx.msk [tilespmem:v16+s15+$0x0], $0xffff;
	v16 =	vor.u32 s29, v45  }
0x41a: {  	[tilespmem:v13+s19+$0x0] =	vst.idx.msk $0xffff, v10;
	v13 =	vor.u32 s28, v63;
	v10 =	vld.idx.msk [tilespmem:v20+s15+$0x0], $0xffff  }
0x41b: {  	[tilespmem:v17+s19+$0x0] =	vst.idx.msk $0xffff, v15  }
0x41c: {  	v6 =	vor.u32 v55, v3;
	[tilespmem:v21+s19+$0x0] =	vst.idx.msk $0xffff, v19  }
0x41d: {  	v9 =	vor.u32 v62, v4;
	v19 =	vld.idx.msk [tilespmem:v22+s15+$0x0], $0xffff;
	[tilespmem:v8+s19+$0x0] =	vst.idx.msk $0xffff, v7  }
0x41e: {  	v15 =	vor.u32 v23, v1;
	v11 =	vld.idx.msk [tilespmem:v11+s15+$0x0], $0xffff;
	v18 =	vor.u32 s26, v63;
	[tilespmem:v16+s19+$0x0] =	vst.idx.msk $0xffff, v14  }
0x41f: {  	v12 =	vor.u32 v46, v59;
	v22 =	vor.u32 v62, v5;
	v62 =	vld [tilespmem:$0x1FC10];
	[tilespmem:v13+s19+$0x0] =	vst.idx.msk $0xffff, v10  }
0x420: {  	v44 =	vmov v0;
	v17 =	vor.u32 v23, v2;
	v20 =	vor.u32 s1, v38;
	v0 =	vld [tilespmem:$0x1FDC0]  }
0x421: {  	v21 =	vor.u32 s30, v48;
	v6 =	vld.idx.msk [tilespmem:v6+s15+$0x0], $0xffff  }
0x422: {  	v7 =	vor.u32 v40, v3;
	v8 =	vld.idx.msk [tilespmem:v9+s15+$0x0], $0xffff;
	v9 =	vor.u32 s31, v26  }
0x423: {  	v10 =	vor.u32 v32, v4;
	[tilespmem:v18+s19+$0x0] =	vst.idx.msk $0xffff, v11;
	v11 =	vld.idx.msk [tilespmem:v15+s15+$0x0], $0xffff;
	v15 =	vor.u32 s28, v58  }
0x424: {  	v12 =	vld.idx.msk [tilespmem:v12+s15+$0x0], $0xffff;
	v18 =	vor.u32 v34, v1;
	v14 =	vor.u32 s29, v62  }
0x425: {  	[tilespmem:v20+s19+$0x0] =	vst.idx.msk $0xffff, v19;
	v16 =	vld.idx.msk [tilespmem:v17+s15+$0x0], $0xffff;
	v13 =	vor.u32 v0, v59  }
0x426: {  	[tilespmem:v21+s19+$0x0] =	vst.idx.msk $0xffff, v6;
	v17 =	vor.u32 s26, v58;
	v19 =	vld.idx.msk [tilespmem:v22+s15+$0x0], $0xffff  }
0x427: {  	v6 =	vor.u32 v34, v2;
	v20 =	vor.u32 s1, v26;
	v7 =	vld.idx.msk [tilespmem:v7+s15+$0x0], $0xffff;
	[tilespmem:v9+s19+$0x0] =	vst.idx.msk $0xffff, v8  }
0x428: {  	v21 =	vor.u32 s30, v44;
	v9 =	vld.idx.msk [tilespmem:v10+s15+$0x0], $0xffff;
	[tilespmem:v15+s19+$0x0] =	vst.idx.msk $0xffff, v11  }
0x429: {  	v10 =	vor.u32 s31, v43;
	v15 =	vld.idx.msk [tilespmem:v18+s15+$0x0], $0xffff;
	[tilespmem:v14+s19+$0x0] =	vst.idx.msk $0xffff, v12  }
0x42a: {  	v12 =	vld.idx.msk [tilespmem:v13+s15+$0x0], $0xffff;
	v13 =	vor.u32 s29, v56  }
0x42b: {  	v26 =	vld [tilespmem:$0x1FC20];
	[tilespmem:v17+s19+$0x0] =	vst.idx.msk $0xffff, v16;
	v16 =	vor.u32 s28, v61  }
0x42c: {  	v22 =	vor.u32 v32, v5;
	v17 =	vor.u32 s26, v61;
	[tilespmem:v20+s19+$0x0] =	vst.idx.msk $0xffff, v19;
	v6 =	vld.idx.msk [tilespmem:v6+s15+$0x0], $0xffff  }
0x42d: {  	[tilespmem:v21+s19+$0x0] =	vst.idx.msk $0xffff, v7  }
0x42e: {  	v8 =	vor.u32 v50, v3;
	[tilespmem:v10+s19+$0x0] =	vst.idx.msk $0xffff, v9  }
0x42f: {  	v18 =	vor.u32 v35, v1;
	[tilespmem:v13+s19+$0x0] =	vst.idx.msk $0xffff, v12  }
0x430: {  	v25 =	vmov v45;
	v45 =	vmov v46;
	v11 =	vor.u32 v36, v4;
	v46 =	vld [tilespmem:$0x1FC30];
	[tilespmem:v16+s19+$0x0] =	vst.idx.msk $0xffff, v15  }
0x431: {  	v19 =	vld.idx.msk [tilespmem:v22+s15+$0x0], $0xffff;
	v14 =	vor.u32 v26, v59;
	[tilespmem:v17+s19+$0x0] =	vst.idx.msk $0xffff, v6  }
0x432: {  	v7 =	vor.u32 v35, v2;
	v20 =	vor.u32 s1, v43;
	v28 =	vld [tilespmem:$0x1FC40]  }
0x433: {  	v21 =	vor.u32 s30, v31;
	v8 =	vld.idx.msk [tilespmem:v8+s15+$0x0], $0xffff;
	v22 =	vor.u32 v36, v5  }
0x434: {  	v9 =	vor.u32 v53, v3;
	v16 =	vor.u32 s28, v29;
	v15 =	vld.idx.msk [tilespmem:v18+s15+$0x0], $0xffff  }
0x435: {  	v10 =	vld.idx.msk [tilespmem:v11+s15+$0x0], $0xffff;
	v11 =	vor.u32 s31, v41;
	v18 =	vor.u32 v55, v1  }
0x436: {  	v12 =	vld.idx.msk [tilespmem:v14+s15+$0x0], $0xffff;
	v14 =	vor.u32 v33, v4;
	v13 =	vor.u32 s29, v46  }
0x437: {  	v7 =	vld.idx.msk [tilespmem:v7+s15+$0x0], $0xffff;
	[tilespmem:v20+s19+$0x0] =	vst.idx.msk $0xffff, v19;
	v6 =	vor.u32 v28, v59  }
0x438: {  	v17 =	vor.u32 s26, v29;
	[tilespmem:v21+s19+$0x0] =	vst.idx.msk $0xffff, v8;
	v19 =	vld.idx.msk [tilespmem:v22+s15+$0x0], $0xffff  }
0x439: {  	v20 =	vor.u32 s1, v41;
	v9 =	vld.idx.msk [tilespmem:v9+s15+$0x0], $0xffff;
	[tilespmem:v16+s19+$0x0] =	vst.idx.msk $0xffff, v15  }
0x43a: {  	v21 =	vor.u32 s30, v27;
	[tilespmem:v11+s19+$0x0] =	vst.idx.msk $0xffff, v10;
	v15 =	vld.idx.msk [tilespmem:v18+s15+$0x0], $0xffff  }
0x43b: {  	v11 =	vld.idx.msk [tilespmem:v14+s15+$0x0], $0xffff;
	[tilespmem:v13+s19+$0x0] =	vst.idx.msk $0xffff, v12;
	v12 =	vor.u32 s31, v42  }
0x43c: {  	v8 =	vor.u32 v55, v2;
	v13 =	vor.u32 s29, v24;
	v6 =	vld.idx.msk [tilespmem:v6+s15+$0x0], $0xffff  }
0x43d: {  	v16 =	vor.u32 s28, v48;
	v23 =	vld [tilespmem:$0x1FE00];
	[tilespmem:v17+s19+$0x0] =	vst.idx.msk $0xffff, v7  }
0x43e: {  	v24 =	vld [tilespmem:$0x1FC60];
	[tilespmem:v20+s19+$0x0] =	vst.idx.msk $0xffff, v19  }
0x43f: {  	v22 =	vor.u32 v33, v5;
	[tilespmem:v21+s19+$0x0] =	vst.idx.msk $0xffff, v9  }
0x440: {  	[tilespmem:v12+s19+$0x0] =	vst.idx.msk $0xffff, v11  }
0x441: {  	v10 =	vor.u32 v49, v3;
	v8 =	vld.idx.msk [tilespmem:v8+s15+$0x0], $0xffff;
	[tilespmem:v13+s19+$0x0] =	vst.idx.msk $0xffff, v6  }
0x442: {  	v17 =	vor.u32 s26, v48;
	v14 =	vor.u32 v23, v4;
	v48 =	vld [tilespmem:$0x1FD90];
	[tilespmem:v16+s19+$0x0] =	vst.idx.msk $0xffff, v15  }
0x443: {  	v32 =	vmovc v63;
	v63 =	vmovc v46;
	v46 =	vmov v25;
	v21 =	vor.u32 s30, v25;
	v7 =	vor.u32 v24, v59;
	v25 =	vld [tilespmem:$0x1FC70]  }
0x444: {  	v18 =	vor.u32 v40, v1;
	v19 =	vor.u32 s1, v42;
	v9 =	vld.idx.msk [tilespmem:v22+s15+$0x0], $0xffff;
	_ =	sdelay $0x1  }
0x445: {  	v10 =	vld.idx.msk [tilespmem:v10+s15+$0x0], $0xffff;
	v20 =	vor.u32 v23, v5  }
0x446: {  	v6 =	vor.u32 v45, v3;
	v11 =	vld.idx.msk [tilespmem:v14+s15+$0x0], $0xffff;
	v12 =	vor.u32 s31, v48  }
0x447: {  	v13 =	vor.u32 v40, v2;
	[tilespmem:v17+s19+$0x0] =	vst.idx.msk $0xffff, v8;
	v7 =	vld.idx.msk [tilespmem:v7+s15+$0x0], $0xffff;
	v14 =	vor.u32 s29, v25  }
0x448: {  	v15 =	vld.idx.msk [tilespmem:v18+s15+$0x0], $0xffff;
	[tilespmem:v19+s19+$0x0] =	vst.idx.msk $0xffff, v9  }
0x449: {  	v58 =	vld [tilespmem:$0x1FC80]  }
0x44a: {  	v16 =	vor.u32 s28, v44;
	[tilespmem:v21+s19+$0x0] =	vst.idx.msk $0xffff, v10;
	v18 =	vld.idx.msk [tilespmem:v20+s15+$0x0], $0xffff  }
0x44b: {  	v6 =	vld.idx.msk [tilespmem:v6+s15+$0x0], $0xffff;
	v10 =	vor.u32 s1, v48;
	[tilespmem:v12+s19+$0x0] =	vst.idx.msk $0xffff, v11  }
0x44c: {  	v21 =	vor.u32 s30, v62;
	v11 =	vld.idx.msk [tilespmem:v13+s15+$0x0], $0xffff;
	[tilespmem:v14+s19+$0x0] =	vst.idx.msk $0xffff, v7  }
0x44d: {  	v8 =	vor.u32 v60, v4;
	v12 =	vor.u32 s26, v44;
	v44 =	vld [tilespmem:$0x1FDA0];
	_ =	sdelay $0x1  }
0x44e: {  	v9 =	vor.u32 v58, v59;
	[tilespmem:v16+s19+$0x0] =	vst.idx.msk $0xffff, v15  }
0x44f: {  	v19 =	vor.u32 v50, v1;
	v42 =	vld [tilespmem:$0x1FC90];
	[tilespmem:v10+s19+$0x0] =	vst.idx.msk $0xffff, v18  }
0x450: {  	v61 =	vmov v0;
	v20 =	vor.u32 v60, v5;
	v60 =	vld [tilespmem:$0x1FCA0];
	[tilespmem:v21+s19+$0x0] =	vst.idx.msk $0xffff, v6  }
0x451: {  	v13 =	vor.u32 v0, v3;
	v0 =	vmov v49;
	v7 =	vld.idx.msk [tilespmem:v8+s15+$0x0], $0xffff;
	[tilespmem:v12+s19+$0x0] =	vst.idx.msk $0xffff, v11;
	v8 =	vor.u32 s31, v44  }
0x452: {  	v11 =	vor.u32 v0, v1;
	v0 =	vld [tilespmem:$0x1FCB0]  }
0x453: {  	v9 =	vld.idx.msk [tilespmem:v9+s15+$0x0], $0xffff  }
0x454: {  	v22 =	vor.u32 v52, v4;
	v10 =	vld.idx.msk [tilespmem:v19+s15+$0x0], $0xffff;
	v16 =	vor.u32 s29, v42  }
0x455: {  	v17 =	vor.u32 v52, v5;
	v19 =	vor.u32 s28, v31;
	v20 =	vld.idx.msk [tilespmem:v20+s15+$0x0], $0xffff;
	v18 =	vor.u32 v60, v59  }
0x456: {  	v30 =	vmov v52;
	v52 =	vmov v24;
	v24 =	vor.u32 v53, v1;
	v12 =	vld.idx.msk [tilespmem:v13+s15+$0x0], $0xffff;
	[tilespmem:v8+s19+$0x0] =	vst.idx.msk $0xffff, v7  }
0x457: {  	s13 =	simm.s32 $0x60;
	v21 =	vor.u32 s1, v44;
	v13 =	vor.u32 s29, v0;
	v0 =	vld [tilespmem:$0x1FFE0]  }
0x458: {  	v23 =	vor.u32 s30, v56;
	v6 =	vmov s13  }
0x459: {  	s14 =	simm.s32 $0x70;
	v15 =	vor.u32 v26, v3;
	v26 =	vor.u32 s13, v39;
	v6 =	vshll.u32 v6, $0x3;
	[tilespmem:v16+s19+$0x0] =	vst.idx.msk $0xffff, v9  }
0x45a: {  	v6 =	vand.u32 $0xC00, v6;
	v7 =	vand.u32 $0x6F, v26;
	v16 =	vmov s14;
	[tilespmem:v19+s19+$0x0] =	vst.idx.msk $0xffff, v10;
	v18 =	vld.idx.msk [tilespmem:v18+s15+$0x0], $0xffff  }
0x45b: {  	v9 =	vor.u32 s28, v27;
	v6 =	vor.u32 v6, v7;
	v10 =	vshll.u32 v16, $0x3;
	v16 =	vld.idx.msk [tilespmem:v24+s15+$0x0], $0xffff  }
0x45c: {  	v22 =	vld.idx.msk [tilespmem:v22+s15+$0x0], $0xffff;
	[tilespmem:v21+s19+$0x0] =	vst.idx.msk $0xffff, v20;
	v19 =	vor.u32 v51, v6;
	v8 =	vor.u32 s31, v0  }
0x45d: {  	v44 =	vmovc v60;
	v60 =	vmov v25;
	v25 =	vor.u32 v54, v4;
	v17 =	vld.idx.msk [tilespmem:v17+s15+$0x0], $0xffff;
	v20 =	vor.u32 s1, v0  }
0x45e: {  	v7 =	vor.u32 s14, v39;
	[tilespmem:v23+s19+$0x0] =	vst.idx.msk $0xffff, v12  }
0x45f: {  	v7 =	vand.u32 $0x7F, v7;
	v10 =	vand.u32 $0xC00, v10;
	[tilespmem:v13+s19+$0x0] =	vst.idx.msk $0xffff, v18  }
0x460: {  	v12 =	vld.idx.msk [tilespmem:v15+s15+$0x0], $0xffff;
	v15 =	vor.u32 v54, v5;
	v7 =	vor.u32 v10, v7;
	[tilespmem:v9+s19+$0x0] =	vst.idx.msk $0xffff, v16  }
0x461: {  	v21 =	vor.u32 s30, v63;
	v23 =	vor.u32 v51, v7;
	v18 =	vld.idx.msk [tilespmem:v19+s15+$0x0], $0xffff;
	[tilespmem:v8+s19+$0x0] =	vst.idx.msk $0xffff, v22  }
0x462: {  	v13 =	vor.u32 s31, v47;
	v22 =	vor.u32 v28, v3;
	[tilespmem:v20+s19+$0x0] =	vst.idx.msk $0xffff, v17;
	v8 =	vld.idx.msk [tilespmem:v25+s15+$0x0], $0xffff  }
0x463: {  	v0 =	vld [tilespmem:$0x1FF80]  }
0x464: {  	s3 =	simm.s32 $0xC00;
	v11 =	vld.idx.msk [tilespmem:v11+s15+$0x0], $0xffff  }
0x465: {  	v9 =	vor.u32 s3, v37;
	v16 =	vor.u32 v57, v4;
	v15 =	vld.idx.msk [tilespmem:v15+s15+$0x0], $0xffff  }
0x466: {  	v19 =	vor.u32 s28, v46;
	[tilespmem:v21+s19+$0x0] =	vst.idx.msk $0xffff, v12;
	v21 =	vld.idx.msk [tilespmem:v23+s15+$0x0], $0xffff  }
0x467: {  	v22 =	vld.idx.msk [tilespmem:v22+s15+$0x0], $0xffff;
	[tilespmem:v13+s19+$0x0] =	vst.idx.msk $0xffff, v8  }
0x468: {  	v17 =	vor.u32 v0, v6;
	v54 =	vld [tilespmem:$0x1FC50]  }
0x469: {  	v24 =	vor.u32 v0, v7;
	v0 =	vld [tilespmem:$0x1FD30]  }
0x46a: {  	s14 =	simm.s32 $0xE00;
	v20 =	vor.u32 v45, v1;
	v12 =	vor.u32 s1, v47;
	[tilespmem:v9+s19+$0x0] =	vst.idx.msk $0xffff, v18;
	v16 =	vld.idx.msk [tilespmem:v16+s15+$0x0], $0xffff  }
0x46b: {  	v23 =	vor.u32 s14, v37;
	v29 =	vld [tilespmem:$0x1FD20];
	[tilespmem:v19+s19+$0x0] =	vst.idx.msk $0xffff, v11  }
0x46c: {  	v48 =	vmov v31;
	v26 =	vor.u32 s31, v32;
	v31 =	vld [tilespmem:$0x1FCC0]  }
0x46d: {  	v25 =	vor.u32 v57, v5;
	v19 =	vor.u32 s3, v38;
	v17 =	vld.idx.msk [tilespmem:v17+s15+$0x0], $0xffff  }
0x46e: {  	v49 =	vmov v53;
	v53 =	vmov v28;
	v28 =	vld [tilespmem:$0x1FF10];
	v13 =	vor.u32 s30, v54  }
0x46f: {  	[tilespmem:v12+s19+$0x0] =	vst.idx.msk $0xffff, v15;
	v12 =	vld.idx.msk [tilespmem:v20+s15+$0x0], $0xffff  }
0x470: {  	v8 =	vor.u32 v0, v59;
	v0 =	vld [tilespmem:$0x1FF70];
	[tilespmem:v23+s19+$0x0] =	vst.idx.msk $0xffff, v21;
	v21 =	vor.u32 s28, v62  }
0x471: {  	[tilespmem:v26+s19+$0x0] =	vst.idx.msk $0xffff, v16  }
0x472: {  	v18 =	vor.u32 v52, v3;
	v20 =	vld.idx.msk [tilespmem:v25+s15+$0x0], $0xffff;
	[tilespmem:v19+s19+$0x0] =	vst.idx.msk $0xffff, v17  }
0x473: {  	v23 =	vld.idx.msk [tilespmem:v24+s15+$0x0], $0xffff;
	v11 =	vor.u32 v31, v59;
	[tilespmem:v13+s19+$0x0] =	vst.idx.msk $0xffff, v22  }
0x474: {  	v51 =	vmov v62;
	v27 =	vor.u32 v28, v4;
	v62 =	vld [tilespmem:$0x1FDF0]  }
0x475: {  	v63 =	vld [tilespmem:$0x1FF50];
	[tilespmem:v21+s19+$0x0] =	vst.idx.msk $0xffff, v12  }
0x476: {  	v24 =	vor.u32 s1, v32;
	v15 =	vor.u32 v0, v6;
	v37 =	vld [tilespmem:$0x1FFF0]  }
0x477: {  	v13 =	vor.u32 s14, v38;
	v18 =	vld.idx.msk [tilespmem:v18+s15+$0x0], $0xffff  }
0x478: {  	v16 =	vor.u32 s30, v60;
	v26 =	vld.idx.msk [tilespmem:v11+s15+$0x0], $0xffff  }
0x479: {  	v25 =	vor.u32 v61, v1;
	v9 =	vor.u32 v29, v3;
	v17 =	vld.idx.msk [tilespmem:v27+s15+$0x0], $0xffff;
	v27 =	vor.u32 s29, v62  }
0x47a: {  	v22 =	vor.u32 v0, v7;
	v11 =	vor.u32 v29, v59;
	v0 =	vld [tilespmem:$0x1FE10];
	v29 =	vor.u32 s31, v63  }
0x47b: {  	v28 =	vor.u32 v28, v5;
	[tilespmem:v24+s19+$0x0] =	vst.idx.msk $0xffff, v20;
	v15 =	vld.idx.msk [tilespmem:v15+s15+$0x0], $0xffff;
	v21 =	vor.u32 s3, v37  }
0x47c: {  	v38 =	vld [tilespmem:$0x1FDD0];
	[tilespmem:v13+s19+$0x0] =	vst.idx.msk $0xffff, v23  }
0x47d: {  	v46 =	vld [tilespmem:$0x1FC20];
	[tilespmem:v16+s19+$0x0] =	vst.idx.msk $0xffff, v18  }
0x47e: {  	[tilespmem:v27+s19+$0x0] =	vst.idx.msk $0xffff, v26  }
0x47f: {  	v19 =	vor.u32 v58, v3;
	v20 =	vld.idx.msk [tilespmem:v25+s15+$0x0], $0xffff;
	[tilespmem:v29+s19+$0x0] =	vst.idx.msk $0xffff, v17  }
0x480: {  	v13 =	vld.idx.msk [tilespmem:v28+s15+$0x0], $0xffff;
	v12 =	vor.u32 v0, v59;
	[tilespmem:v21+s19+$0x0] =	vst.idx.msk $0xffff, v15  }
0x481: {  	v10 =	vor.u32 v30, v7;
	v30 =	vor.u32 v34, v4;
	v32 =	vld [tilespmem:$0x1FCD0]  }
0x482: {  	v23 =	vor.u32 s28, v56;
	v24 =	vor.u32 v38, v6;
	v17 =	vor.u32 s30, v42;
	v42 =	vld [tilespmem:$0x1FFA0]  }
0x483: {  	v22 =	vld.idx.msk [tilespmem:v22+s15+$0x0], $0xffff;
	v25 =	vor.u32 s1, v63  }
0x484: {  	v14 =	vor.u32 v50, v2;
	v16 =	vor.u32 s14, v37;
	v19 =	vld.idx.msk [tilespmem:v19+s15+$0x0], $0xffff  }
0x485: {  	v18 =	vor.u32 v34, v5;
	v12 =	vld.idx.msk [tilespmem:v12+s15+$0x0], $0xffff  }
0x486: {  	v26 =	vor.u32 v38, v7;
	v15 =	vld.idx.msk [tilespmem:v30+s15+$0x0], $0xffff;
	v27 =	vor.u32 s29, v32  }
0x487: {  	v24 =	vld.idx.msk [tilespmem:v24+s15+$0x0], $0xffff;
	[tilespmem:v23+s19+$0x0] =	vst.idx.msk $0xffff, v20;
	v29 =	vor.u32 s31, v42  }
0x488: {  	v57 =	vmov v58;
	v23 =	vor.u32 s3, v43;
	v58 =	vld [tilespmem:$0x1FCE0];
	[tilespmem:v25+s19+$0x0] =	vst.idx.msk $0xffff, v13  }
0x489: {  	v14 =	vld.idx.msk [tilespmem:v14+s15+$0x0], $0xffff;
	[tilespmem:v16+s19+$0x0] =	vst.idx.msk $0xffff, v22  }
0x48a: {  	v16 =	vld.idx.msk [tilespmem:v18+s15+$0x0], $0xffff;
	v18 =	vor.u32 s26, v48;
	[tilespmem:v17+s19+$0x0] =	vst.idx.msk $0xffff, v19  }
0x48b: {  	v28 =	vor.u32 v46, v1;
	v22 =	vld.idx.msk [tilespmem:v26+s15+$0x0], $0xffff;
	v26 =	vor.u32 s1, v42;
	[tilespmem:v27+s19+$0x0] =	vst.idx.msk $0xffff, v12  }
0x48c: {  	v17 =	vor.u32 s14, v43;
	v19 =	vor.u32 v35, v5;
	[tilespmem:v29+s19+$0x0] =	vst.idx.msk $0xffff, v15  }
0x48d: {  	v42 =	vld [tilespmem:$0x1FCB0];
	[tilespmem:v23+s19+$0x0] =	vst.idx.msk $0xffff, v24  }
0x48e: {  	v25 =	vor.u32 v36, v6;
	v43 =	vld [tilespmem:$0x1FC30]  }
0x48f: {  	v21 =	vor.u32 v44, v3;
	v27 =	vor.u32 v31, v3;
	v31 =	vld [tilespmem:$0x1FFD0];
	[tilespmem:v18+s19+$0x0] =	vst.idx.msk $0xffff, v14  }
0x490: {  	v13 =	vld.idx.msk [tilespmem:v28+s15+$0x0], $0xffff;
	[tilespmem:v26+s19+$0x0] =	vst.idx.msk $0xffff, v16  }
0x491: {  	v30 =	vor.u32 v35, v4;
	[tilespmem:v17+s19+$0x0] =	vst.idx.msk $0xffff, v22;
	v17 =	vld.idx.msk [tilespmem:v19+s15+$0x0], $0xffff  }
0x492: {  	v28 =	vor.u32 v49, v2;
	v19 =	vld [tilespmem:$0x1FC00]  }
0x493: {  	v25 =	vld.idx.msk [tilespmem:v25+s15+$0x0], $0xffff;
	v18 =	vor.u32 s3, v41  }
0x494: {  	v21 =	vld.idx.msk [tilespmem:v21+s15+$0x0], $0xffff;
	v12 =	vor.u32 v36, v7;
	v15 =	vor.u32 s30, v42  }
0x495: {  	v24 =	vor.u32 s28, v43  }
0x496: {  	v23 =	vld.idx.msk [tilespmem:v30+s15+$0x0], $0xffff;
	v29 =	vor.u32 s31, v31  }
0x497: {  	v16 =	vld.idx.msk [tilespmem:v28+s15+$0x0], $0xffff;
	v19 =	vor.u32 s26, v19  }
0x498: {  	v63 =	vmovc v48;
	v48 =	vmov v53;
	v14 =	vor.u32 v53, v1;
	v53 =	vld [tilespmem:$0x1FF20];
	v22 =	vor.u32 s1, v31;
	[tilespmem:v18+s19+$0x0] =	vst.idx.msk $0xffff, v25  }
0x499: {  	v12 =	vld.idx.msk [tilespmem:v12+s15+$0x0], $0xffff;
	[tilespmem:v15+s19+$0x0] =	vst.idx.msk $0xffff, v21;
	v15 =	vor.u32 s14, v41  }
0x49a: {  	[tilespmem:v24+s19+$0x0] =	vst.idx.msk $0xffff, v13  }
0x49b: {  	v20 =	vor.u32 v58, v59;
	v13 =	vld.idx.msk [tilespmem:v27+s15+$0x0], $0xffff;
	[tilespmem:v29+s19+$0x0] =	vst.idx.msk $0xffff, v23  }
0x49c: {  	v31 =	vld [tilespmem:$0x1FFC0];
	[tilespmem:v19+s19+$0x0] =	vst.idx.msk $0xffff, v16  }
0x49d: {  	v30 =	vor.u32 v55, v4;
	v47 =	vld [tilespmem:$0x1FD80];
	[tilespmem:v22+s19+$0x0] =	vst.idx.msk $0xffff, v17  }
0x49e: {  	v26 =	vor.u32 v33, v6;
	v27 =	vor.u32 v0, v3;
	v0 =	vld [tilespmem:$0x1FE00];
	[tilespmem:v15+s19+$0x0] =	vst.idx.msk $0xffff, v12  }
0x49f: {  	v21 =	vor.u32 v55, v5;
	v61 =	vld [tilespmem:$0x1FCF0]  }
0x4a0: {  	v20 =	vld.idx.msk [tilespmem:v20+s15+$0x0], $0xffff;
	v24 =	vor.u32 v33, v7;
	v23 =	vor.u32 s30, v62  }
0x4a1: {  	v25 =	vor.u32 s28, v54;
	v14 =	vld.idx.msk [tilespmem:v14+s15+$0x0], $0xffff  }
0x4a2: {  	v18 =	vld.idx.msk [tilespmem:v30+s15+$0x0], $0xffff;
	v29 =	vor.u32 s31, v31  }
0x4a3: {  	v26 =	vld.idx.msk [tilespmem:v26+s15+$0x0], $0xffff;
	v19 =	vor.u32 s3, v47  }
0x4a4: {  	v12 =	vld.idx.msk [tilespmem:v21+s15+$0x0], $0xffff;
	v15 =	vor.u32 s29, v61  }
0x4a5: {  	v21 =	vld.idx.msk [tilespmem:v24+s15+$0x0], $0xffff;
	[tilespmem:v23+s19+$0x0] =	vst.idx.msk $0xffff, v13  }
0x4a6: {  	v24 =	vor.u32 s1, v31;
	v62 =	vld [tilespmem:$0x1FD00];
	[tilespmem:v25+s19+$0x0] =	vst.idx.msk $0xffff, v14  }
0x4a7: {  	[tilespmem:v29+s19+$0x0] =	vst.idx.msk $0xffff, v18  }
0x4a8: {  	v28 =	vor.u32 v53, v2;
	v41 =	vld [tilespmem:$0x1FEE0];
	[tilespmem:v19+s19+$0x0] =	vst.idx.msk $0xffff, v26  }
0x4a9: {  	v30 =	vor.u32 v40, v4;
	v26 =	vor.u32 v45, v2;
	v45 =	vld [tilespmem:$0x1FF90];
	[tilespmem:v15+s19+$0x0] =	vst.idx.msk $0xffff, v20  }
0x4aa: {  	v17 =	vor.u32 v0, v6;
	v25 =	vor.u32 v0, v7;
	v0 =	vld [tilespmem:$0x1FD90]  }
0x4ab: {  	v14 =	vld.idx.msk [tilespmem:v27+s15+$0x0], $0xffff;
	v23 =	vor.u32 s14, v47;
	[tilespmem:v24+s19+$0x0] =	vst.idx.msk $0xffff, v12  }
0x4ac: {  	v16 =	vor.u32 v52, v1;
	v27 =	vor.u32 s30, v32;
	v12 =	vld [tilespmem:$0x1FF00]  }
0x4ad: {  	v22 =	vld.idx.msk [tilespmem:v28+s15+$0x0], $0xffff;
	v28 =	vor.u32 v40, v5;
	v18 =	vor.u32 s26, v41  }
0x4ae: {  	v19 =	vld.idx.msk [tilespmem:v30+s15+$0x0], $0xffff;
	v30 =	vor.u32 s31, v45  }
0x4af: {  	v31 =	vor.u32 v58, v3;
	v29 =	vld.idx.msk [tilespmem:v17+s15+$0x0], $0xffff;
	v15 =	vor.u32 s3, v0  }
0x4b0: {  	[tilespmem:v23+s19+$0x0] =	vst.idx.msk $0xffff, v21  }
0x4b1: {  	v16 =	vld.idx.msk [tilespmem:v16+s15+$0x0], $0xffff;
	v23 =	vor.u32 s28, v60;
	[tilespmem:v27+s19+$0x0] =	vst.idx.msk $0xffff, v14;
	v24 =	vor.u32 v12, v6  }
0x4b2: {  	v21 =	vld.idx.msk [tilespmem:v28+s15+$0x0], $0xffff;
	[tilespmem:v18+s19+$0x0] =	vst.idx.msk $0xffff, v22  }
0x4b3: {  	v28 =	vld.idx.msk [tilespmem:v25+s15+$0x0], $0xffff;
	[tilespmem:v30+s19+$0x0] =	vst.idx.msk $0xffff, v19  }
0x4b4: {  	v55 =	vld.idx.msk [tilespmem:v31+s15+$0x0], $0xffff;
	[tilespmem:v15+s19+$0x0] =	vst.idx.msk $0xffff, v29  }
0x4b5: {  	v25 =	vor.u32 s1, v45;
	v18 =	vor.u32 v57, v1;
	v22 =	vor.u32 s14, v0;
	v0 =	vld [tilespmem:$0x1FDC0]  }
0x4b6: {  	v31 =	vld.idx.msk [tilespmem:v24+s15+$0x0], $0xffff;
	[tilespmem:v23+s19+$0x0] =	vst.idx.msk $0xffff, v16  }
0x4b7: {  	v47 =	vmov v61;
	v41 =	vld [tilespmem:$0x1FD10]  }
0x4b8: {  	v61 =	vor.u32 s30, v47;
	v47 =	vld [tilespmem:$0x1FDB0]  }
0x4b9: {  	v13 =	vor.u32 v62, v59;
	v23 =	vor.u32 v62, v3;
	v62 =	vld [tilespmem:$0x1FDA0]  }
0x4ba: {  	[tilespmem:v25+s19+$0x0] =	vst.idx.msk $0xffff, v21;
	v24 =	vld.idx.msk [tilespmem:v18+s15+$0x0], $0xffff  }
0x4bb: {  	v18 =	vld [tilespmem:$0x1FC90]  }
0x4bc: {  	v20 =	vor.u32 v50, v4  }
0x4bd: {  	v45 =	vmov v57;
	v57 =	vor.u32 v50, v5;
	v26 =	vld.idx.msk [tilespmem:v26+s15+$0x0], $0xffff;
	v30 =	vor.u32 s26, v51  }
0x4be: {  	v59 =	vor.u32 v12, v7  }
0x4bf: {  	v17 =	vld.idx.msk [tilespmem:v13+s15+$0x0], $0xffff  }
0x4c0: {  	v60 =	vor.u32 v0, v2;
	v25 =	vor.u32 s28, v18;
	v18 =	vld [tilespmem:$0x1FDE0]  }
0x4c1: {  	v13 =	vor.u32 s26, v56;
	v14 =	vor.u32 s31, v56;
	v19 =	vor.u32 v46, v2;
	v15 =	vld.idx.msk [tilespmem:v20+s15+$0x0], $0xffff;
	[tilespmem:v22+s19+$0x0] =	vst.idx.msk $0xffff, v28  }
0x4c2: {  	v12 =	vor.u32 s3, v56;
	v20 =	vor.u32 v44, v1;
	v29 =	vor.u32 s1, v63;
	v28 =	vld.idx.msk [tilespmem:v57+s15+$0x0], $0xffff;
	[tilespmem:v30+s19+$0x0] =	vst.idx.msk $0xffff, v26  }
0x4c3: {  	v27 =	vor.u32 s29, v41;
	v16 =	vor.u32 s29, v47;
	v32 =	vor.u32 s3, v62;
	[tilespmem:v61+s19+$0x0] =	vst.idx.msk $0xffff, v55;
	v34 =	vld.idx.msk [tilespmem:v59+s15+$0x0], $0xffff  }
0x4c4: {  	v50 =	vmovc v54;
	v21 =	vor.u32 s30, v41;
	v35 =	vor.u32 s14, v62;
	v22 =	vor.u32 v53, v5;
	v44 =	vld [tilespmem:$0x1FD40]  }
0x4c5: {  	s4 =	simm.s32 $0x6;
	s7 =	simm.s32 $0x90;
	s13 =	simm.s32 $0xE00;
	v30 =	vor.u32 v49, v5;
	v59 =	vmovc v62;
	v26 =	vld.idx.msk [tilespmem:v60+s15+$0x0], $0xffff;
	v33 =	vor.u32 v18, v6;
	v18 =	vor.u32 s28, v42  }
.LBB2_6:
0x4c6: {  	v40 =	vld [tilespmem:$0x1FE90]  }
0x4c7: {  	v0 =	vld [tilespmem:$0x1FFE0]  }
0x4c8: {  	v53 =	vld [tilespmem:$0x1FC00]  }
0x4c9: {  	v23 =	vld.idx.msk [tilespmem:v23+s15+$0x0], $0xffff  }
0x4ca: {  	v57 =	vld [tilespmem:$0x1FDE0]  }
0x4cb: {  	v52 =	vld [tilespmem:$0x1FF40]  }
0x4cc: {  	v54 =	vld [tilespmem:$0x1FED0]  }
0x4cd: {  	v56 =	vld [tilespmem:$0x1FF80]  }
0x4ce: {  	v63 =	vld [tilespmem:$0x1FEE0]  }
0x4cf: {  	v60 =	vld [tilespmem:$0x1FF10]  }
0x4d0: {  	s9 =	sadd.s32 $0xFFFFFFF0, s7;
	[tilespmem:v27+s19+$0x0] =	vst.idx.msk $0xffff, v17;
	v61 =	vld [tilespmem:$0x1FF70]  }
0x4d1: {  	v49 =	vlaneseq.u32;
	v17 =	vmov s9;
	v11 =	vld.idx.msk [tilespmem:v11+s15+$0x0], $0xffff  }
0x4d2: {  	v27 =	vor.u32 s9, v39;
	v39 =	vor.u32 s7, v49;
	v49 =	vld [tilespmem:$0x1FE80];
	v17 =	vshll.u32 v17, $0x3;
	[tilespmem:v32+s19+$0x0] =	vst.idx.msk $0xffff, v31  }
0x4d3: {  	[tilespmem:v25+s19+$0x0] =	vst.idx.msk $0xffff, v24;
	v24 =	vand.u32 $0x6F, v27;
	v17 =	vand.u32 $0xC00, v17;
	v33 =	vld.idx.msk [tilespmem:v33+s15+$0x0], $0xffff  }
0x4d4: {  	[tilespmem:v29+s19+$0x0] =	vst.idx.msk $0xffff, v28;
	v24 =	vor.u32 v17, v24;
	v17 =	vand.u32 $0x7F, v39;
	v39 =	vld [tilespmem:$0x1FF30]  }
0x4d5: {  	v20 =	vld.idx.msk [tilespmem:v20+s15+$0x0], $0xffff  }
0x4d6: {  	[tilespmem:v13+s19+$0x0] =	vst.idx.msk $0xffff, v26;
	v37 =	vor.u32 s14, v0;
	v31 =	vor.u32 s3, v0;
	v0 =	vld [tilespmem:$0x1FD60]  }
0x4d7: {  	v19 =	vld.idx.msk [tilespmem:v19+s15+$0x0], $0xffff  }
0x4d8: {  	[tilespmem:v35+s19+$0x0] =	vst.idx.msk $0xffff, v34;
	v34 =	vld [tilespmem:$0x1FEA0]  }
0x4d9: {  	v42 =	vmov s7;
	v36 =	vor.u32 v40, v6;
	[tilespmem:v21+s19+$0x0] =	vst.idx.msk $0xffff, v23;
	v21 =	vor.u32 v40, v7;
	v40 =	vld [tilespmem:$0x1FEF0]  }
0x4da: {  	v25 =	vshll.u32 v42, $0x3;
	v35 =	vld [tilespmem:$0x1FE30]  }
0x4db: {  	v25 =	vand.u32 $0xC00, v25;
	v27 =	vld.idx.msk [tilespmem:v30+s15+$0x0], $0xffff  }
0x4dc: {  	v17 =	vor.u32 v25, v17;
	v25 =	vld.idx.msk [tilespmem:v10+s15+$0x0], $0xffff  }
0x4dd: {  	v38 =	vor.u32 s1, v53;
	v9 =	vld.idx.msk [tilespmem:v9+s15+$0x0], $0xffff;
	[tilespmem:v16+s19+$0x0] =	vst.idx.msk $0xffff, v11  }
0x4de: {  	v8 =	vld.idx.msk [tilespmem:v8+s15+$0x0], $0xffff  }
0x4df: {  	v28 =	vor.u32 v0, v24;
	v26 =	vor.u32 v0, v17;
	[tilespmem:v31+s19+$0x0] =	vst.idx.msk $0xffff, v33;
	v0 =	vld [tilespmem:$0x1FD30]  }
0x4e0: {  	v29 =	vld.idx.msk [tilespmem:v36+s15+$0x0], $0xffff  }
0x4e1: {  	[tilespmem:v18+s19+$0x0] =	vst.idx.msk $0xffff, v20;
	v36 =	vld [tilespmem:$0x1FCC0]  }
0x4e2: {  	v23 =	vor.u32 s26, v43;
	[tilespmem:v38+s19+$0x0] =	vst.idx.msk $0xffff, v27;
	v38 =	vld [tilespmem:$0x1FE10]  }
0x4e3: {  	v18 =	vor.u32 s29, v44;
	[tilespmem:v37+s19+$0x0] =	vst.idx.msk $0xffff, v25;
	v37 =	vld [tilespmem:$0x1FD20]  }
0x4e4: {  	v22 =	vld.idx.msk [tilespmem:v22+s15+$0x0], $0xffff  }
0x4e5: {  	v11 =	vor.u32 s30, v47;
	s29 =	smov.u32 s28;
	s28 =	smov.u32 s1;
	v21 =	vld.idx.msk [tilespmem:v21+s15+$0x0], $0xffff  }
0x4e6: {  	s1 =	smov.u32 s13;
	v27 =	vor.u32 v49, v5;
	v42 =	vor.u32 s28, v63;
	v16 =	vor.u32 v0, v3;
	v3 =	vmovc v2;
	v20 =	vld.idx.msk [tilespmem:v28+s15+$0x0], $0xffff  }
0x4e7: {  	v13 =	vmov v14;
	[tilespmem:v23+s19+$0x0] =	vst.idx.msk $0xffff, v19;
	v19 =	vld.idx.msk [tilespmem:v26+s15+$0x0], $0xffff;
	v26 =	vor.u32 s1, v34;
	v14 =	vor.u32 v48, v3  }
0x4e8: {  	s14 =	sadd.s32 $0x400, s14;
	v25 =	vor.u32 v56, v24;
	v28 =	vor.u32 s3, v34;
	[tilespmem:v18+s19+$0x0] =	vst.idx.msk $0xffff, v8;
	v8 =	vor.u32 v0, v1;
	v0 =	vld [tilespmem:$0x1FEB0]  }
0x4e9: {  	s9 =	sadd.s32 $0xFFFFFE00, s14;
	v2 =	vmovc v4;
	v4 =	vmovc v6;
	v6 =	vmov v24;
	v23 =	vor.u32 s14, v52;
	v24 =	vor.u32 v56, v17;
	v56 =	vld [tilespmem:$0x1FEC0]  }
0x4ea: {  	v30 =	vor.u32 s9, v52;
	v52 =	vld [tilespmem:$0x1FDC0];
	[tilespmem:v11+s19+$0x0] =	vst.idx.msk $0xffff, v9;
	v11 =	vor.u32 v54, v7  }
0x4eb: {  	v55 =	vor.u32 v54, v4;
	v54 =	vld [tilespmem:$0x1FC60];
	[tilespmem:v42+s19+$0x0] =	vst.idx.msk $0xffff, v22  }
0x4ec: {  	[tilespmem:v26+s19+$0x0] =	vst.idx.msk $0xffff, v21;
	v34 =	vld.idx.msk [tilespmem:v14+s15+$0x0], $0xffff  }
0x4ed: {  	[tilespmem:v28+s19+$0x0] =	vst.idx.msk $0xffff, v29;
	v21 =	vld.idx.msk [tilespmem:v27+s15+$0x0], $0xffff  }
0x4ee: {  	[tilespmem:v23+s19+$0x0] =	vst.idx.msk $0xffff, v19;
	v16 =	vld.idx.msk [tilespmem:v16+s15+$0x0], $0xffff  }
0x4ef: {  	v18 =	vor.u32 s26, v50;
	v19 =	vld.idx.msk [tilespmem:v11+s15+$0x0], $0xffff  }
0x4f0: {  	v28 =	vor.u32 s30, v44;
	s30 =	smov.u32 s26;
	s26 =	smov.u32 s31;
	s31 =	smov.u32 s3;
	v29 =	vor.u32 v54, v3;
	[tilespmem:v30+s19+$0x0] =	vst.idx.msk $0xffff, v20;
	v24 =	vld.idx.msk [tilespmem:v24+s15+$0x0], $0xffff  }
0x4f1: {  	v31 =	vor.u32 s9, v40;
	v9 =	vor.u32 v37, v3;
	v30 =	vor.u32 s31, v0;
	v20 =	vld.idx.msk [tilespmem:v55+s15+$0x0], $0xffff  }
0x4f2: {  	v22 =	vor.u32 v36, v1;
	s3 =	smov.u32 s9;
	v23 =	vor.u32 s28, v51;
	v11 =	vor.u32 v37, v1;
	v37 =	vld [tilespmem:$0x1FDF0]  }
0x4f3: {  	v14 =	vmov v12;
	v12 =	vmov v31;
	v31 =	vor.u32 s3, v56;
	v25 =	vld.idx.msk [tilespmem:v25+s15+$0x0], $0xffff  }
0x4f4: {  	v33 =	vor.u32 s1, v0;
	v0 =	vld [tilespmem:$0x1FF50];
	[tilespmem:v18+s19+$0x0] =	vst.idx.msk $0xffff, v34  }
0x4f5: {  	v42 =	vor.u32 v60, v4;
	v29 =	vld.idx.msk [tilespmem:v29+s15+$0x0], $0xffff;
	[tilespmem:v28+s19+$0x0] =	vst.idx.msk $0xffff, v16  }
0x4f6: {  	v26 =	vor.u32 v61, v6;
	v55 =	vld [tilespmem:$0x1FC70];
	[tilespmem:v30+s19+$0x0] =	vst.idx.msk $0xffff, v20  }
0x4f7: {  	v20 =	vld.idx.msk [tilespmem:v22+s15+$0x0], $0xffff;
	[tilespmem:v23+s19+$0x0] =	vst.idx.msk $0xffff, v21  }
0x4f8: {  	v62 =	vor.u32 v52, v5;
	v18 =	vor.u32 v61, v17;
	v61 =	vld [tilespmem:$0x1FE20];
	[tilespmem:v31+s19+$0x0] =	vst.idx.msk $0xffff, v25  }
0x4f9: {  	v30 =	vor.u32 s31, v0;
	[tilespmem:v33+s19+$0x0] =	vst.idx.msk $0xffff, v19;
	v33 =	vor.u32 s1, v0;
	v0 =	vld [tilespmem:$0x1FFA0]  }
0x4fa: {  	v27 =	vor.u32 s14, v56;
	v22 =	vld.idx.msk [tilespmem:v42+s15+$0x0], $0xffff  }
0x4fb: {  	v60 =	vor.u32 v60, v7;
	v26 =	vld.idx.msk [tilespmem:v26+s15+$0x0], $0xffff  }
0x4fc: {  	v42 =	vld [tilespmem:$0x1FFF0]  }
0x4fd: {  	v19 =	vld.idx.msk [tilespmem:v62+s15+$0x0], $0xffff  }
0x4fe: {  	v16 =	vor.u32 s30, v55;
	v62 =	vld [tilespmem:$0x1FDD0]  }
0x4ff: {  	v28 =	vor.u32 s29, v37;
	v25 =	vor.u32 v45, v3;
	[tilespmem:v27+s19+$0x0] =	vst.idx.msk $0xffff, v24;
	v27 =	vor.u32 s28, v40;
	v40 =	vld [tilespmem:$0x1FCA0]  }
0x500: {  	v21 =	vor.u32 v38, v1;
	v24 =	vld.idx.msk [tilespmem:v60+s15+$0x0], $0xffff  }
0x501: {  	v18 =	vld.idx.msk [tilespmem:v18+s15+$0x0], $0xffff  }
0x502: {  	v56 =	vor.u32 v46, v5;
	v60 =	vld [tilespmem:$0x1FCD0]  }
0x503: {  	v31 =	vor.u32 v61, v4;
	[tilespmem:v16+s19+$0x0] =	vst.idx.msk $0xffff, v29;
	v29 =	vor.u32 v61, v7;
	v61 =	vld [tilespmem:$0x1FD50];
	v23 =	vor.u32 s3, v42  }
0x504: {  	[tilespmem:v28+s19+$0x0] =	vst.idx.msk $0xffff, v20;
	v25 =	vld.idx.msk [tilespmem:v25+s15+$0x0], $0xffff  }
0x505: {  	v21 =	vld.idx.msk [tilespmem:v21+s15+$0x0], $0xffff;
	v32 =	vor.u32 v62, v6;
	v16 =	vor.u32 s14, v42;
	[tilespmem:v30+s19+$0x0] =	vst.idx.msk $0xffff, v22  }
0x506: {  	v20 =	vor.u32 v62, v17;
	v62 =	vld [tilespmem:$0x1FC90];
	[tilespmem:v27+s19+$0x0] =	vst.idx.msk $0xffff, v19  }
0x507: {  	v42 =	vld [tilespmem:$0x1FFB0];
	[tilespmem:v33+s19+$0x0] =	vst.idx.msk $0xffff, v24  }
0x508: {  	v24 =	vld.idx.msk [tilespmem:v56+s15+$0x0], $0xffff;
	[tilespmem:v23+s19+$0x0] =	vst.idx.msk $0xffff, v26  }
0x509: {  	v28 =	vor.u32 s29, v60;
	v23 =	vld.idx.msk [tilespmem:v31+s15+$0x0], $0xffff  }
0x50a: {  	v19 =	vor.u32 v58, v1;
	[tilespmem:v16+s19+$0x0] =	vst.idx.msk $0xffff, v18;
	v30 =	vld.idx.msk [tilespmem:v32+s15+$0x0], $0xffff  }
0x50b: {  	v22 =	vor.u32 s30, v62;
	v16 =	vld.idx.msk [tilespmem:v29+s15+$0x0], $0xffff  }
0x50c: {  	v20 =	vld.idx.msk [tilespmem:v20+s15+$0x0], $0xffff  }
0x50d: {  	v26 =	vor.u32 v40, v3;
	v31 =	vor.u32 s31, v0;
	v29 =	vor.u32 s1, v0;
	v0 =	vld [tilespmem:$0x1FE70]  }
0x50e: {  	v56 =	vor.u32 v39, v6;
	v27 =	vor.u32 s3, v42;
	[tilespmem:v28+s19+$0x0] =	vst.idx.msk $0xffff, v21;
	v21 =	vor.u32 v39, v17;
	v39 =	vld [tilespmem:$0x1FF60]  }
0x50f: {  	v19 =	vld.idx.msk [tilespmem:v19+s15+$0x0], $0xffff  }
0x510: {  	[tilespmem:v22+s19+$0x0] =	vst.idx.msk $0xffff, v25;
	v22 =	vor.u32 s14, v42;
	v42 =	vld [tilespmem:$0x1FCB0]  }
0x511: {  	v18 =	vor.u32 s26, v61;
	v32 =	vor.u32 v35, v4;
	v25 =	vor.u32 v35, v7;
	v35 =	vld [tilespmem:$0x1FE40]  }
0x512: {  	v26 =	vld.idx.msk [tilespmem:v26+s15+$0x0], $0xffff;
	[tilespmem:v31+s19+$0x0] =	vst.idx.msk $0xffff, v23  }
0x513: {  	v34 =	vor.u32 v0, v2;
	[tilespmem:v27+s19+$0x0] =	vst.idx.msk $0xffff, v30;
	v30 =	vor.u32 v36, v3;
	v36 =	vld [tilespmem:$0x1FD70]  }
0x514: {  	v31 =	vld.idx.msk [tilespmem:v56+s15+$0x0], $0xffff  }
0x515: {  	[tilespmem:v29+s19+$0x0] =	vst.idx.msk $0xffff, v16;
	v56 =	vld [tilespmem:$0x1FFD0]  }
0x516: {  	v28 =	vor.u32 s28, v43;
	v27 =	vld.idx.msk [tilespmem:v32+s15+$0x0], $0xffff;
	[tilespmem:v18+s19+$0x0] =	vst.idx.msk $0xffff, v15  }
0x517: {  	[tilespmem:v22+s19+$0x0] =	vst.idx.msk $0xffff, v20;
	v22 =	vor.u32 s26, v53;
	v53 =	vld [tilespmem:$0x1FFC0]  }
0x518: {  	v15 =	vor.u32 v48, v5;
	v23 =	vor.u32 s30, v42;
	v16 =	vld.idx.msk [tilespmem:v34+s15+$0x0], $0xffff  }
0x519: {  	v20 =	vld.idx.msk [tilespmem:v25+s15+$0x0], $0xffff  }
0x51a: {  	v21 =	vld.idx.msk [tilespmem:v21+s15+$0x0], $0xffff;
	v32 =	vor.u32 s31, v56  }
0x51b: {  	v29 =	vor.u32 v39, v6;
	[tilespmem:v28+s19+$0x0] =	vst.idx.msk $0xffff, v24;
	v28 =	vor.u32 v39, v17;
	v39 =	vld [tilespmem:$0x1FCF0];
	v25 =	vor.u32 s1, v56  }
0x51c: {  	v18 =	vor.u32 s3, v36;
	v56 =	vld [tilespmem:$0x1FF20]  }
0x51d: {  	v33 =	vor.u32 v35, v4;
	v15 =	vld.idx.msk [tilespmem:v15+s15+$0x0], $0xffff;
	[tilespmem:v23+s19+$0x0] =	vst.idx.msk $0xffff, v26;
	v23 =	vor.u32 s14, v36  }
0x51e: {  	v26 =	vor.u32 v35, v7;
	v36 =	vld [tilespmem:$0x1FE50]  }
0x51f: {  	v24 =	vld.idx.msk [tilespmem:v30+s15+$0x0], $0xffff;
	[tilespmem:v32+s19+$0x0] =	vst.idx.msk $0xffff, v27  }
0x520: {  	v35 =	vld [tilespmem:$0x1FE00];
	[tilespmem:v25+s19+$0x0] =	vst.idx.msk $0xffff, v20  }
0x521: {  	v27 =	vor.u32 s30, v37;
	v37 =	vld [tilespmem:$0x1FD80];
	[tilespmem:v18+s19+$0x0] =	vst.idx.msk $0xffff, v31  }
0x522: {  	v18 =	vld.idx.msk [tilespmem:v33+s15+$0x0], $0xffff;
	[tilespmem:v23+s19+$0x0] =	vst.idx.msk $0xffff, v21  }
0x523: {  	v34 =	vor.u32 v56, v2;
	v21 =	vld.idx.msk [tilespmem:v26+s15+$0x0], $0xffff  }
0x524: {  	v30 =	vor.u32 s28, v50;
	v31 =	vor.u32 v38, v3;
	v26 =	vld.idx.msk [tilespmem:v28+s15+$0x0], $0xffff  }
0x525: {  	v32 =	vor.u32 s31, v53;
	v28 =	vor.u32 s1, v53;
	v53 =	vld [tilespmem:$0x1FD00]  }
0x526: {  	v29 =	vld.idx.msk [tilespmem:v29+s15+$0x0], $0xffff;
	[tilespmem:v22+s19+$0x0] =	vst.idx.msk $0xffff, v16;
	v22 =	vor.u32 s3, v37  }
0x527: {  	v16 =	vor.u32 v54, v5;
	v54 =	vld [tilespmem:$0x1FD90]  }
0x528: {  	v23 =	vor.u32 s29, v39;
	v20 =	vld.idx.msk [tilespmem:v34+s15+$0x0], $0xffff;
	[tilespmem:v27+s19+$0x0] =	vst.idx.msk $0xffff, v24  }
0x529: {  	v33 =	vor.u32 v36, v4;
	[tilespmem:v30+s19+$0x0] =	vst.idx.msk $0xffff, v15;
	v15 =	vld.idx.msk [tilespmem:v31+s15+$0x0], $0xffff  }
0x52a: {  	v27 =	vor.u32 s14, v37;
	v31 =	vor.u32 s30, v60;
	v60 =	vld [tilespmem:$0x1FE60];
	[tilespmem:v32+s19+$0x0] =	vst.idx.msk $0xffff, v18;
	v24 =	vor.u32 v53, v1  }
0x52b: {  	v34 =	vor.u32 v36, v7;
	[tilespmem:v22+s19+$0x0] =	vst.idx.msk $0xffff, v29;
	v29 =	vor.u32 v49, v2;
	v49 =	vld [tilespmem:$0x1FF90]  }
0x52c: {  	v30 =	vor.u32 v35, v17;
	v16 =	vld.idx.msk [tilespmem:v16+s15+$0x0], $0xffff  }
0x52d: {  	v25 =	vor.u32 v35, v6;
	v18 =	vor.u32 s26, v63;
	[tilespmem:v23+s19+$0x0] =	vst.idx.msk $0xffff, v19;
	v63 =	vld [tilespmem:$0x1FF00]  }
0x52e: {  	v10 =	vor.u32 v57, v17;
	[tilespmem:v28+s19+$0x0] =	vst.idx.msk $0xffff, v21;
	v22 =	vld.idx.msk [tilespmem:v33+s15+$0x0], $0xffff  }
0x52f: {  	v1 =	vmovc v5;
	v5 =	vmov v7;
	v7 =	vmov v17;
	v17 =	vld.idx.msk [tilespmem:v24+s15+$0x0], $0xffff;
	[tilespmem:v27+s19+$0x0] =	vst.idx.msk $0xffff, v26;
	v26 =	vor.u32 s28, v55  }
0x530: {  	v24 =	vld.idx.msk [tilespmem:v34+s15+$0x0], $0xffff;
	v32 =	vor.u32 s31, v49  }
0x531: {  	v33 =	vor.u32 v58, v3;
	v28 =	vld.idx.msk [tilespmem:v30+s15+$0x0], $0xffff;
	v30 =	vor.u32 s1, v49  }
0x532: {  	v19 =	vor.u32 s3, v54;
	v25 =	vld.idx.msk [tilespmem:v25+s15+$0x0], $0xffff;
	[tilespmem:v18+s19+$0x0] =	vst.idx.msk $0xffff, v20;
	v18 =	vor.u32 v45, v1  }
0x533: {  	v23 =	vor.u32 v60, v4;
	v20 =	vor.u32 s14, v54;
	v54 =	vld.idx.msk [tilespmem:v29+s15+$0x0], $0xffff;
	[tilespmem:v31+s19+$0x0] =	vst.idx.msk $0xffff, v15  }
0x534: {  	v21 =	vor.u32 v63, v6;
	[tilespmem:v26+s19+$0x0] =	vst.idx.msk $0xffff, v16  }
0x535: {  	v49 =	vor.u32 v60, v5;
	[tilespmem:v32+s19+$0x0] =	vst.idx.msk $0xffff, v22  }
0x536: {  	s4 =	sadd.s32 $0x2, s4;
	v55 =	vor.u32 s26, v51;
	v29 =	vor.u32 v63, v7;
	[tilespmem:v30+s19+$0x0] =	vst.idx.msk $0xffff, v24;
	v60 =	vld.idx.msk [tilespmem:v33+s15+$0x0], $0xffff  }
0x537: {  	p1 =	slt.u32 s4, $0x1E;
	v39 =	vor.u32 s30, v39;
	v35 =	vor.u32 s14, v59;
	v63 =	vor.u32 v52, v2;
	[tilespmem:v19+s19+$0x0] =	vst.idx.msk $0xffff, v25;
	v24 =	vld.idx.msk [tilespmem:v18+s15+$0x0], $0xffff  }
.Ltmp6:
0x538: {  	v27 =	vor.u32 s29, v41;
	v16 =	vor.u32 s29, v47;
	v32 =	vor.u32 s3, v59;
	v15 =	vld.idx.msk [tilespmem:v23+s15+$0x0], $0xffff;
	(pc) =	sbr.rel @p1 .LBB2_6-.Ltmp6, $4  }
0x539: {  	v22 =	vor.u32 v56, v5;
	v30 =	vor.u32 v0, v5;
	[tilespmem:v20+s19+$0x0] =	vst.idx.msk $0xffff, v28;
	v31 =	vld.idx.msk [tilespmem:v21+s15+$0x0], $0xffff  }
0x53a: {  	v19 =	vor.u32 v46, v2;
	v33 =	vor.u32 v57, v6;
	v20 =	vor.u32 v40, v1;
	v28 =	vld.idx.msk [tilespmem:v49+s15+$0x0], $0xffff  }
0x53b: {  	v25 =	vor.u32 s28, v62;
	v18 =	vor.u32 s28, v42;
	v23 =	vor.u32 v53, v3;
	v34 =	vld.idx.msk [tilespmem:v29+s15+$0x0], $0xffff;
	[tilespmem:v55+s19+$0x0] =	vst.idx.msk $0xffff, v54  }
0x53c: {  	s7 =	sadd.s32 $0x20, s7;
	s13 =	smov.u32 s14;
	v29 =	vor.u32 s1, v61;
	v21 =	vor.u32 s30, v41;
	v26 =	vld.idx.msk [tilespmem:v63+s15+$0x0], $0xffff;
	[tilespmem:v39+s19+$0x0] =	vst.idx.msk $0xffff, v60;
	v39 =	vlaneseq.u32  }
0x53d: {  	_ =	sdelay $0x3  }
0x53e: {  	[tilespmem:v35+s19+$0x0] =	vst.idx.msk $0xffff, v34  }
0x53f: {  	v57 =	vld [tilespmem:$0x1FFE0];
	_ =	sdelay $0x3  }
0x540: {  	[tilespmem:v32+s19+$0x0] =	vst.idx.msk $0xffff, v31;
	v10 =	vld.idx.msk [tilespmem:v10+s15+$0x0], $0xffff  }
0x541: {  	v32 =	vld.idx.msk [tilespmem:v33+s15+$0x0], $0xffff;
	v52 =	vor.u32 s14, v57  }
0x542: {  	v49 =	vld [tilespmem:$0x1FE90];
	v53 =	vor.u32 s3, v57;
	_ =	sdelay $0x3  }
0x543: {  	[tilespmem:v52+s19+$0x0] =	vst.idx.msk $0xffff, v10  }
0x544: {  	v54 =	vor.u32 v49, v7;
	[tilespmem:v53+s19+$0x0] =	vst.idx.msk $0xffff, v32  }
0x545: {  	v55 =	vor.u32 v49, v6;
	v62 =	vld [tilespmem:$0x1FEA0];
	_ =	sdelay $0x3  }
0x546: {  	v10 =	vld.idx.msk [tilespmem:v54+s15+$0x0], $0xffff  }
0x547: {  	v32 =	vld.idx.msk [tilespmem:v55+s15+$0x0], $0xffff;
	v56 =	vor.u32 s13, v62  }
0x548: {  	v63 =	vld [tilespmem:$0x1FED0];
	v59 =	vor.u32 s3, v62;
	_ =	sdelay $0x3  }
0x549: {  	[tilespmem:v56+s19+$0x0] =	vst.idx.msk $0xffff, v10  }
0x54a: {  	v61 =	vor.u32 v63, v7;
	[tilespmem:v59+s19+$0x0] =	vst.idx.msk $0xffff, v32  }
0x54b: {  	v36 =	vor.u32 v63, v6;
	v0 =	vld [tilespmem:$0x1FEB0];
	_ =	sdelay $0x3  }
0x54c: {  	v10 =	vld.idx.msk [tilespmem:v61+s15+$0x0], $0xffff  }
0x54d: {  	v32 =	vld.idx.msk [tilespmem:v36+s15+$0x0], $0xffff;
	v37 =	vor.u32 s13, v0  }
0x54e: {  	v55 =	vld [tilespmem:$0x1FF10];
	v38 =	vor.u32 s3, v0;
	_ =	sdelay $0x3  }
0x54f: {  	[tilespmem:v37+s19+$0x0] =	vst.idx.msk $0xffff, v10  }
0x550: {  	v40 =	vor.u32 v55, v7;
	[tilespmem:v38+s19+$0x0] =	vst.idx.msk $0xffff, v32  }
0x551: {  	v42 =	vor.u32 v55, v6;
	v53 =	vld [tilespmem:$0x1FF50];
	_ =	sdelay $0x3  }
0x552: {  	v10 =	vld.idx.msk [tilespmem:v40+s15+$0x0], $0xffff  }
0x553: {  	v32 =	vld.idx.msk [tilespmem:v42+s15+$0x0], $0xffff;
	v54 =	vor.u32 s13, v53  }
0x554: {  	v0 =	vld [tilespmem:$0x1FE20];
	v56 =	vor.u32 s3, v53;
	_ =	sdelay $0x3  }
0x555: {  	[tilespmem:v54+s19+$0x0] =	vst.idx.msk $0xffff, v10  }
0x556: {  	v59 =	vor.u32 v0, v7;
	[tilespmem:v56+s19+$0x0] =	vst.idx.msk $0xffff, v32  }
0x557: {  	v60 =	vor.u32 v0, v6;
	v40 =	vld [tilespmem:$0x1FFA0];
	_ =	sdelay $0x3  }
0x558: {  	v10 =	vld.idx.msk [tilespmem:v59+s15+$0x0], $0xffff  }
0x559: {  	v32 =	vld.idx.msk [tilespmem:v60+s15+$0x0], $0xffff;
	v61 =	vor.u32 s13, v40  }
0x55a: {  	v0 =	vld [tilespmem:$0x1FE30];
	v36 =	vor.u32 s3, v40;
	_ =	sdelay $0x3  }
0x55b: {  	[tilespmem:v61+s19+$0x0] =	vst.idx.msk $0xffff, v10  }
0x55c: {  	v37 =	vor.u32 v0, v7;
	[tilespmem:v36+s19+$0x0] =	vst.idx.msk $0xffff, v32  }
0x55d: {  	v38 =	vor.u32 v0, v6;
	v59 =	vld [tilespmem:$0x1FFD0];
	_ =	sdelay $0x3  }
0x55e: {  	v10 =	vld.idx.msk [tilespmem:v37+s15+$0x0], $0xffff  }
0x55f: {  	v32 =	vld.idx.msk [tilespmem:v38+s15+$0x0], $0xffff;
	v42 =	vor.u32 s13, v59  }
0x560: {  	v0 =	vld [tilespmem:$0x1FE40];
	v52 =	vor.u32 s3, v59;
	_ =	sdelay $0x3  }
0x561: {  	[tilespmem:v42+s19+$0x0] =	vst.idx.msk $0xffff, v10  }
0x562: {  	v54 =	vor.u32 v0, v7;
	[tilespmem:v52+s19+$0x0] =	vst.idx.msk $0xffff, v32  }
0x563: {  	v60 =	vld [tilespmem:$0x1FFC0]  }
0x564: {  	v56 =	vor.u32 v0, v6;
	_ =	sdelay $0x2  }
0x565: {  	v10 =	vld.idx.msk [tilespmem:v54+s15+$0x0], $0xffff  }
0x566: {  	v0 =	vld [tilespmem:$0x1FE50];
	v36 =	vor.u32 s13, v60  }
0x567: {  	v32 =	vld.idx.msk [tilespmem:v56+s15+$0x0], $0xffff;
	v37 =	vor.u32 s3, v60;
	_ =	sdelay $0x3  }
0x568: {  	v42 =	vor.u32 v0, v6;
	[tilespmem:v36+s19+$0x0] =	vst.idx.msk $0xffff, v10  }
0x569: {  	[tilespmem:v37+s19+$0x0] =	vst.idx.msk $0xffff, v32  }
0x56a: {  	v38 =	vor.u32 v0, v7;
	v54 =	vld [tilespmem:$0x1FF90];
	_ =	sdelay $0x2  }
0x56b: {  	v32 =	vld.idx.msk [tilespmem:v42+s15+$0x0], $0xffff  }
0x56c: {  	v42 =	vld [tilespmem:$0x1FE60]  }
0x56d: {  	v10 =	vld.idx.msk [tilespmem:v38+s15+$0x0], $0xffff;
	v31 =	vor.u32 s13, v54;
	_ =	sdelay $0x2  }
0x56e: {  	v56 =	vor.u32 s3, v54  }
0x56f: {  	v52 =	vor.u32 v42, v6  }
0x570: {  	v0 =	vld [tilespmem:$0x1FD50];
	[tilespmem:v31+s19+$0x0] =	vst.idx.msk $0xffff, v10  }
0x571: {  	v61 =	vor.u32 v42, v7;
	v38 =	vld [tilespmem:$0x1FE70];
	_ =	sdelay $0x1  }
0x572: {  	[tilespmem:v56+s19+$0x0] =	vst.idx.msk $0xffff, v32  }
0x573: {  	[tilespmem:v29+s19+$0x0] =	vst.idx.msk $0xffff, v28;
	v33 =	vld.idx.msk [tilespmem:v52+s15+$0x0], $0xffff  }
0x574: {  	v36 =	vor.u32 s31, v0;
	v56 =	vor.u32 s13, v0;
	v52 =	vor.u32 s3, v0;
	v0 =	vld [tilespmem:$0x1FC00]  }
0x575: {  	v31 =	vld.idx.msk [tilespmem:v61+s15+$0x0], $0xffff;
	v10 =	vor.u32 v38, v4;
	_ =	sdelay $0x2  }
0x576: {  	v34 =	vor.u32 v38, v7  }
0x577: {  	v29 =	vld.idx.msk [tilespmem:v30+s15+$0x0], $0xffff;
	[tilespmem:v36+s19+$0x0] =	vst.idx.msk $0xffff, v15;
	v37 =	vor.u32 v38, v6;
	v61 =	vor.u32 s1, v0  }
0x578: {  	[tilespmem:v56+s19+$0x0] =	vst.idx.msk $0xffff, v31;
	v15 =	vor.u32 s31, v0;
	v10 =	vld.idx.msk [tilespmem:v10+s15+$0x0], $0xffff  }
0x579: {  	v56 =	vld [tilespmem:$0x1FF20];
	_ =	sdelay $0x1  }
0x57a: {  	[tilespmem:v52+s19+$0x0] =	vst.idx.msk $0xffff, v33;
	v32 =	vld.idx.msk [tilespmem:v34+s15+$0x0], $0xffff  }
0x57b: {  	v34 =	vld.idx.msk [tilespmem:v37+s15+$0x0], $0xffff;
	[tilespmem:v61+s19+$0x0] =	vst.idx.msk $0xffff, v29  }
0x57c: {  	v61 =	vld [tilespmem:$0x1FEE0];
	[tilespmem:v15+s19+$0x0] =	vst.idx.msk $0xffff, v10  }
0x57d: {  	v31 =	vor.u32 s13, v0;
	v30 =	vor.u32 v56, v4;
	v37 =	vld [tilespmem:$0x1FE80]  }
0x57e: {  	v35 =	vor.u32 s3, v0;
	v52 =	vor.u32 v56, v7  }
0x57f: {  	v36 =	vor.u32 v56, v6;
	_ =	sdelay $0x1  }
0x580: {  	v22 =	vld.idx.msk [tilespmem:v22+s15+$0x0], $0xffff;
	v28 =	vor.u32 s1, v61  }
0x581: {  	v15 =	vld.idx.msk [tilespmem:v30+s15+$0x0], $0xffff;
	[tilespmem:v31+s19+$0x0] =	vst.idx.msk $0xffff, v32;
	v29 =	vor.u32 s31, v61;
	v10 =	vor.u32 v37, v5  }
0x582: {  	[tilespmem:v35+s19+$0x0] =	vst.idx.msk $0xffff, v34;
	v31 =	vld.idx.msk [tilespmem:v52+s15+$0x0], $0xffff;
	v52 =	vor.u32 s13, v61;
	v30 =	vor.u32 v37, v4  }
0x583: {  	v34 =	vld.idx.msk [tilespmem:v36+s15+$0x0], $0xffff;
	v35 =	vor.u32 s3, v61;
	_ =	sdelay $0x1  }
0x584: {  	[tilespmem:v28+s19+$0x0] =	vst.idx.msk $0xffff, v22  }
0x585: {  	[tilespmem:v29+s19+$0x0] =	vst.idx.msk $0xffff, v15;
	v15 =	vor.u32 s1, v51;
	v10 =	vld.idx.msk [tilespmem:v10+s15+$0x0], $0xffff  }
0x586: {  	[tilespmem:v52+s19+$0x0] =	vst.idx.msk $0xffff, v31;
	v29 =	vor.u32 s31, v51;
	v28 =	vld.idx.msk [tilespmem:v30+s15+$0x0], $0xffff  }
0x587: {  	v52 =	vld [tilespmem:$0x1FDC0];
	[tilespmem:v35+s19+$0x0] =	vst.idx.msk $0xffff, v34  }
0x588: {  	v33 =	vor.u32 v37, v7;
	[tilespmem:v27+s19+$0x0] =	vst.idx.msk $0xffff, v17  }
0x589: {  	v36 =	vor.u32 v37, v6;
	[tilespmem:v25+s19+$0x0] =	vst.idx.msk $0xffff, v24  }
0x58a: {  	[tilespmem:v15+s19+$0x0] =	vst.idx.msk $0xffff, v10  }
0x58b: {  	[tilespmem:v29+s19+$0x0] =	vst.idx.msk $0xffff, v28  }
0x58c: {  	v22 =	vor.u32 v52, v5;
	v34 =	vld [tilespmem:$0x1FEF0]  }
0x58d: {  	v32 =	vor.u32 s13, v51;
	v31 =	vld.idx.msk [tilespmem:v33+s15+$0x0], $0xffff;
	v30 =	vor.u32 v52, v4  }
0x58e: {  	v51 =	vor.u32 s3, v51;
	v36 =	vld.idx.msk [tilespmem:v36+s15+$0x0], $0xffff;
	v17 =	vor.u32 v52, v7  }
0x58f: {  	v52 =	vor.u32 v52, v6  }
0x590: {  	v10 =	vld.idx.msk [tilespmem:v23+s15+$0x0], $0xffff  }
0x591: {  	v15 =	vld.idx.msk [tilespmem:v22+s15+$0x0], $0xffff;
	v22 =	vor.u32 s1, v34  }
0x592: {  	v23 =	vor.u32 v46, v5;
	[tilespmem:v32+s19+$0x0] =	vst.idx.msk $0xffff, v31;
	v32 =	vld.idx.msk [tilespmem:v30+s15+$0x0], $0xffff  }
0x593: {  	v35 =	vor.u32 v46, v4;
	[tilespmem:v51+s19+$0x0] =	vst.idx.msk $0xffff, v36;
	v17 =	vld.idx.msk [tilespmem:v17+s15+$0x0], $0xffff;
	v36 =	vor.u32 s13, v34  }
0x594: {  	[tilespmem:v13+s19+$0x0] =	vst.idx.msk $0xffff, v26;
	v13 =	vor.u32 v46, v7;
	v24 =	vld.idx.msk [tilespmem:v52+s15+$0x0], $0xffff  }
0x595: {  	[tilespmem:v21+s19+$0x0] =	vst.idx.msk $0xffff, v10;
	v10 =	vld.idx.msk [tilespmem:v11+s15+$0x0], $0xffff;
	v11 =	vor.u32 v46, v6  }
0x596: {  	[tilespmem:v22+s19+$0x0] =	vst.idx.msk $0xffff, v15;
	v15 =	vld.idx.msk [tilespmem:v19+s15+$0x0], $0xffff;
	v19 =	vor.u32 s26, v43  }
0x597: {  	[tilespmem:v14+s19+$0x0] =	vst.idx.msk $0xffff, v32;
	v14 =	vor.u32 v48, v2;
	v22 =	vor.u32 s1, v43;
	v21 =	vld.idx.msk [tilespmem:v23+s15+$0x0], $0xffff  }
0x598: {  	v46 =	vor.u32 s31, v43;
	[tilespmem:v36+s19+$0x0] =	vst.idx.msk $0xffff, v17;
	v17 =	vor.u32 v48, v5;
	v23 =	vld.idx.msk [tilespmem:v35+s15+$0x0], $0xffff  }
0x599: {  	v51 =	vor.u32 s13, v43;
	[tilespmem:v12+s19+$0x0] =	vst.idx.msk $0xffff, v24;
	v13 =	vld.idx.msk [tilespmem:v13+s15+$0x0], $0xffff  }
0x59a: {  	[tilespmem:v16+s19+$0x0] =	vst.idx.msk $0xffff, v10;
	v11 =	vld.idx.msk [tilespmem:v11+s15+$0x0], $0xffff;
	v16 =	vor.u32 s3, v43  }
0x59b: {  	[tilespmem:v19+s19+$0x0] =	vst.idx.msk $0xffff, v15;
	v15 =	vld.idx.msk [tilespmem:v20+s15+$0x0], $0xffff  }
0x59c: {  	v20 =	vor.u32 s26, v50;
	[tilespmem:v22+s19+$0x0] =	vst.idx.msk $0xffff, v21;
	v14 =	vld.idx.msk [tilespmem:v14+s15+$0x0], $0xffff  }
0x59d: {  	[tilespmem:v46+s19+$0x0] =	vst.idx.msk $0xffff, v23;
	v22 =	vor.u32 s1, v50;
	v17 =	vld.idx.msk [tilespmem:v17+s15+$0x0], $0xffff  }
0x59e: {  	v52 =	vld [tilespmem:$0x1FC60];
	[tilespmem:v51+s19+$0x0] =	vst.idx.msk $0xffff, v13  }
0x59f: {  	v12 =	vor.u32 v48, v4;
	[tilespmem:v16+s19+$0x0] =	vst.idx.msk $0xffff, v11  }
0x5a0: {  	v10 =	vor.u32 v48, v7;
	[tilespmem:v18+s19+$0x0] =	vst.idx.msk $0xffff, v15  }
0x5a1: {  	v19 =	vor.u32 v48, v6;
	[tilespmem:v20+s19+$0x0] =	vst.idx.msk $0xffff, v14  }
0x5a2: {  	[tilespmem:v22+s19+$0x0] =	vst.idx.msk $0xffff, v17  }
0x5a3: {  	v21 =	vor.u32 v52, v2;
	v0 =	vld [tilespmem:$0x1FC70]  }
0x5a4: {  	v23 =	vor.u32 s31, v50;
	v12 =	vld.idx.msk [tilespmem:v12+s15+$0x0], $0xffff;
	v13 =	vor.u32 v52, v5  }
0x5a5: {  	v16 =	vor.u32 s13, v50;
	v10 =	vld.idx.msk [tilespmem:v10+s15+$0x0], $0xffff  }
0x5a6: {  	v18 =	vld.idx.msk [tilespmem:v19+s15+$0x0], $0xffff;
	v19 =	vor.u32 s3, v50  }
0x5a7: {  	v9 =	vld.idx.msk [tilespmem:v9+s15+$0x0], $0xffff;
	v14 =	vor.u32 s30, v47  }
0x5a8: {  	v17 =	vld.idx.msk [tilespmem:v21+s15+$0x0], $0xffff;
	v21 =	vor.u32 s26, v0  }
0x5a9: {  	v11 =	vor.u32 v52, v4;
	[tilespmem:v23+s19+$0x0] =	vst.idx.msk $0xffff, v12;
	v13 =	vld.idx.msk [tilespmem:v13+s15+$0x0], $0xffff;
	v22 =	vor.u32 s1, v0  }
0x5aa: {  	[tilespmem:v16+s19+$0x0] =	vst.idx.msk $0xffff, v10  }
0x5ab: {  	v15 =	vor.u32 v52, v7;
	[tilespmem:v19+s19+$0x0] =	vst.idx.msk $0xffff, v18  }
0x5ac: {  	v20 =	vor.u32 v52, v6;
	[tilespmem:v14+s19+$0x0] =	vst.idx.msk $0xffff, v9  }
0x5ad: {  	v8 =	vld.idx.msk [tilespmem:v8+s15+$0x0], $0xffff;
	[tilespmem:v21+s19+$0x0] =	vst.idx.msk $0xffff, v17  }
0x5ae: {  	v12 =	vor.u32 v45, v2;
	v11 =	vld.idx.msk [tilespmem:v11+s15+$0x0], $0xffff;
	[tilespmem:v22+s19+$0x0] =	vst.idx.msk $0xffff, v13  }
0x5af: {  	v10 =	vor.u32 v45, v5;
	v16 =	vor.u32 s31, v0;
	v22 =	vld [tilespmem:$0x1FC90]  }
0x5b0: {  	v15 =	vld.idx.msk [tilespmem:v15+s15+$0x0], $0xffff  }
0x5b1: {  	v14 =	vld.idx.msk [tilespmem:v20+s15+$0x0], $0xffff;
	v19 =	vor.u32 s13, v0  }
0x5b2: {  	v20 =	vor.u32 s3, v0;
	v31 =	vld [tilespmem:$0x1FD30]  }
0x5b3: {  	v17 =	vor.u32 s29, v44;
	v12 =	vld.idx.msk [tilespmem:v12+s15+$0x0], $0xffff  }
0x5b4: {  	[tilespmem:v16+s19+$0x0] =	vst.idx.msk $0xffff, v11;
	v10 =	vld.idx.msk [tilespmem:v10+s15+$0x0], $0xffff;
	v13 =	vor.u32 s26, v22  }
0x5b5: {  	v18 =	vor.u32 v45, v4;
	v23 =	vld [tilespmem:$0x1FCA0];
	v16 =	vor.u32 s1, v22  }
0x5b6: {  	[tilespmem:v19+s19+$0x0] =	vst.idx.msk $0xffff, v15  }
0x5b7: {  	v9 =	vor.u32 v45, v7;
	[tilespmem:v20+s19+$0x0] =	vst.idx.msk $0xffff, v14  }
0x5b8: {  	v21 =	vor.u32 v45, v6;
	[tilespmem:v17+s19+$0x0] =	vst.idx.msk $0xffff, v8  }
0x5b9: {  	v3 =	vor.u32 v31, v3;
	[tilespmem:v13+s19+$0x0] =	vst.idx.msk $0xffff, v12  }
0x5ba: {  	v18 =	vld.idx.msk [tilespmem:v18+s15+$0x0], $0xffff;
	v11 =	vor.u32 v23, v2;
	v15 =	vor.u32 v23, v5;
	[tilespmem:v16+s19+$0x0] =	vst.idx.msk $0xffff, v10  }
0x5bb: {  	v14 =	vor.u32 v23, v4;
	v8 =	vor.u32 v23, v7;
	v13 =	vor.u32 v23, v6;
	v23 =	vld [tilespmem:$0x1FCB0]  }
0x5bc: {  	v9 =	vld.idx.msk [tilespmem:v9+s15+$0x0], $0xffff;
	v19 =	vor.u32 s31, v22  }
0x5bd: {  	v17 =	vld.idx.msk [tilespmem:v21+s15+$0x0], $0xffff;
	v20 =	vor.u32 s13, v22  }
0x5be: {  	v21 =	vor.u32 s3, v22;
	v3 =	vld.idx.msk [tilespmem:v3+s15+$0x0], $0xffff  }
0x5bf: {  	v12 =	vor.u32 s30, v44;
	v22 =	vld [tilespmem:$0x1FCC0]  }
0x5c0: {  	v11 =	vld.idx.msk [tilespmem:v11+s15+$0x0], $0xffff;
	v16 =	vor.u32 s26, v23  }
0x5c1: {  	[tilespmem:v19+s19+$0x0] =	vst.idx.msk $0xffff, v18  }
0x5c2: {  	[tilespmem:v20+s19+$0x0] =	vst.idx.msk $0xffff, v9  }
0x5c3: {  	[tilespmem:v21+s19+$0x0] =	vst.idx.msk $0xffff, v17  }
0x5c4: {  	[tilespmem:v12+s19+$0x0] =	vst.idx.msk $0xffff, v3  }
0x5c5: {  	v12 =	vld.idx.msk [tilespmem:v13+s15+$0x0], $0xffff;
	v10 =	vor.u32 v22, v1;
	v19 =	vor.u32 s1, v23;
	[tilespmem:v16+s19+$0x0] =	vst.idx.msk $0xffff, v11  }
0x5c6: {  	v20 =	vor.u32 s31, v23;
	v21 =	vor.u32 s13, v23;
	v13 =	vor.u32 s3, v23;
	v23 =	vld [tilespmem:$0x1FDF0]  }
0x5c7: {  	v15 =	vld.idx.msk [tilespmem:v15+s15+$0x0], $0xffff;
	v18 =	vor.u32 v22, v2  }
0x5c8: {  	v14 =	vld.idx.msk [tilespmem:v14+s15+$0x0], $0xffff  }
0x5c9: {  	v8 =	vld.idx.msk [tilespmem:v8+s15+$0x0], $0xffff;
	_ =	sdelay $0x1  }
0x5ca: {  	v9 =	vor.u32 v22, v5;
	v10 =	vld.idx.msk [tilespmem:v10+s15+$0x0], $0xffff;
	v11 =	vor.u32 s28, v23  }
0x5cb: {  	v17 =	vor.u32 v22, v4;
	[tilespmem:v19+s19+$0x0] =	vst.idx.msk $0xffff, v15;
	v18 =	vld.idx.msk [tilespmem:v18+s15+$0x0], $0xffff;
	v19 =	vor.u32 s26, v23  }
0x5cc: {  	v3 =	vor.u32 v22, v7;
	v16 =	vor.u32 v22, v6;
	v22 =	vld [tilespmem:$0x1FE10];
	[tilespmem:v20+s19+$0x0] =	vst.idx.msk $0xffff, v14  }
0x5cd: {  	[tilespmem:v21+s19+$0x0] =	vst.idx.msk $0xffff, v8  }
0x5ce: {  	[tilespmem:v13+s19+$0x0] =	vst.idx.msk $0xffff, v12  }
0x5cf: {  	[tilespmem:v11+s19+$0x0] =	vst.idx.msk $0xffff, v10  }
0x5d0: {  	[tilespmem:v19+s19+$0x0] =	vst.idx.msk $0xffff, v18  }
0x5d1: {  	v15 =	vor.u32 v22, v1;
	v29 =	vld [tilespmem:$0x1FCD0]  }
0x5d2: {  	v9 =	vld.idx.msk [tilespmem:v9+s15+$0x0], $0xffff;
	v20 =	vor.u32 s1, v23;
	v14 =	vor.u32 v22, v2  }
0x5d3: {  	v17 =	vld.idx.msk [tilespmem:v17+s15+$0x0], $0xffff;
	v21 =	vor.u32 s31, v23  }
0x5d4: {  	v3 =	vld.idx.msk [tilespmem:v3+s15+$0x0], $0xffff;
	v13 =	vor.u32 s13, v23  }
0x5d5: {  	v11 =	vld.idx.msk [tilespmem:v16+s15+$0x0], $0xffff;
	v16 =	vor.u32 s3, v23  }
0x5d6: {  	v15 =	vld.idx.msk [tilespmem:v15+s15+$0x0], $0xffff;
	v18 =	vor.u32 s28, v29  }
0x5d7: {  	v8 =	vor.u32 v22, v5;
	[tilespmem:v20+s19+$0x0] =	vst.idx.msk $0xffff, v9;
	v14 =	vld.idx.msk [tilespmem:v14+s15+$0x0], $0xffff;
	v20 =	vor.u32 s26, v29  }
0x5d8: {  	[tilespmem:v21+s19+$0x0] =	vst.idx.msk $0xffff, v17  }
0x5d9: {  	v12 =	vor.u32 v22, v4;
	[tilespmem:v13+s19+$0x0] =	vst.idx.msk $0xffff, v3  }
0x5da: {  	v10 =	vor.u32 v22, v7;
	[tilespmem:v16+s19+$0x0] =	vst.idx.msk $0xffff, v11  }
0x5db: {  	v19 =	vor.u32 v22, v6;
	[tilespmem:v18+s19+$0x0] =	vst.idx.msk $0xffff, v15  }
0x5dc: {  	v9 =	vor.u32 v58, v1;
	v8 =	vld.idx.msk [tilespmem:v8+s15+$0x0], $0xffff;
	[tilespmem:v20+s19+$0x0] =	vst.idx.msk $0xffff, v14  }
0x5dd: {  	v17 =	vor.u32 v58, v2;
	v21 =	vor.u32 s1, v29;
	v26 =	vld [tilespmem:$0x1FCF0]  }
0x5de: {  	v12 =	vld.idx.msk [tilespmem:v12+s15+$0x0], $0xffff  }
0x5df: {  	v3 =	vor.u32 v58, v5;
	v10 =	vld.idx.msk [tilespmem:v10+s15+$0x0], $0xffff;
	v13 =	vor.u32 s31, v29  }
0x5e0: {  	v16 =	vor.u32 s13, v29;
	v18 =	vld.idx.msk [tilespmem:v19+s15+$0x0], $0xffff  }
0x5e1: {  	v19 =	vor.u32 s3, v29;
	v9 =	vld.idx.msk [tilespmem:v9+s15+$0x0], $0xffff  }
0x5e2: {  	[tilespmem:v21+s19+$0x0] =	vst.idx.msk $0xffff, v8;
	v17 =	vld.idx.msk [tilespmem:v17+s15+$0x0], $0xffff;
	v14 =	vor.u32 s28, v26  }
0x5e3: {  	v0 =	vld [tilespmem:$0x1FD00];
	v21 =	vor.u32 s26, v26  }
0x5e4: {  	[tilespmem:v13+s19+$0x0] =	vst.idx.msk $0xffff, v12;
	v3 =	vld.idx.msk [tilespmem:v3+s15+$0x0], $0xffff;
	v13 =	vor.u32 s1, v26  }
0x5e5: {  	[tilespmem:v16+s19+$0x0] =	vst.idx.msk $0xffff, v10  }
0x5e6: {  	v11 =	vor.u32 v58, v4;
	[tilespmem:v19+s19+$0x0] =	vst.idx.msk $0xffff, v18  }
0x5e7: {  	v15 =	vor.u32 v58, v7;
	[tilespmem:v14+s19+$0x0] =	vst.idx.msk $0xffff, v9  }
0x5e8: {  	v20 =	vor.u32 v58, v6;
	[tilespmem:v21+s19+$0x0] =	vst.idx.msk $0xffff, v17  }
0x5e9: {  	v8 =	vor.u32 v0, v1;
	[tilespmem:v13+s19+$0x0] =	vst.idx.msk $0xffff, v3  }
0x5ea: {  	v12 =	vor.u32 v0, v2;
	v28 =	vld [tilespmem:$0x1FD20]  }
0x5eb: {  	v11 =	vld.idx.msk [tilespmem:v11+s15+$0x0], $0xffff;
	v16 =	vor.u32 s31, v26;
	v10 =	vor.u32 v0, v5  }
0x5ec: {  	v15 =	vld.idx.msk [tilespmem:v15+s15+$0x0], $0xffff;
	v19 =	vor.u32 s13, v26;
	v18 =	vor.u32 v0, v4  }
0x5ed: {  	v9 =	vor.u32 v0, v7;
	v14 =	vld.idx.msk [tilespmem:v20+s15+$0x0], $0xffff;
	v20 =	vor.u32 s3, v26  }
0x5ee: {  	v17 =	vor.u32 s28, v41;
	v21 =	vor.u32 v0, v6;
	v8 =	vld.idx.msk [tilespmem:v8+s15+$0x0], $0xffff  }
0x5ef: {  	v13 =	vor.u32 s26, v41;
	v12 =	vld.idx.msk [tilespmem:v12+s15+$0x0], $0xffff;
	v3 =	vor.u32 v28, v1  }
0x5f0: {  	[tilespmem:v16+s19+$0x0] =	vst.idx.msk $0xffff, v11;
	v10 =	vld.idx.msk [tilespmem:v10+s15+$0x0], $0xffff;
	v16 =	vor.u32 s1, v41;
	v11 =	vor.u32 v28, v2  }
0x5f1: {  	[tilespmem:v19+s19+$0x0] =	vst.idx.msk $0xffff, v15;
	v19 =	vor.u32 s31, v41;
	v18 =	vld.idx.msk [tilespmem:v18+s15+$0x0], $0xffff;
	v15 =	vor.u32 v28, v5  }
0x5f2: {  	[tilespmem:v20+s19+$0x0] =	vst.idx.msk $0xffff, v14;
	v9 =	vld.idx.msk [tilespmem:v9+s15+$0x0], $0xffff;
	v20 =	vor.u32 s13, v41;
	v14 =	vor.u32 v28, v4  }
0x5f3: {  	[tilespmem:v17+s19+$0x0] =	vst.idx.msk $0xffff, v8;
	v8 =	vor.u32 v28, v7;
	v17 =	vor.u32 s3, v41;
	v21 =	vld.idx.msk [tilespmem:v21+s15+$0x0], $0xffff  }
0x5f4: {  	[tilespmem:v13+s19+$0x0] =	vst.idx.msk $0xffff, v12;
	v12 =	vor.u32 s28, v47;
	v13 =	vor.u32 v28, v6;
	v3 =	vld.idx.msk [tilespmem:v3+s15+$0x0], $0xffff  }
0x5f5: {  	[tilespmem:v16+s19+$0x0] =	vst.idx.msk $0xffff, v10;
	v1 =	vor.u32 v31, v1;
	v10 =	vld.idx.msk [tilespmem:v11+s15+$0x0], $0xffff;
	v11 =	vor.u32 s26, v47  }
0x5f6: {  	v2 =	vor.u32 v31, v2;
	v16 =	vor.u32 s1, v47;
	[tilespmem:v19+s19+$0x0] =	vst.idx.msk $0xffff, v18;
	v15 =	vld.idx.msk [tilespmem:v15+s15+$0x0], $0xffff  }
0x5f7: {  	v5 =	vor.u32 v31, v5;
	[tilespmem:v20+s19+$0x0] =	vst.idx.msk $0xffff, v9;
	v9 =	vld.idx.msk [tilespmem:v14+s15+$0x0], $0xffff;
	v14 =	vor.u32 s31, v47  }
0x5f8: {  	v4 =	vor.u32 v31, v4;
	[tilespmem:v17+s19+$0x0] =	vst.idx.msk $0xffff, v21;
	v17 =	vor.u32 s13, v47;
	v8 =	vld.idx.msk [tilespmem:v8+s15+$0x0], $0xffff  }
0x5f9: {  	[tilespmem:v12+s19+$0x0] =	vst.idx.msk $0xffff, v3;
	v3 =	vor.u32 v31, v7;
	v7 =	vld.idx.msk [tilespmem:v13+s15+$0x0], $0xffff;
	v12 =	vor.u32 s3, v47  }
0x5fa: {  	v6 =	vor.u32 v31, v6;
	[tilespmem:v11+s19+$0x0] =	vst.idx.msk $0xffff, v10;
	v10 =	vor.u32 s28, v44;
	v1 =	vld.idx.msk [tilespmem:v1+s15+$0x0], $0xffff  }
0x5fb: {  	[tilespmem:v16+s19+$0x0] =	vst.idx.msk $0xffff, v15;
	v11 =	vor.u32 s26, v44;
	v2 =	vld.idx.msk [tilespmem:v2+s15+$0x0], $0xffff  }
0x5fc: {  	[tilespmem:v14+s19+$0x0] =	vst.idx.msk $0xffff, v9;
	v9 =	vor.u32 s1, v44;
	v5 =	vld.idx.msk [tilespmem:v5+s15+$0x0], $0xffff  }
0x5fd: {  	[tilespmem:v17+s19+$0x0] =	vst.idx.msk $0xffff, v8;
	v8 =	vor.u32 s31, v44;
	v4 =	vld.idx.msk [tilespmem:v4+s15+$0x0], $0xffff  }
0x5fe: {  	[tilespmem:v12+s19+$0x0] =	vst.idx.msk $0xffff, v7;
	v3 =	vld.idx.msk [tilespmem:v3+s15+$0x0], $0xffff;
	v7 =	vor.u32 s13, v44  }
0x5ff: {  	[tilespmem:v10+s19+$0x0] =	vst.idx.msk $0xffff, v1;
	v1 =	vld.idx.msk [tilespmem:v6+s15+$0x0], $0xffff;
	v6 =	vor.u32 s3, v44  }
0x600: {  	[tilespmem:v11+s19+$0x0] =	vst.idx.msk $0xffff, v2  }
0x601: {  	[tilespmem:v9+s19+$0x0] =	vst.idx.msk $0xffff, v5  }
0x602: {  	[tilespmem:v8+s19+$0x0] =	vst.idx.msk $0xffff, v4  }
0x603: {  	[tilespmem:v7+s19+$0x0] =	vst.idx.msk $0xffff, v3  }
0x604: {  	[tilespmem:v6+s19+$0x0] =	vst.idx.msk $0xffff, v1  }
0x605: {  	v8 =	vld [tilespmem:$0x1FE00]  }
0x606: {  	v16 =	vld [tilespmem:$0x1FE20]  }
0x607: {  	v17 =	vld [tilespmem:$0x1FE30]  }
0x608: {  	v18 =	vld [tilespmem:$0x1FE40]  }
0x609: {  	v19 =	vld [tilespmem:$0x1FE50]  }
0x60a: {  	v21 =	vmov v38;
	v38 =	vld [tilespmem:$0x1FEC0]  }
0x60b: {  	v4 =	vld [tilespmem:$0x1FFF0]  }
0x60c: {  	v43 =	vld [tilespmem:$0x1FFB0]  }
0x60d: {  	v13 =	vmov v57;
	v57 =	vmov v63;
	v63 =	vld [tilespmem:$0x1FEB0]  }
0x60e: {  	s31 =	sshll.u32 s25, $0xB;
	v7 =	vld [tilespmem:$0x1FF80]  }
0x60f: {  	s1 =	sadd.s32 s6, s31;
	v6 =	vmov v61;
	v61 =	vmov v40;
	v40 =	vld [tilespmem:$0x1FF70]  }
0x610: {  	v46 =	vmov v37;
	[hbm4b:s1+s2] =	stream.linear.scatter [tilespmem:s19], [sflag:$0x4], $0x4000, $0x38;
	v37 =	vld [tilespmem:$0x1FF40]  }
.Ltmp7:
0x611: {  	s1 =	sadd.s32 s11, s24;
	v33 =	vld [tilespmem:$0x1FF60];
	(pc) =	sbr.rel .LBB2_8-.Ltmp7, $4  }
0x612: {  	v32 =	vld [tilespmem:$0x1FDD0];
	p1 =	sgt.u32 s1, $0x7A0  }
0x613: {  	v36 =	vld [tilespmem:$0x1FF30];
	s1 =	sshll.u32 @!p1 s1, $0x9;
	s3 =	simm.s32 @!p1 $0x1000  }
0x614: {  	v48 =	vmovc v60;
	v22 =	vmov v59;
	v0 =	vmov v54;
	v20 =	vmov v42;
	v9 =	vld [tilespmem:$0x1FF00];
	s4 =	simm.s32 @!p1 $0x7A1400;
	s7 =	simm.s32 @!p1 $0x4000;
	s1 =	sadd.s32 @!p1 s0, s1  }
0x615: {  	v14 =	vmovc v49;
	v49 =	vmovc v56;
	v47 =	vmov v62;
	v56 =	vmov v34;
	v2 =	vmov v55;
	v34 =	vld [tilespmem:$0x1FDE0];
	[tilespmem:s7], [sflag:$0x2] =	stream.strided.gather @!p1 [hbm4b:s1+s3], $0x4000, s4, s3, $0x38  }
.LBB2_10:
0x616: {  	_ =	sfence.sel $0x180000  }
0x617: {  	[bflag:$0x0] =	sbarrier.arrive $0xFFFF  }
0x618: {  	_ =	strace $0x90000047  }
0x619: {  	s0 =	stileid.u32;
	[bflag:$0x2] =	sbarrier.arrive $0xFFFF  }
0x61a: {  	p0 =	sne.s32 s0, $0x0;
	s0 =	rddreg [dreg:$0x2]  }
0x61b: {  	s0 =	sadd.s32 @!p0 $0x100000, s0  }
0x61c: {  	[sflag:s0] =	ssyncadd.tile.s32 @!p0 $0x1;
	_ =	shalt  }
.Lfunc_end2:
_tile_overlayer_lowered:
.L_overlay_start_2:
0x61d: {  	(tag) =	ssettag $0x2  }
0x61e: {  	s0 =	rddreg [dreg:$0x0];
	s2 =	stileid.u32  }
0x61f: {  	s1 =	rddreg [dreg:$0x1];
	p0 =	sne.s32 s2, $0x0  }
0x620: {  	s3 =	rddreg [dreg:$0x2];
	[bflag:$0x3] =	sbarrier.arrive $0xFFFF;
	s2 =	simm.s32 @!p0 $0x1C05  }
0x621: {  	[timem:s3], [sflag:s2] =	dma.local @!p0 [hbm:s0], s1  }
0x622: {  	s0 =	simm.s32 @!p0 $0x5  }
0x623: {  	_ =	swait.ge @!p0 [sflag:s0], s1  }
0x624: {  	s1 =	ssub.s32 @!p0 $0x0, s1;
	[sflag:s0] =	ssyncset.done @!p0 $0x0  }
0x625: {  	[sflag:s0] =	ssyncadd.s32 @!p0 s1  }
0x626: {  	[bflag:$0x3] =	sbarrier.arrive $0xFFFF  }
0x627: {  	_ =	shalt  }

// kernel: kernel.7.cloned.1.call-start
scs
__scs_entry_jumppad:
0x0: {  	(pc) =	sbr.rel $0x88, $3  }
0x1: {  	(tag) =	ssettag $0x0;
	lr =	simm.s32 $0x1  }
0x2: {  	[smem:$0x3F9F] =	sst lr;
	_ =	strace $0xD0000000  }
0x3: {  	_ = 	snop  }
0x4: {  	_ = 	snop  }
0x5: {  	_ = 	snop  }
0x6: {  	_ = 	snop  }
0x7: {  	_ = 	snop  }
__scs_overlays_trampoline_lowered:
0x8: {  	[smem:$0x3FAE] =	sst s0  }
0x9: {  	[smem:$0x3FAF] =	sst s1  }
0xa: {  	[smem:$0x3FB0] =	sst s2  }
0xb: {  	[smem:$0x3FB1] =	sst s3  }
0xc: {  	[smem:$0x3FB2] =	sst s4  }
0xd: {  	[smem:$0x3FB3] =	sst s5  }
0xe: {  	[smem:$0x3FB4] =	sst s6  }
0xf: {  	[smem:$0x3FB5] =	sst s7  }
0x10: {  	[smem:$0x3FB6] =	sst s8  }
0x11: {  	[smem:$0x3FB7] =	sst s9;
	s0 =	simm.s32 @!p0 $0x0  }
0x12: {  	s1 =	sld [smem:$0x3F9D];
	s0 =	simm.s32 @p0 $0x1  }
0x13: {  	[smem:$0x3FB8] =	sst s0;
	s0 =	simm.s32 @!p1 $0x0  }
0x14: {  	s2 =	sld [smem:$0x3F9C];
	s0 =	simm.s32 @p1 $0x1  }
0x15: {  	[smem:$0x3FB9] =	sst s0;
	s0 =	simm.s32 @!p2 $0x0  }
0x16: {  	s3 =	sld [smem:$0x3FDB];
	s0 =	simm.s32 @p2 $0x1  }
0x17: {  	s4 =	simm.s32 $0x1BF5;
	[smem:$0x3FBB] =	sst s0  }
0x18: {  	s0 =	sld [smem:$0x3F9E];
	_ =	swait.ge [sflag:s4], $0x0  }
0x19: {  	s7 =	sld [smem:$0x3F9F]  }
0x1a: {  	s8 =	sadd.s32 $0xFFFFE003, lr  }
0x1b: {  	s9 =	sadd.s32 $0xFFFFFEF7, lr;
	s5 =	simm.s32 $0xFFFFFFFF;
	p2 =	slt.u32 s8, $0xFFFFF086  }
0x1c: {  	p1 =	slt.u32 s9, $0xF7A;
	s5 =	simm.s32 @!p2 $0x0  }
0x1d: {  	s5 =	simm.s32 @p1 $0x1;
	p0 =	seq.s32 s7, s2  }
0x1e: {  	s7 =	smul.u32 @!p0 $0xF7A, s2;
	p2 =	seq.s32 @!p0 s5, $0x0  }
0x1f: {  	s9 =	smul.u32 $0xF7A, s1;
	s8 =	simm.s32 @!p0 $0x1BF5;
	p2 =	por !p2, p0  }
0x20: {  	[sflag:s8] =	ssyncset.s32 @!p0 $0xFFFFF086;
	s6 =	sadd.s32 @!p0 s3, s7;
	s7 =	simm.s32 @!p0 $0x108  }
0x21: {  	s3 =	sadd.s32 s3, s9;
	s6 =	sadd.s32 @!p0 $0x88, s6;
	s7 =	simm.s32 @p2 $0x1082  }
0x22: {  	[simem:s7], [sflag:s8] =	dma.local @!p0 [hbm:s6], $0xF7A  }
0x23: {  	s9 =	sor.u32 $0xD0000000, s2;
	s6 =	simm.s32 $0x108;
	_ =	swait.ge @!p0 [sflag:s8], $0x0  }
0x24: {  	s3 =	sadd.s32 $0x88, s3;
	s6 =	simm.s32 @!p1 $0x1082;
	[sflag:s4] =	ssyncset.s32 $0xFFFFF086  }
0x25: {  	[simem:s6], [sflag:s4] =	dma.local [hbm:s3], $0xF7A  }
0x26: {  	[smem:$0x3F9F] =	sst s1;
	(tag) =	ssettag s2;
	_ =	strace s9  }
0x27: {  	s1 =	sld [smem:$0x3FAF]  }
0x28: {  	s2 =	sld [smem:$0x3FB0]  }
0x29: {  	s4 =	sld [smem:$0x3FB2]  }
0x2a: {  	p0 =	seq.s32 s5, $0x0;
	s5 =	sld [smem:$0x3FB3]  }
0x2b: {  	s6 =	sld [smem:$0x3FB4]  }
0x2c: {  	s7 =	sld [smem:$0x3FB5]  }
0x2d: {  	s3 =	simm.s32 $0x108;
	s8 =	sld [smem:$0x3FB6]  }
0x2e: {  	s3 =	simm.s32 @!p0 $0x1082;
	s9 =	sld [smem:$0x3FB7]  }
0x2f: {  	lr =	sadd.s32 s0, s3;
	s0 =	sld [smem:$0x3FAE]  }
0x30: {  	s3 =	sld [smem:$0x3FB1]  }
0x31: {  	[smem:$0x3FBA] =	sst s10  }
0x32: {  	s10 =	sld [smem:$0x3FB8];
	_ =	sdelay $0x3  }
0x33: {  	p0 =	seq.s32 s10, $0x1;
	s10 =	sld [smem:$0x3FBA];
	_ =	sdelay $0x3  }
0x34: {  	[smem:$0x3FBA] =	sst s10  }
0x35: {  	s10 =	sld [smem:$0x3FB9];
	_ =	sdelay $0x3  }
0x36: {  	p1 =	seq.s32 s10, $0x1;
	s10 =	sld [smem:$0x3FBA];
	_ =	sdelay $0x3  }
0x37: {  	[smem:$0x3FBA] =	sst s10  }
0x38: {  	s10 =	sld [smem:$0x3FBB]  }
0x39: {  	_ = 	snop;
	(pc) =	sbr.ind lr, $3  }
0x3a: {  	_ = 	snop  }
0x3b: {  	_ = 	snop  }
0x3c: {  	p2 =	seq.s32 s10, $0x1;
	s10 =	sld [smem:$0x3FBA]  }
0x3d: {  	_ =	shalt  }
0x3e: {  	_ =	shalt  }
0x3f: {  	_ =	shalt  }
0x40: {  	_ =	shalt  }
0x41: {  	_ =	shalt  }
0x42: {  	_ =	shalt  }
0x43: {  	_ =	shalt  }
0x44: {  	_ =	shalt  }
0x45: {  	_ =	shalt  }
0x46: {  	_ =	shalt  }
0x47: {  	_ =	shalt  }
0x48: {  	_ =	shalt  }
0x49: {  	_ =	shalt  }
0x4a: {  	_ =	shalt  }
0x4b: {  	_ =	shalt  }
0x4c: {  	_ =	shalt  }
0x4d: {  	_ =	shalt  }
0x4e: {  	_ =	shalt  }
0x4f: {  	_ =	shalt  }
0x50: {  	_ =	shalt  }
0x51: {  	_ =	shalt  }
0x52: {  	_ =	shalt  }
0x53: {  	_ =	shalt  }
0x54: {  	_ =	shalt  }
0x55: {  	_ =	shalt  }
0x56: {  	_ =	shalt  }
0x57: {  	_ =	shalt  }
0x58: {  	_ =	shalt  }
0x59: {  	_ =	shalt  }
0x5a: {  	_ =	shalt  }
0x5b: {  	_ =	shalt  }
0x5c: {  	_ =	shalt  }
0x5d: {  	_ =	shalt  }
0x5e: {  	_ =	shalt  }
0x5f: {  	_ =	shalt  }
0x60: {  	_ =	shalt  }
0x61: {  	_ =	shalt  }
0x62: {  	_ =	shalt  }
0x63: {  	_ =	shalt  }
0x64: {  	_ =	shalt  }
0x65: {  	_ =	shalt  }
0x66: {  	_ =	shalt  }
0x67: {  	_ =	shalt  }
0x68: {  	_ =	shalt  }
0x69: {  	_ =	shalt  }
0x6a: {  	_ =	shalt  }
0x6b: {  	_ =	shalt  }
0x6c: {  	_ =	shalt  }
0x6d: {  	_ =	shalt  }
0x6e: {  	_ =	shalt  }
0x6f: {  	_ =	shalt  }
0x70: {  	_ =	shalt  }
0x71: {  	_ =	shalt  }
0x72: {  	_ =	shalt  }
0x73: {  	_ =	shalt  }
0x74: {  	_ =	shalt  }
0x75: {  	_ =	shalt  }
0x76: {  	_ =	shalt  }
0x77: {  	_ =	shalt  }
0x78: {  	_ =	shalt  }
0x79: {  	_ =	shalt  }
0x7a: {  	_ =	shalt  }
0x7b: {  	_ =	shalt  }
0x7c: {  	_ =	shalt  }
0x7d: {  	_ =	shalt  }
0x7e: {  	_ =	shalt  }
0x7f: {  	_ =	shalt  }
0x80: {  	_ =	shalt  }
0x81: {  	_ =	shalt  }
0x82: {  	_ =	shalt  }
0x83: {  	_ =	shalt  }
0x84: {  	_ =	shalt  }
0x85: {  	_ =	shalt  }
0x86: {  	_ =	shalt  }
0x87: {  	_ =	shalt  }
.Lfunc_end0:
.L_simem_size_0:
called_computation.1_lowered:
.L_overlay_start_0:
0x88: {  	s2 =	sld [smem:$0x3FD9]  }
0x89: {  	s3 =	sld [smem:$0x3FFE];
	_ =	sdelay $0x1  }
0x8a: {  	s1 =	srdreg.scid  }
0x8b: {  	s0 =	sand.u32 $0x1, s1  }
0x8c: {  	s17 =	sshll.u32 s0, $0xA;
	s2 =	sadd.s32 s3, s2  }
0x8d: {  	s2 =	sadd.s32 s2, s17  }
0x8e: {  	[smem:$0x3FC6] =	sst s2  }
0x8f: {  	_ = 	snop  }
0x90: {  	s2 =	sld [smem:$0x3FD0];
	(tm) =	ssettm $0x1  }
0x91: {  	s18 =	sld [smem:$0x3FFB];
	_ =	sdelay $0x3  }
0x92: {  	_ =	strace s18  }
0x93: {  	s3 =	sld [smem:$0x3FFC];
	_ =	sdelay $0x3  }
0x94: {  	_ =	strace s3  }
0x95: {  	s3 =	sld [smem:$0x3FFD];
	_ =	sdelay $0x3  }
0x96: {  	_ =	strace s3  }
0x97: {  	_ =	strace $0x8FFFFFFF  }
0x98: {  	s19 =	sld [smem:$0x3FDB];
	_ =	sdelay $0x1  }
0x99: {  	s4 =	simm.s32 $_scs_section_size  }
0x9a: {  	s5 =	simm.s32 $_size__tile_overlayer_lowered;
	s6 =	simm.s32 $_tile_overlayer_lowered  }
0x9b: {  	s22 =	simm.s32 $0x1BFF;
	s21 =	sshll.u32 s6, $0x1;
	s3 =	sadd.s32 s4, s19  }
0x9c: {  	s7 =	simm.s32 $0x0;
	s20 =	sshll.u32 s5, $0x1;
	s5 =	sadd.s32 s21, s3  }
0x9d: {  	[timem:s7], [sflag:s22] =	dma.local [hbm:s5], s20  }
0x9e: {  	_ =	swait.ge [sflag:s22], s20  }
0x9f: {  	s4 =	ssub.s32 $0x0, s20;
	[sflag:s22] =	ssyncset.done $0x0  }
0xa0: {  	[sflag:s22] =	ssyncadd.s32 s4;
	_ =	sdelay $0x1  }
0xa1: {  	s23 =	simm.s32 $0x1B8B  }
0xa2: {  	_ =	swait.ge [sflag:s23], $0x1  }
0xa3: {  	[sflag:s23] =	ssyncset.done $0x0  }
0xa4: {  	s25 =	simm.s32 $0x1B8E;
	s24 =	sld [smem:$0x3FFE];
	[sflag:s23] =	ssyncadd.s32 $0xFFFFFFFF  }
0xa5: {  	s26 =	simm.s32 $execute0_lowered;
	[smem:$0x3FD2] =	sst s25  }
0xa6: {  	s5 =	sshll.u32 s26, $0x1;
	_ =	strace $0x80000049;
	[dreg:$0x1] =	wrdreg $0xFFFFFFFF  }
0xa7: {  	s28 =	simm.s32 $_size_execute0_lowered;
	s3 =	sadd.s32 s3, s5;
	[dreg:$0x0] =	wrdreg $0x0  }
0xa8: {  	s5 =	sshll.u32 s28, $0x1;
	[dreg:$0x2] =	wrdreg s3  }
0xa9: {  	[dreg:$0x3] =	wrdreg s5  }
0xaa: {  	[dreg:$0x4] =	wrdreg $0xC0  }
0xab: {  	_ =	task [dreg:s7], $0x5FFFF  }
0xac: {  	[dreg:$0x1] =	wrdreg $0xFFFFFFFF  }
0xad: {  	[dreg:$0x0] =	wrdreg $0x60  }
0xae: {  	[dreg:$0x2] =	wrdreg s2  }
0xaf: {  	[dreg:$0x3] =	wrdreg s24  }
0xb0: {  	[dreg:$0x4] =	wrdreg $0x9  }
0xb1: {  	_ =	task.clear_ibuf [dreg:s7], $0x5FFFF;
	_ =	strace $0x90000049  }
0xb2: {  	s29 =	simm.s32 $0x9;
	_ =	strace $0x8000004B  }
0xb3: {  	_ =	swait.ge [sflag:s29], $0x1  }
0xb4: {  	[sflag:s29] =	ssyncadd.s32 $0xFFFFFFFF  }
0xb5: {  	_ =	strace $0x9000004B  }
0xb6: {  	_ =	sfence  }
0xb7: {  	s30 =	sld [smem:$0x0];
	_ =	sdelay $0x2  }
0xb8: {  	s31 =	sshll.u32 s1, $0xD;
	s1 =	sshrl.u32 s1, $0x2  }
0xb9: {  	s3 =	sand.u32 $0x4000, s31;
	s1 =	sadd.s32 s1, s30  }
0xba: {  	s0 =	sor.u32 s3, s0;
	s1 =	sshll.u32 s1, $0x11  }
0xbb: {  	s0 =	sor.u32 s1, s0  }
0xbc: {  	s0 =	sadd.s32 $0x8F2B, s0  }
0xbd: {  	[sflag:s0] =	ssyncadd.remote.s32 $0x1  }
0xbe: {  	_ =	sfence.sel $0xFFFF  }
0xbf: {  	[dreg:$0x0] =	wrdreg $0xFFFFFFFF;
	(pc) =	sbr.abs _section_cstart, $3  }
0xc0: {  	[dreg:$0x1] =	wrdreg $0xFFFFFFFF  }
0xc1: {  	_ =	task.clear_ibuf [dreg:s7], $0x2FFFF;
	_ =	strace $0x9FFFFFFF  }
0xc2: {  	(tm) =	ssettm $0x7FFFFFFF  }
0xc3: {  	_ =	shalt  }
tec
execute0_lowered:
.L_overlay_start_1:
0x0: {  	(tag) =	ssettag $0x1  }
0x1: {  	s6 =	rddreg [dreg:$0x0]  }
0x2: {  	s7 =	rddreg [dreg:$0x1]  }
0x3: {  	s0 =	rddreg [dreg:$0x2];
	s2 =	simm.s32 $0x0  }
0x4: {  	s3 =	srdreg.scid;
	s1 =	stileid.u32;
	s10 =	simm.s32 $0x4000  }
0x5: {  	s11 =	simm.s32 $0x5;
	s12 =	simm.s32 $0x6400;
	s13 =	simm.s32 $0xA400  }
0x6: {  	v0 =	vlaneseq.u32;
	s14 =	simm.s32 $0x1;
	s15 =	simm.s32 $0xE400;
	s16 =	simm.s32 $0x2  }
0x7: {  	v1 =	vimm.s32 $0x0;
	vm0 =	vcmask $0x300;
	s17 =	simm.s32 $0x4;
	s18 =	simm.s32 $0x12500;
	s19 =	simm.s32 $0x3;
	v0 =	vmul.u32 $0x208, v0  }
0x8: {  	s20 =	simm.s32 $0x0;
	[smem:$0x7FF] =	sst s2;
	s3 =	sand.u32 $0x1, s3;
	v1 =	vsel vm0, $0x3, v1  }
.Ltmp0:
0x9: {  	s4 =	sshll.u32 s1, $0xA;
	_ =	strace $0x8000004A;
	v2 =	vadd.s32 $0x2080, v0;
	v3 =	vor.u32 $0x1, v0;
	v4 =	vadd.s32 $0x2081, v0;
	(pc) =	sbr.rel .LBB2_1-.Ltmp0, $4  }
0xa: {  	s8 =	ssub.s32 $0x2, s3;
	s5 =	sshll.u32 s3, $0x9;
	s3 =	sadd.s32 $0xC00, s7;
	v5 =	vor.u32 $0x2, v0;
	v6 =	vadd.s32 $0x2082, v0;
	v7 =	vor.u32 $0x3, v0  }
0xb: {  	s9 =	sshrl.u32 s8, $0x1;
	s4 =	sor.u32 s5, s4;
	s5 =	sadd.s32 $0x3D1600, s7;
	v8 =	vadd.s32 $0x2083, v0;
	v9 =	vor.u32 $0x4, v0;
	v10 =	vadd.s32 $0x2084, v0  }
0xc: {  	s7 =	sadd.s32 $0x3E1600, s7;
	v11 =	vor.u32 $0x5, v0;
	v12 =	vadd.s32 $0x2085, v0;
	v13 =	vor.u32 $0x6, v0;
	s8 =	ssub.s32 s8, s9;
	s31 =	sshrl.u32 s4, $0x3  }
0xd: {  	v14 =	vadd.s32 $0x2086, v0;
	v15 =	vor.u32 $0x7, v0;
	v16 =	vadd.s32 $0x2087, v0;
	s9 =	simm.s32 $0x200;
	s6 =	sadd.s32 s6, s31;
	s8 =	smax.u32 s8, $0x1  }
.LBB2_16:
0xe: {  	s20 =	sadd.s32 $0x1, s20  }
0xf: {  	_ =	swait.ge [sflag:s19], $0x4000;
	p0 =	sne.s32 s20, s8  }
.Ltmp1:
0x10: {  	[sflag:s19] =	ssyncset.done $0x0;
	(pc) =	sbr.rel @!p0 .LBB2_17-.Ltmp1, $4  }
0x11: {  	[sflag:s19] =	ssyncadd.s32 $0xFFFFC000  }
0x12: {  	_ =	swait.ge [sflag:s17], $0x4000  }
0x13: {  	[sflag:s17] =	ssyncset.done $0x0  }
0x14: {  	[sflag:s17] =	ssyncadd.s32 $0xFFFFC000  }
.LBB2_1:
0x15: {  	[tilespmem:s2], [sflag:$0x5] =	stream.strided.gather [hbm4b:s6+s9], $0x6400, s10, s9, $0x38;
	[tilespmem:$0x16600] =	vst v63  }
0x16: {  	_ =	swait.ge [sflag:s11], $0x6400  }
0x17: {  	[sflag:s11] =	ssyncset.done $0x0  }
0x18: {  	[sflag:s11] =	ssyncadd.s32 $0xFFFF9C00  }
0x19: {  	[tilespmem:s12], [sflag:$0x1] =	stream.indirect.gather [hbm4b:s3+s9], $0x20, s2, s9, $0xb8;
	[tilespmem:$0x16600] =	vst v63  }
0x1a: {  	s21 =	simm.s32 $0x0  }
0x1b: {  	[tilespmem:s13], [sflag:$0x2] =	stream.indirect.gather [hbm4b:s3+s9], $0x20, s9, s9, $0xb8;
	[tilespmem:$0x16600] =	vst v63  }
.LBB2_2:
0x1c: {  	_ =	swait.ge [sflag:s14], $0x4000;
	s22 =	simm.s32 $0x7  }
0x1d: {  	p0 =	seq.s32 s21, $0x0;
	s23 =	simm.s32 $0x0;
	[sflag:s14] =	ssyncset.done $0x0;
	v17 =	vmov s22  }
0x1e: {  	s22 =	simm.s32 @!p0 $0x3;
	v18 =	vmov s23;
	[sflag:s14] =	ssyncadd.s32 $0xFFFFC000;
	v17 =	vshrl.u32 v17, $0x3  }
0x1f: {  	s24 =	simm.s32 $0x1;
	v18 =	vshrl.u32 v18, $0x3;
	_ =	swait.ge @!p0 [sflag:s22], $0x4000;
	v17 =	vshll.u32 v17, v1  }
0x20: {  	v19 =	vmov s24;
	v18 =	vshll.u32 v18, v1;
	[sflag:s22] =	ssyncset.done @!p0 $0x0;
	v17 =	vbroadcast v17, $0x0  }
0x21: {  	s26 =	simm.s32 $0x2;
	s23 =	simm.s32 $0x6480;
	v19 =	vshrl.u32 v19, $0x3;
	v18 =	vbroadcast v18, $0x0;
	[sflag:s22] =	ssyncadd.s32 @!p0 $0xFFFFC000  }
0x22: {  	v22 =	vmov s26;
	v19 =	vshll.u32 v19, v1;
	v20 =	vld [tilespmem:s23+$0x60];
	v21 =	vadd.s32 v15, v17  }
0x23: {  	v22 =	vshrl.u32 v22, $0x3;
	v19 =	vbroadcast v19, $0x0;
	v24 =	vld [tilespmem:s23+$0xFFFFFF80];
	v25 =	vadd.s32 v0, v18  }
0x24: {  	s28 =	simm.s32 $0x3;
	v22 =	vshll.u32 v22, v1;
	v23 =	vld [tilespmem:s23+$0x70];
	v17 =	vadd.s32 v16, v17  }
0x25: {  	v27 =	vmov s28;
	v22 =	vbroadcast v22, $0x0;
	v28 =	vld [tilespmem:s23+$0xFFFFFFA0];
	v29 =	vadd.s32 v3, v19  }
0x26: {  	s29 =	simm.s32 $0x4;
	v27 =	vshrl.u32 v27, $0x3;
	v26 =	vld [tilespmem:s23+$0xFFFFFF90];
	v18 =	vadd.s32 v2, v18  }
0x27: {  	v31 =	vmov s29;
	v27 =	vshll.u32 v27, v1;
	v32 =	vld [tilespmem:s23+$0xFFFFFFC0];
	v33 =	vadd.s32 v5, v22;
	[tilespmem:v21+s15+$0x0] =	vst.idx.msk $0xffff, v20  }
0x28: {  	s30 =	simm.s32 $0x5;
	v27 =	vbroadcast v27, $0x0;
	v30 =	vld [tilespmem:s23+$0xFFFFFFB0];
	v19 =	vadd.s32 v4, v19;
	v21 =	vshrl.u32 v31, $0x3;
	[tilespmem:v25+s15+$0x0] =	vst.idx.msk $0xffff, v24  }
0x29: {  	v20 =	vld [tilespmem:s23+$0xFFFFFFD0];
	v25 =	vadd.s32 v6, v22;
	[tilespmem:v17+s15+$0x0] =	vst.idx.msk $0xffff, v23;
	v22 =	vshll.u32 v21, v1;
	v23 =	vmov s30  }
0x2a: {  	s31 =	simm.s32 $0x6;
	[tilespmem:v29+s15+$0x0] =	vst.idx.msk $0xffff, v28;
	v17 =	vld [tilespmem:s23+$0xFFFFFFE0];
	v21 =	vadd.s32 v7, v27;
	v24 =	vbroadcast v22, $0x0;
	v23 =	vshrl.u32 v23, $0x3  }
0x2b: {  	v28 =	vmov s31;
	[tilespmem:v18+s15+$0x0] =	vst.idx.msk $0xffff, v26;
	v18 =	vld [tilespmem:s23+$0xFFFFFFF0];
	v22 =	vadd.s32 v8, v27;
	v27 =	vshll.u32 v23, v1  }
0x2c: {  	s25 =	simm.s32 $0xF;
	[tilespmem:v33+s15+$0x0] =	vst.idx.msk $0xffff, v32;
	v29 =	vshrl.u32 v28, $0x3;
	v23 =	vld [tilespmem:s23+$0x0];
	v26 =	vadd.s32 v9, v24;
	v27 =	vbroadcast v27, $0x0  }
0x2d: {  	s24 =	simm.s32 $0x8;
	s22 =	sshll.u32 s21, $0xC;
	[tilespmem:v19+s15+$0x0] =	vst.idx.msk $0xffff, v30;
	v28 =	vmov s25;
	s25 =	simm.s32 $0x10;
	v19 =	vld [tilespmem:s23+$0x10];
	v29 =	vshll.u32 v29, v1;
	v24 =	vadd.s32 v10, v24  }
.LBB2_3:
0x2e: {  	p1 =	slt.u32 s25, $0x1F8;
	v28 =	vshrl.u32 v28, $0x3;
	[tilespmem:v25+s15+$0x0] =	vst.idx.msk $0xffff, v20;
	v20 =	vld [tilespmem:s23+$0x20];
	v25 =	vadd.s32 v11, v27;
	v29 =	vbroadcast v29, $0x0  }
0x2f: {  	v30 =	vmov s24;
	v28 =	vshll.u32 v28, v1;
	[tilespmem:v21+s15+$0x0] =	vst.idx.msk $0xffff, v17;
	v17 =	vld [tilespmem:s23+$0x30];
	v21 =	vadd.s32 v12, v27  }
0x30: {  	s26 =	sadd.s32 $0x1, s24;
	v27 =	vshrl.u32 v30, $0x3;
	v28 =	vbroadcast v28, $0x0;
	[tilespmem:v22+s15+$0x0] =	vst.idx.msk $0xffff, v18;
	v18 =	vld [tilespmem:s23+$0x40];
	v22 =	vadd.s32 v13, v29  }
0x31: {  	v30 =	vmov s26;
	v27 =	vshll.u32 v27, v1;
	[tilespmem:v26+s15+$0x0] =	vst.idx.msk $0xffff, v23;
	v23 =	vld [tilespmem:s23+$0x50];
	v26 =	vadd.s32 v14, v29;
	s23 =	sadd.s32 $0x100, s23  }
0x32: {  	s26 =	sadd.s32 $0x2, s24;
	v27 =	vbroadcast v27, $0x0;
	v29 =	vshrl.u32 v30, $0x3;
	v30 =	vld [tilespmem:s23+$0x60];
	v31 =	vadd.s32 v15, v28;
	[tilespmem:v24+s15+$0x0] =	vst.idx.msk $0xffff, v19  }
0x33: {  	v19 =	vshll.u32 v29, v1;
	v24 =	vmov s26;
	v28 =	vadd.s32 v16, v28;
	v29 =	vld [tilespmem:s23+$0x70];
	[tilespmem:v25+s15+$0x0] =	vst.idx.msk $0xffff, v20  }
0x34: {  	s26 =	sadd.s32 $0x3, s24;
	v25 =	vadd.s32 v0, v27;
	v19 =	vbroadcast v19, $0x0;
	v24 =	vshrl.u32 v24, $0x3;
	v20 =	vld [tilespmem:s23+$0xFFFFFF80];
	[tilespmem:v21+s15+$0x0] =	vst.idx.msk $0xffff, v17  }
0x35: {  	v21 =	vadd.s32 v2, v27;
	v24 =	vshll.u32 v24, v1;
	v27 =	vmov s26;
	v17 =	vld [tilespmem:s23+$0xFFFFFF90];
	[tilespmem:v22+s15+$0x0] =	vst.idx.msk $0xffff, v18  }
0x36: {  	s26 =	sadd.s32 $0x4, s24;
	v22 =	vadd.s32 v3, v19;
	v24 =	vbroadcast v24, $0x0;
	v27 =	vshrl.u32 v27, $0x3;
	v18 =	vld [tilespmem:s23+$0xFFFFFFA0];
	[tilespmem:v26+s15+$0x0] =	vst.idx.msk $0xffff, v23  }
0x37: {  	v19 =	vadd.s32 v4, v19;
	v26 =	vshll.u32 v27, v1;
	v27 =	vmov s26;
	v23 =	vld [tilespmem:s23+$0xFFFFFFB0];
	[tilespmem:v31+s15+$0x0] =	vst.idx.msk $0xffff, v30  }
0x38: {  	s26 =	sadd.s32 $0x5, s24;
	v31 =	vadd.s32 v5, v24;
	v26 =	vbroadcast v26, $0x0;
	v27 =	vshrl.u32 v27, $0x3;
	v30 =	vld [tilespmem:s23+$0xFFFFFFC0];
	[tilespmem:v28+s15+$0x0] =	vst.idx.msk $0xffff, v29  }
.Ltmp2:
0x39: {  	[tilespmem:v25+s15+$0x0] =	vst.idx.msk $0xffff, v20;
	v20 =	vld [tilespmem:s23+$0xFFFFFFD0];
	v25 =	vadd.s32 v6, v24;
	v24 =	vshll.u32 v27, v1;
	v27 =	vmov s26;
	(pc) =	sbr.rel @p1 .LBB2_3-.Ltmp2, $4  }
0x3a: {  	s26 =	sadd.s32 $0x6, s24;
	s24 =	smov.u32 s25;
	[tilespmem:v21+s15+$0x0] =	vst.idx.msk $0xffff, v17;
	v17 =	vld [tilespmem:s23+$0xFFFFFFE0];
	v21 =	vadd.s32 v7, v26;
	v24 =	vbroadcast v24, $0x0;
	v27 =	vshrl.u32 v27, $0x3  }
0x3b: {  	v28 =	vmov s26;
	[tilespmem:v22+s15+$0x0] =	vst.idx.msk $0xffff, v18;
	v18 =	vld [tilespmem:s23+$0xFFFFFFF0];
	v22 =	vadd.s32 v8, v26;
	v27 =	vshll.u32 v27, v1  }
0x3c: {  	s26 =	sadd.s32 $0x7, s25;
	v29 =	vshrl.u32 v28, $0x3;
	[tilespmem:v19+s15+$0x0] =	vst.idx.msk $0xffff, v23;
	v23 =	vld [tilespmem:s23+$0x0];
	v26 =	vadd.s32 v9, v24;
	v27 =	vbroadcast v27, $0x0  }
0x3d: {  	s25 =	sadd.s32 $0x8, s25;
	v28 =	vmov s26;
	v24 =	vadd.s32 v10, v24;
	v29 =	vshll.u32 v29, v1;
	[tilespmem:v31+s15+$0x0] =	vst.idx.msk $0xffff, v30;
	v19 =	vld [tilespmem:s23+$0x10]  }
0x3e: {  	_ =	sdelay $0x2  }
0x3f: {  	v28 =	vshrl.u32 v28, $0x3  }
0x40: {  	[tilespmem:v25+s15+$0x0] =	vst.idx.msk $0xffff, v20;
	v59 =	vld [tilespmem:s23+$0x20];
	v60 =	vadd.s32 v11, v27;
	v29 =	vbroadcast v29, $0x0;
	v30 =	vmov s24  }
0x41: {  	v61 =	vadd.s32 v12, v27;
	s25 =	sadd.s32 $0x1, s24;
	v28 =	vshll.u32 v28, v1;
	[tilespmem:v21+s15+$0x0] =	vst.idx.msk $0xffff, v17;
	v17 =	vld [tilespmem:s23+$0x30];
	v62 =	vshrl.u32 v30, $0x3  }
0x42: {  	s26 =	sadd.s32 $0x2, s24;
	v33 =	vmov s25;
	v28 =	vbroadcast v28, $0x0;
	[tilespmem:v22+s15+$0x0] =	vst.idx.msk $0xffff, v18;
	v18 =	vld [tilespmem:s23+$0x40];
	v63 =	vadd.s32 v13, v29  }
0x43: {  	v34 =	vld [tilespmem:s23+$0x50];
	v38 =	vmov s26;
	v27 =	vshll.u32 v62, v1;
	v35 =	vadd.s32 v14, v29;
	s23 =	sadd.s32 $0x100, s23;
	[tilespmem:v26+s15+$0x0] =	vst.idx.msk $0xffff, v23  }
0x44: {  	s30 =	sadd.s32 $0x3, s24;
	v36 =	vshrl.u32 v33, $0x3;
	v27 =	vbroadcast v27, $0x0;
	v37 =	vld [tilespmem:s23+$0x60];
	v31 =	vadd.s32 v15, v28;
	[tilespmem:v24+s15+$0x0] =	vst.idx.msk $0xffff, v19  }
0x45: {  	v43 =	vmov s30;
	v39 =	vld [tilespmem:s23+$0x70];
	v19 =	vshll.u32 v36, v1;
	v28 =	vadd.s32 v16, v28;
	[tilespmem:v60+s15+$0x0] =	vst.idx.msk $0xffff, v59  }
0x46: {  	s31 =	sadd.s32 $0x4, s24;
	v40 =	vld [tilespmem:s23+$0xFFFFFF80];
	v24 =	vshrl.u32 v38, $0x3;
	v41 =	vadd.s32 v0, v27;
	v19 =	vbroadcast v19, $0x0;
	[tilespmem:v61+s15+$0x0] =	vst.idx.msk $0xffff, v17  }
0x47: {  	v47 =	vmov s31;
	v42 =	vadd.s32 v2, v27;
	v24 =	vshll.u32 v24, v1;
	v17 =	vld [tilespmem:s23+$0xFFFFFF90];
	[tilespmem:v63+s15+$0x0] =	vst.idx.msk $0xffff, v18  }
0x48: {  	s26 =	sadd.s32 $0x5, s24;
	v27 =	vshrl.u32 v43, $0x3;
	v24 =	vbroadcast v24, $0x0;
	v18 =	vld [tilespmem:s23+$0xFFFFFFA0];
	v44 =	vadd.s32 v3, v19;
	[tilespmem:v35+s15+$0x0] =	vst.idx.msk $0xffff, v34  }
0x49: {  	v52 =	vmov s26;
	v45 =	vld [tilespmem:s23+$0xFFFFFFB0];
	v46 =	vshll.u32 v27, v1;
	v19 =	vadd.s32 v4, v19;
	[tilespmem:v31+s15+$0x0] =	vst.idx.msk $0xffff, v37  }
0x4a: {  	v48 =	vld [tilespmem:s23+$0xFFFFFFC0];
	v27 =	vshrl.u32 v47, $0x3;
	v26 =	vbroadcast v46, $0x0;
	v49 =	vadd.s32 v5, v24;
	[tilespmem:v28+s15+$0x0] =	vst.idx.msk $0xffff, v39  }
0x4b: {  	v50 =	vld [tilespmem:s23+$0xFFFFFFD0];
	v51 =	vshll.u32 v27, v1;
	v27 =	vshrl.u32 v52, $0x3;
	v24 =	vadd.s32 v6, v24;
	[tilespmem:v41+s15+$0x0] =	vst.idx.msk $0xffff, v40  }
0x4c: {  	s30 =	sadd.s32 $0x6, s24;
	v25 =	vbroadcast v51, $0x0;
	v55 =	vshll.u32 v27, v1;
	v53 =	vadd.s32 v7, v26;
	[tilespmem:v42+s15+$0x0] =	vst.idx.msk $0xffff, v17;
	v17 =	vld [tilespmem:s23+$0xFFFFFFE0]  }
0x4d: {  	v56 =	vmov s30;
	v54 =	vadd.s32 v8, v26;
	v26 =	vbroadcast v55, $0x0;
	[tilespmem:v44+s15+$0x0] =	vst.idx.msk $0xffff, v18;
	v18 =	vld [tilespmem:s23+$0xFFFFFFF0]  }
0x4e: {  	v27 =	vshrl.u32 v56, $0x3;
	v57 =	vadd.s32 v9, v25;
	[tilespmem:v19+s15+$0x0] =	vst.idx.msk $0xffff, v45;
	v19 =	vld [tilespmem:s23+$0x0]  }
0x4f: {  	v59 =	vld [tilespmem:s23+$0x20];
	v27 =	vshll.u32 v27, v1;
	v60 =	vadd.s32 v11, v26;
	[tilespmem:v49+s15+$0x0] =	vst.idx.msk $0xffff, v48  }
0x50: {  	v58 =	vld [tilespmem:s23+$0x10];
	v25 =	vadd.s32 v10, v25;
	v27 =	vbroadcast v27, $0x0;
	[tilespmem:v24+s15+$0x0] =	vst.idx.msk $0xffff, v50  }
0x51: {  	v61 =	vadd.s32 v12, v26;
	[tilespmem:v53+s15+$0x0] =	vst.idx.msk $0xffff, v17;
	v17 =	vld [tilespmem:s23+$0x30]  }
0x52: {  	v62 =	vadd.s32 v13, v27;
	[tilespmem:v54+s15+$0x0] =	vst.idx.msk $0xffff, v18;
	v18 =	vld [tilespmem:s23+$0x40]  }
0x53: {  	v63 =	vadd.s32 v14, v27;
	[tilespmem:v57+s15+$0x0] =	vst.idx.msk $0xffff, v19;
	v19 =	vld [tilespmem:s23+$0x50]  }
0x54: {  	s31 =	sshll.u32 s21, $0x14;
	[tilespmem:v60+s15+$0x0] =	vst.idx.msk $0xffff, v59  }
0x55: {  	s23 =	sor.u32 s4, s31;
	[tilespmem:v25+s15+$0x0] =	vst.idx.msk $0xffff, v58  }
0x56: {  	s23 =	sshrl.u32 s23, $0x3;
	[tilespmem:v61+s15+$0x0] =	vst.idx.msk $0xffff, v17  }
0x57: {  	s28 =	simm.s32 $0xE608;
	s24 =	sadd.s32 s5, s23;
	[tilespmem:v62+s15+$0x0] =	vst.idx.msk $0xffff, v18  }
0x58: {  	s25 =	simm.s32 $0xE400;
	s26 =	simm.s32 $0x800;
	s29 =	sadd.s32 $0x0, s24;
	[tilespmem:v63+s15+$0x0] =	vst.idx.msk $0xffff, v19  }
.LBB2_5:
0x59: {  	[hbm4b:s29+s2] =	stream.linear.scatter [tilespmem:s25], [sflag:$0x3], $0x200, $0x38;
	[tilespmem:$0x16600] =	vst v63  }
0x5a: {  	s29 =	smov.u32 s26;
	s25 =	smov.u32 s28;
	p1 =	sne.s32 s26, $0xF800  }
.Ltmp3:
0x5b: {  	s26 =	sadd.s32 $0x800, s26;
	(pc) =	sbr.rel @p1 .LBB2_5-.Ltmp3, $2  }
0x5c: {  	_ =	sdelay $0x2  }
0x5d: {  	s28 =	sadd.s32 $0x208, s28;
	s29 =	sadd.s32 s29, s24  }
0x5e: {  	p1 =	sne.s32 s21, $0x18  }
.Ltmp4:
0x5f: {  	_ = 	snop;
	(pc) =	sbr.rel @p1 .LBB2_8-.Ltmp4, $2  }
0x60: {  	_ =	sdelay $0x2  }
0x61: {  	[hbm4b:s29+s2] =	stream.linear.scatter [tilespmem:s25], [sflag:$0x3], $0x200, $0x38;
	[tilespmem:$0x16600] =	vst v63  }
.Ltmp5:
0x62: {  	(pc) =	sbr.rel .LBB2_9-.Ltmp5, $4  }
0x63: {  	_ = 	snop  }
0x64: {  	_ =	swait.ge [sflag:s16], $0x4000  }
0x65: {  	[sflag:s16] =	ssyncset.done $0x0  }
0x66: {  	[sflag:s16] =	ssyncadd.s32 $0xFFFFC000  }
.LBB2_8:
0x67: {  	s24 =	sshrl.u32 s22, $0x2  }
.Ltmp6:
0x68: {  	s24 =	sadd.s32 $0x400, s24;
	(pc) =	sbr.rel @p0 .LBB2_10-.Ltmp6, $4  }
0x69: {  	[tilespmem:s12], [sflag:$0x1] =	stream.indirect.gather [hbm4b:s3+s9], $0x20, s24, s9, $0xb8;
	[tilespmem:$0x16600] =	vst v63  }
0x6a: {  	_ =	swait.ge [sflag:s16], $0x4000  }
0x6b: {  	[sflag:s16] =	ssyncset.done $0x0  }
0x6c: {  	[sflag:s16] =	ssyncadd.s32 $0xFFFFC000  }
.LBB2_9:
0x6d: {  	_ =	swait.ge [sflag:s17], $0x4000  }
0x6e: {  	[sflag:s17] =	ssyncset.done $0x0  }
0x6f: {  	[sflag:s17] =	ssyncadd.s32 $0xFFFFC000  }
.LBB2_10:
0x70: {  	s24 =	simm.s32 $0x7  }
0x71: {  	s25 =	simm.s32 $0x0;
	v17 =	vmov s24  }
0x72: {  	v18 =	vmov s25;
	v17 =	vshrl.u32 v17, $0x3  }
0x73: {  	v18 =	vshrl.u32 v18, $0x3;
	v17 =	vshll.u32 v17, v1  }
0x74: {  	s26 =	simm.s32 $0x2;
	s25 =	simm.s32 $0x1;
	v18 =	vshll.u32 v18, v1;
	v17 =	vbroadcast v17, $0x0  }
0x75: {  	s24 =	simm.s32 $0xA480;
	v22 =	vmov s26;
	v19 =	vmov s25;
	v18 =	vbroadcast v18, $0x0  }
0x76: {  	v20 =	vld [tilespmem:s24+$0x60];
	v22 =	vshrl.u32 v22, $0x3;
	v19 =	vshrl.u32 v19, $0x3;
	v21 =	vadd.s32 v15, v17  }
0x77: {  	v24 =	vld [tilespmem:s24+$0xFFFFFF80];
	v22 =	vshll.u32 v22, v1;
	v19 =	vshll.u32 v19, v1;
	v25 =	vadd.s32 v0, v18  }
0x78: {  	s28 =	simm.s32 $0x3;
	v23 =	vld [tilespmem:s24+$0x70];
	v22 =	vbroadcast v22, $0x0;
	v19 =	vbroadcast v19, $0x0;
	v17 =	vadd.s32 v16, v17  }
0x79: {  	v27 =	vmov s28;
	v26 =	vld [tilespmem:s24+$0xFFFFFF90];
	v18 =	vadd.s32 v2, v18  }
0x7a: {  	s29 =	simm.s32 $0x4;
	v27 =	vshrl.u32 v27, $0x3;
	v32 =	vld [tilespmem:s24+$0xFFFFFFC0];
	v33 =	vadd.s32 v5, v22;
	v29 =	vadd.s32 v3, v19  }
0x7b: {  	v28 =	vld [tilespmem:s24+$0xFFFFFFA0];
	v31 =	vadd.s32 v4, v19;
	v19 =	vshll.u32 v27, v1;
	v27 =	vmov s29;
	[tilespmem:v21+s18+$0x0] =	vst.idx.msk $0xffff, v20  }
0x7c: {  	s30 =	simm.s32 $0x5;
	v30 =	vld [tilespmem:s24+$0xFFFFFFB0];
	v34 =	vbroadcast v19, $0x0;
	v19 =	vshrl.u32 v27, $0x3;
	[tilespmem:v25+s18+$0x0] =	vst.idx.msk $0xffff, v24  }
0x7d: {  	v19 =	vshll.u32 v19, v1;
	v20 =	vld [tilespmem:s24+$0xFFFFFFD0];
	v25 =	vadd.s32 v6, v22;
	v22 =	vmov s30;
	[tilespmem:v17+s18+$0x0] =	vst.idx.msk $0xffff, v23  }
0x7e: {  	s31 =	simm.s32 $0x6;
	v35 =	vbroadcast v19, $0x0;
	v21 =	vadd.s32 v7, v34;
	[tilespmem:v18+s18+$0x0] =	vst.idx.msk $0xffff, v26;
	v17 =	vld [tilespmem:s24+$0xFFFFFFE0];
	v18 =	vshrl.u32 v22, $0x3  }
0x7f: {  	v19 =	vld [tilespmem:s24+$0xFFFFFFF0];
	[tilespmem:v33+s18+$0x0] =	vst.idx.msk $0xffff, v32;
	v23 =	vadd.s32 v8, v34;
	v22 =	vmov s31;
	v18 =	vshll.u32 v18, v1  }
0x80: {  	s26 =	simm.s32 $0xF;
	v24 =	vld [tilespmem:s24+$0x0];
	[tilespmem:v29+s18+$0x0] =	vst.idx.msk $0xffff, v28;
	v26 =	vadd.s32 v9, v35;
	v29 =	vshrl.u32 v22, $0x3;
	v27 =	vbroadcast v18, $0x0  }
0x81: {  	s25 =	simm.s32 $0x8;
	v28 =	vmov s26;
	s26 =	simm.s32 $0x10;
	[tilespmem:v31+s18+$0x0] =	vst.idx.msk $0xffff, v30;
	v22 =	vadd.s32 v10, v35;
	v18 =	vld [tilespmem:s24+$0x10];
	v29 =	vshll.u32 v29, v1  }
.LBB2_11:
0x82: {  	p0 =	slt.u32 s26, $0x1F8;
	v28 =	vshrl.u32 v28, $0x3;
	[tilespmem:v25+s18+$0x0] =	vst.idx.msk $0xffff, v20;
	v20 =	vld [tilespmem:s24+$0x20];
	v25 =	vadd.s32 v11, v27;
	v29 =	vbroadcast v29, $0x0  }
0x83: {  	v30 =	vmov s25;
	v28 =	vshll.u32 v28, v1;
	[tilespmem:v21+s18+$0x0] =	vst.idx.msk $0xffff, v17;
	v17 =	vld [tilespmem:s24+$0x30];
	v21 =	vadd.s32 v12, v27  }
0x84: {  	s28 =	sadd.s32 $0x1, s25;
	v27 =	vshrl.u32 v30, $0x3;
	v28 =	vbroadcast v28, $0x0;
	[tilespmem:v23+s18+$0x0] =	vst.idx.msk $0xffff, v19;
	v19 =	vld [tilespmem:s24+$0x40];
	v23 =	vadd.s32 v13, v29  }
0x85: {  	v30 =	vmov s28;
	v27 =	vshll.u32 v27, v1;
	[tilespmem:v26+s18+$0x0] =	vst.idx.msk $0xffff, v24;
	v24 =	vld [tilespmem:s24+$0x50];
	v26 =	vadd.s32 v14, v29;
	s24 =	sadd.s32 $0x100, s24  }
0x86: {  	s28 =	sadd.s32 $0x2, s25;
	v27 =	vbroadcast v27, $0x0;
	v29 =	vshrl.u32 v30, $0x3;
	v30 =	vld [tilespmem:s24+$0x60];
	v31 =	vadd.s32 v15, v28;
	[tilespmem:v22+s18+$0x0] =	vst.idx.msk $0xffff, v18  }
0x87: {  	v18 =	vshll.u32 v29, v1;
	v22 =	vmov s28;
	v28 =	vadd.s32 v16, v28;
	v29 =	vld [tilespmem:s24+$0x70];
	[tilespmem:v25+s18+$0x0] =	vst.idx.msk $0xffff, v20  }
0x88: {  	s28 =	sadd.s32 $0x3, s25;
	v25 =	vadd.s32 v0, v27;
	v18 =	vbroadcast v18, $0x0;
	v22 =	vshrl.u32 v22, $0x3;
	v20 =	vld [tilespmem:s24+$0xFFFFFF80];
	[tilespmem:v21+s18+$0x0] =	vst.idx.msk $0xffff, v17  }
0x89: {  	v21 =	vadd.s32 v2, v27;
	v22 =	vshll.u32 v22, v1;
	v27 =	vmov s28;
	v17 =	vld [tilespmem:s24+$0xFFFFFF90];
	[tilespmem:v23+s18+$0x0] =	vst.idx.msk $0xffff, v19  }
0x8a: {  	s28 =	sadd.s32 $0x4, s25;
	v23 =	vadd.s32 v3, v18;
	v22 =	vbroadcast v22, $0x0;
	v27 =	vshrl.u32 v27, $0x3;
	v19 =	vld [tilespmem:s24+$0xFFFFFFA0];
	[tilespmem:v26+s18+$0x0] =	vst.idx.msk $0xffff, v24  }
0x8b: {  	v18 =	vadd.s32 v4, v18;
	v26 =	vshll.u32 v27, v1;
	v27 =	vmov s28;
	v24 =	vld [tilespmem:s24+$0xFFFFFFB0];
	[tilespmem:v31+s18+$0x0] =	vst.idx.msk $0xffff, v30  }
0x8c: {  	s28 =	sadd.s32 $0x5, s25;
	v31 =	vadd.s32 v5, v22;
	v26 =	vbroadcast v26, $0x0;
	v27 =	vshrl.u32 v27, $0x3;
	v30 =	vld [tilespmem:s24+$0xFFFFFFC0];
	[tilespmem:v28+s18+$0x0] =	vst.idx.msk $0xffff, v29  }
.Ltmp7:
0x8d: {  	[tilespmem:v25+s18+$0x0] =	vst.idx.msk $0xffff, v20;
	v20 =	vld [tilespmem:s24+$0xFFFFFFD0];
	v25 =	vadd.s32 v6, v22;
	v22 =	vshll.u32 v27, v1;
	v27 =	vmov s28;
	(pc) =	sbr.rel @p0 .LBB2_11-.Ltmp7, $4  }
0x8e: {  	s28 =	sadd.s32 $0x6, s25;
	s25 =	smov.u32 s26;
	[tilespmem:v21+s18+$0x0] =	vst.idx.msk $0xffff, v17;
	v17 =	vld [tilespmem:s24+$0xFFFFFFE0];
	v21 =	vadd.s32 v7, v26;
	v22 =	vbroadcast v22, $0x0;
	v27 =	vshrl.u32 v27, $0x3  }
0x8f: {  	v28 =	vmov s28;
	[tilespmem:v23+s18+$0x0] =	vst.idx.msk $0xffff, v19;
	v19 =	vld [tilespmem:s24+$0xFFFFFFF0];
	v23 =	vadd.s32 v8, v26;
	v27 =	vshll.u32 v27, v1  }
0x90: {  	s28 =	sadd.s32 $0x7, s26;
	v29 =	vshrl.u32 v28, $0x3;
	[tilespmem:v18+s18+$0x0] =	vst.idx.msk $0xffff, v24;
	v24 =	vld [tilespmem:s24+$0x0];
	v26 =	vadd.s32 v9, v22;
	v27 =	vbroadcast v27, $0x0  }
0x91: {  	s26 =	sadd.s32 $0x8, s26;
	v28 =	vmov s28;
	v22 =	vadd.s32 v10, v22;
	v29 =	vshll.u32 v29, v1;
	[tilespmem:v31+s18+$0x0] =	vst.idx.msk $0xffff, v30;
	v18 =	vld [tilespmem:s24+$0x10]  }
0x92: {  	_ =	sdelay $0x2  }
0x93: {  	v28 =	vshrl.u32 v28, $0x3  }
0x94: {  	[tilespmem:v25+s18+$0x0] =	vst.idx.msk $0xffff, v20;
	v59 =	vld [tilespmem:s24+$0x20];
	v60 =	vadd.s32 v11, v27;
	v29 =	vbroadcast v29, $0x0;
	v30 =	vmov s25  }
0x95: {  	v61 =	vadd.s32 v12, v27;
	s26 =	sadd.s32 $0x1, s25;
	v28 =	vshll.u32 v28, v1;
	[tilespmem:v21+s18+$0x0] =	vst.idx.msk $0xffff, v17;
	v17 =	vld [tilespmem:s24+$0x30];
	v62 =	vshrl.u32 v30, $0x3  }
0x96: {  	s30 =	sadd.s32 $0x2, s25;
	v33 =	vmov s26;
	v28 =	vbroadcast v28, $0x0;
	[tilespmem:v23+s18+$0x0] =	vst.idx.msk $0xffff, v19;
	v19 =	vld [tilespmem:s24+$0x40];
	v63 =	vadd.s32 v13, v29  }
0x97: {  	v34 =	vld [tilespmem:s24+$0x50];
	v38 =	vmov s30;
	v27 =	vshll.u32 v62, v1;
	v35 =	vadd.s32 v14, v29;
	s24 =	sadd.s32 $0x100, s24;
	[tilespmem:v26+s18+$0x0] =	vst.idx.msk $0xffff, v24  }
0x98: {  	s31 =	sadd.s32 $0x3, s25;
	v36 =	vshrl.u32 v33, $0x3;
	v27 =	vbroadcast v27, $0x0;
	v37 =	vld [tilespmem:s24+$0x60];
	v31 =	vadd.s32 v15, v28;
	[tilespmem:v22+s18+$0x0] =	vst.idx.msk $0xffff, v18  }
0x99: {  	v43 =	vmov s31;
	v39 =	vld [tilespmem:s24+$0x70];
	v18 =	vshll.u32 v36, v1;
	v28 =	vadd.s32 v16, v28;
	[tilespmem:v60+s18+$0x0] =	vst.idx.msk $0xffff, v59  }
0x9a: {  	s29 =	sadd.s32 $0x4, s25;
	v40 =	vld [tilespmem:s24+$0xFFFFFF80];
	v22 =	vshrl.u32 v38, $0x3;
	v41 =	vadd.s32 v0, v27;
	v18 =	vbroadcast v18, $0x0;
	[tilespmem:v61+s18+$0x0] =	vst.idx.msk $0xffff, v17  }
0x9b: {  	v47 =	vmov s29;
	v42 =	vadd.s32 v2, v27;
	v22 =	vshll.u32 v22, v1;
	v17 =	vld [tilespmem:s24+$0xFFFFFF90];
	[tilespmem:v63+s18+$0x0] =	vst.idx.msk $0xffff, v19  }
0x9c: {  	s30 =	sadd.s32 $0x5, s25;
	v27 =	vshrl.u32 v43, $0x3;
	v22 =	vbroadcast v22, $0x0;
	v19 =	vld [tilespmem:s24+$0xFFFFFFA0];
	v44 =	vadd.s32 v3, v18;
	[tilespmem:v35+s18+$0x0] =	vst.idx.msk $0xffff, v34  }
0x9d: {  	v52 =	vmov s30;
	v45 =	vld [tilespmem:s24+$0xFFFFFFB0];
	v46 =	vshll.u32 v27, v1;
	v18 =	vadd.s32 v4, v18;
	[tilespmem:v31+s18+$0x0] =	vst.idx.msk $0xffff, v37  }
0x9e: {  	v48 =	vld [tilespmem:s24+$0xFFFFFFC0];
	v27 =	vshrl.u32 v47, $0x3;
	v26 =	vbroadcast v46, $0x0;
	v49 =	vadd.s32 v5, v22;
	[tilespmem:v28+s18+$0x0] =	vst.idx.msk $0xffff, v39  }
0x9f: {  	v50 =	vld [tilespmem:s24+$0xFFFFFFD0];
	v51 =	vshll.u32 v27, v1;
	v27 =	vshrl.u32 v52, $0x3;
	v22 =	vadd.s32 v6, v22;
	[tilespmem:v41+s18+$0x0] =	vst.idx.msk $0xffff, v40  }
0xa0: {  	s31 =	sadd.s32 $0x6, s25;
	v25 =	vbroadcast v51, $0x0;
	v55 =	vshll.u32 v27, v1;
	v53 =	vadd.s32 v7, v26;
	[tilespmem:v42+s18+$0x0] =	vst.idx.msk $0xffff, v17;
	v17 =	vld [tilespmem:s24+$0xFFFFFFE0]  }
0xa1: {  	v56 =	vmov s31;
	v54 =	vadd.s32 v8, v26;
	v26 =	vbroadcast v55, $0x0;
	[tilespmem:v44+s18+$0x0] =	vst.idx.msk $0xffff, v19;
	v19 =	vld [tilespmem:s24+$0xFFFFFFF0]  }
0xa2: {  	v27 =	vshrl.u32 v56, $0x3;
	v57 =	vadd.s32 v9, v25;
	[tilespmem:v18+s18+$0x0] =	vst.idx.msk $0xffff, v45;
	v18 =	vld [tilespmem:s24+$0x0]  }
0xa3: {  	v59 =	vld [tilespmem:s24+$0x20];
	v27 =	vshll.u32 v27, v1;
	v60 =	vadd.s32 v11, v26;
	[tilespmem:v49+s18+$0x0] =	vst.idx.msk $0xffff, v48  }
0xa4: {  	v58 =	vld [tilespmem:s24+$0x10];
	v25 =	vadd.s32 v10, v25;
	v27 =	vbroadcast v27, $0x0;
	[tilespmem:v22+s18+$0x0] =	vst.idx.msk $0xffff, v50  }
0xa5: {  	v61 =	vadd.s32 v12, v26;
	[tilespmem:v53+s18+$0x0] =	vst.idx.msk $0xffff, v17;
	v17 =	vld [tilespmem:s24+$0x30]  }
0xa6: {  	v62 =	vadd.s32 v13, v27;
	[tilespmem:v54+s18+$0x0] =	vst.idx.msk $0xffff, v19;
	v19 =	vld [tilespmem:s24+$0x40]  }
0xa7: {  	v63 =	vadd.s32 v14, v27;
	[tilespmem:v57+s18+$0x0] =	vst.idx.msk $0xffff, v18;
	v18 =	vld [tilespmem:s24+$0x50]  }
0xa8: {  	[tilespmem:v60+s18+$0x0] =	vst.idx.msk $0xffff, v59  }
0xa9: {  	[tilespmem:v25+s18+$0x0] =	vst.idx.msk $0xffff, v58  }
0xaa: {  	[tilespmem:v61+s18+$0x0] =	vst.idx.msk $0xffff, v17  }
0xab: {  	s23 =	sadd.s32 s23, s7;
	s25 =	simm.s32 $0x800;
	[tilespmem:v62+s18+$0x0] =	vst.idx.msk $0xffff, v19  }
0xac: {  	s28 =	sadd.s32 $0x0, s23;
	s26 =	simm.s32 $0x12708;
	s24 =	simm.s32 $0x12500;
	[tilespmem:v63+s18+$0x0] =	vst.idx.msk $0xffff, v18  }
.LBB2_13:
0xad: {  	[hbm4b:s28+s2] =	stream.linear.scatter [tilespmem:s24], [sflag:$0x4], $0x200, $0x38;
	[tilespmem:$0x16600] =	vst v63  }
0xae: {  	s28 =	smov.u32 s25;
	s24 =	smov.u32 s26;
	p0 =	sne.s32 s25, $0xF800  }
.Ltmp8:
0xaf: {  	s25 =	sadd.s32 $0x800, s25;
	(pc) =	sbr.rel @p0 .LBB2_13-.Ltmp8, $2  }
0xb0: {  	_ =	sdelay $0x2  }
0xb1: {  	s26 =	sadd.s32 $0x208, s26;
	s28 =	sadd.s32 s28, s23  }
0xb2: {  	p0 =	seq.s32 s21, $0x18  }
.Ltmp9:
0xb3: {  	_ = 	snop;
	(pc) =	sbr.rel @p0 .LBB2_16-.Ltmp9, $2  }
0xb4: {  	_ =	sdelay $0x2  }
0xb5: {  	[hbm4b:s28+s2] =	stream.linear.scatter [tilespmem:s24], [sflag:$0x4], $0x200, $0x38;
	[tilespmem:$0x16600] =	vst v63  }
.Ltmp10:
0xb6: {  	(pc) =	sbr.rel .LBB2_2-.Ltmp10, $4  }
0xb7: {  	_ = 	snop  }
0xb8: {  	s22 =	sshrl.u32 s22, $0x2  }
0xb9: {  	s21 =	sadd.s32 $0x1, s21;
	s22 =	sadd.s32 $0x600, s22  }
0xba: {  	[tilespmem:s13], [sflag:$0x2] =	stream.indirect.gather [hbm4b:s3+s9], $0x20, s22, s9, $0xb8;
	[tilespmem:$0x16600] =	vst v63  }
.LBB2_17:
0xbb: {  	_ =	sfence.sel $0x180000  }
0xbc: {  	[bflag:$0x0] =	sbarrier.arrive $0xFFFF  }
0xbd: {  	p0 =	sne.s32 s1, $0x0;
	_ =	strace $0x9000004A  }
0xbe: {  	s0 =	sadd.s32 @!p0 $0x100000, s0;
	[bflag:$0x2] =	sbarrier.arrive $0xFFFF  }
0xbf: {  	[sflag:s0] =	ssyncadd.tile.s32 @!p0 $0x1;
	_ =	shalt  }
.Lfunc_end2:
_tile_overlayer_lowered:
.L_overlay_start_2:
0xc0: {  	(tag) =	ssettag $0x2  }
0xc1: {  	s0 =	rddreg [dreg:$0x0];
	s2 =	stileid.u32  }
0xc2: {  	s1 =	rddreg [dreg:$0x1];
	p0 =	sne.s32 s2, $0x0  }
0xc3: {  	s3 =	rddreg [dreg:$0x2];
	[bflag:$0x3] =	sbarrier.arrive $0xFFFF;
	s2 =	simm.s32 @!p0 $0x1C05  }
0xc4: {  	[timem:s3], [sflag:s2] =	dma.local @!p0 [hbm:s0], s1  }
0xc5: {  	s0 =	simm.s32 @!p0 $0x5  }
0xc6: {  	_ =	swait.ge @!p0 [sflag:s0], s1  }
0xc7: {  	s1 =	ssub.s32 @!p0 $0x0, s1;
	[sflag:s0] =	ssyncset.done @!p0 $0x0  }
0xc8: {  	[sflag:s0] =	ssyncadd.s32 @!p0 s1  }
0xc9: {  	[bflag:$0x3] =	sbarrier.arrive $0xFFFF  }
0xca: {  	_ =	shalt  }

</sc_bundles>
